<compile_context>
chip_gen: v7x
topology: tpu7x:2x2x1
jax: 0.10.2.dev20260603
libtpu: 0.0.44.dev20260713+nightly
codegen_flags: <defaults>
</compile_context>

<pallas_src>
import functools

import jax
import jax.numpy as jnp
from jax import lax
from jax.experimental import pallas as pl
from jax.experimental.pallas import tpu as pltpu
from jax.experimental.pallas import tpu_sc as plsc

N = 10000
E = 320000
G = 64

_NC = 2
_NS = 16
_K = 80
_CHUNKS = 250
_ACC_ROWS = 10240
_ROWS_PER_TILE = _ACC_ROWS // _NS


def _make_sc_agg(feat, c0):
    c1 = _CHUNKS - c0
    assert c0 % 2 == 0 and c1 % 2 == 0
    mesh = plsc.VectorSubcoreMesh(core_axis_name="c", subcore_axis_name="s")

    @functools.partial(
        pl.kernel,
        mesh=mesh,
        compiler_params=pltpu.CompilerParams(use_tc_tiling_on_sc=False),
        out_type=jax.ShapeDtypeStruct((_NC, _ACC_ROWS, feat), jnp.bfloat16),
        scratch_types=[
            pltpu.VMEM((_K, feat), jnp.bfloat16),
            pltpu.VMEM((_K, feat), jnp.bfloat16),
            pltpu.VMEM((_K, feat), jnp.bfloat16),
            pltpu.VMEM((_K, feat), jnp.bfloat16),
            pltpu.VMEM((_K, feat), jnp.bfloat16),
            pltpu.VMEM((_K, feat), jnp.bfloat16),
            pltpu.VMEM((max(c0, _CHUNKS - c0), _K), jnp.int32),
            pltpu.VMEM((max(c0, _CHUNKS - c0), _K), jnp.int32),
            pltpu.VMEM_SHARED((_ACC_ROWS, feat), jnp.bfloat16),
            pltpu.SemaphoreType.DMA,
            pltpu.SemaphoreType.DMA,
            pltpu.SemaphoreType.DMA,
            pltpu.SemaphoreType.DMA,
            pltpu.SemaphoreType.DMA,
            pltpu.SemaphoreType.DMA,
        ],
    )
    def sc_agg(x_hbm, eidx_hbm, zeros_hbm, out_hbm, rows0, rows1, rows2,
               rows3, rows4, rows5, sidx_v, didx_v, acc, gs0, gs1, gs2, gs3,
               gs4, gs5):
        c = lax.axis_index("c")
        s = lax.axis_index("s")
        nq = _NS * _CHUNKS

        pltpu.sync_copy(zeros_hbm, acc.at[pl.ds(s * _ROWS_PER_TILE, _ROWS_PER_TILE)])
        plsc.subcore_barrier()

        def run(base, nchunks):
            pltpu.sync_copy(eidx_hbm.at[pl.ds(base, nchunks)],
                            sidx_v.at[pl.ds(0, nchunks)])
            pltpu.sync_copy(eidx_hbm.at[pl.ds(nq + base, nchunks)],
                            didx_v.at[pl.ds(0, nchunks)])

            bufs = (rows0, rows1, rows2, rows3, rows4, rows5)
            gsem = (gs0, gs1, gs2, gs3, gs4, gs5)
            ns = 6
            for u in range(ns - 1):
                pltpu.async_copy(x_hbm.at[sidx_v.at[u]], bufs[u], gsem[u])

            def ring_body(g, carry):
                for u in range(ns):
                    j = ns * g + u
                    v = (u + ns - 1) % ns
                    pltpu.make_async_copy(x_hbm.at[sidx_v.at[j]], bufs[u],
                                          gsem[u]).wait()

                    @pl.when(j + ns - 1 < nchunks)
                    def _():
                        pltpu.async_copy(x_hbm.at[sidx_v.at[j + ns - 1]],
                                         bufs[v], gsem[v])

                    pltpu.sync_copy(bufs[u], acc.at[didx_v.at[j]], add=True)
                return carry

            lax.fori_loop(0, nchunks // ns, ring_body, 0)
            for i in range(nchunks % ns):
                j = (nchunks // ns) * ns + i
                u = j % ns
                pltpu.make_async_copy(x_hbm.at[sidx_v.at[j]], bufs[u],
                                      gsem[u]).wait()
                pltpu.sync_copy(bufs[u], acc.at[didx_v.at[j]], add=True)

        @pl.when(c == 0)
        def _():
            run(s * c0, c0)

        @pl.when(c == 1)
        def _():
            run(_NS * c0 + s * c1, c1)

        plsc.subcore_barrier()
        pltpu.sync_copy(
            acc.at[pl.ds(s * _ROWS_PER_TILE, _ROWS_PER_TILE)],
            out_hbm.at[c, pl.ds(s * _ROWS_PER_TILE, _ROWS_PER_TILE)],
        )

    return sc_agg


def _tc_mlp1_body(x_ref, p0_ref, p1_ref, wa_ref, ba_ref, g_ref, be_ref,
                  wb_ref, bb_ref, scale_ref, outb_ref):
    agg = (p0_ref[0] + p1_ref[0]).astype(jnp.float32)
    z = scale_ref[0, 0] * x_ref[...].astype(jnp.float32) + agg
    h = jnp.dot(z, wa_ref[...], preferred_element_type=jnp.float32) + ba_ref[...]
    mu = jnp.mean(h, axis=0, keepdims=True)
    d = h - mu
    var = jnp.mean(d * d, axis=0, keepdims=True)
    hn = d * lax.rsqrt(var + 1e-5) * g_ref[...] + be_ref[...]
    hr = jnp.maximum(hn, 0.0)
    o = jnp.dot(hr, wb_ref[...], preferred_element_type=jnp.float32) + bb_ref[...]
    outb_ref[...] = o.astype(jnp.bfloat16)


def _tc_mlp1(fin, fout, x, parts, wa, ba, gamma, beta, wb, bb, scale):
    def part_spec(i):
        return pl.BlockSpec((1, N, fin), lambda g, i=i: (i, 0, 0))
    return pl.pallas_call(
        _tc_mlp1_body,
        grid=(1,),
        out_shape=jax.ShapeDtypeStruct((N, fout), jnp.bfloat16),
        in_specs=[
            pl.BlockSpec((N, fin), lambda g: (0, 0)),
            part_spec(0),
            part_spec(1),
            pl.BlockSpec(wa.shape, lambda g: (0, 0)),
            pl.BlockSpec(ba.shape, lambda g: (0, 0)),
            pl.BlockSpec(gamma.shape, lambda g: (0, 0)),
            pl.BlockSpec(beta.shape, lambda g: (0, 0)),
            pl.BlockSpec(wb.shape, lambda g: (0, 0)),
            pl.BlockSpec(bb.shape, lambda g: (0, 0)),
            pl.BlockSpec(memory_space=pltpu.SMEM),
        ],
        out_specs=pl.BlockSpec((N, fout), lambda g: (0, 0)),
    )(x, parts, parts, wa, ba, gamma, beta, wb, bb, scale)


def _tc_mlp2_pool_body(x_ref, p0_ref, p1_ref, wa_ref, ba_ref, g_ref, be_ref,
                       wb_ref, bb_ref, batch_ref, wlin_ref, blin_ref,
                       scale_ref, out_ref):
    agg = (p0_ref[0] + p1_ref[0]).astype(jnp.float32)
    z = scale_ref[0, 0] * x_ref[...].astype(jnp.float32) + agg
    h = jnp.dot(z, wa_ref[...], preferred_element_type=jnp.float32) + ba_ref[...]
    mu = jnp.mean(h, axis=0, keepdims=True)
    d = h - mu
    var = jnp.mean(d * d, axis=0, keepdims=True)
    hn = d * lax.rsqrt(var + 1e-5) * g_ref[...] + be_ref[...]
    hr = jnp.maximum(hn, 0.0)
    h2 = jnp.dot(hr, wb_ref[...], preferred_element_type=jnp.float32) + bb_ref[...]
    gid = lax.broadcasted_iota(jnp.int32, (G, N), 0)
    oh = (gid == batch_ref[...]).astype(jnp.float32)
    pooled = jnp.dot(oh, h2, preferred_element_type=jnp.float32)
    counts = jnp.sum(oh, axis=1, keepdims=True)
    pm = pooled / jnp.maximum(counts, 1.0)
    logits = jnp.dot(pm, wlin_ref[...], preferred_element_type=jnp.float32)
    out_ref[...] = jax.nn.sigmoid(logits + blin_ref[...])


def _tc_mlp2_pool(fin, x, parts, wa, ba, gamma, beta, wb, bb, batch2d,
                  wlin, blin, scale):
    def part_spec(i):
        return pl.BlockSpec((1, N, fin), lambda g, i=i: (i, 0, 0))
    return pl.pallas_call(
        _tc_mlp2_pool_body,
        grid=(1,),
        out_shape=jax.ShapeDtypeStruct((G, 1), jnp.float32),
        in_specs=[
            pl.BlockSpec((N, fin), lambda g: (0, 0)),
            part_spec(0),
            part_spec(1),
            pl.BlockSpec(wa.shape, lambda g: (0, 0)),
            pl.BlockSpec(ba.shape, lambda g: (0, 0)),
            pl.BlockSpec(gamma.shape, lambda g: (0, 0)),
            pl.BlockSpec(beta.shape, lambda g: (0, 0)),
            pl.BlockSpec(wb.shape, lambda g: (0, 0)),
            pl.BlockSpec(bb.shape, lambda g: (0, 0)),
            pl.BlockSpec((1, N), lambda g: (0, 0)),
            pl.BlockSpec(wlin.shape, lambda g: (0, 0)),
            pl.BlockSpec(blin.shape, lambda g: (0, 0)),
            pl.BlockSpec(memory_space=pltpu.SMEM),
        ],
        out_specs=pl.BlockSpec((G, 1), lambda g: (0, 0)),
    )(x, parts, parts, wa, ba, gamma, beta, wb, bb, batch2d, wlin, blin, scale)


_sc_agg_128 = _make_sc_agg(128, 126)
_sc_agg_32 = _make_sc_agg(32, 126)


def kernel(x, edge_index, batch, W1a, b1a, gamma1, beta1, W1b, b1b, eps1,
           W2a, b2a, gamma2, beta2, W2b, b2b, eps2, Wlin, blin):
    eidx = edge_index.reshape(2 * _NS * _CHUNKS, _K)

    batch2d = batch.reshape(1, N)
    se1 = (1.0 + eps1).reshape(1, 1).astype(jnp.float32)
    se2 = (1.0 + eps2).reshape(1, 1).astype(jnp.float32)

    xb = x.astype(jnp.bfloat16)
    z128 = jnp.zeros((_ROWS_PER_TILE, 128), jnp.bfloat16)
    z32 = jnp.zeros((_ROWS_PER_TILE, 32), jnp.bfloat16)
    parts1 = _sc_agg_128(xb, eidx, z128)
    h1b = _tc_mlp1(128, 32, xb, parts1,
                   W1a, b1a.reshape(1, -1), gamma1.reshape(1, -1),
                   beta1.reshape(1, -1), W1b, b1b.reshape(1, -1), se1)
    parts2 = _sc_agg_32(h1b, eidx, z32)
    return _tc_mlp2_pool(32, h1b, parts2,
                         W2a, b2a.reshape(1, -1), gamma2.reshape(1, -1),
                         beta2.reshape(1, -1), W2b, b2b.reshape(1, -1),
                         batch2d, Wlin, blin.reshape(1, 1), se2)

# --- scband reference (transcript-rebuilt; emitter-appended) ---
"""Pipeline reference for scband-gnn-20504173871436 (READ-ONLY COPY).

The authoritative reference and input builder live on the scoring server;
editing this copy changes nothing except your own understanding.
"""

import jax, jax.numpy as jnp
import numpy as np

N = 10000
E = 320000
F = 128
G = 64

def setup_inputs(seed: int = 0):
    key = jax.random.key(seed)
    ks = jax.random.split(key, 16)
    inp = {}
    inp["x"] = jax.random.normal(ks[0], (N, F), dtype=jnp.float32)
    inp["edge_index"] = jax.random.randint(ks[1], (2, E), 0, N, dtype=jnp.int32)
    inp["batch"] = jnp.sort(jax.random.randint(ks[2], (N,), 0, G, dtype=jnp.int32))
    # GINConv-1 MLP: Linear(128,64) -> BN(64) -> ReLU -> Linear(64,32), train_eps
    inp["W1a"] = jax.random.normal(ks[3], (F, 64), dtype=jnp.float32) * 0.05
    inp["b1a"] = jnp.zeros((64,), dtype=jnp.float32)
    inp["gamma1"] = jnp.ones((64,), dtype=jnp.float32)
    inp["beta1"] = jnp.zeros((64,), dtype=jnp.float32)
    inp["W1b"] = jax.random.normal(ks[4], (64, 32), dtype=jnp.float32) * 0.1
    inp["b1b"] = jnp.zeros((32,), dtype=jnp.float32)
    inp["eps1"] = jnp.zeros((), dtype=jnp.float32)
    # GINConv-2 MLP: Linear(32,64) -> BN(64) -> ReLU -> Linear(64,16), train_eps
    inp["W2a"] = jax.random.normal(ks[5], (32, 64), dtype=jnp.float32) * 0.1
    inp["b2a"] = jnp.zeros((64,), dtype=jnp.float32)
    inp["gamma2"] = jnp.ones((64,), dtype=jnp.float32)
    inp["beta2"] = jnp.zeros((64,), dtype=jnp.float32)
    inp["W2b"] = jax.random.normal(ks[6], (64, 16), dtype=jnp.float32) * 0.1
    inp["b2b"] = jnp.zeros((16,), dtype=jnp.float32)
    inp["eps2"] = jnp.zeros((), dtype=jnp.float32)
    # final Linear(16, 1)
    inp["Wlin"] = jax.random.normal(ks[7], (16, 1), dtype=jnp.float32) * 0.1
    inp["blin"] = jnp.zeros((1,), dtype=jnp.float32)
    return inp

def _mlp(h, Wa, ba, gamma, beta, Wb, bb):
    h = h @ Wa + ba
    mu = jnp.mean(h, axis=0, keepdims=True)
    var = jnp.var(h, axis=0, keepdims=True)
    h = (h - mu) / jnp.sqrt(var + 1e-5) * gamma + beta
    h = jax.nn.relu(h)
    return h @ Wb + bb

def _gin(x, src, dst, eps, Wa, ba, gamma, beta, Wb, bb):
    agg = jnp.zeros_like(x).at[dst].add(x[src])
    return _mlp((1.0 + eps) * x + agg, Wa, ba, gamma, beta, Wb, bb)

def reference(x, edge_index, batch, W1a, b1a, gamma1, beta1, W1b, b1b, eps1, W2a, b2a, gamma2, beta2, W2b, b2b, eps2, Wlin, blin):
    src = edge_index[0]
    dst = edge_index[1]
    h = _gin(x, src, dst, eps1, W1a, b1a, gamma1, beta1, W1b, b1b)
    h = _gin(h, src, dst, eps2, W2a, b2a, gamma2, beta2, W2b, b2b)
    sums = jax.ops.segment_sum(h, batch, num_segments=G)
    counts = jax.ops.segment_sum(jnp.ones((h.shape[0],), h.dtype), batch, num_segments=G)
    pooled = sums / jnp.clip(counts, 1.0)[:, None]
    return jax.nn.sigmoid(pooled @ Wlin + blin)

if False:  # reference __main__ guard neutralized (emitter)
    out = reference(**setup_inputs())
    print(out.shape)

if __name__ == "__main__":
    import jax
    _d = setup_inputs()
    print(jax.jit(kernel)(*tuple(_d.values())))

</pallas_src>

<mosaic_0001>
#map = affine_map<(d0, d1) -> (0, 0)>
#map1 = affine_map<(d0, d1) -> (0, 0, 0)>
module attributes {stable_mosaic.version = 14 : i64} {
  func.func @sc_agg(%arg0: i32, %arg1: i32, %arg2: memref<10000x128xbf16, #tpu.memory_space<hbm>>, %arg3: memref<8000x80xi32, #tpu.memory_space<hbm>>, %arg4: memref<640x128xbf16, #tpu.memory_space<hbm>>, %arg5: memref<2x10240x128xbf16, #tpu.memory_space<hbm>>, %arg6: memref<80x128xbf16, #tpu.memory_space<vmem>>, %arg7: memref<80x128xbf16, #tpu.memory_space<vmem>>, %arg8: memref<80x128xbf16, #tpu.memory_space<vmem>>, %arg9: memref<80x128xbf16, #tpu.memory_space<vmem>>, %arg10: memref<80x128xbf16, #tpu.memory_space<vmem>>, %arg11: memref<80x128xbf16, #tpu.memory_space<vmem>>, %arg12: memref<126x80xi32, #tpu.memory_space<vmem>>, %arg13: memref<126x80xi32, #tpu.memory_space<vmem>>, %arg14: memref<10240x128xbf16, #tpu.memory_space<vmem_shared>>, %arg15: memref<!tpu.dma_semaphore, #tpu.memory_space<semaphore_mem>>, %arg16: memref<!tpu.dma_semaphore, #tpu.memory_space<semaphore_mem>>, %arg17: memref<!tpu.dma_semaphore, #tpu.memory_space<semaphore_mem>>, %arg18: memref<!tpu.dma_semaphore, #tpu.memory_space<semaphore_mem>>, %arg19: memref<!tpu.dma_semaphore, #tpu.memory_space<semaphore_mem>>, %arg20: memref<!tpu.dma_semaphore, #tpu.memory_space<semaphore_mem>>) attributes {dimension_semantics = [#tpu.dimension_semantics<core_parallel>, #tpu.dimension_semantics<subcore_parallel>], iteration_bounds = array<i64: 2, 16>, scalar_prefetch = 0 : i64, scratch_operands = 15 : i64, tpu.core_type = #tpu.core_type<sc_vector_subcore>, window_params = [{transform_indices = #map}, {transform_indices = #map}, {transform_indices = #map}, {transform_indices = #map1}]} {
    %mul3A = arith.constant 640 : i32
    %mul3A_0 = arith.muli %arg1, %mul3A : i32
    "tpu.region"() ({
      %run_scoped3A = tpu.sem_alloc : memref<!tpu.dma_semaphore, #tpu.memory_space<semaphore_mem>>
      %dma_start3A = arith.constant 0 : i32
      %dma_start3A_13 = tpu.memref_slice %arg14[%mul3A_0, %dma_start3A] : memref<10240x128xbf16, #tpu.memory_space<vmem_shared>> -> memref<640x128xbf16, #tpu.memory_space<vmem_shared>>
      tpu.enqueue_dma source(%arg4 : memref<640x128xbf16, #tpu.memory_space<hbm>>) target(%dma_start3A_13 : memref<640x128xbf16, #tpu.memory_space<vmem_shared>>) target_semaphore(%run_scoped3A : memref<!tpu.dma_semaphore, #tpu.memory_space<semaphore_mem>>)
      %dma_wait3A = arith.constant 0 : i32
      %dma_wait3A_14 = tpu.memref_slice %arg14[%mul3A_0, %dma_wait3A] : memref<10240x128xbf16, #tpu.memory_space<vmem_shared>> -> memref<640x128xbf16, #tpu.memory_space<vmem_shared>>
      tpu.wait_dma2 semaphore(%run_scoped3A : memref<!tpu.dma_semaphore, #tpu.memory_space<semaphore_mem>>) src(%arg4 : memref<640x128xbf16, #tpu.memory_space<hbm>>) dst(%dma_wait3A_14 : memref<640x128xbf16, #tpu.memory_space<vmem_shared>>)
      tpu.yield
    }) : () -> ()
    %barrier3A = arith.constant 0 : index
    tpu.barrier barrier_id(%barrier3A)
    %eq3A = arith.constant 0 : i32
    %eq3A_1 = arith.cmpi eq, %arg0, %eq3A : i32
    %convert_element_type3A = arith.extui %eq3A_1 : i1 to i32
    %cond3A = arith.constant 0 : i32
    %cond3A_2 = arith.cmpi ne, %convert_element_type3A, %cond3A : i32
    scf.if %cond3A_2 {
      %mul3A_13 = arith.constant 126 : i32
      %mul3A_14 = arith.muli %arg1, %mul3A_13 : i32
      "tpu.region"() ({
        %run_scoped3A = tpu.sem_alloc : memref<!tpu.dma_semaphore, #tpu.memory_space<semaphore_mem>>
        %dma_start3A_55 = arith.constant 0 : i32
        %dma_start3A_56 = arith.constant 0 : i32
        %dma_start3A_57 = tpu.memref_slice %arg12[%dma_start3A_55, %dma_start3A_56] : memref<126x80xi32, #tpu.memory_space<vmem>> -> memref<126x80xi32, #tpu.memory_space<vmem>>
        %dma_start3A_58 = arith.constant 0 : i32
        %dma_start3A_59 = tpu.memref_slice %arg3[%mul3A_14, %dma_start3A_58] : memref<8000x80xi32, #tpu.memory_space<hbm>> -> memref<126x80xi32, #tpu.memory_space<hbm>>
        %dma_start3A_60 = arith.constant 0 : i32
        %dma_start3A_61 = arith.constant 0 : i32
        %dma_start3A_62 = tpu.memref_slice %arg12[%dma_start3A_60, %dma_start3A_61] : memref<126x80xi32, #tpu.memory_space<vmem>> -> memref<126x80xi32, #tpu.memory_space<vmem>>
        %dma_start3A_63 = arith.constant 0 : i32
        %dma_start3A_64 = tpu.memref_slice %arg3[%mul3A_14, %dma_start3A_63] : memref<8000x80xi32, #tpu.memory_space<hbm>> -> memref<126x80xi32, #tpu.memory_space<hbm>>
        tpu.enqueue_dma source(%dma_start3A_64 : memref<126x80xi32, #tpu.memory_space<hbm>>) target(%dma_start3A_62 : memref<126x80xi32, #tpu.memory_space<vmem>>) target_semaphore(%run_scoped3A : memref<!tpu.dma_semaphore, #tpu.memory_space<semaphore_mem>>)
        %dma_wait3A = arith.constant 0 : i32
        %dma_wait3A_65 = arith.constant 0 : i32
        %dma_wait3A_66 = tpu.memref_slice %arg12[%dma_wait3A, %dma_wait3A_65] : memref<126x80xi32, #tpu.memory_space<vmem>> -> memref<126x80xi32, #tpu.memory_space<vmem>>
        %dma_wait3A_67 = arith.constant 0 : i32
        %dma_wait3A_68 = tpu.memref_slice %arg3[%mul3A_14, %dma_wait3A_67] : memref<8000x80xi32, #tpu.memory_space<hbm>> -> memref<126x80xi32, #tpu.memory_space<hbm>>
        %dma_wait3A_69 = arith.constant 0 : i32
        %dma_wait3A_70 = arith.constant 0 : i32
        %dma_wait3A_71 = tpu.memref_slice %arg12[%dma_wait3A_69, %dma_wait3A_70] : memref<126x80xi32, #tpu.memory_space<vmem>> -> memref<126x80xi32, #tpu.memory_space<vmem>>
        %dma_wait3A_72 = arith.constant 0 : i32
        %dma_wait3A_73 = tpu.memref_slice %arg3[%mul3A_14, %dma_wait3A_72] : memref<8000x80xi32, #tpu.memory_space<hbm>> -> memref<126x80xi32, #tpu.memory_space<hbm>>
        tpu.wait_dma2 semaphore(%run_scoped3A : memref<!tpu.dma_semaphore, #tpu.memory_space<semaphore_mem>>) src(%dma_wait3A_73 : memref<126x80xi32, #tpu.memory_space<hbm>>) dst(%dma_wait3A_71 : memref<126x80xi32, #tpu.memory_space<vmem>>)
        tpu.yield
      }) : () -> ()
      %add3A = arith.constant 4000 : i32
      %add3A_15 = arith.addi %add3A, %mul3A_14 : i32
      "tpu.region"() ({
        %run_scoped3A = tpu.sem_alloc : memref<!tpu.dma_semaphore, #tpu.memory_space<semaphore_mem>>
        %dma_start3A_55 = arith.constant 0 : i32
        %dma_start3A_56 = arith.constant 0 : i32
        %dma_start3A_57 = tpu.memref_slice %arg13[%dma_start3A_55, %dma_start3A_56] : memref<126x80xi32, #tpu.memory_space<vmem>> -> memref<126x80xi32, #tpu.memory_space<vmem>>
        %dma_start3A_58 = arith.constant 0 : i32
        %dma_start3A_59 = tpu.memref_slice %arg3[%add3A_15, %dma_start3A_58] : memref<8000x80xi32, #tpu.memory_space<hbm>> -> memref<126x80xi32, #tpu.memory_space<hbm>>
        %dma_start3A_60 = arith.constant 0 : i32
        %dma_start3A_61 = arith.constant 0 : i32
        %dma_start3A_62 = tpu.memref_slice %arg13[%dma_start3A_60, %dma_start3A_61] : memref<126x80xi32, #tpu.memory_space<vmem>> -> memref<126x80xi32, #tpu.memory_space<vmem>>
        %dma_start3A_63 = arith.constant 0 : i32
        %dma_start3A_64 = tpu.memref_slice %arg3[%add3A_15, %dma_start3A_63] : memref<8000x80xi32, #tpu.memory_space<hbm>> -> memref<126x80xi32, #tpu.memory_space<hbm>>
        tpu.enqueue_dma source(%dma_start3A_64 : memref<126x80xi32, #tpu.memory_space<hbm>>) target(%dma_start3A_62 : memref<126x80xi32, #tpu.memory_space<vmem>>) target_semaphore(%run_scoped3A : memref<!tpu.dma_semaphore, #tpu.memory_space<semaphore_mem>>)
        %dma_wait3A = arith.constant 0 : i32
        %dma_wait3A_65 = arith.constant 0 : i32
        %dma_wait3A_66 = tpu.memref_slice %arg13[%dma_wait3A, %dma_wait3A_65] : memref<126x80xi32, #tpu.memory_space<vmem>> -> memref<126x80xi32, #tpu.memory_space<vmem>>
        %dma_wait3A_67 = arith.constant 0 : i32
        %dma_wait3A_68 = tpu.memref_slice %arg3[%add3A_15, %dma_wait3A_67] : memref<8000x80xi32, #tpu.memory_space<hbm>> -> memref<126x80xi32, #tpu.memory_space<hbm>>
        %dma_wait3A_69 = arith.constant 0 : i32
        %dma_wait3A_70 = arith.constant 0 : i32
        %dma_wait3A_71 = tpu.memref_slice %arg13[%dma_wait3A_69, %dma_wait3A_70] : memref<126x80xi32, #tpu.memory_space<vmem>> -> memref<126x80xi32, #tpu.memory_space<vmem>>
        %dma_wait3A_72 = arith.constant 0 : i32
        %dma_wait3A_73 = tpu.memref_slice %arg3[%add3A_15, %dma_wait3A_72] : memref<8000x80xi32, #tpu.memory_space<hbm>> -> memref<126x80xi32, #tpu.memory_space<hbm>>
        tpu.wait_dma2 semaphore(%run_scoped3A : memref<!tpu.dma_semaphore, #tpu.memory_space<semaphore_mem>>) src(%dma_wait3A_73 : memref<126x80xi32, #tpu.memory_space<hbm>>) dst(%dma_wait3A_71 : memref<126x80xi32, #tpu.memory_space<vmem>>)
        tpu.yield
      }) : () -> ()
      %dma_start3A = arith.constant 0 : i32
      %dma_start3A_16 = arith.constant 0 : i32
      %dma_start3A_17 = tpu.memref_slice %arg12[%dma_start3A, %dma_start3A_16] : memref<126x80xi32, #tpu.memory_space<vmem>> -> memref<1x80xi32, #tpu.memory_space<vmem>>
      %dma_start3A_18 = tpu.memref_squeeze %dma_start3A_17 : memref<1x80xi32, #tpu.memory_space<vmem>> -> memref<80xi32, #tpu.memory_space<vmem>>
      %dma_start3A_19 = arith.constant 0 : i32
      %dma_start3A_20 = arith.constant 0 : i32
      %dma_start3A_21 = tpu.memref_slice %arg2[%dma_start3A_19, %dma_start3A_20] : memref<10000x128xbf16, #tpu.memory_space<hbm>> -> memref<10000x128xbf16, #tpu.memory_space<hbm>>
      tpu.enqueue_indirect_dma source(%dma_start3A_21 : memref<10000x128xbf16, #tpu.memory_space<hbm>>) target(%arg6 : memref<80x128xbf16, #tpu.memory_space<vmem>>) offsets(%dma_start3A_18 : memref<80xi32, #tpu.memory_space<vmem>>) semaphore(%arg15 : memref<!tpu.dma_semaphore, #tpu.memory_space<semaphore_mem>>)
      %dma_start3A_22 = arith.constant 1 : i32
      %dma_start3A_23 = arith.constant 0 : i32
      %dma_start3A_24 = tpu.memref_slice %arg12[%dma_start3A_22, %dma_start3A_23] : memref<126x80xi32, #tpu.memory_space<vmem>> -> memref<1x80xi32, #tpu.memory_space<vmem>>
      %dma_start3A_25 = tpu.memref_squeeze %dma_start3A_24 : memref<1x80xi32, #tpu.memory_space<vmem>> -> memref<80xi32, #tpu.memory_space<vmem>>
      %dma_start3A_26 = arith.constant 0 : i32
      %dma_start3A_27 = arith.constant 0 : i32
      %dma_start3A_28 = tpu.memref_slice %arg2[%dma_start3A_26, %dma_start3A_27] : memref<10000x128xbf16, #tpu.memory_space<hbm>> -> memref<10000x128xbf16, #tpu.memory_space<hbm>>
      tpu.enqueue_indirect_dma source(%dma_start3A_28 : memref<10000x128xbf16, #tpu.memory_space<hbm>>) target(%arg7 : memref<80x128xbf16, #tpu.memory_space<vmem>>) offsets(%dma_start3A_25 : memref<80xi32, #tpu.memory_space<vmem>>) semaphore(%arg16 : memref<!tpu.dma_semaphore, #tpu.memory_space<semaphore_mem>>)
      %dma_start3A_29 = arith.constant 2 : i32
      %dma_start3A_30 = arith.constant 0 : i32
      %dma_start3A_31 = tpu.memref_slice %arg12[%dma_start3A_29, %dma_start3A_30] : memref<126x80xi32, #tpu.memory_space<vmem>> -> memref<1x80xi32, #tpu.memory_space<vmem>>
      %dma_start3A_32 = tpu.memref_squeeze %dma_start3A_31 : memref<1x80xi32, #tpu.memory_space<vmem>> -> memref<80xi32, #tpu.memory_space<vmem>>
      %dma_start3A_33 = arith.constant 0 : i32
      %dma_start3A_34 = arith.constant 0 : i32
      %dma_start3A_35 = tpu.memref_slice %arg2[%dma_start3A_33, %dma_start3A_34] : memref<10000x128xbf16, #tpu.memory_space<hbm>> -> memref<10000x128xbf16, #tpu.memory_space<hbm>>
      tpu.enqueue_indirect_dma source(%dma_start3A_35 : memref<10000x128xbf16, #tpu.memory_space<hbm>>) target(%arg8 : memref<80x128xbf16, #tpu.memory_space<vmem>>) offsets(%dma_start3A_32 : memref<80xi32, #tpu.memory_space<vmem>>) semaphore(%arg17 : memref<!tpu.dma_semaphore, #tpu.memory_space<semaphore_mem>>)
      %dma_start3A_36 = arith.constant 3 : i32
      %dma_start3A_37 = arith.constant 0 : i32
      %dma_start3A_38 = tpu.memref_slice %arg12[%dma_start3A_36, %dma_start3A_37] : memref<126x80xi32, #tpu.memory_space<vmem>> -> memref<1x80xi32, #tpu.memory_space<vmem>>
      %dma_start3A_39 = tpu.memref_squeeze %dma_start3A_38 : memref<1x80xi32, #tpu.memory_space<vmem>> -> memref<80xi32, #tpu.memory_space<vmem>>
      %dma_start3A_40 = arith.constant 0 : i32
      %dma_start3A_41 = arith.constant 0 : i32
      %dma_start3A_42 = tpu.memref_slice %arg2[%dma_start3A_40, %dma_start3A_41] : memref<10000x128xbf16, #tpu.memory_space<hbm>> -> memref<10000x128xbf16, #tpu.memory_space<hbm>>
      tpu.enqueue_indirect_dma source(%dma_start3A_42 : memref<10000x128xbf16, #tpu.memory_space<hbm>>) target(%arg9 : memref<80x128xbf16, #tpu.memory_space<vmem>>) offsets(%dma_start3A_39 : memref<80xi32, #tpu.memory_space<vmem>>) semaphore(%arg18 : memref<!tpu.dma_semaphore, #tpu.memory_space<semaphore_mem>>)
      %dma_start3A_43 = arith.constant 4 : i32
      %dma_start3A_44 = arith.constant 0 : i32
      %dma_start3A_45 = tpu.memref_slice %arg12[%dma_start3A_43, %dma_start3A_44] : memref<126x80xi32, #tpu.memory_space<vmem>> -> memref<1x80xi32, #tpu.memory_space<vmem>>
      %dma_start3A_46 = tpu.memref_squeeze %dma_start3A_45 : memref<1x80xi32, #tpu.memory_space<vmem>> -> memref<80xi32, #tpu.memory_space<vmem>>
      %dma_start3A_47 = arith.constant 0 : i32
      %dma_start3A_48 = arith.constant 0 : i32
      %dma_start3A_49 = tpu.memref_slice %arg2[%dma_start3A_47, %dma_start3A_48] : memref<10000x128xbf16, #tpu.memory_space<hbm>> -> memref<10000x128xbf16, #tpu.memory_space<hbm>>
      tpu.enqueue_indirect_dma source(%dma_start3A_49 : memref<10000x128xbf16, #tpu.memory_space<hbm>>) target(%arg10 : memref<80x128xbf16, #tpu.memory_space<vmem>>) offsets(%dma_start3A_46 : memref<80xi32, #tpu.memory_space<vmem>>) semaphore(%arg19 : memref<!tpu.dma_semaphore, #tpu.memory_space<semaphore_mem>>)
      %scan3A = arith.constant 0 : i32
      %scan3A_50 = arith.constant 0 : i32
      %scan3A_51 = arith.constant 21 : i32
      %scan3A_52 = arith.addi %scan3A_50, %scan3A_51 : i32
      %scan3A_53 = arith.constant 1 : i32
      scf.for %scan3A_55 = %scan3A_50 to %scan3A_52 step %scan3A_53  : i32 {
        %mul3A_56 = arith.constant 6 : i32
        %mul3A_57 = arith.muli %mul3A_56, %scan3A_55 : i32
        %add3A_58 = arith.constant 0 : i32
        %add3A_59 = arith.addi %mul3A_57, %add3A_58 : i32
        %dma_wait3A = arith.constant 0 : i32
        %dma_wait3A_60 = tpu.memref_slice %arg12[%add3A_59, %dma_wait3A] : memref<126x80xi32, #tpu.memory_space<vmem>> -> memref<1x80xi32, #tpu.memory_space<vmem>>
        %dma_wait3A_61 = tpu.memref_squeeze %dma_wait3A_60 : memref<1x80xi32, #tpu.memory_space<vmem>> -> memref<80xi32, #tpu.memory_space<vmem>>
        %dma_wait3A_62 = arith.constant 0 : i32
        %dma_wait3A_63 = arith.constant 0 : i32
        %dma_wait3A_64 = tpu.memref_slice %arg2[%dma_wait3A_62, %dma_wait3A_63] : memref<10000x128xbf16, #tpu.memory_space<hbm>> -> memref<10000x128xbf16, #tpu.memory_space<hbm>>
        tpu.wait_indirect_dma semaphore(%arg15 : memref<!tpu.dma_semaphore, #tpu.memory_space<semaphore_mem>>) src(%dma_wait3A_64 : memref<10000x128xbf16, #tpu.memory_space<hbm>>) dst(%arg6 : memref<80x128xbf16, #tpu.memory_space<vmem>>)
        %add3A_65 = arith.constant 6 : i32
        %add3A_66 = arith.addi %add3A_59, %add3A_65 : i32
        %sub3A = arith.constant 1 : i32
        %sub3A_67 = arith.subi %add3A_66, %sub3A : i32
        %lt3A = arith.constant 126 : i32
        %lt3A_68 = arith.cmpi slt, %sub3A_67, %lt3A : i32
        %convert_element_type3A_69 = arith.extui %lt3A_68 : i1 to i32
        %cond3A_70 = arith.constant 0 : i32
        %cond3A_71 = arith.cmpi ne, %convert_element_type3A_69, %cond3A_70 : i32
        scf.if %cond3A_71 {
          %add3A_167 = arith.constant 6 : i32
          %add3A_168 = arith.addi %add3A_59, %add3A_167 : i32
          %sub3A_169 = arith.constant 1 : i32
          %sub3A_170 = arith.subi %add3A_168, %sub3A_169 : i32
          %dma_start3A_171 = arith.constant 0 : i32
          %dma_start3A_172 = tpu.memref_slice %arg12[%sub3A_170, %dma_start3A_171] : memref<126x80xi32, #tpu.memory_space<vmem>> -> memref<1x80xi32, #tpu.memory_space<vmem>>
          %dma_start3A_173 = tpu.memref_squeeze %dma_start3A_172 : memref<1x80xi32, #tpu.memory_space<vmem>> -> memref<80xi32, #tpu.memory_space<vmem>>
          %dma_start3A_174 = arith.constant 0 : i32
          %dma_start3A_175 = arith.constant 0 : i32
          %dma_start3A_176 = tpu.memref_slice %arg2[%dma_start3A_174, %dma_start3A_175] : memref<10000x128xbf16, #tpu.memory_space<hbm>> -> memref<10000x128xbf16, #tpu.memory_space<hbm>>
          tpu.enqueue_indirect_dma source(%dma_start3A_176 : memref<10000x128xbf16, #tpu.memory_space<hbm>>) target(%arg11 : memref<80x128xbf16, #tpu.memory_space<vmem>>) offsets(%dma_start3A_173 : memref<80xi32, #tpu.memory_space<vmem>>) semaphore(%arg20 : memref<!tpu.dma_semaphore, #tpu.memory_space<semaphore_mem>>)
        } else {
        }
        "tpu.region"() ({
          %run_scoped3A = tpu.sem_alloc : memref<!tpu.dma_semaphore, #tpu.memory_space<semaphore_mem>>
          %dma_start3A_167 = arith.constant 0 : i32
          %dma_start3A_168 = tpu.memref_slice %arg13[%add3A_59, %dma_start3A_167] : memref<126x80xi32, #tpu.memory_space<vmem>> -> memref<1x80xi32, #tpu.memory_space<vmem>>
          %dma_start3A_169 = tpu.memref_squeeze %dma_start3A_168 : memref<1x80xi32, #tpu.memory_space<vmem>> -> memref<80xi32, #tpu.memory_space<vmem>>
          %dma_start3A_170 = arith.constant 0 : i32
          %dma_start3A_171 = arith.constant 0 : i32
          %dma_start3A_172 = tpu.memref_slice %arg14[%dma_start3A_170, %dma_start3A_171] : memref<10240x128xbf16, #tpu.memory_space<vmem_shared>> -> memref<10240x128xbf16, #tpu.memory_space<vmem_shared>>
          tpu.enqueue_indirect_dma source(%arg6 : memref<80x128xbf16, #tpu.memory_space<vmem>>) target(%dma_start3A_172 : memref<10240x128xbf16, #tpu.memory_space<vmem_shared>>) offsets(%dma_start3A_169 : memref<80xi32, #tpu.memory_space<vmem>>) semaphore(%run_scoped3A : memref<!tpu.dma_semaphore, #tpu.memory_space<semaphore_mem>>) {add = true}
          %dma_wait3A_173 = arith.constant 0 : i32
          %dma_wait3A_174 = tpu.memref_slice %arg13[%add3A_59, %dma_wait3A_173] : memref<126x80xi32, #tpu.memory_space<vmem>> -> memref<1x80xi32, #tpu.memory_space<vmem>>
          %dma_wait3A_175 = tpu.memref_squeeze %dma_wait3A_174 : memref<1x80xi32, #tpu.memory_space<vmem>> -> memref<80xi32, #tpu.memory_space<vmem>>
          %dma_wait3A_176 = arith.constant 0 : i32
          %dma_wait3A_177 = arith.constant 0 : i32
          %dma_wait3A_178 = tpu.memref_slice %arg14[%dma_wait3A_176, %dma_wait3A_177] : memref<10240x128xbf16, #tpu.memory_space<vmem_shared>> -> memref<10240x128xbf16, #tpu.memory_space<vmem_shared>>
          tpu.wait_indirect_dma semaphore(%run_scoped3A : memref<!tpu.dma_semaphore, #tpu.memory_space<semaphore_mem>>) src(%arg6 : memref<80x128xbf16, #tpu.memory_space<vmem>>) dst(%dma_wait3A_178 : memref<10240x128xbf16, #tpu.memory_space<vmem_shared>>)
          tpu.yield
        }) : () -> ()
        %mul3A_72 = arith.constant 6 : i32
        %mul3A_73 = arith.muli %mul3A_72, %scan3A_55 : i32
        %add3A_74 = arith.constant 1 : i32
        %add3A_75 = arith.addi %mul3A_73, %add3A_74 : i32
        %dma_wait3A_76 = arith.constant 0 : i32
        %dma_wait3A_77 = tpu.memref_slice %arg12[%add3A_75, %dma_wait3A_76] : memref<126x80xi32, #tpu.memory_space<vmem>> -> memref<1x80xi32, #tpu.memory_space<vmem>>
        %dma_wait3A_78 = tpu.memref_squeeze %dma_wait3A_77 : memref<1x80xi32, #tpu.memory_space<vmem>> -> memref<80xi32, #tpu.memory_space<vmem>>
        %dma_wait3A_79 = arith.constant 0 : i32
        %dma_wait3A_80 = arith.constant 0 : i32
        %dma_wait3A_81 = tpu.memref_slice %arg2[%dma_wait3A_79, %dma_wait3A_80] : memref<10000x128xbf16, #tpu.memory_space<hbm>> -> memref<10000x128xbf16, #tpu.memory_space<hbm>>
        tpu.wait_indirect_dma semaphore(%arg16 : memref<!tpu.dma_semaphore, #tpu.memory_space<semaphore_mem>>) src(%dma_wait3A_81 : memref<10000x128xbf16, #tpu.memory_space<hbm>>) dst(%arg7 : memref<80x128xbf16, #tpu.memory_space<vmem>>)
        %add3A_82 = arith.constant 6 : i32
        %add3A_83 = arith.addi %add3A_75, %add3A_82 : i32
        %sub3A_84 = arith.constant 1 : i32
        %sub3A_85 = arith.subi %add3A_83, %sub3A_84 : i32
        %lt3A_86 = arith.constant 126 : i32
        %lt3A_87 = arith.cmpi slt, %sub3A_85, %lt3A_86 : i32
        %convert_element_type3A_88 = arith.extui %lt3A_87 : i1 to i32
        %cond3A_89 = arith.constant 0 : i32
        %cond3A_90 = arith.cmpi ne, %convert_element_type3A_88, %cond3A_89 : i32
        scf.if %cond3A_90 {
          %add3A_167 = arith.constant 6 : i32
          %add3A_168 = arith.addi %add3A_75, %add3A_167 : i32
          %sub3A_169 = arith.constant 1 : i32
          %sub3A_170 = arith.subi %add3A_168, %sub3A_169 : i32
          %dma_start3A_171 = arith.constant 0 : i32
          %dma_start3A_172 = tpu.memref_slice %arg12[%sub3A_170, %dma_start3A_171] : memref<126x80xi32, #tpu.memory_space<vmem>> -> memref<1x80xi32, #tpu.memory_space<vmem>>
          %dma_start3A_173 = tpu.memref_squeeze %dma_start3A_172 : memref<1x80xi32, #tpu.memory_space<vmem>> -> memref<80xi32, #tpu.memory_space<vmem>>
          %dma_start3A_174 = arith.constant 0 : i32
          %dma_start3A_175 = arith.constant 0 : i32
          %dma_start3A_176 = tpu.memref_slice %arg2[%dma_start3A_174, %dma_start3A_175] : memref<10000x128xbf16, #tpu.memory_space<hbm>> -> memref<10000x128xbf16, #tpu.memory_space<hbm>>
          tpu.enqueue_indirect_dma source(%dma_start3A_176 : memref<10000x128xbf16, #tpu.memory_space<hbm>>) target(%arg6 : memref<80x128xbf16, #tpu.memory_space<vmem>>) offsets(%dma_start3A_173 : memref<80xi32, #tpu.memory_space<vmem>>) semaphore(%arg15 : memref<!tpu.dma_semaphore, #tpu.memory_space<semaphore_mem>>)
        } else {
        }
        "tpu.region"() ({
          %run_scoped3A = tpu.sem_alloc : memref<!tpu.dma_semaphore, #tpu.memory_space<semaphore_mem>>
          %dma_start3A_167 = arith.constant 0 : i32
          %dma_start3A_168 = tpu.memref_slice %arg13[%add3A_75, %dma_start3A_167] : memref<126x80xi32, #tpu.memory_space<vmem>> -> memref<1x80xi32, #tpu.memory_space<vmem>>
          %dma_start3A_169 = tpu.memref_squeeze %dma_start3A_168 : memref<1x80xi32, #tpu.memory_space<vmem>> -> memref<80xi32, #tpu.memory_space<vmem>>
          %dma_start3A_170 = arith.constant 0 : i32
          %dma_start3A_171 = arith.constant 0 : i32
          %dma_start3A_172 = tpu.memref_slice %arg14[%dma_start3A_170, %dma_start3A_171] : memref<10240x128xbf16, #tpu.memory_space<vmem_shared>> -> memref<10240x128xbf16, #tpu.memory_space<vmem_shared>>
          tpu.enqueue_indirect_dma source(%arg7 : memref<80x128xbf16, #tpu.memory_space<vmem>>) target(%dma_start3A_172 : memref<10240x128xbf16, #tpu.memory_space<vmem_shared>>) offsets(%dma_start3A_169 : memref<80xi32, #tpu.memory_space<vmem>>) semaphore(%run_scoped3A : memref<!tpu.dma_semaphore, #tpu.memory_space<semaphore_mem>>) {add = true}
          %dma_wait3A_173 = arith.constant 0 : i32
          %dma_wait3A_174 = tpu.memref_slice %arg13[%add3A_75, %dma_wait3A_173] : memref<126x80xi32, #tpu.memory_space<vmem>> -> memref<1x80xi32, #tpu.memory_space<vmem>>
          %dma_wait3A_175 = tpu.memref_squeeze %dma_wait3A_174 : memref<1x80xi32, #tpu.memory_space<vmem>> -> memref<80xi32, #tpu.memory_space<vmem>>
          %dma_wait3A_176 = arith.constant 0 : i32
          %dma_wait3A_177 = arith.constant 0 : i32
          %dma_wait3A_178 = tpu.memref_slice %arg14[%dma_wait3A_176, %dma_wait3A_177] : memref<10240x128xbf16, #tpu.memory_space<vmem_shared>> -> memref<10240x128xbf16, #tpu.memory_space<vmem_shared>>
          tpu.wait_indirect_dma semaphore(%run_scoped3A : memref<!tpu.dma_semaphore, #tpu.memory_space<semaphore_mem>>) src(%arg7 : memref<80x128xbf16, #tpu.memory_space<vmem>>) dst(%dma_wait3A_178 : memref<10240x128xbf16, #tpu.memory_space<vmem_shared>>)
          tpu.yield
        }) : () -> ()
        %mul3A_91 = arith.constant 6 : i32
        %mul3A_92 = arith.muli %mul3A_91, %scan3A_55 : i32
        %add3A_93 = arith.constant 2 : i32
        %add3A_94 = arith.addi %mul3A_92, %add3A_93 : i32
        %dma_wait3A_95 = arith.constant 0 : i32
        %dma_wait3A_96 = tpu.memref_slice %arg12[%add3A_94, %dma_wait3A_95] : memref<126x80xi32, #tpu.memory_space<vmem>> -> memref<1x80xi32, #tpu.memory_space<vmem>>
        %dma_wait3A_97 = tpu.memref_squeeze %dma_wait3A_96 : memref<1x80xi32, #tpu.memory_space<vmem>> -> memref<80xi32, #tpu.memory_space<vmem>>
        %dma_wait3A_98 = arith.constant 0 : i32
        %dma_wait3A_99 = arith.constant 0 : i32
        %dma_wait3A_100 = tpu.memref_slice %arg2[%dma_wait3A_98, %dma_wait3A_99] : memref<10000x128xbf16, #tpu.memory_space<hbm>> -> memref<10000x128xbf16, #tpu.memory_space<hbm>>
        tpu.wait_indirect_dma semaphore(%arg17 : memref<!tpu.dma_semaphore, #tpu.memory_space<semaphore_mem>>) src(%dma_wait3A_100 : memref<10000x128xbf16, #tpu.memory_space<hbm>>) dst(%arg8 : memref<80x128xbf16, #tpu.memory_space<vmem>>)
        %add3A_101 = arith.constant 6 : i32
        %add3A_102 = arith.addi %add3A_94, %add3A_101 : i32
        %sub3A_103 = arith.constant 1 : i32
        %sub3A_104 = arith.subi %add3A_102, %sub3A_103 : i32
        %lt3A_105 = arith.constant 126 : i32
        %lt3A_106 = arith.cmpi slt, %sub3A_104, %lt3A_105 : i32
        %convert_element_type3A_107 = arith.extui %lt3A_106 : i1 to i32
        %cond3A_108 = arith.constant 0 : i32
        %cond3A_109 = arith.cmpi ne, %convert_element_type3A_107, %cond3A_108 : i32
        scf.if %cond3A_109 {
          %add3A_167 = arith.constant 6 : i32
          %add3A_168 = arith.addi %add3A_94, %add3A_167 : i32
          %sub3A_169 = arith.constant 1 : i32
          %sub3A_170 = arith.subi %add3A_168, %sub3A_169 : i32
          %dma_start3A_171 = arith.constant 0 : i32
          %dma_start3A_172 = tpu.memref_slice %arg12[%sub3A_170, %dma_start3A_171] : memref<126x80xi32, #tpu.memory_space<vmem>> -> memref<1x80xi32, #tpu.memory_space<vmem>>
          %dma_start3A_173 = tpu.memref_squeeze %dma_start3A_172 : memref<1x80xi32, #tpu.memory_space<vmem>> -> memref<80xi32, #tpu.memory_space<vmem>>
          %dma_start3A_174 = arith.constant 0 : i32
          %dma_start3A_175 = arith.constant 0 : i32
          %dma_start3A_176 = tpu.memref_slice %arg2[%dma_start3A_174, %dma_start3A_175] : memref<10000x128xbf16, #tpu.memory_space<hbm>> -> memref<10000x128xbf16, #tpu.memory_space<hbm>>
          tpu.enqueue_indirect_dma source(%dma_start3A_176 : memref<10000x128xbf16, #tpu.memory_space<hbm>>) target(%arg7 : memref<80x128xbf16, #tpu.memory_space<vmem>>) offsets(%dma_start3A_173 : memref<80xi32, #tpu.memory_space<vmem>>) semaphore(%arg16 : memref<!tpu.dma_semaphore, #tpu.memory_space<semaphore_mem>>)
        } else {
        }
        "tpu.region"() ({
          %run_scoped3A = tpu.sem_alloc : memref<!tpu.dma_semaphore, #tpu.memory_space<semaphore_mem>>
          %dma_start3A_167 = arith.constant 0 : i32
          %dma_start3A_168 = tpu.memref_slice %arg13[%add3A_94, %dma_start3A_167] : memref<126x80xi32, #tpu.memory_space<vmem>> -> memref<1x80xi32, #tpu.memory_space<vmem>>
          %dma_start3A_169 = tpu.memref_squeeze %dma_start3A_168 : memref<1x80xi32, #tpu.memory_space<vmem>> -> memref<80xi32, #tpu.memory_space<vmem>>
          %dma_start3A_170 = arith.constant 0 : i32
          %dma_start3A_171 = arith.constant 0 : i32
          %dma_start3A_172 = tpu.memref_slice %arg14[%dma_start3A_170, %dma_start3A_171] : memref<10240x128xbf16, #tpu.memory_space<vmem_shared>> -> memref<10240x128xbf16, #tpu.memory_space<vmem_shared>>
          tpu.enqueue_indirect_dma source(%arg8 : memref<80x128xbf16, #tpu.memory_space<vmem>>) target(%dma_start3A_172 : memref<10240x128xbf16, #tpu.memory_space<vmem_shared>>) offsets(%dma_start3A_169 : memref<80xi32, #tpu.memory_space<vmem>>) semaphore(%run_scoped3A : memref<!tpu.dma_semaphore, #tpu.memory_space<semaphore_mem>>) {add = true}
          %dma_wait3A_173 = arith.constant 0 : i32
          %dma_wait3A_174 = tpu.memref_slice %arg13[%add3A_94, %dma_wait3A_173] : memref<126x80xi32, #tpu.memory_space<vmem>> -> memref<1x80xi32, #tpu.memory_space<vmem>>
          %dma_wait3A_175 = tpu.memref_squeeze %dma_wait3A_174 : memref<1x80xi32, #tpu.memory_space<vmem>> -> memref<80xi32, #tpu.memory_space<vmem>>
          %dma_wait3A_176 = arith.constant 0 : i32
          %dma_wait3A_177 = arith.constant 0 : i32
          %dma_wait3A_178 = tpu.memref_slice %arg14[%dma_wait3A_176, %dma_wait3A_177] : memref<10240x128xbf16, #tpu.memory_space<vmem_shared>> -> memref<10240x128xbf16, #tpu.memory_space<vmem_shared>>
          tpu.wait_indirect_dma semaphore(%run_scoped3A : memref<!tpu.dma_semaphore, #tpu.memory_space<semaphore_mem>>) src(%arg8 : memref<80x128xbf16, #tpu.memory_space<vmem>>) dst(%dma_wait3A_178 : memref<10240x128xbf16, #tpu.memory_space<vmem_shared>>)
          tpu.yield
        }) : () -> ()
        %mul3A_110 = arith.constant 6 : i32
        %mul3A_111 = arith.muli %mul3A_110, %scan3A_55 : i32
        %add3A_112 = arith.constant 3 : i32
        %add3A_113 = arith.addi %mul3A_111, %add3A_112 : i32
        %dma_wait3A_114 = arith.constant 0 : i32
        %dma_wait3A_115 = tpu.memref_slice %arg12[%add3A_113, %dma_wait3A_114] : memref<126x80xi32, #tpu.memory_space<vmem>> -> memref<1x80xi32, #tpu.memory_space<vmem>>
        %dma_wait3A_116 = tpu.memref_squeeze %dma_wait3A_115 : memref<1x80xi32, #tpu.memory_space<vmem>> -> memref<80xi32, #tpu.memory_space<vmem>>
        %dma_wait3A_117 = arith.constant 0 : i32
        %dma_wait3A_118 = arith.constant 0 : i32
        %dma_wait3A_119 = tpu.memref_slice %arg2[%dma_wait3A_117, %dma_wait3A_118] : memref<10000x128xbf16, #tpu.memory_space<hbm>> -> memref<10000x128xbf16, #tpu.memory_space<hbm>>
        tpu.wait_indirect_dma semaphore(%arg18 : memref<!tpu.dma_semaphore, #tpu.memory_space<semaphore_mem>>) src(%dma_wait3A_119 : memref<10000x128xbf16, #tpu.memory_space<hbm>>) dst(%arg9 : memref<80x128xbf16, #tpu.memory_space<vmem>>)
        %add3A_120 = arith.constant 6 : i32
        %add3A_121 = arith.addi %add3A_113, %add3A_120 : i32
        %sub3A_122 = arith.constant 1 : i32
        %sub3A_123 = arith.subi %add3A_121, %sub3A_122 : i32
        %lt3A_124 = arith.constant 126 : i32
        %lt3A_125 = arith.cmpi slt, %sub3A_123, %lt3A_124 : i32
        %convert_element_type3A_126 = arith.extui %lt3A_125 : i1 to i32
        %cond3A_127 = arith.constant 0 : i32
        %cond3A_128 = arith.cmpi ne, %convert_element_type3A_126, %cond3A_127 : i32
        scf.if %cond3A_128 {
          %add3A_167 = arith.constant 6 : i32
          %add3A_168 = arith.addi %add3A_113, %add3A_167 : i32
          %sub3A_169 = arith.constant 1 : i32
          %sub3A_170 = arith.subi %add3A_168, %sub3A_169 : i32
          %dma_start3A_171 = arith.constant 0 : i32
          %dma_start3A_172 = tpu.memref_slice %arg12[%sub3A_170, %dma_start3A_171] : memref<126x80xi32, #tpu.memory_space<vmem>> -> memref<1x80xi32, #tpu.memory_space<vmem>>
          %dma_start3A_173 = tpu.memref_squeeze %dma_start3A_172 : memref<1x80xi32, #tpu.memory_space<vmem>> -> memref<80xi32, #tpu.memory_space<vmem>>
          %dma_start3A_174 = arith.constant 0 : i32
          %dma_start3A_175 = arith.constant 0 : i32
          %dma_start3A_176 = tpu.memref_slice %arg2[%dma_start3A_174, %dma_start3A_175] : memref<10000x128xbf16, #tpu.memory_space<hbm>> -> memref<10000x128xbf16, #tpu.memory_space<hbm>>
          tpu.enqueue_indirect_dma source(%dma_start3A_176 : memref<10000x128xbf16, #tpu.memory_space<hbm>>) target(%arg8 : memref<80x128xbf16, #tpu.memory_space<vmem>>) offsets(%dma_start3A_173 : memref<80xi32, #tpu.memory_space<vmem>>) semaphore(%arg17 : memref<!tpu.dma_semaphore, #tpu.memory_space<semaphore_mem>>)
        } else {
        }
        "tpu.region"() ({
          %run_scoped3A = tpu.sem_alloc : memref<!tpu.dma_semaphore, #tpu.memory_space<semaphore_mem>>
          %dma_start3A_167 = arith.constant 0 : i32
          %dma_start3A_168 = tpu.memref_slice %arg13[%add3A_113, %dma_start3A_167] : memref<126x80xi32, #tpu.memory_space<vmem>> -> memref<1x80xi32, #tpu.memory_space<vmem>>
          %dma_start3A_169 = tpu.memref_squeeze %dma_start3A_168 : memref<1x80xi32, #tpu.memory_space<vmem>> -> memref<80xi32, #tpu.memory_space<vmem>>
          %dma_start3A_170 = arith.constant 0 : i32
          %dma_start3A_171 = arith.constant 0 : i32
          %dma_start3A_172 = tpu.memref_slice %arg14[%dma_start3A_170, %dma_start3A_171] : memref<10240x128xbf16, #tpu.memory_space<vmem_shared>> -> memref<10240x128xbf16, #tpu.memory_space<vmem_shared>>
          tpu.enqueue_indirect_dma source(%arg9 : memref<80x128xbf16, #tpu.memory_space<vmem>>) target(%dma_start3A_172 : memref<10240x128xbf16, #tpu.memory_space<vmem_shared>>) offsets(%dma_start3A_169 : memref<80xi32, #tpu.memory_space<vmem>>) semaphore(%run_scoped3A : memref<!tpu.dma_semaphore, #tpu.memory_space<semaphore_mem>>) {add = true}
          %dma_wait3A_173 = arith.constant 0 : i32
          %dma_wait3A_174 = tpu.memref_slice %arg13[%add3A_113, %dma_wait3A_173] : memref<126x80xi32, #tpu.memory_space<vmem>> -> memref<1x80xi32, #tpu.memory_space<vmem>>
          %dma_wait3A_175 = tpu.memref_squeeze %dma_wait3A_174 : memref<1x80xi32, #tpu.memory_space<vmem>> -> memref<80xi32, #tpu.memory_space<vmem>>
          %dma_wait3A_176 = arith.constant 0 : i32
          %dma_wait3A_177 = arith.constant 0 : i32
          %dma_wait3A_178 = tpu.memref_slice %arg14[%dma_wait3A_176, %dma_wait3A_177] : memref<10240x128xbf16, #tpu.memory_space<vmem_shared>> -> memref<10240x128xbf16, #tpu.memory_space<vmem_shared>>
          tpu.wait_indirect_dma semaphore(%run_scoped3A : memref<!tpu.dma_semaphore, #tpu.memory_space<semaphore_mem>>) src(%arg9 : memref<80x128xbf16, #tpu.memory_space<vmem>>) dst(%dma_wait3A_178 : memref<10240x128xbf16, #tpu.memory_space<vmem_shared>>)
          tpu.yield
        }) : () -> ()
        %mul3A_129 = arith.constant 6 : i32
        %mul3A_130 = arith.muli %mul3A_129, %scan3A_55 : i32
        %add3A_131 = arith.constant 4 : i32
        %add3A_132 = arith.addi %mul3A_130, %add3A_131 : i32
        %dma_wait3A_133 = arith.constant 0 : i32
        %dma_wait3A_134 = tpu.memref_slice %arg12[%add3A_132, %dma_wait3A_133] : memref<126x80xi32, #tpu.memory_space<vmem>> -> memref<1x80xi32, #tpu.memory_space<vmem>>
        %dma_wait3A_135 = tpu.memref_squeeze %dma_wait3A_134 : memref<1x80xi32, #tpu.memory_space<vmem>> -> memref<80xi32, #tpu.memory_space<vmem>>
        %dma_wait3A_136 = arith.constant 0 : i32
        %dma_wait3A_137 = arith.constant 0 : i32
        %dma_wait3A_138 = tpu.memref_slice %arg2[%dma_wait3A_136, %dma_wait3A_137] : memref<10000x128xbf16, #tpu.memory_space<hbm>> -> memref<10000x128xbf16, #tpu.memory_space<hbm>>
        tpu.wait_indirect_dma semaphore(%arg19 : memref<!tpu.dma_semaphore, #tpu.memory_space<semaphore_mem>>) src(%dma_wait3A_138 : memref<10000x128xbf16, #tpu.memory_space<hbm>>) dst(%arg10 : memref<80x128xbf16, #tpu.memory_space<vmem>>)
        %add3A_139 = arith.constant 6 : i32
        %add3A_140 = arith.addi %add3A_132, %add3A_139 : i32
        %sub3A_141 = arith.constant 1 : i32
        %sub3A_142 = arith.subi %add3A_140, %sub3A_141 : i32
        %lt3A_143 = arith.constant 126 : i32
        %lt3A_144 = arith.cmpi slt, %sub3A_142, %lt3A_143 : i32
        %convert_element_type3A_145 = arith.extui %lt3A_144 : i1 to i32
        %cond3A_146 = arith.constant 0 : i32
        %cond3A_147 = arith.cmpi ne, %convert_element_type3A_145, %cond3A_146 : i32
        scf.if %cond3A_147 {
          %add3A_167 = arith.constant 6 : i32
          %add3A_168 = arith.addi %add3A_132, %add3A_167 : i32
          %sub3A_169 = arith.constant 1 : i32
          %sub3A_170 = arith.subi %add3A_168, %sub3A_169 : i32
          %dma_start3A_171 = arith.constant 0 : i32
          %dma_start3A_172 = tpu.memref_slice %arg12[%sub3A_170, %dma_start3A_171] : memref<126x80xi32, #tpu.memory_space<vmem>> -> memref<1x80xi32, #tpu.memory_space<vmem>>
          %dma_start3A_173 = tpu.memref_squeeze %dma_start3A_172 : memref<1x80xi32, #tpu.memory_space<vmem>> -> memref<80xi32, #tpu.memory_space<vmem>>
          %dma_start3A_174 = arith.constant 0 : i32
          %dma_start3A_175 = arith.constant 0 : i32
          %dma_start3A_176 = tpu.memref_slice %arg2[%dma_start3A_174, %dma_start3A_175] : memref<10000x128xbf16, #tpu.memory_space<hbm>> -> memref<10000x128xbf16, #tpu.memory_space<hbm>>
          tpu.enqueue_indirect_dma source(%dma_start3A_176 : memref<10000x128xbf16, #tpu.memory_space<hbm>>) target(%arg9 : memref<80x128xbf16, #tpu.memory_space<vmem>>) offsets(%dma_start3A_173 : memref<80xi32, #tpu.memory_space<vmem>>) semaphore(%arg18 : memref<!tpu.dma_semaphore, #tpu.memory_space<semaphore_mem>>)
        } else {
        }
        "tpu.region"() ({
          %run_scoped3A = tpu.sem_alloc : memref<!tpu.dma_semaphore, #tpu.memory_space<semaphore_mem>>
          %dma_start3A_167 = arith.constant 0 : i32
          %dma_start3A_168 = tpu.memref_slice %arg13[%add3A_132, %dma_start3A_167] : memref<126x80xi32, #tpu.memory_space<vmem>> -> memref<1x80xi32, #tpu.memory_space<vmem>>
          %dma_start3A_169 = tpu.memref_squeeze %dma_start3A_168 : memref<1x80xi32, #tpu.memory_space<vmem>> -> memref<80xi32, #tpu.memory_space<vmem>>
          %dma_start3A_170 = arith.constant 0 : i32
          %dma_start3A_171 = arith.constant 0 : i32
          %dma_start3A_172 = tpu.memref_slice %arg14[%dma_start3A_170, %dma_start3A_171] : memref<10240x128xbf16, #tpu.memory_space<vmem_shared>> -> memref<10240x128xbf16, #tpu.memory_space<vmem_shared>>
          tpu.enqueue_indirect_dma source(%arg10 : memref<80x128xbf16, #tpu.memory_space<vmem>>) target(%dma_start3A_172 : memref<10240x128xbf16, #tpu.memory_space<vmem_shared>>) offsets(%dma_start3A_169 : memref<80xi32, #tpu.memory_space<vmem>>) semaphore(%run_scoped3A : memref<!tpu.dma_semaphore, #tpu.memory_space<semaphore_mem>>) {add = true}
          %dma_wait3A_173 = arith.constant 0 : i32
          %dma_wait3A_174 = tpu.memref_slice %arg13[%add3A_132, %dma_wait3A_173] : memref<126x80xi32, #tpu.memory_space<vmem>> -> memref<1x80xi32, #tpu.memory_space<vmem>>
          %dma_wait3A_175 = tpu.memref_squeeze %dma_wait3A_174 : memref<1x80xi32, #tpu.memory_space<vmem>> -> memref<80xi32, #tpu.memory_space<vmem>>
          %dma_wait3A_176 = arith.constant 0 : i32
          %dma_wait3A_177 = arith.constant 0 : i32
          %dma_wait3A_178 = tpu.memref_slice %arg14[%dma_wait3A_176, %dma_wait3A_177] : memref<10240x128xbf16, #tpu.memory_space<vmem_shared>> -> memref<10240x128xbf16, #tpu.memory_space<vmem_shared>>
          tpu.wait_indirect_dma semaphore(%run_scoped3A : memref<!tpu.dma_semaphore, #tpu.memory_space<semaphore_mem>>) src(%arg10 : memref<80x128xbf16, #tpu.memory_space<vmem>>) dst(%dma_wait3A_178 : memref<10240x128xbf16, #tpu.memory_space<vmem_shared>>)
          tpu.yield
        }) : () -> ()
        %mul3A_148 = arith.constant 6 : i32
        %mul3A_149 = arith.muli %mul3A_148, %scan3A_55 : i32
        %add3A_150 = arith.constant 5 : i32
        %add3A_151 = arith.addi %mul3A_149, %add3A_150 : i32
        %dma_wait3A_152 = arith.constant 0 : i32
        %dma_wait3A_153 = tpu.memref_slice %arg12[%add3A_151, %dma_wait3A_152] : memref<126x80xi32, #tpu.memory_space<vmem>> -> memref<1x80xi32, #tpu.memory_space<vmem>>
        %dma_wait3A_154 = tpu.memref_squeeze %dma_wait3A_153 : memref<1x80xi32, #tpu.memory_space<vmem>> -> memref<80xi32, #tpu.memory_space<vmem>>
        %dma_wait3A_155 = arith.constant 0 : i32
        %dma_wait3A_156 = arith.constant 0 : i32
        %dma_wait3A_157 = tpu.memref_slice %arg2[%dma_wait3A_155, %dma_wait3A_156] : memref<10000x128xbf16, #tpu.memory_space<hbm>> -> memref<10000x128xbf16, #tpu.memory_space<hbm>>
        tpu.wait_indirect_dma semaphore(%arg20 : memref<!tpu.dma_semaphore, #tpu.memory_space<semaphore_mem>>) src(%dma_wait3A_157 : memref<10000x128xbf16, #tpu.memory_space<hbm>>) dst(%arg11 : memref<80x128xbf16, #tpu.memory_space<vmem>>)
        %add3A_158 = arith.constant 6 : i32
        %add3A_159 = arith.addi %add3A_151, %add3A_158 : i32
        %sub3A_160 = arith.constant 1 : i32
        %sub3A_161 = arith.subi %add3A_159, %sub3A_160 : i32
        %lt3A_162 = arith.constant 126 : i32
        %lt3A_163 = arith.cmpi slt, %sub3A_161, %lt3A_162 : i32
        %convert_element_type3A_164 = arith.extui %lt3A_163 : i1 to i32
        %cond3A_165 = arith.constant 0 : i32
        %cond3A_166 = arith.cmpi ne, %convert_element_type3A_164, %cond3A_165 : i32
        scf.if %cond3A_166 {
          %add3A_167 = arith.constant 6 : i32
          %add3A_168 = arith.addi %add3A_151, %add3A_167 : i32
          %sub3A_169 = arith.constant 1 : i32
          %sub3A_170 = arith.subi %add3A_168, %sub3A_169 : i32
          %dma_start3A_171 = arith.constant 0 : i32
          %dma_start3A_172 = tpu.memref_slice %arg12[%sub3A_170, %dma_start3A_171] : memref<126x80xi32, #tpu.memory_space<vmem>> -> memref<1x80xi32, #tpu.memory_space<vmem>>
          %dma_start3A_173 = tpu.memref_squeeze %dma_start3A_172 : memref<1x80xi32, #tpu.memory_space<vmem>> -> memref<80xi32, #tpu.memory_space<vmem>>
          %dma_start3A_174 = arith.constant 0 : i32
          %dma_start3A_175 = arith.constant 0 : i32
          %dma_start3A_176 = tpu.memref_slice %arg2[%dma_start3A_174, %dma_start3A_175] : memref<10000x128xbf16, #tpu.memory_space<hbm>> -> memref<10000x128xbf16, #tpu.memory_space<hbm>>
          tpu.enqueue_indirect_dma source(%dma_start3A_176 : memref<10000x128xbf16, #tpu.memory_space<hbm>>) target(%arg10 : memref<80x128xbf16, #tpu.memory_space<vmem>>) offsets(%dma_start3A_173 : memref<80xi32, #tpu.memory_space<vmem>>) semaphore(%arg19 : memref<!tpu.dma_semaphore, #tpu.memory_space<semaphore_mem>>)
        } else {
        }
        "tpu.region"() ({
          %run_scoped3A = tpu.sem_alloc : memref<!tpu.dma_semaphore, #tpu.memory_space<semaphore_mem>>
          %dma_start3A_167 = arith.constant 0 : i32
          %dma_start3A_168 = tpu.memref_slice %arg13[%add3A_151, %dma_start3A_167] : memref<126x80xi32, #tpu.memory_space<vmem>> -> memref<1x80xi32, #tpu.memory_space<vmem>>
          %dma_start3A_169 = tpu.memref_squeeze %dma_start3A_168 : memref<1x80xi32, #tpu.memory_space<vmem>> -> memref<80xi32, #tpu.memory_space<vmem>>
          %dma_start3A_170 = arith.constant 0 : i32
          %dma_start3A_171 = arith.constant 0 : i32
          %dma_start3A_172 = tpu.memref_slice %arg14[%dma_start3A_170, %dma_start3A_171] : memref<10240x128xbf16, #tpu.memory_space<vmem_shared>> -> memref<10240x128xbf16, #tpu.memory_space<vmem_shared>>
          tpu.enqueue_indirect_dma source(%arg11 : memref<80x128xbf16, #tpu.memory_space<vmem>>) target(%dma_start3A_172 : memref<10240x128xbf16, #tpu.memory_space<vmem_shared>>) offsets(%dma_start3A_169 : memref<80xi32, #tpu.memory_space<vmem>>) semaphore(%run_scoped3A : memref<!tpu.dma_semaphore, #tpu.memory_space<semaphore_mem>>) {add = true}
          %dma_wait3A_173 = arith.constant 0 : i32
          %dma_wait3A_174 = tpu.memref_slice %arg13[%add3A_151, %dma_wait3A_173] : memref<126x80xi32, #tpu.memory_space<vmem>> -> memref<1x80xi32, #tpu.memory_space<vmem>>
          %dma_wait3A_175 = tpu.memref_squeeze %dma_wait3A_174 : memref<1x80xi32, #tpu.memory_space<vmem>> -> memref<80xi32, #tpu.memory_space<vmem>>
          %dma_wait3A_176 = arith.constant 0 : i32
          %dma_wait3A_177 = arith.constant 0 : i32
          %dma_wait3A_178 = tpu.memref_slice %arg14[%dma_wait3A_176, %dma_wait3A_177] : memref<10240x128xbf16, #tpu.memory_space<vmem_shared>> -> memref<10240x128xbf16, #tpu.memory_space<vmem_shared>>
          tpu.wait_indirect_dma semaphore(%run_scoped3A : memref<!tpu.dma_semaphore, #tpu.memory_space<semaphore_mem>>) src(%arg11 : memref<80x128xbf16, #tpu.memory_space<vmem>>) dst(%dma_wait3A_178 : memref<10240x128xbf16, #tpu.memory_space<vmem_shared>>)
          tpu.yield
        }) : () -> ()
      }
      %scan3A_54 = arith.constant 21 : i32
    } else {
    }
    %eq3A_3 = arith.constant 1 : i32
    %eq3A_4 = arith.cmpi eq, %arg0, %eq3A_3 : i32
    %convert_element_type3A_5 = arith.extui %eq3A_4 : i1 to i32
    %cond3A_6 = arith.constant 0 : i32
    %cond3A_7 = arith.cmpi ne, %convert_element_type3A_5, %cond3A_6 : i32
    scf.if %cond3A_7 {
      %mul3A_13 = arith.constant 124 : i32
      %mul3A_14 = arith.muli %arg1, %mul3A_13 : i32
      %add3A = arith.constant 2016 : i32
      %add3A_15 = arith.addi %add3A, %mul3A_14 : i32
      "tpu.region"() ({
        %run_scoped3A_87 = tpu.sem_alloc : memref<!tpu.dma_semaphore, #tpu.memory_space<semaphore_mem>>
        %dma_start3A_88 = arith.constant 0 : i32
        %dma_start3A_89 = arith.constant 0 : i32
        %dma_start3A_90 = tpu.memref_slice %arg12[%dma_start3A_88, %dma_start3A_89] : memref<126x80xi32, #tpu.memory_space<vmem>> -> memref<124x80xi32, #tpu.memory_space<vmem>>
        %dma_start3A_91 = arith.constant 0 : i32
        %dma_start3A_92 = tpu.memref_slice %arg3[%add3A_15, %dma_start3A_91] : memref<8000x80xi32, #tpu.memory_space<hbm>> -> memref<124x80xi32, #tpu.memory_space<hbm>>
        %dma_start3A_93 = arith.constant 0 : i32
        %dma_start3A_94 = arith.constant 0 : i32
        %dma_start3A_95 = tpu.memref_slice %arg12[%dma_start3A_93, %dma_start3A_94] : memref<126x80xi32, #tpu.memory_space<vmem>> -> memref<124x80xi32, #tpu.memory_space<vmem>>
        %dma_start3A_96 = arith.constant 0 : i32
        %dma_start3A_97 = tpu.memref_slice %arg3[%add3A_15, %dma_start3A_96] : memref<8000x80xi32, #tpu.memory_space<hbm>> -> memref<124x80xi32, #tpu.memory_space<hbm>>
        tpu.enqueue_dma source(%dma_start3A_97 : memref<124x80xi32, #tpu.memory_space<hbm>>) target(%dma_start3A_95 : memref<124x80xi32, #tpu.memory_space<vmem>>) target_semaphore(%run_scoped3A_87 : memref<!tpu.dma_semaphore, #tpu.memory_space<semaphore_mem>>)
        %dma_wait3A_98 = arith.constant 0 : i32
        %dma_wait3A_99 = arith.constant 0 : i32
        %dma_wait3A_100 = tpu.memref_slice %arg12[%dma_wait3A_98, %dma_wait3A_99] : memref<126x80xi32, #tpu.memory_space<vmem>> -> memref<124x80xi32, #tpu.memory_space<vmem>>
        %dma_wait3A_101 = arith.constant 0 : i32
        %dma_wait3A_102 = tpu.memref_slice %arg3[%add3A_15, %dma_wait3A_101] : memref<8000x80xi32, #tpu.memory_space<hbm>> -> memref<124x80xi32, #tpu.memory_space<hbm>>
        %dma_wait3A_103 = arith.constant 0 : i32
        %dma_wait3A_104 = arith.constant 0 : i32
        %dma_wait3A_105 = tpu.memref_slice %arg12[%dma_wait3A_103, %dma_wait3A_104] : memref<126x80xi32, #tpu.memory_space<vmem>> -> memref<124x80xi32, #tpu.memory_space<vmem>>
        %dma_wait3A_106 = arith.constant 0 : i32
        %dma_wait3A_107 = tpu.memref_slice %arg3[%add3A_15, %dma_wait3A_106] : memref<8000x80xi32, #tpu.memory_space<hbm>> -> memref<124x80xi32, #tpu.memory_space<hbm>>
        tpu.wait_dma2 semaphore(%run_scoped3A_87 : memref<!tpu.dma_semaphore, #tpu.memory_space<semaphore_mem>>) src(%dma_wait3A_107 : memref<124x80xi32, #tpu.memory_space<hbm>>) dst(%dma_wait3A_105 : memref<124x80xi32, #tpu.memory_space<vmem>>)
        tpu.yield
      }) : () -> ()
      %add3A_16 = arith.constant 4000 : i32
      %add3A_17 = arith.addi %add3A_16, %add3A_15 : i32
      "tpu.region"() ({
        %run_scoped3A_87 = tpu.sem_alloc : memref<!tpu.dma_semaphore, #tpu.memory_space<semaphore_mem>>
        %dma_start3A_88 = arith.constant 0 : i32
        %dma_start3A_89 = arith.constant 0 : i32
        %dma_start3A_90 = tpu.memref_slice %arg13[%dma_start3A_88, %dma_start3A_89] : memref<126x80xi32, #tpu.memory_space<vmem>> -> memref<124x80xi32, #tpu.memory_space<vmem>>
        %dma_start3A_91 = arith.constant 0 : i32
        %dma_start3A_92 = tpu.memref_slice %arg3[%add3A_17, %dma_start3A_91] : memref<8000x80xi32, #tpu.memory_space<hbm>> -> memref<124x80xi32, #tpu.memory_space<hbm>>
        %dma_start3A_93 = arith.constant 0 : i32
        %dma_start3A_94 = arith.constant 0 : i32
        %dma_start3A_95 = tpu.memref_slice %arg13[%dma_start3A_93, %dma_start3A_94] : memref<126x80xi32, #tpu.memory_space<vmem>> -> memref<124x80xi32, #tpu.memory_space<vmem>>
        %dma_start3A_96 = arith.constant 0 : i32
        %dma_start3A_97 = tpu.memref_slice %arg3[%add3A_17, %dma_start3A_96] : memref<8000x80xi32, #tpu.memory_space<hbm>> -> memref<124x80xi32, #tpu.memory_space<hbm>>
        tpu.enqueue_dma source(%dma_start3A_97 : memref<124x80xi32, #tpu.memory_space<hbm>>) target(%dma_start3A_95 : memref<124x80xi32, #tpu.memory_space<vmem>>) target_semaphore(%run_scoped3A_87 : memref<!tpu.dma_semaphore, #tpu.memory_space<semaphore_mem>>)
        %dma_wait3A_98 = arith.constant 0 : i32
        %dma_wait3A_99 = arith.constant 0 : i32
        %dma_wait3A_100 = tpu.memref_slice %arg13[%dma_wait3A_98, %dma_wait3A_99] : memref<126x80xi32, #tpu.memory_space<vmem>> -> memref<124x80xi32, #tpu.memory_space<vmem>>
        %dma_wait3A_101 = arith.constant 0 : i32
        %dma_wait3A_102 = tpu.memref_slice %arg3[%add3A_17, %dma_wait3A_101] : memref<8000x80xi32, #tpu.memory_space<hbm>> -> memref<124x80xi32, #tpu.memory_space<hbm>>
        %dma_wait3A_103 = arith.constant 0 : i32
        %dma_wait3A_104 = arith.constant 0 : i32
        %dma_wait3A_105 = tpu.memref_slice %arg13[%dma_wait3A_103, %dma_wait3A_104] : memref<126x80xi32, #tpu.memory_space<vmem>> -> memref<124x80xi32, #tpu.memory_space<vmem>>
        %dma_wait3A_106 = arith.constant 0 : i32
        %dma_wait3A_107 = tpu.memref_slice %arg3[%add3A_17, %dma_wait3A_106] : memref<8000x80xi32, #tpu.memory_space<hbm>> -> memref<124x80xi32, #tpu.memory_space<hbm>>
        tpu.wait_dma2 semaphore(%run_scoped3A_87 : memref<!tpu.dma_semaphore, #tpu.memory_space<semaphore_mem>>) src(%dma_wait3A_107 : memref<124x80xi32, #tpu.memory_space<hbm>>) dst(%dma_wait3A_105 : memref<124x80xi32, #tpu.memory_space<vmem>>)
        tpu.yield
      }) : () -> ()
      %dma_start3A = arith.constant 0 : i32
      %dma_start3A_18 = arith.constant 0 : i32
      %dma_start3A_19 = tpu.memref_slice %arg12[%dma_start3A, %dma_start3A_18] : memref<126x80xi32, #tpu.memory_space<vmem>> -> memref<1x80xi32, #tpu.memory_space<vmem>>
      %dma_start3A_20 = tpu.memref_squeeze %dma_start3A_19 : memref<1x80xi32, #tpu.memory_space<vmem>> -> memref<80xi32, #tpu.memory_space<vmem>>
      %dma_start3A_21 = arith.constant 0 : i32
      %dma_start3A_22 = arith.constant 0 : i32
      %dma_start3A_23 = tpu.memref_slice %arg2[%dma_start3A_21, %dma_start3A_22] : memref<10000x128xbf16, #tpu.memory_space<hbm>> -> memref<10000x128xbf16, #tpu.memory_space<hbm>>
      tpu.enqueue_indirect_dma source(%dma_start3A_23 : memref<10000x128xbf16, #tpu.memory_space<hbm>>) target(%arg6 : memref<80x128xbf16, #tpu.memory_space<vmem>>) offsets(%dma_start3A_20 : memref<80xi32, #tpu.memory_space<vmem>>) semaphore(%arg15 : memref<!tpu.dma_semaphore, #tpu.memory_space<semaphore_mem>>)
      %dma_start3A_24 = arith.constant 1 : i32
      %dma_start3A_25 = arith.constant 0 : i32
      %dma_start3A_26 = tpu.memref_slice %arg12[%dma_start3A_24, %dma_start3A_25] : memref<126x80xi32, #tpu.memory_space<vmem>> -> memref<1x80xi32, #tpu.memory_space<vmem>>
      %dma_start3A_27 = tpu.memref_squeeze %dma_start3A_26 : memref<1x80xi32, #tpu.memory_space<vmem>> -> memref<80xi32, #tpu.memory_space<vmem>>
      %dma_start3A_28 = arith.constant 0 : i32
      %dma_start3A_29 = arith.constant 0 : i32
      %dma_start3A_30 = tpu.memref_slice %arg2[%dma_start3A_28, %dma_start3A_29] : memref<10000x128xbf16, #tpu.memory_space<hbm>> -> memref<10000x128xbf16, #tpu.memory_space<hbm>>
      tpu.enqueue_indirect_dma source(%dma_start3A_30 : memref<10000x128xbf16, #tpu.memory_space<hbm>>) target(%arg7 : memref<80x128xbf16, #tpu.memory_space<vmem>>) offsets(%dma_start3A_27 : memref<80xi32, #tpu.memory_space<vmem>>) semaphore(%arg16 : memref<!tpu.dma_semaphore, #tpu.memory_space<semaphore_mem>>)
      %dma_start3A_31 = arith.constant 2 : i32
      %dma_start3A_32 = arith.constant 0 : i32
      %dma_start3A_33 = tpu.memref_slice %arg12[%dma_start3A_31, %dma_start3A_32] : memref<126x80xi32, #tpu.memory_space<vmem>> -> memref<1x80xi32, #tpu.memory_space<vmem>>
      %dma_start3A_34 = tpu.memref_squeeze %dma_start3A_33 : memref<1x80xi32, #tpu.memory_space<vmem>> -> memref<80xi32, #tpu.memory_space<vmem>>
      %dma_start3A_35 = arith.constant 0 : i32
      %dma_start3A_36 = arith.constant 0 : i32
      %dma_start3A_37 = tpu.memref_slice %arg2[%dma_start3A_35, %dma_start3A_36] : memref<10000x128xbf16, #tpu.memory_space<hbm>> -> memref<10000x128xbf16, #tpu.memory_space<hbm>>
      tpu.enqueue_indirect_dma source(%dma_start3A_37 : memref<10000x128xbf16, #tpu.memory_space<hbm>>) target(%arg8 : memref<80x128xbf16, #tpu.memory_space<vmem>>) offsets(%dma_start3A_34 : memref<80xi32, #tpu.memory_space<vmem>>) semaphore(%arg17 : memref<!tpu.dma_semaphore, #tpu.memory_space<semaphore_mem>>)
      %dma_start3A_38 = arith.constant 3 : i32
      %dma_start3A_39 = arith.constant 0 : i32
      %dma_start3A_40 = tpu.memref_slice %arg12[%dma_start3A_38, %dma_start3A_39] : memref<126x80xi32, #tpu.memory_space<vmem>> -> memref<1x80xi32, #tpu.memory_space<vmem>>
      %dma_start3A_41 = tpu.memref_squeeze %dma_start3A_40 : memref<1x80xi32, #tpu.memory_space<vmem>> -> memref<80xi32, #tpu.memory_space<vmem>>
      %dma_start3A_42 = arith.constant 0 : i32
      %dma_start3A_43 = arith.constant 0 : i32
      %dma_start3A_44 = tpu.memref_slice %arg2[%dma_start3A_42, %dma_start3A_43] : memref<10000x128xbf16, #tpu.memory_space<hbm>> -> memref<10000x128xbf16, #tpu.memory_space<hbm>>
      tpu.enqueue_indirect_dma source(%dma_start3A_44 : memref<10000x128xbf16, #tpu.memory_space<hbm>>) target(%arg9 : memref<80x128xbf16, #tpu.memory_space<vmem>>) offsets(%dma_start3A_41 : memref<80xi32, #tpu.memory_space<vmem>>) semaphore(%arg18 : memref<!tpu.dma_semaphore, #tpu.memory_space<semaphore_mem>>)
      %dma_start3A_45 = arith.constant 4 : i32
      %dma_start3A_46 = arith.constant 0 : i32
      %dma_start3A_47 = tpu.memref_slice %arg12[%dma_start3A_45, %dma_start3A_46] : memref<126x80xi32, #tpu.memory_space<vmem>> -> memref<1x80xi32, #tpu.memory_space<vmem>>
      %dma_start3A_48 = tpu.memref_squeeze %dma_start3A_47 : memref<1x80xi32, #tpu.memory_space<vmem>> -> memref<80xi32, #tpu.memory_space<vmem>>
      %dma_start3A_49 = arith.constant 0 : i32
      %dma_start3A_50 = arith.constant 0 : i32
      %dma_start3A_51 = tpu.memref_slice %arg2[%dma_start3A_49, %dma_start3A_50] : memref<10000x128xbf16, #tpu.memory_space<hbm>> -> memref<10000x128xbf16, #tpu.memory_space<hbm>>
      tpu.enqueue_indirect_dma source(%dma_start3A_51 : memref<10000x128xbf16, #tpu.memory_space<hbm>>) target(%arg10 : memref<80x128xbf16, #tpu.memory_space<vmem>>) offsets(%dma_start3A_48 : memref<80xi32, #tpu.memory_space<vmem>>) semaphore(%arg19 : memref<!tpu.dma_semaphore, #tpu.memory_space<semaphore_mem>>)
      %scan3A = arith.constant 0 : i32
      %scan3A_52 = arith.constant 0 : i32
      %scan3A_53 = arith.constant 20 : i32
      %scan3A_54 = arith.addi %scan3A_52, %scan3A_53 : i32
      %scan3A_55 = arith.constant 1 : i32
      scf.for %scan3A_87 = %scan3A_52 to %scan3A_54 step %scan3A_55  : i32 {
        %mul3A_88 = arith.constant 6 : i32
        %mul3A_89 = arith.muli %mul3A_88, %scan3A_87 : i32
        %add3A_90 = arith.constant 0 : i32
        %add3A_91 = arith.addi %mul3A_89, %add3A_90 : i32
        %dma_wait3A_92 = arith.constant 0 : i32
        %dma_wait3A_93 = tpu.memref_slice %arg12[%add3A_91, %dma_wait3A_92] : memref<126x80xi32, #tpu.memory_space<vmem>> -> memref<1x80xi32, #tpu.memory_space<vmem>>
        %dma_wait3A_94 = tpu.memref_squeeze %dma_wait3A_93 : memref<1x80xi32, #tpu.memory_space<vmem>> -> memref<80xi32, #tpu.memory_space<vmem>>
        %dma_wait3A_95 = arith.constant 0 : i32
        %dma_wait3A_96 = arith.constant 0 : i32
        %dma_wait3A_97 = tpu.memref_slice %arg2[%dma_wait3A_95, %dma_wait3A_96] : memref<10000x128xbf16, #tpu.memory_space<hbm>> -> memref<10000x128xbf16, #tpu.memory_space<hbm>>
        tpu.wait_indirect_dma semaphore(%arg15 : memref<!tpu.dma_semaphore, #tpu.memory_space<semaphore_mem>>) src(%dma_wait3A_97 : memref<10000x128xbf16, #tpu.memory_space<hbm>>) dst(%arg6 : memref<80x128xbf16, #tpu.memory_space<vmem>>)
        %add3A_98 = arith.constant 6 : i32
        %add3A_99 = arith.addi %add3A_91, %add3A_98 : i32
        %sub3A = arith.constant 1 : i32
        %sub3A_100 = arith.subi %add3A_99, %sub3A : i32
        %lt3A = arith.constant 124 : i32
        %lt3A_101 = arith.cmpi slt, %sub3A_100, %lt3A : i32
        %convert_element_type3A_102 = arith.extui %lt3A_101 : i1 to i32
        %cond3A_103 = arith.constant 0 : i32
        %cond3A_104 = arith.cmpi ne, %convert_element_type3A_102, %cond3A_103 : i32
        scf.if %cond3A_104 {
          %add3A_200 = arith.constant 6 : i32
          %add3A_201 = arith.addi %add3A_91, %add3A_200 : i32
          %sub3A_202 = arith.constant 1 : i32
          %sub3A_203 = arith.subi %add3A_201, %sub3A_202 : i32
          %dma_start3A_204 = arith.constant 0 : i32
          %dma_start3A_205 = tpu.memref_slice %arg12[%sub3A_203, %dma_start3A_204] : memref<126x80xi32, #tpu.memory_space<vmem>> -> memref<1x80xi32, #tpu.memory_space<vmem>>
          %dma_start3A_206 = tpu.memref_squeeze %dma_start3A_205 : memref<1x80xi32, #tpu.memory_space<vmem>> -> memref<80xi32, #tpu.memory_space<vmem>>
          %dma_start3A_207 = arith.constant 0 : i32
          %dma_start3A_208 = arith.constant 0 : i32
          %dma_start3A_209 = tpu.memref_slice %arg2[%dma_start3A_207, %dma_start3A_208] : memref<10000x128xbf16, #tpu.memory_space<hbm>> -> memref<10000x128xbf16, #tpu.memory_space<hbm>>
          tpu.enqueue_indirect_dma source(%dma_start3A_209 : memref<10000x128xbf16, #tpu.memory_space<hbm>>) target(%arg11 : memref<80x128xbf16, #tpu.memory_space<vmem>>) offsets(%dma_start3A_206 : memref<80xi32, #tpu.memory_space<vmem>>) semaphore(%arg20 : memref<!tpu.dma_semaphore, #tpu.memory_space<semaphore_mem>>)
        } else {
        }
        "tpu.region"() ({
          %run_scoped3A_200 = tpu.sem_alloc : memref<!tpu.dma_semaphore, #tpu.memory_space<semaphore_mem>>
          %dma_start3A_201 = arith.constant 0 : i32
          %dma_start3A_202 = tpu.memref_slice %arg13[%add3A_91, %dma_start3A_201] : memref<126x80xi32, #tpu.memory_space<vmem>> -> memref<1x80xi32, #tpu.memory_space<vmem>>
          %dma_start3A_203 = tpu.memref_squeeze %dma_start3A_202 : memref<1x80xi32, #tpu.memory_space<vmem>> -> memref<80xi32, #tpu.memory_space<vmem>>
          %dma_start3A_204 = arith.constant 0 : i32
          %dma_start3A_205 = arith.constant 0 : i32
          %dma_start3A_206 = tpu.memref_slice %arg14[%dma_start3A_204, %dma_start3A_205] : memref<10240x128xbf16, #tpu.memory_space<vmem_shared>> -> memref<10240x128xbf16, #tpu.memory_space<vmem_shared>>
          tpu.enqueue_indirect_dma source(%arg6 : memref<80x128xbf16, #tpu.memory_space<vmem>>) target(%dma_start3A_206 : memref<10240x128xbf16, #tpu.memory_space<vmem_shared>>) offsets(%dma_start3A_203 : memref<80xi32, #tpu.memory_space<vmem>>) semaphore(%run_scoped3A_200 : memref<!tpu.dma_semaphore, #tpu.memory_space<semaphore_mem>>) {add = true}
          %dma_wait3A_207 = arith.constant 0 : i32
          %dma_wait3A_208 = tpu.memref_slice %arg13[%add3A_91, %dma_wait3A_207] : memref<126x80xi32, #tpu.memory_space<vmem>> -> memref<1x80xi32, #tpu.memory_space<vmem>>
          %dma_wait3A_209 = tpu.memref_squeeze %dma_wait3A_208 : memref<1x80xi32, #tpu.memory_space<vmem>> -> memref<80xi32, #tpu.memory_space<vmem>>
          %dma_wait3A_210 = arith.constant 0 : i32
          %dma_wait3A_211 = arith.constant 0 : i32
          %dma_wait3A_212 = tpu.memref_slice %arg14[%dma_wait3A_210, %dma_wait3A_211] : memref<10240x128xbf16, #tpu.memory_space<vmem_shared>> -> memref<10240x128xbf16, #tpu.memory_space<vmem_shared>>
          tpu.wait_indirect_dma semaphore(%run_scoped3A_200 : memref<!tpu.dma_semaphore, #tpu.memory_space<semaphore_mem>>) src(%arg6 : memref<80x128xbf16, #tpu.memory_space<vmem>>) dst(%dma_wait3A_212 : memref<10240x128xbf16, #tpu.memory_space<vmem_shared>>)
          tpu.yield
        }) : () -> ()
        %mul3A_105 = arith.constant 6 : i32
        %mul3A_106 = arith.muli %mul3A_105, %scan3A_87 : i32
        %add3A_107 = arith.constant 1 : i32
        %add3A_108 = arith.addi %mul3A_106, %add3A_107 : i32
        %dma_wait3A_109 = arith.constant 0 : i32
        %dma_wait3A_110 = tpu.memref_slice %arg12[%add3A_108, %dma_wait3A_109] : memref<126x80xi32, #tpu.memory_space<vmem>> -> memref<1x80xi32, #tpu.memory_space<vmem>>
        %dma_wait3A_111 = tpu.memref_squeeze %dma_wait3A_110 : memref<1x80xi32, #tpu.memory_space<vmem>> -> memref<80xi32, #tpu.memory_space<vmem>>
        %dma_wait3A_112 = arith.constant 0 : i32
        %dma_wait3A_113 = arith.constant 0 : i32
        %dma_wait3A_114 = tpu.memref_slice %arg2[%dma_wait3A_112, %dma_wait3A_113] : memref<10000x128xbf16, #tpu.memory_space<hbm>> -> memref<10000x128xbf16, #tpu.memory_space<hbm>>
        tpu.wait_indirect_dma semaphore(%arg16 : memref<!tpu.dma_semaphore, #tpu.memory_space<semaphore_mem>>) src(%dma_wait3A_114 : memref<10000x128xbf16, #tpu.memory_space<hbm>>) dst(%arg7 : memref<80x128xbf16, #tpu.memory_space<vmem>>)
        %add3A_115 = arith.constant 6 : i32
        %add3A_116 = arith.addi %add3A_108, %add3A_115 : i32
        %sub3A_117 = arith.constant 1 : i32
        %sub3A_118 = arith.subi %add3A_116, %sub3A_117 : i32
        %lt3A_119 = arith.constant 124 : i32
        %lt3A_120 = arith.cmpi slt, %sub3A_118, %lt3A_119 : i32
        %convert_element_type3A_121 = arith.extui %lt3A_120 : i1 to i32
        %cond3A_122 = arith.constant 0 : i32
        %cond3A_123 = arith.cmpi ne, %convert_element_type3A_121, %cond3A_122 : i32
        scf.if %cond3A_123 {
          %add3A_200 = arith.constant 6 : i32
          %add3A_201 = arith.addi %add3A_108, %add3A_200 : i32
          %sub3A_202 = arith.constant 1 : i32
          %sub3A_203 = arith.subi %add3A_201, %sub3A_202 : i32
          %dma_start3A_204 = arith.constant 0 : i32
          %dma_start3A_205 = tpu.memref_slice %arg12[%sub3A_203, %dma_start3A_204] : memref<126x80xi32, #tpu.memory_space<vmem>> -> memref<1x80xi32, #tpu.memory_space<vmem>>
          %dma_start3A_206 = tpu.memref_squeeze %dma_start3A_205 : memref<1x80xi32, #tpu.memory_space<vmem>> -> memref<80xi32, #tpu.memory_space<vmem>>
          %dma_start3A_207 = arith.constant 0 : i32
          %dma_start3A_208 = arith.constant 0 : i32
          %dma_start3A_209 = tpu.memref_slice %arg2[%dma_start3A_207, %dma_start3A_208] : memref<10000x128xbf16, #tpu.memory_space<hbm>> -> memref<10000x128xbf16, #tpu.memory_space<hbm>>
          tpu.enqueue_indirect_dma source(%dma_start3A_209 : memref<10000x128xbf16, #tpu.memory_space<hbm>>) target(%arg6 : memref<80x128xbf16, #tpu.memory_space<vmem>>) offsets(%dma_start3A_206 : memref<80xi32, #tpu.memory_space<vmem>>) semaphore(%arg15 : memref<!tpu.dma_semaphore, #tpu.memory_space<semaphore_mem>>)
        } else {
        }
        "tpu.region"() ({
          %run_scoped3A_200 = tpu.sem_alloc : memref<!tpu.dma_semaphore, #tpu.memory_space<semaphore_mem>>
          %dma_start3A_201 = arith.constant 0 : i32
          %dma_start3A_202 = tpu.memref_slice %arg13[%add3A_108, %dma_start3A_201] : memref<126x80xi32, #tpu.memory_space<vmem>> -> memref<1x80xi32, #tpu.memory_space<vmem>>
          %dma_start3A_203 = tpu.memref_squeeze %dma_start3A_202 : memref<1x80xi32, #tpu.memory_space<vmem>> -> memref<80xi32, #tpu.memory_space<vmem>>
          %dma_start3A_204 = arith.constant 0 : i32
          %dma_start3A_205 = arith.constant 0 : i32
          %dma_start3A_206 = tpu.memref_slice %arg14[%dma_start3A_204, %dma_start3A_205] : memref<10240x128xbf16, #tpu.memory_space<vmem_shared>> -> memref<10240x128xbf16, #tpu.memory_space<vmem_shared>>
          tpu.enqueue_indirect_dma source(%arg7 : memref<80x128xbf16, #tpu.memory_space<vmem>>) target(%dma_start3A_206 : memref<10240x128xbf16, #tpu.memory_space<vmem_shared>>) offsets(%dma_start3A_203 : memref<80xi32, #tpu.memory_space<vmem>>) semaphore(%run_scoped3A_200 : memref<!tpu.dma_semaphore, #tpu.memory_space<semaphore_mem>>) {add = true}
          %dma_wait3A_207 = arith.constant 0 : i32
          %dma_wait3A_208 = tpu.memref_slice %arg13[%add3A_108, %dma_wait3A_207] : memref<126x80xi32, #tpu.memory_space<vmem>> -> memref<1x80xi32, #tpu.memory_space<vmem>>
          %dma_wait3A_209 = tpu.memref_squeeze %dma_wait3A_208 : memref<1x80xi32, #tpu.memory_space<vmem>> -> memref<80xi32, #tpu.memory_space<vmem>>
          %dma_wait3A_210 = arith.constant 0 : i32
          %dma_wait3A_211 = arith.constant 0 : i32
          %dma_wait3A_212 = tpu.memref_slice %arg14[%dma_wait3A_210, %dma_wait3A_211] : memref<10240x128xbf16, #tpu.memory_space<vmem_shared>> -> memref<10240x128xbf16, #tpu.memory_space<vmem_shared>>
          tpu.wait_indirect_dma semaphore(%run_scoped3A_200 : memref<!tpu.dma_semaphore, #tpu.memory_space<semaphore_mem>>) src(%arg7 : memref<80x128xbf16, #tpu.memory_space<vmem>>) dst(%dma_wait3A_212 : memref<10240x128xbf16, #tpu.memory_space<vmem_shared>>)
          tpu.yield
        }) : () -> ()
        %mul3A_124 = arith.constant 6 : i32
        %mul3A_125 = arith.muli %mul3A_124, %scan3A_87 : i32
        %add3A_126 = arith.constant 2 : i32
        %add3A_127 = arith.addi %mul3A_125, %add3A_126 : i32
        %dma_wait3A_128 = arith.constant 0 : i32
        %dma_wait3A_129 = tpu.memref_slice %arg12[%add3A_127, %dma_wait3A_128] : memref<126x80xi32, #tpu.memory_space<vmem>> -> memref<1x80xi32, #tpu.memory_space<vmem>>
        %dma_wait3A_130 = tpu.memref_squeeze %dma_wait3A_129 : memref<1x80xi32, #tpu.memory_space<vmem>> -> memref<80xi32, #tpu.memory_space<vmem>>
        %dma_wait3A_131 = arith.constant 0 : i32
        %dma_wait3A_132 = arith.constant 0 : i32
        %dma_wait3A_133 = tpu.memref_slice %arg2[%dma_wait3A_131, %dma_wait3A_132] : memref<10000x128xbf16, #tpu.memory_space<hbm>> -> memref<10000x128xbf16, #tpu.memory_space<hbm>>
        tpu.wait_indirect_dma semaphore(%arg17 : memref<!tpu.dma_semaphore, #tpu.memory_space<semaphore_mem>>) src(%dma_wait3A_133 : memref<10000x128xbf16, #tpu.memory_space<hbm>>) dst(%arg8 : memref<80x128xbf16, #tpu.memory_space<vmem>>)
        %add3A_134 = arith.constant 6 : i32
        %add3A_135 = arith.addi %add3A_127, %add3A_134 : i32
        %sub3A_136 = arith.constant 1 : i32
        %sub3A_137 = arith.subi %add3A_135, %sub3A_136 : i32
        %lt3A_138 = arith.constant 124 : i32
        %lt3A_139 = arith.cmpi slt, %sub3A_137, %lt3A_138 : i32
        %convert_element_type3A_140 = arith.extui %lt3A_139 : i1 to i32
        %cond3A_141 = arith.constant 0 : i32
        %cond3A_142 = arith.cmpi ne, %convert_element_type3A_140, %cond3A_141 : i32
        scf.if %cond3A_142 {
          %add3A_200 = arith.constant 6 : i32
          %add3A_201 = arith.addi %add3A_127, %add3A_200 : i32
          %sub3A_202 = arith.constant 1 : i32
          %sub3A_203 = arith.subi %add3A_201, %sub3A_202 : i32
          %dma_start3A_204 = arith.constant 0 : i32
          %dma_start3A_205 = tpu.memref_slice %arg12[%sub3A_203, %dma_start3A_204] : memref<126x80xi32, #tpu.memory_space<vmem>> -> memref<1x80xi32, #tpu.memory_space<vmem>>
          %dma_start3A_206 = tpu.memref_squeeze %dma_start3A_205 : memref<1x80xi32, #tpu.memory_space<vmem>> -> memref<80xi32, #tpu.memory_space<vmem>>
          %dma_start3A_207 = arith.constant 0 : i32
          %dma_start3A_208 = arith.constant 0 : i32
          %dma_start3A_209 = tpu.memref_slice %arg2[%dma_start3A_207, %dma_start3A_208] : memref<10000x128xbf16, #tpu.memory_space<hbm>> -> memref<10000x128xbf16, #tpu.memory_space<hbm>>
          tpu.enqueue_indirect_dma source(%dma_start3A_209 : memref<10000x128xbf16, #tpu.memory_space<hbm>>) target(%arg7 : memref<80x128xbf16, #tpu.memory_space<vmem>>) offsets(%dma_start3A_206 : memref<80xi32, #tpu.memory_space<vmem>>) semaphore(%arg16 : memref<!tpu.dma_semaphore, #tpu.memory_space<semaphore_mem>>)
        } else {
        }
        "tpu.region"() ({
          %run_scoped3A_200 = tpu.sem_alloc : memref<!tpu.dma_semaphore, #tpu.memory_space<semaphore_mem>>
          %dma_start3A_201 = arith.constant 0 : i32
          %dma_start3A_202 = tpu.memref_slice %arg13[%add3A_127, %dma_start3A_201] : memref<126x80xi32, #tpu.memory_space<vmem>> -> memref<1x80xi32, #tpu.memory_space<vmem>>
          %dma_start3A_203 = tpu.memref_squeeze %dma_start3A_202 : memref<1x80xi32, #tpu.memory_space<vmem>> -> memref<80xi32, #tpu.memory_space<vmem>>
          %dma_start3A_204 = arith.constant 0 : i32
          %dma_start3A_205 = arith.constant 0 : i32
          %dma_start3A_206 = tpu.memref_slice %arg14[%dma_start3A_204, %dma_start3A_205] : memref<10240x128xbf16, #tpu.memory_space<vmem_shared>> -> memref<10240x128xbf16, #tpu.memory_space<vmem_shared>>
          tpu.enqueue_indirect_dma source(%arg8 : memref<80x128xbf16, #tpu.memory_space<vmem>>) target(%dma_start3A_206 : memref<10240x128xbf16, #tpu.memory_space<vmem_shared>>) offsets(%dma_start3A_203 : memref<80xi32, #tpu.memory_space<vmem>>) semaphore(%run_scoped3A_200 : memref<!tpu.dma_semaphore, #tpu.memory_space<semaphore_mem>>) {add = true}
          %dma_wait3A_207 = arith.constant 0 : i32
          %dma_wait3A_208 = tpu.memref_slice %arg13[%add3A_127, %dma_wait3A_207] : memref<126x80xi32, #tpu.memory_space<vmem>> -> memref<1x80xi32, #tpu.memory_space<vmem>>
          %dma_wait3A_209 = tpu.memref_squeeze %dma_wait3A_208 : memref<1x80xi32, #tpu.memory_space<vmem>> -> memref<80xi32, #tpu.memory_space<vmem>>
          %dma_wait3A_210 = arith.constant 0 : i32
          %dma_wait3A_211 = arith.constant 0 : i32
          %dma_wait3A_212 = tpu.memref_slice %arg14[%dma_wait3A_210, %dma_wait3A_211] : memref<10240x128xbf16, #tpu.memory_space<vmem_shared>> -> memref<10240x128xbf16, #tpu.memory_space<vmem_shared>>
          tpu.wait_indirect_dma semaphore(%run_scoped3A_200 : memref<!tpu.dma_semaphore, #tpu.memory_space<semaphore_mem>>) src(%arg8 : memref<80x128xbf16, #tpu.memory_space<vmem>>) dst(%dma_wait3A_212 : memref<10240x128xbf16, #tpu.memory_space<vmem_shared>>)
          tpu.yield
        }) : () -> ()
        %mul3A_143 = arith.constant 6 : i32
        %mul3A_144 = arith.muli %mul3A_143, %scan3A_87 : i32
        %add3A_145 = arith.constant 3 : i32
        %add3A_146 = arith.addi %mul3A_144, %add3A_145 : i32
        %dma_wait3A_147 = arith.constant 0 : i32
        %dma_wait3A_148 = tpu.memref_slice %arg12[%add3A_146, %dma_wait3A_147] : memref<126x80xi32, #tpu.memory_space<vmem>> -> memref<1x80xi32, #tpu.memory_space<vmem>>
        %dma_wait3A_149 = tpu.memref_squeeze %dma_wait3A_148 : memref<1x80xi32, #tpu.memory_space<vmem>> -> memref<80xi32, #tpu.memory_space<vmem>>
        %dma_wait3A_150 = arith.constant 0 : i32
        %dma_wait3A_151 = arith.constant 0 : i32
        %dma_wait3A_152 = tpu.memref_slice %arg2[%dma_wait3A_150, %dma_wait3A_151] : memref<10000x128xbf16, #tpu.memory_space<hbm>> -> memref<10000x128xbf16, #tpu.memory_space<hbm>>
        tpu.wait_indirect_dma semaphore(%arg18 : memref<!tpu.dma_semaphore, #tpu.memory_space<semaphore_mem>>) src(%dma_wait3A_152 : memref<10000x128xbf16, #tpu.memory_space<hbm>>) dst(%arg9 : memref<80x128xbf16, #tpu.memory_space<vmem>>)
        %add3A_153 = arith.constant 6 : i32
        %add3A_154 = arith.addi %add3A_146, %add3A_153 : i32
        %sub3A_155 = arith.constant 1 : i32
        %sub3A_156 = arith.subi %add3A_154, %sub3A_155 : i32
        %lt3A_157 = arith.constant 124 : i32
        %lt3A_158 = arith.cmpi slt, %sub3A_156, %lt3A_157 : i32
        %convert_element_type3A_159 = arith.extui %lt3A_158 : i1 to i32
        %cond3A_160 = arith.constant 0 : i32
        %cond3A_161 = arith.cmpi ne, %convert_element_type3A_159, %cond3A_160 : i32
        scf.if %cond3A_161 {
          %add3A_200 = arith.constant 6 : i32
          %add3A_201 = arith.addi %add3A_146, %add3A_200 : i32
          %sub3A_202 = arith.constant 1 : i32
          %sub3A_203 = arith.subi %add3A_201, %sub3A_202 : i32
          %dma_start3A_204 = arith.constant 0 : i32
          %dma_start3A_205 = tpu.memref_slice %arg12[%sub3A_203, %dma_start3A_204] : memref<126x80xi32, #tpu.memory_space<vmem>> -> memref<1x80xi32, #tpu.memory_space<vmem>>
          %dma_start3A_206 = tpu.memref_squeeze %dma_start3A_205 : memref<1x80xi32, #tpu.memory_space<vmem>> -> memref<80xi32, #tpu.memory_space<vmem>>
          %dma_start3A_207 = arith.constant 0 : i32
          %dma_start3A_208 = arith.constant 0 : i32
          %dma_start3A_209 = tpu.memref_slice %arg2[%dma_start3A_207, %dma_start3A_208] : memref<10000x128xbf16, #tpu.memory_space<hbm>> -> memref<10000x128xbf16, #tpu.memory_space<hbm>>
          tpu.enqueue_indirect_dma source(%dma_start3A_209 : memref<10000x128xbf16, #tpu.memory_space<hbm>>) target(%arg8 : memref<80x128xbf16, #tpu.memory_space<vmem>>) offsets(%dma_start3A_206 : memref<80xi32, #tpu.memory_space<vmem>>) semaphore(%arg17 : memref<!tpu.dma_semaphore, #tpu.memory_space<semaphore_mem>>)
        } else {
        }
        "tpu.region"() ({
          %run_scoped3A_200 = tpu.sem_alloc : memref<!tpu.dma_semaphore, #tpu.memory_space<semaphore_mem>>
          %dma_start3A_201 = arith.constant 0 : i32
          %dma_start3A_202 = tpu.memref_slice %arg13[%add3A_146, %dma_start3A_201] : memref<126x80xi32, #tpu.memory_space<vmem>> -> memref<1x80xi32, #tpu.memory_space<vmem>>
          %dma_start3A_203 = tpu.memref_squeeze %dma_start3A_202 : memref<1x80xi32, #tpu.memory_space<vmem>> -> memref<80xi32, #tpu.memory_space<vmem>>
          %dma_start3A_204 = arith.constant 0 : i32
          %dma_start3A_205 = arith.constant 0 : i32
          %dma_start3A_206 = tpu.memref_slice %arg14[%dma_start3A_204, %dma_start3A_205] : memref<10240x128xbf16, #tpu.memory_space<vmem_shared>> -> memref<10240x128xbf16, #tpu.memory_space<vmem_shared>>
          tpu.enqueue_indirect_dma source(%arg9 : memref<80x128xbf16, #tpu.memory_space<vmem>>) target(%dma_start3A_206 : memref<10240x128xbf16, #tpu.memory_space<vmem_shared>>) offsets(%dma_start3A_203 : memref<80xi32, #tpu.memory_space<vmem>>) semaphore(%run_scoped3A_200 : memref<!tpu.dma_semaphore, #tpu.memory_space<semaphore_mem>>) {add = true}
          %dma_wait3A_207 = arith.constant 0 : i32
          %dma_wait3A_208 = tpu.memref_slice %arg13[%add3A_146, %dma_wait3A_207] : memref<126x80xi32, #tpu.memory_space<vmem>> -> memref<1x80xi32, #tpu.memory_space<vmem>>
          %dma_wait3A_209 = tpu.memref_squeeze %dma_wait3A_208 : memref<1x80xi32, #tpu.memory_space<vmem>> -> memref<80xi32, #tpu.memory_space<vmem>>
          %dma_wait3A_210 = arith.constant 0 : i32
          %dma_wait3A_211 = arith.constant 0 : i32
          %dma_wait3A_212 = tpu.memref_slice %arg14[%dma_wait3A_210, %dma_wait3A_211] : memref<10240x128xbf16, #tpu.memory_space<vmem_shared>> -> memref<10240x128xbf16, #tpu.memory_space<vmem_shared>>
          tpu.wait_indirect_dma semaphore(%run_scoped3A_200 : memref<!tpu.dma_semaphore, #tpu.memory_space<semaphore_mem>>) src(%arg9 : memref<80x128xbf16, #tpu.memory_space<vmem>>) dst(%dma_wait3A_212 : memref<10240x128xbf16, #tpu.memory_space<vmem_shared>>)
          tpu.yield
        }) : () -> ()
        %mul3A_162 = arith.constant 6 : i32
        %mul3A_163 = arith.muli %mul3A_162, %scan3A_87 : i32
        %add3A_164 = arith.constant 4 : i32
        %add3A_165 = arith.addi %mul3A_163, %add3A_164 : i32
        %dma_wait3A_166 = arith.constant 0 : i32
        %dma_wait3A_167 = tpu.memref_slice %arg12[%add3A_165, %dma_wait3A_166] : memref<126x80xi32, #tpu.memory_space<vmem>> -> memref<1x80xi32, #tpu.memory_space<vmem>>
        %dma_wait3A_168 = tpu.memref_squeeze %dma_wait3A_167 : memref<1x80xi32, #tpu.memory_space<vmem>> -> memref<80xi32, #tpu.memory_space<vmem>>
        %dma_wait3A_169 = arith.constant 0 : i32
        %dma_wait3A_170 = arith.constant 0 : i32
        %dma_wait3A_171 = tpu.memref_slice %arg2[%dma_wait3A_169, %dma_wait3A_170] : memref<10000x128xbf16, #tpu.memory_space<hbm>> -> memref<10000x128xbf16, #tpu.memory_space<hbm>>
        tpu.wait_indirect_dma semaphore(%arg19 : memref<!tpu.dma_semaphore, #tpu.memory_space<semaphore_mem>>) src(%dma_wait3A_171 : memref<10000x128xbf16, #tpu.memory_space<hbm>>) dst(%arg10 : memref<80x128xbf16, #tpu.memory_space<vmem>>)
        %add3A_172 = arith.constant 6 : i32
        %add3A_173 = arith.addi %add3A_165, %add3A_172 : i32
        %sub3A_174 = arith.constant 1 : i32
        %sub3A_175 = arith.subi %add3A_173, %sub3A_174 : i32
        %lt3A_176 = arith.constant 124 : i32
        %lt3A_177 = arith.cmpi slt, %sub3A_175, %lt3A_176 : i32
        %convert_element_type3A_178 = arith.extui %lt3A_177 : i1 to i32
        %cond3A_179 = arith.constant 0 : i32
        %cond3A_180 = arith.cmpi ne, %convert_element_type3A_178, %cond3A_179 : i32
        scf.if %cond3A_180 {
          %add3A_200 = arith.constant 6 : i32
          %add3A_201 = arith.addi %add3A_165, %add3A_200 : i32
          %sub3A_202 = arith.constant 1 : i32
          %sub3A_203 = arith.subi %add3A_201, %sub3A_202 : i32
          %dma_start3A_204 = arith.constant 0 : i32
          %dma_start3A_205 = tpu.memref_slice %arg12[%sub3A_203, %dma_start3A_204] : memref<126x80xi32, #tpu.memory_space<vmem>> -> memref<1x80xi32, #tpu.memory_space<vmem>>
          %dma_start3A_206 = tpu.memref_squeeze %dma_start3A_205 : memref<1x80xi32, #tpu.memory_space<vmem>> -> memref<80xi32, #tpu.memory_space<vmem>>
          %dma_start3A_207 = arith.constant 0 : i32
          %dma_start3A_208 = arith.constant 0 : i32
          %dma_start3A_209 = tpu.memref_slice %arg2[%dma_start3A_207, %dma_start3A_208] : memref<10000x128xbf16, #tpu.memory_space<hbm>> -> memref<10000x128xbf16, #tpu.memory_space<hbm>>
          tpu.enqueue_indirect_dma source(%dma_start3A_209 : memref<10000x128xbf16, #tpu.memory_space<hbm>>) target(%arg9 : memref<80x128xbf16, #tpu.memory_space<vmem>>) offsets(%dma_start3A_206 : memref<80xi32, #tpu.memory_space<vmem>>) semaphore(%arg18 : memref<!tpu.dma_semaphore, #tpu.memory_space<semaphore_mem>>)
        } else {
        }
        "tpu.region"() ({
          %run_scoped3A_200 = tpu.sem_alloc : memref<!tpu.dma_semaphore, #tpu.memory_space<semaphore_mem>>
          %dma_start3A_201 = arith.constant 0 : i32
          %dma_start3A_202 = tpu.memref_slice %arg13[%add3A_165, %dma_start3A_201] : memref<126x80xi32, #tpu.memory_space<vmem>> -> memref<1x80xi32, #tpu.memory_space<vmem>>
          %dma_start3A_203 = tpu.memref_squeeze %dma_start3A_202 : memref<1x80xi32, #tpu.memory_space<vmem>> -> memref<80xi32, #tpu.memory_space<vmem>>
          %dma_start3A_204 = arith.constant 0 : i32
          %dma_start3A_205 = arith.constant 0 : i32
          %dma_start3A_206 = tpu.memref_slice %arg14[%dma_start3A_204, %dma_start3A_205] : memref<10240x128xbf16, #tpu.memory_space<vmem_shared>> -> memref<10240x128xbf16, #tpu.memory_space<vmem_shared>>
          tpu.enqueue_indirect_dma source(%arg10 : memref<80x128xbf16, #tpu.memory_space<vmem>>) target(%dma_start3A_206 : memref<10240x128xbf16, #tpu.memory_space<vmem_shared>>) offsets(%dma_start3A_203 : memref<80xi32, #tpu.memory_space<vmem>>) semaphore(%run_scoped3A_200 : memref<!tpu.dma_semaphore, #tpu.memory_space<semaphore_mem>>) {add = true}
          %dma_wait3A_207 = arith.constant 0 : i32
          %dma_wait3A_208 = tpu.memref_slice %arg13[%add3A_165, %dma_wait3A_207] : memref<126x80xi32, #tpu.memory_space<vmem>> -> memref<1x80xi32, #tpu.memory_space<vmem>>
          %dma_wait3A_209 = tpu.memref_squeeze %dma_wait3A_208 : memref<1x80xi32, #tpu.memory_space<vmem>> -> memref<80xi32, #tpu.memory_space<vmem>>
          %dma_wait3A_210 = arith.constant 0 : i32
          %dma_wait3A_211 = arith.constant 0 : i32
          %dma_wait3A_212 = tpu.memref_slice %arg14[%dma_wait3A_210, %dma_wait3A_211] : memref<10240x128xbf16, #tpu.memory_space<vmem_shared>> -> memref<10240x128xbf16, #tpu.memory_space<vmem_shared>>
          tpu.wait_indirect_dma semaphore(%run_scoped3A_200 : memref<!tpu.dma_semaphore, #tpu.memory_space<semaphore_mem>>) src(%arg10 : memref<80x128xbf16, #tpu.memory_space<vmem>>) dst(%dma_wait3A_212 : memref<10240x128xbf16, #tpu.memory_space<vmem_shared>>)
          tpu.yield
        }) : () -> ()
        %mul3A_181 = arith.constant 6 : i32
        %mul3A_182 = arith.muli %mul3A_181, %scan3A_87 : i32
        %add3A_183 = arith.constant 5 : i32
        %add3A_184 = arith.addi %mul3A_182, %add3A_183 : i32
        %dma_wait3A_185 = arith.constant 0 : i32
        %dma_wait3A_186 = tpu.memref_slice %arg12[%add3A_184, %dma_wait3A_185] : memref<126x80xi32, #tpu.memory_space<vmem>> -> memref<1x80xi32, #tpu.memory_space<vmem>>
        %dma_wait3A_187 = tpu.memref_squeeze %dma_wait3A_186 : memref<1x80xi32, #tpu.memory_space<vmem>> -> memref<80xi32, #tpu.memory_space<vmem>>
        %dma_wait3A_188 = arith.constant 0 : i32
        %dma_wait3A_189 = arith.constant 0 : i32
        %dma_wait3A_190 = tpu.memref_slice %arg2[%dma_wait3A_188, %dma_wait3A_189] : memref<10000x128xbf16, #tpu.memory_space<hbm>> -> memref<10000x128xbf16, #tpu.memory_space<hbm>>
        tpu.wait_indirect_dma semaphore(%arg20 : memref<!tpu.dma_semaphore, #tpu.memory_space<semaphore_mem>>) src(%dma_wait3A_190 : memref<10000x128xbf16, #tpu.memory_space<hbm>>) dst(%arg11 : memref<80x128xbf16, #tpu.memory_space<vmem>>)
        %add3A_191 = arith.constant 6 : i32
        %add3A_192 = arith.addi %add3A_184, %add3A_191 : i32
        %sub3A_193 = arith.constant 1 : i32
        %sub3A_194 = arith.subi %add3A_192, %sub3A_193 : i32
        %lt3A_195 = arith.constant 124 : i32
        %lt3A_196 = arith.cmpi slt, %sub3A_194, %lt3A_195 : i32
        %convert_element_type3A_197 = arith.extui %lt3A_196 : i1 to i32
        %cond3A_198 = arith.constant 0 : i32
        %cond3A_199 = arith.cmpi ne, %convert_element_type3A_197, %cond3A_198 : i32
        scf.if %cond3A_199 {
          %add3A_200 = arith.constant 6 : i32
          %add3A_201 = arith.addi %add3A_184, %add3A_200 : i32
          %sub3A_202 = arith.constant 1 : i32
          %sub3A_203 = arith.subi %add3A_201, %sub3A_202 : i32
          %dma_start3A_204 = arith.constant 0 : i32
          %dma_start3A_205 = tpu.memref_slice %arg12[%sub3A_203, %dma_start3A_204] : memref<126x80xi32, #tpu.memory_space<vmem>> -> memref<1x80xi32, #tpu.memory_space<vmem>>
          %dma_start3A_206 = tpu.memref_squeeze %dma_start3A_205 : memref<1x80xi32, #tpu.memory_space<vmem>> -> memref<80xi32, #tpu.memory_space<vmem>>
          %dma_start3A_207 = arith.constant 0 : i32
          %dma_start3A_208 = arith.constant 0 : i32
          %dma_start3A_209 = tpu.memref_slice %arg2[%dma_start3A_207, %dma_start3A_208] : memref<10000x128xbf16, #tpu.memory_space<hbm>> -> memref<10000x128xbf16, #tpu.memory_space<hbm>>
          tpu.enqueue_indirect_dma source(%dma_start3A_209 : memref<10000x128xbf16, #tpu.memory_space<hbm>>) target(%arg10 : memref<80x128xbf16, #tpu.memory_space<vmem>>) offsets(%dma_start3A_206 : memref<80xi32, #tpu.memory_space<vmem>>) semaphore(%arg19 : memref<!tpu.dma_semaphore, #tpu.memory_space<semaphore_mem>>)
        } else {
        }
        "tpu.region"() ({
          %run_scoped3A_200 = tpu.sem_alloc : memref<!tpu.dma_semaphore, #tpu.memory_space<semaphore_mem>>
          %dma_start3A_201 = arith.constant 0 : i32
          %dma_start3A_202 = tpu.memref_slice %arg13[%add3A_184, %dma_start3A_201] : memref<126x80xi32, #tpu.memory_space<vmem>> -> memref<1x80xi32, #tpu.memory_space<vmem>>
          %dma_start3A_203 = tpu.memref_squeeze %dma_start3A_202 : memref<1x80xi32, #tpu.memory_space<vmem>> -> memref<80xi32, #tpu.memory_space<vmem>>
          %dma_start3A_204 = arith.constant 0 : i32
          %dma_start3A_205 = arith.constant 0 : i32
          %dma_start3A_206 = tpu.memref_slice %arg14[%dma_start3A_204, %dma_start3A_205] : memref<10240x128xbf16, #tpu.memory_space<vmem_shared>> -> memref<10240x128xbf16, #tpu.memory_space<vmem_shared>>
          tpu.enqueue_indirect_dma source(%arg11 : memref<80x128xbf16, #tpu.memory_space<vmem>>) target(%dma_start3A_206 : memref<10240x128xbf16, #tpu.memory_space<vmem_shared>>) offsets(%dma_start3A_203 : memref<80xi32, #tpu.memory_space<vmem>>) semaphore(%run_scoped3A_200 : memref<!tpu.dma_semaphore, #tpu.memory_space<semaphore_mem>>) {add = true}
          %dma_wait3A_207 = arith.constant 0 : i32
          %dma_wait3A_208 = tpu.memref_slice %arg13[%add3A_184, %dma_wait3A_207] : memref<126x80xi32, #tpu.memory_space<vmem>> -> memref<1x80xi32, #tpu.memory_space<vmem>>
          %dma_wait3A_209 = tpu.memref_squeeze %dma_wait3A_208 : memref<1x80xi32, #tpu.memory_space<vmem>> -> memref<80xi32, #tpu.memory_space<vmem>>
          %dma_wait3A_210 = arith.constant 0 : i32
          %dma_wait3A_211 = arith.constant 0 : i32
          %dma_wait3A_212 = tpu.memref_slice %arg14[%dma_wait3A_210, %dma_wait3A_211] : memref<10240x128xbf16, #tpu.memory_space<vmem_shared>> -> memref<10240x128xbf16, #tpu.memory_space<vmem_shared>>
          tpu.wait_indirect_dma semaphore(%run_scoped3A_200 : memref<!tpu.dma_semaphore, #tpu.memory_space<semaphore_mem>>) src(%arg11 : memref<80x128xbf16, #tpu.memory_space<vmem>>) dst(%dma_wait3A_212 : memref<10240x128xbf16, #tpu.memory_space<vmem_shared>>)
          tpu.yield
        }) : () -> ()
      }
      %scan3A_56 = arith.constant 20 : i32
      %dma_wait3A = arith.constant 120 : i32
      %dma_wait3A_57 = arith.constant 0 : i32
      %dma_wait3A_58 = tpu.memref_slice %arg12[%dma_wait3A, %dma_wait3A_57] : memref<126x80xi32, #tpu.memory_space<vmem>> -> memref<1x80xi32, #tpu.memory_space<vmem>>
      %dma_wait3A_59 = tpu.memref_squeeze %dma_wait3A_58 : memref<1x80xi32, #tpu.memory_space<vmem>> -> memref<80xi32, #tpu.memory_space<vmem>>
      %dma_wait3A_60 = arith.constant 0 : i32
      %dma_wait3A_61 = arith.constant 0 : i32
      %dma_wait3A_62 = tpu.memref_slice %arg2[%dma_wait3A_60, %dma_wait3A_61] : memref<10000x128xbf16, #tpu.memory_space<hbm>> -> memref<10000x128xbf16, #tpu.memory_space<hbm>>
      tpu.wait_indirect_dma semaphore(%arg15 : memref<!tpu.dma_semaphore, #tpu.memory_space<semaphore_mem>>) src(%dma_wait3A_62 : memref<10000x128xbf16, #tpu.memory_space<hbm>>) dst(%arg6 : memref<80x128xbf16, #tpu.memory_space<vmem>>)
      %run_scoped3A = arith.constant 120 : i32
      "tpu.region"() ({
        %run_scoped3A_87 = tpu.sem_alloc : memref<!tpu.dma_semaphore, #tpu.memory_space<semaphore_mem>>
        %dma_start3A_88 = arith.constant 0 : i32
        %dma_start3A_89 = tpu.memref_slice %arg13[%run_scoped3A, %dma_start3A_88] : memref<126x80xi32, #tpu.memory_space<vmem>> -> memref<1x80xi32, #tpu.memory_space<vmem>>
        %dma_start3A_90 = tpu.memref_squeeze %dma_start3A_89 : memref<1x80xi32, #tpu.memory_space<vmem>> -> memref<80xi32, #tpu.memory_space<vmem>>
        %dma_start3A_91 = arith.constant 0 : i32
        %dma_start3A_92 = arith.constant 0 : i32
        %dma_start3A_93 = tpu.memref_slice %arg14[%dma_start3A_91, %dma_start3A_92] : memref<10240x128xbf16, #tpu.memory_space<vmem_shared>> -> memref<10240x128xbf16, #tpu.memory_space<vmem_shared>>
        tpu.enqueue_indirect_dma source(%arg6 : memref<80x128xbf16, #tpu.memory_space<vmem>>) target(%dma_start3A_93 : memref<10240x128xbf16, #tpu.memory_space<vmem_shared>>) offsets(%dma_start3A_90 : memref<80xi32, #tpu.memory_space<vmem>>) semaphore(%run_scoped3A_87 : memref<!tpu.dma_semaphore, #tpu.memory_space<semaphore_mem>>) {add = true}
        %dma_wait3A_94 = arith.constant 0 : i32
        %dma_wait3A_95 = tpu.memref_slice %arg13[%run_scoped3A, %dma_wait3A_94] : memref<126x80xi32, #tpu.memory_space<vmem>> -> memref<1x80xi32, #tpu.memory_space<vmem>>
        %dma_wait3A_96 = tpu.memref_squeeze %dma_wait3A_95 : memref<1x80xi32, #tpu.memory_space<vmem>> -> memref<80xi32, #tpu.memory_space<vmem>>
        %dma_wait3A_97 = arith.constant 0 : i32
        %dma_wait3A_98 = arith.constant 0 : i32
        %dma_wait3A_99 = tpu.memref_slice %arg14[%dma_wait3A_97, %dma_wait3A_98] : memref<10240x128xbf16, #tpu.memory_space<vmem_shared>> -> memref<10240x128xbf16, #tpu.memory_space<vmem_shared>>
        tpu.wait_indirect_dma semaphore(%run_scoped3A_87 : memref<!tpu.dma_semaphore, #tpu.memory_space<semaphore_mem>>) src(%arg6 : memref<80x128xbf16, #tpu.memory_space<vmem>>) dst(%dma_wait3A_99 : memref<10240x128xbf16, #tpu.memory_space<vmem_shared>>)
        tpu.yield
      }) : () -> ()
      %dma_wait3A_63 = arith.constant 121 : i32
      %dma_wait3A_64 = arith.constant 0 : i32
      %dma_wait3A_65 = tpu.memref_slice %arg12[%dma_wait3A_63, %dma_wait3A_64] : memref<126x80xi32, #tpu.memory_space<vmem>> -> memref<1x80xi32, #tpu.memory_space<vmem>>
      %dma_wait3A_66 = tpu.memref_squeeze %dma_wait3A_65 : memref<1x80xi32, #tpu.memory_space<vmem>> -> memref<80xi32, #tpu.memory_space<vmem>>
      %dma_wait3A_67 = arith.constant 0 : i32
      %dma_wait3A_68 = arith.constant 0 : i32
      %dma_wait3A_69 = tpu.memref_slice %arg2[%dma_wait3A_67, %dma_wait3A_68] : memref<10000x128xbf16, #tpu.memory_space<hbm>> -> memref<10000x128xbf16, #tpu.memory_space<hbm>>
      tpu.wait_indirect_dma semaphore(%arg16 : memref<!tpu.dma_semaphore, #tpu.memory_space<semaphore_mem>>) src(%dma_wait3A_69 : memref<10000x128xbf16, #tpu.memory_space<hbm>>) dst(%arg7 : memref<80x128xbf16, #tpu.memory_space<vmem>>)
      %run_scoped3A_70 = arith.constant 121 : i32
      "tpu.region"() ({
        %run_scoped3A_87 = tpu.sem_alloc : memref<!tpu.dma_semaphore, #tpu.memory_space<semaphore_mem>>
        %dma_start3A_88 = arith.constant 0 : i32
        %dma_start3A_89 = tpu.memref_slice %arg13[%run_scoped3A_70, %dma_start3A_88] : memref<126x80xi32, #tpu.memory_space<vmem>> -> memref<1x80xi32, #tpu.memory_space<vmem>>
        %dma_start3A_90 = tpu.memref_squeeze %dma_start3A_89 : memref<1x80xi32, #tpu.memory_space<vmem>> -> memref<80xi32, #tpu.memory_space<vmem>>
        %dma_start3A_91 = arith.constant 0 : i32
        %dma_start3A_92 = arith.constant 0 : i32
        %dma_start3A_93 = tpu.memref_slice %arg14[%dma_start3A_91, %dma_start3A_92] : memref<10240x128xbf16, #tpu.memory_space<vmem_shared>> -> memref<10240x128xbf16, #tpu.memory_space<vmem_shared>>
        tpu.enqueue_indirect_dma source(%arg7 : memref<80x128xbf16, #tpu.memory_space<vmem>>) target(%dma_start3A_93 : memref<10240x128xbf16, #tpu.memory_space<vmem_shared>>) offsets(%dma_start3A_90 : memref<80xi32, #tpu.memory_space<vmem>>) semaphore(%run_scoped3A_87 : memref<!tpu.dma_semaphore, #tpu.memory_space<semaphore_mem>>) {add = true}
        %dma_wait3A_94 = arith.constant 0 : i32
        %dma_wait3A_95 = tpu.memref_slice %arg13[%run_scoped3A_70, %dma_wait3A_94] : memref<126x80xi32, #tpu.memory_space<vmem>> -> memref<1x80xi32, #tpu.memory_space<vmem>>
        %dma_wait3A_96 = tpu.memref_squeeze %dma_wait3A_95 : memref<1x80xi32, #tpu.memory_space<vmem>> -> memref<80xi32, #tpu.memory_space<vmem>>
        %dma_wait3A_97 = arith.constant 0 : i32
        %dma_wait3A_98 = arith.constant 0 : i32
        %dma_wait3A_99 = tpu.memref_slice %arg14[%dma_wait3A_97, %dma_wait3A_98] : memref<10240x128xbf16, #tpu.memory_space<vmem_shared>> -> memref<10240x128xbf16, #tpu.memory_space<vmem_shared>>
        tpu.wait_indirect_dma semaphore(%run_scoped3A_87 : memref<!tpu.dma_semaphore, #tpu.memory_space<semaphore_mem>>) src(%arg7 : memref<80x128xbf16, #tpu.memory_space<vmem>>) dst(%dma_wait3A_99 : memref<10240x128xbf16, #tpu.memory_space<vmem_shared>>)
        tpu.yield
      }) : () -> ()
      %dma_wait3A_71 = arith.constant 122 : i32
      %dma_wait3A_72 = arith.constant 0 : i32
      %dma_wait3A_73 = tpu.memref_slice %arg12[%dma_wait3A_71, %dma_wait3A_72] : memref<126x80xi32, #tpu.memory_space<vmem>> -> memref<1x80xi32, #tpu.memory_space<vmem>>
      %dma_wait3A_74 = tpu.memref_squeeze %dma_wait3A_73 : memref<1x80xi32, #tpu.memory_space<vmem>> -> memref<80xi32, #tpu.memory_space<vmem>>
      %dma_wait3A_75 = arith.constant 0 : i32
      %dma_wait3A_76 = arith.constant 0 : i32
      %dma_wait3A_77 = tpu.memref_slice %arg2[%dma_wait3A_75, %dma_wait3A_76] : memref<10000x128xbf16, #tpu.memory_space<hbm>> -> memref<10000x128xbf16, #tpu.memory_space<hbm>>
      tpu.wait_indirect_dma semaphore(%arg17 : memref<!tpu.dma_semaphore, #tpu.memory_space<semaphore_mem>>) src(%dma_wait3A_77 : memref<10000x128xbf16, #tpu.memory_space<hbm>>) dst(%arg8 : memref<80x128xbf16, #tpu.memory_space<vmem>>)
      %run_scoped3A_78 = arith.constant 122 : i32
      "tpu.region"() ({
        %run_scoped3A_87 = tpu.sem_alloc : memref<!tpu.dma_semaphore, #tpu.memory_space<semaphore_mem>>
        %dma_start3A_88 = arith.constant 0 : i32
        %dma_start3A_89 = tpu.memref_slice %arg13[%run_scoped3A_78, %dma_start3A_88] : memref<126x80xi32, #tpu.memory_space<vmem>> -> memref<1x80xi32, #tpu.memory_space<vmem>>
        %dma_start3A_90 = tpu.memref_squeeze %dma_start3A_89 : memref<1x80xi32, #tpu.memory_space<vmem>> -> memref<80xi32, #tpu.memory_space<vmem>>
        %dma_start3A_91 = arith.constant 0 : i32
        %dma_start3A_92 = arith.constant 0 : i32
        %dma_start3A_93 = tpu.memref_slice %arg14[%dma_start3A_91, %dma_start3A_92] : memref<10240x128xbf16, #tpu.memory_space<vmem_shared>> -> memref<10240x128xbf16, #tpu.memory_space<vmem_shared>>
        tpu.enqueue_indirect_dma source(%arg8 : memref<80x128xbf16, #tpu.memory_space<vmem>>) target(%dma_start3A_93 : memref<10240x128xbf16, #tpu.memory_space<vmem_shared>>) offsets(%dma_start3A_90 : memref<80xi32, #tpu.memory_space<vmem>>) semaphore(%run_scoped3A_87 : memref<!tpu.dma_semaphore, #tpu.memory_space<semaphore_mem>>) {add = true}
        %dma_wait3A_94 = arith.constant 0 : i32
        %dma_wait3A_95 = tpu.memref_slice %arg13[%run_scoped3A_78, %dma_wait3A_94] : memref<126x80xi32, #tpu.memory_space<vmem>> -> memref<1x80xi32, #tpu.memory_space<vmem>>
        %dma_wait3A_96 = tpu.memref_squeeze %dma_wait3A_95 : memref<1x80xi32, #tpu.memory_space<vmem>> -> memref<80xi32, #tpu.memory_space<vmem>>
        %dma_wait3A_97 = arith.constant 0 : i32
        %dma_wait3A_98 = arith.constant 0 : i32
        %dma_wait3A_99 = tpu.memref_slice %arg14[%dma_wait3A_97, %dma_wait3A_98] : memref<10240x128xbf16, #tpu.memory_space<vmem_shared>> -> memref<10240x128xbf16, #tpu.memory_space<vmem_shared>>
        tpu.wait_indirect_dma semaphore(%run_scoped3A_87 : memref<!tpu.dma_semaphore, #tpu.memory_space<semaphore_mem>>) src(%arg8 : memref<80x128xbf16, #tpu.memory_space<vmem>>) dst(%dma_wait3A_99 : memref<10240x128xbf16, #tpu.memory_space<vmem_shared>>)
        tpu.yield
      }) : () -> ()
      %dma_wait3A_79 = arith.constant 123 : i32
      %dma_wait3A_80 = arith.constant 0 : i32
      %dma_wait3A_81 = tpu.memref_slice %arg12[%dma_wait3A_79, %dma_wait3A_80] : memref<126x80xi32, #tpu.memory_space<vmem>> -> memref<1x80xi32, #tpu.memory_space<vmem>>
      %dma_wait3A_82 = tpu.memref_squeeze %dma_wait3A_81 : memref<1x80xi32, #tpu.memory_space<vmem>> -> memref<80xi32, #tpu.memory_space<vmem>>
      %dma_wait3A_83 = arith.constant 0 : i32
      %dma_wait3A_84 = arith.constant 0 : i32
      %dma_wait3A_85 = tpu.memref_slice %arg2[%dma_wait3A_83, %dma_wait3A_84] : memref<10000x128xbf16, #tpu.memory_space<hbm>> -> memref<10000x128xbf16, #tpu.memory_space<hbm>>
      tpu.wait_indirect_dma semaphore(%arg18 : memref<!tpu.dma_semaphore, #tpu.memory_space<semaphore_mem>>) src(%dma_wait3A_85 : memref<10000x128xbf16, #tpu.memory_space<hbm>>) dst(%arg9 : memref<80x128xbf16, #tpu.memory_space<vmem>>)
      %run_scoped3A_86 = arith.constant 123 : i32
      "tpu.region"() ({
        %run_scoped3A_87 = tpu.sem_alloc : memref<!tpu.dma_semaphore, #tpu.memory_space<semaphore_mem>>
        %dma_start3A_88 = arith.constant 0 : i32
        %dma_start3A_89 = tpu.memref_slice %arg13[%run_scoped3A_86, %dma_start3A_88] : memref<126x80xi32, #tpu.memory_space<vmem>> -> memref<1x80xi32, #tpu.memory_space<vmem>>
        %dma_start3A_90 = tpu.memref_squeeze %dma_start3A_89 : memref<1x80xi32, #tpu.memory_space<vmem>> -> memref<80xi32, #tpu.memory_space<vmem>>
        %dma_start3A_91 = arith.constant 0 : i32
        %dma_start3A_92 = arith.constant 0 : i32
        %dma_start3A_93 = tpu.memref_slice %arg14[%dma_start3A_91, %dma_start3A_92] : memref<10240x128xbf16, #tpu.memory_space<vmem_shared>> -> memref<10240x128xbf16, #tpu.memory_space<vmem_shared>>
        tpu.enqueue_indirect_dma source(%arg9 : memref<80x128xbf16, #tpu.memory_space<vmem>>) target(%dma_start3A_93 : memref<10240x128xbf16, #tpu.memory_space<vmem_shared>>) offsets(%dma_start3A_90 : memref<80xi32, #tpu.memory_space<vmem>>) semaphore(%run_scoped3A_87 : memref<!tpu.dma_semaphore, #tpu.memory_space<semaphore_mem>>) {add = true}
        %dma_wait3A_94 = arith.constant 0 : i32
        %dma_wait3A_95 = tpu.memref_slice %arg13[%run_scoped3A_86, %dma_wait3A_94] : memref<126x80xi32, #tpu.memory_space<vmem>> -> memref<1x80xi32, #tpu.memory_space<vmem>>
        %dma_wait3A_96 = tpu.memref_squeeze %dma_wait3A_95 : memref<1x80xi32, #tpu.memory_space<vmem>> -> memref<80xi32, #tpu.memory_space<vmem>>
        %dma_wait3A_97 = arith.constant 0 : i32
        %dma_wait3A_98 = arith.constant 0 : i32
        %dma_wait3A_99 = tpu.memref_slice %arg14[%dma_wait3A_97, %dma_wait3A_98] : memref<10240x128xbf16, #tpu.memory_space<vmem_shared>> -> memref<10240x128xbf16, #tpu.memory_space<vmem_shared>>
        tpu.wait_indirect_dma semaphore(%run_scoped3A_87 : memref<!tpu.dma_semaphore, #tpu.memory_space<semaphore_mem>>) src(%arg9 : memref<80x128xbf16, #tpu.memory_space<vmem>>) dst(%dma_wait3A_99 : memref<10240x128xbf16, #tpu.memory_space<vmem_shared>>)
        tpu.yield
      }) : () -> ()
    } else {
    }
    %barrier3A_8 = arith.constant 0 : index
    tpu.barrier barrier_id(%barrier3A_8)
    %mul3A_9 = arith.constant 640 : i32
    %mul3A_10 = arith.muli %arg1, %mul3A_9 : i32
    %mul3A_11 = arith.constant 640 : i32
    %mul3A_12 = arith.muli %arg1, %mul3A_11 : i32
    "tpu.region"() ({
      %run_scoped3A = tpu.sem_alloc : memref<!tpu.dma_semaphore, #tpu.memory_space<semaphore_mem>>
      %dma_start3A = arith.constant 0 : i32
      %dma_start3A_13 = tpu.memref_slice %arg5[%arg0, %mul3A_12, %dma_start3A] : memref<2x10240x128xbf16, #tpu.memory_space<hbm>> -> memref<1x640x128xbf16, #tpu.memory_space<hbm>>
      %dma_start3A_14 = tpu.memref_squeeze %dma_start3A_13 : memref<1x640x128xbf16, #tpu.memory_space<hbm>> -> memref<640x128xbf16, #tpu.memory_space<hbm>>
      %dma_start3A_15 = arith.constant 0 : i32
      %dma_start3A_16 = tpu.memref_slice %arg14[%mul3A_10, %dma_start3A_15] : memref<10240x128xbf16, #tpu.memory_space<vmem_shared>> -> memref<640x128xbf16, #tpu.memory_space<vmem_shared>>
      tpu.enqueue_dma source(%dma_start3A_16 : memref<640x128xbf16, #tpu.memory_space<vmem_shared>>) target(%dma_start3A_14 : memref<640x128xbf16, #tpu.memory_space<hbm>>) target_semaphore(%run_scoped3A : memref<!tpu.dma_semaphore, #tpu.memory_space<semaphore_mem>>)
      %dma_wait3A = arith.constant 0 : i32
      %dma_wait3A_17 = tpu.memref_slice %arg5[%arg0, %mul3A_12, %dma_wait3A] : memref<2x10240x128xbf16, #tpu.memory_space<hbm>> -> memref<1x640x128xbf16, #tpu.memory_space<hbm>>
      %dma_wait3A_18 = tpu.memref_squeeze %dma_wait3A_17 : memref<1x640x128xbf16, #tpu.memory_space<hbm>> -> memref<640x128xbf16, #tpu.memory_space<hbm>>
      %dma_wait3A_19 = arith.constant 0 : i32
      %dma_wait3A_20 = tpu.memref_slice %arg14[%mul3A_10, %dma_wait3A_19] : memref<10240x128xbf16, #tpu.memory_space<vmem_shared>> -> memref<640x128xbf16, #tpu.memory_space<vmem_shared>>
      tpu.wait_dma2 semaphore(%run_scoped3A : memref<!tpu.dma_semaphore, #tpu.memory_space<semaphore_mem>>) src(%dma_wait3A_20 : memref<640x128xbf16, #tpu.memory_space<vmem_shared>>) dst(%dma_wait3A_18 : memref<640x128xbf16, #tpu.memory_space<hbm>>)
      tpu.yield
    }) : () -> ()
    return
  }
}

#map = affine_map<(d0, d1) -> (0, 0)>
#map1 = affine_map<(d0, d1) -> (0, 0, 0)>
module attributes {stable_mosaic.version = 14 : i64} {
  func.func @sc_agg(%arg0: i32, %arg1: i32, %arg2: memref<10000x32xbf16, #tpu.memory_space<hbm>>, %arg3: memref<8000x80xi32, #tpu.memory_space<hbm>>, %arg4: memref<640x32xbf16, #tpu.memory_space<hbm>>, %arg5: memref<2x10240x32xbf16, #tpu.memory_space<hbm>>, %arg6: memref<80x32xbf16, #tpu.memory_space<vmem>>, %arg7: memref<80x32xbf16, #tpu.memory_space<vmem>>, %arg8: memref<80x32xbf16, #tpu.memory_space<vmem>>, %arg9: memref<80x32xbf16, #tpu.memory_space<vmem>>, %arg10: memref<80x32xbf16, #tpu.memory_space<vmem>>, %arg11: memref<80x32xbf16, #tpu.memory_space<vmem>>, %arg12: memref<126x80xi32, #tpu.memory_space<vmem>>, %arg13: memref<126x80xi32, #tpu.memory_space<vmem>>, %arg14: memref<10240x32xbf16, #tpu.memory_space<vmem_shared>>, %arg15: memref<!tpu.dma_semaphore, #tpu.memory_space<semaphore_mem>>, %arg16: memref<!tpu.dma_semaphore, #tpu.memory_space<semaphore_mem>>, %arg17: memref<!tpu.dma_semaphore, #tpu.memory_space<semaphore_mem>>, %arg18: memref<!tpu.dma_semaphore, #tpu.memory_space<semaphore_mem>>, %arg19: memref<!tpu.dma_semaphore, #tpu.memory_space<semaphore_mem>>, %arg20: memref<!tpu.dma_semaphore, #tpu.memory_space<semaphore_mem>>) attributes {dimension_semantics = [#tpu.dimension_semantics<core_parallel>, #tpu.dimension_semantics<subcore_parallel>], iteration_bounds = array<i64: 2, 16>, scalar_prefetch = 0 : i64, scratch_operands = 15 : i64, tpu.core_type = #tpu.core_type<sc_vector_subcore>, window_params = [{transform_indices = #map}, {transform_indices = #map}, {transform_indices = #map}, {transform_indices = #map1}]} {
    %mul3A = arith.constant 640 : i32
    %mul3A_0 = arith.muli %arg1, %mul3A : i32
    "tpu.region"() ({
      %run_scoped3A = tpu.sem_alloc : memref<!tpu.dma_semaphore, #tpu.memory_space<semaphore_mem>>
      %dma_start3A = arith.constant 0 : i32
      %dma_start3A_13 = tpu.memref_slice %arg14[%mul3A_0, %dma_start3A] : memref<10240x32xbf16, #tpu.memory_space<vmem_shared>> -> memref<640x32xbf16, #tpu.memory_space<vmem_shared>>
      tpu.enqueue_dma source(%arg4 : memref<640x32xbf16, #tpu.memory_space<hbm>>) target(%dma_start3A_13 : memref<640x32xbf16, #tpu.memory_space<vmem_shared>>) target_semaphore(%run_scoped3A : memref<!tpu.dma_semaphore, #tpu.memory_space<semaphore_mem>>)
      %dma_wait3A = arith.constant 0 : i32
      %dma_wait3A_14 = tpu.memref_slice %arg14[%mul3A_0, %dma_wait3A] : memref<10240x32xbf16, #tpu.memory_space<vmem_shared>> -> memref<640x32xbf16, #tpu.memory_space<vmem_shared>>
      tpu.wait_dma2 semaphore(%run_scoped3A : memref<!tpu.dma_semaphore, #tpu.memory_space<semaphore_mem>>) src(%arg4 : memref<640x32xbf16, #tpu.memory_space<hbm>>) dst(%dma_wait3A_14 : memref<640x32xbf16, #tpu.memory_space<vmem_shared>>)
      tpu.yield
    }) : () -> ()
    %barrier3A = arith.constant 0 : index
    tpu.barrier barrier_id(%barrier3A)
    %eq3A = arith.constant 0 : i32
    %eq3A_1 = arith.cmpi eq, %arg0, %eq3A : i32
    %convert_element_type3A = arith.extui %eq3A_1 : i1 to i32
    %cond3A = arith.constant 0 : i32
    %cond3A_2 = arith.cmpi ne, %convert_element_type3A, %cond3A : i32
    scf.if %cond3A_2 {
      %mul3A_13 = arith.constant 126 : i32
      %mul3A_14 = arith.muli %arg1, %mul3A_13 : i32
      "tpu.region"() ({
        %run_scoped3A = tpu.sem_alloc : memref<!tpu.dma_semaphore, #tpu.memory_space<semaphore_mem>>
        %dma_start3A_55 = arith.constant 0 : i32
        %dma_start3A_56 = arith.constant 0 : i32
        %dma_start3A_57 = tpu.memref_slice %arg12[%dma_start3A_55, %dma_start3A_56] : memref<126x80xi32, #tpu.memory_space<vmem>> -> memref<126x80xi32, #tpu.memory_space<vmem>>
        %dma_start3A_58 = arith.constant 0 : i32
        %dma_start3A_59 = tpu.memref_slice %arg3[%mul3A_14, %dma_start3A_58] : memref<8000x80xi32, #tpu.memory_space<hbm>> -> memref<126x80xi32, #tpu.memory_space<hbm>>
        %dma_start3A_60 = arith.constant 0 : i32
        %dma_start3A_61 = arith.constant 0 : i32
        %dma_start3A_62 = tpu.memref_slice %arg12[%dma_start3A_60, %dma_start3A_61] : memref<126x80xi32, #tpu.memory_space<vmem>> -> memref<126x80xi32, #tpu.memory_space<vmem>>
        %dma_start3A_63 = arith.constant 0 : i32
        %dma_start3A_64 = tpu.memref_slice %arg3[%mul3A_14, %dma_start3A_63] : memref<8000x80xi32, #tpu.memory_space<hbm>> -> memref<126x80xi32, #tpu.memory_space<hbm>>
        tpu.enqueue_dma source(%dma_start3A_64 : memref<126x80xi32, #tpu.memory_space<hbm>>) target(%dma_start3A_62 : memref<126x80xi32, #tpu.memory_space<vmem>>) target_semaphore(%run_scoped3A : memref<!tpu.dma_semaphore, #tpu.memory_space<semaphore_mem>>)
        %dma_wait3A = arith.constant 0 : i32
        %dma_wait3A_65 = arith.constant 0 : i32
        %dma_wait3A_66 = tpu.memref_slice %arg12[%dma_wait3A, %dma_wait3A_65] : memref<126x80xi32, #tpu.memory_space<vmem>> -> memref<126x80xi32, #tpu.memory_space<vmem>>
        %dma_wait3A_67 = arith.constant 0 : i32
        %dma_wait3A_68 = tpu.memref_slice %arg3[%mul3A_14, %dma_wait3A_67] : memref<8000x80xi32, #tpu.memory_space<hbm>> -> memref<126x80xi32, #tpu.memory_space<hbm>>
        %dma_wait3A_69 = arith.constant 0 : i32
        %dma_wait3A_70 = arith.constant 0 : i32
        %dma_wait3A_71 = tpu.memref_slice %arg12[%dma_wait3A_69, %dma_wait3A_70] : memref<126x80xi32, #tpu.memory_space<vmem>> -> memref<126x80xi32, #tpu.memory_space<vmem>>
        %dma_wait3A_72 = arith.constant 0 : i32
        %dma_wait3A_73 = tpu.memref_slice %arg3[%mul3A_14, %dma_wait3A_72] : memref<8000x80xi32, #tpu.memory_space<hbm>> -> memref<126x80xi32, #tpu.memory_space<hbm>>
        tpu.wait_dma2 semaphore(%run_scoped3A : memref<!tpu.dma_semaphore, #tpu.memory_space<semaphore_mem>>) src(%dma_wait3A_73 : memref<126x80xi32, #tpu.memory_space<hbm>>) dst(%dma_wait3A_71 : memref<126x80xi32, #tpu.memory_space<vmem>>)
        tpu.yield
      }) : () -> ()
      %add3A = arith.constant 4000 : i32
      %add3A_15 = arith.addi %add3A, %mul3A_14 : i32
      "tpu.region"() ({
        %run_scoped3A = tpu.sem_alloc : memref<!tpu.dma_semaphore, #tpu.memory_space<semaphore_mem>>
        %dma_start3A_55 = arith.constant 0 : i32
        %dma_start3A_56 = arith.constant 0 : i32
        %dma_start3A_57 = tpu.memref_slice %arg13[%dma_start3A_55, %dma_start3A_56] : memref<126x80xi32, #tpu.memory_space<vmem>> -> memref<126x80xi32, #tpu.memory_space<vmem>>
        %dma_start3A_58 = arith.constant 0 : i32
        %dma_start3A_59 = tpu.memref_slice %arg3[%add3A_15, %dma_start3A_58] : memref<8000x80xi32, #tpu.memory_space<hbm>> -> memref<126x80xi32, #tpu.memory_space<hbm>>
        %dma_start3A_60 = arith.constant 0 : i32
        %dma_start3A_61 = arith.constant 0 : i32
        %dma_start3A_62 = tpu.memref_slice %arg13[%dma_start3A_60, %dma_start3A_61] : memref<126x80xi32, #tpu.memory_space<vmem>> -> memref<126x80xi32, #tpu.memory_space<vmem>>
        %dma_start3A_63 = arith.constant 0 : i32
        %dma_start3A_64 = tpu.memref_slice %arg3[%add3A_15, %dma_start3A_63] : memref<8000x80xi32, #tpu.memory_space<hbm>> -> memref<126x80xi32, #tpu.memory_space<hbm>>
        tpu.enqueue_dma source(%dma_start3A_64 : memref<126x80xi32, #tpu.memory_space<hbm>>) target(%dma_start3A_62 : memref<126x80xi32, #tpu.memory_space<vmem>>) target_semaphore(%run_scoped3A : memref<!tpu.dma_semaphore, #tpu.memory_space<semaphore_mem>>)
        %dma_wait3A = arith.constant 0 : i32
        %dma_wait3A_65 = arith.constant 0 : i32
        %dma_wait3A_66 = tpu.memref_slice %arg13[%dma_wait3A, %dma_wait3A_65] : memref<126x80xi32, #tpu.memory_space<vmem>> -> memref<126x80xi32, #tpu.memory_space<vmem>>
        %dma_wait3A_67 = arith.constant 0 : i32
        %dma_wait3A_68 = tpu.memref_slice %arg3[%add3A_15, %dma_wait3A_67] : memref<8000x80xi32, #tpu.memory_space<hbm>> -> memref<126x80xi32, #tpu.memory_space<hbm>>
        %dma_wait3A_69 = arith.constant 0 : i32
        %dma_wait3A_70 = arith.constant 0 : i32
        %dma_wait3A_71 = tpu.memref_slice %arg13[%dma_wait3A_69, %dma_wait3A_70] : memref<126x80xi32, #tpu.memory_space<vmem>> -> memref<126x80xi32, #tpu.memory_space<vmem>>
        %dma_wait3A_72 = arith.constant 0 : i32
        %dma_wait3A_73 = tpu.memref_slice %arg3[%add3A_15, %dma_wait3A_72] : memref<8000x80xi32, #tpu.memory_space<hbm>> -> memref<126x80xi32, #tpu.memory_space<hbm>>
        tpu.wait_dma2 semaphore(%run_scoped3A : memref<!tpu.dma_semaphore, #tpu.memory_space<semaphore_mem>>) src(%dma_wait3A_73 : memref<126x80xi32, #tpu.memory_space<hbm>>) dst(%dma_wait3A_71 : memref<126x80xi32, #tpu.memory_space<vmem>>)
        tpu.yield
      }) : () -> ()
      %dma_start3A = arith.constant 0 : i32
      %dma_start3A_16 = arith.constant 0 : i32
      %dma_start3A_17 = tpu.memref_slice %arg12[%dma_start3A, %dma_start3A_16] : memref<126x80xi32, #tpu.memory_space<vmem>> -> memref<1x80xi32, #tpu.memory_space<vmem>>
      %dma_start3A_18 = tpu.memref_squeeze %dma_start3A_17 : memref<1x80xi32, #tpu.memory_space<vmem>> -> memref<80xi32, #tpu.memory_space<vmem>>
      %dma_start3A_19 = arith.constant 0 : i32
      %dma_start3A_20 = arith.constant 0 : i32
      %dma_start3A_21 = tpu.memref_slice %arg2[%dma_start3A_19, %dma_start3A_20] : memref<10000x32xbf16, #tpu.memory_space<hbm>> -> memref<10000x32xbf16, #tpu.memory_space<hbm>>
      tpu.enqueue_indirect_dma source(%dma_start3A_21 : memref<10000x32xbf16, #tpu.memory_space<hbm>>) target(%arg6 : memref<80x32xbf16, #tpu.memory_space<vmem>>) offsets(%dma_start3A_18 : memref<80xi32, #tpu.memory_space<vmem>>) semaphore(%arg15 : memref<!tpu.dma_semaphore, #tpu.memory_space<semaphore_mem>>)
      %dma_start3A_22 = arith.constant 1 : i32
      %dma_start3A_23 = arith.constant 0 : i32
      %dma_start3A_24 = tpu.memref_slice %arg12[%dma_start3A_22, %dma_start3A_23] : memref<126x80xi32, #tpu.memory_space<vmem>> -> memref<1x80xi32, #tpu.memory_space<vmem>>
      %dma_start3A_25 = tpu.memref_squeeze %dma_start3A_24 : memref<1x80xi32, #tpu.memory_space<vmem>> -> memref<80xi32, #tpu.memory_space<vmem>>
      %dma_start3A_26 = arith.constant 0 : i32
      %dma_start3A_27 = arith.constant 0 : i32
      %dma_start3A_28 = tpu.memref_slice %arg2[%dma_start3A_26, %dma_start3A_27] : memref<10000x32xbf16, #tpu.memory_space<hbm>> -> memref<10000x32xbf16, #tpu.memory_space<hbm>>
      tpu.enqueue_indirect_dma source(%dma_start3A_28 : memref<10000x32xbf16, #tpu.memory_space<hbm>>) target(%arg7 : memref<80x32xbf16, #tpu.memory_space<vmem>>) offsets(%dma_start3A_25 : memref<80xi32, #tpu.memory_space<vmem>>) semaphore(%arg16 : memref<!tpu.dma_semaphore, #tpu.memory_space<semaphore_mem>>)
      %dma_start3A_29 = arith.constant 2 : i32
      %dma_start3A_30 = arith.constant 0 : i32
      %dma_start3A_31 = tpu.memref_slice %arg12[%dma_start3A_29, %dma_start3A_30] : memref<126x80xi32, #tpu.memory_space<vmem>> -> memref<1x80xi32, #tpu.memory_space<vmem>>
      %dma_start3A_32 = tpu.memref_squeeze %dma_start3A_31 : memref<1x80xi32, #tpu.memory_space<vmem>> -> memref<80xi32, #tpu.memory_space<vmem>>
      %dma_start3A_33 = arith.constant 0 : i32
      %dma_start3A_34 = arith.constant 0 : i32
      %dma_start3A_35 = tpu.memref_slice %arg2[%dma_start3A_33, %dma_start3A_34] : memref<10000x32xbf16, #tpu.memory_space<hbm>> -> memref<10000x32xbf16, #tpu.memory_space<hbm>>
      tpu.enqueue_indirect_dma source(%dma_start3A_35 : memref<10000x32xbf16, #tpu.memory_space<hbm>>) target(%arg8 : memref<80x32xbf16, #tpu.memory_space<vmem>>) offsets(%dma_start3A_32 : memref<80xi32, #tpu.memory_space<vmem>>) semaphore(%arg17 : memref<!tpu.dma_semaphore, #tpu.memory_space<semaphore_mem>>)
      %dma_start3A_36 = arith.constant 3 : i32
      %dma_start3A_37 = arith.constant 0 : i32
      %dma_start3A_38 = tpu.memref_slice %arg12[%dma_start3A_36, %dma_start3A_37] : memref<126x80xi32, #tpu.memory_space<vmem>> -> memref<1x80xi32, #tpu.memory_space<vmem>>
      %dma_start3A_39 = tpu.memref_squeeze %dma_start3A_38 : memref<1x80xi32, #tpu.memory_space<vmem>> -> memref<80xi32, #tpu.memory_space<vmem>>
      %dma_start3A_40 = arith.constant 0 : i32
      %dma_start3A_41 = arith.constant 0 : i32
      %dma_start3A_42 = tpu.memref_slice %arg2[%dma_start3A_40, %dma_start3A_41] : memref<10000x32xbf16, #tpu.memory_space<hbm>> -> memref<10000x32xbf16, #tpu.memory_space<hbm>>
      tpu.enqueue_indirect_dma source(%dma_start3A_42 : memref<10000x32xbf16, #tpu.memory_space<hbm>>) target(%arg9 : memref<80x32xbf16, #tpu.memory_space<vmem>>) offsets(%dma_start3A_39 : memref<80xi32, #tpu.memory_space<vmem>>) semaphore(%arg18 : memref<!tpu.dma_semaphore, #tpu.memory_space<semaphore_mem>>)
      %dma_start3A_43 = arith.constant 4 : i32
      %dma_start3A_44 = arith.constant 0 : i32
      %dma_start3A_45 = tpu.memref_slice %arg12[%dma_start3A_43, %dma_start3A_44] : memref<126x80xi32, #tpu.memory_space<vmem>> -> memref<1x80xi32, #tpu.memory_space<vmem>>
      %dma_start3A_46 = tpu.memref_squeeze %dma_start3A_45 : memref<1x80xi32, #tpu.memory_space<vmem>> -> memref<80xi32, #tpu.memory_space<vmem>>
      %dma_start3A_47 = arith.constant 0 : i32
      %dma_start3A_48 = arith.constant 0 : i32
      %dma_start3A_49 = tpu.memref_slice %arg2[%dma_start3A_47, %dma_start3A_48] : memref<10000x32xbf16, #tpu.memory_space<hbm>> -> memref<10000x32xbf16, #tpu.memory_space<hbm>>
      tpu.enqueue_indirect_dma source(%dma_start3A_49 : memref<10000x32xbf16, #tpu.memory_space<hbm>>) target(%arg10 : memref<80x32xbf16, #tpu.memory_space<vmem>>) offsets(%dma_start3A_46 : memref<80xi32, #tpu.memory_space<vmem>>) semaphore(%arg19 : memref<!tpu.dma_semaphore, #tpu.memory_space<semaphore_mem>>)
      %scan3A = arith.constant 0 : i32
      %scan3A_50 = arith.constant 0 : i32
      %scan3A_51 = arith.constant 21 : i32
      %scan3A_52 = arith.addi %scan3A_50, %scan3A_51 : i32
      %scan3A_53 = arith.constant 1 : i32
      scf.for %scan3A_55 = %scan3A_50 to %scan3A_52 step %scan3A_53  : i32 {
        %mul3A_56 = arith.constant 6 : i32
        %mul3A_57 = arith.muli %mul3A_56, %scan3A_55 : i32
        %add3A_58 = arith.constant 0 : i32
        %add3A_59 = arith.addi %mul3A_57, %add3A_58 : i32
        %dma_wait3A = arith.constant 0 : i32
        %dma_wait3A_60 = tpu.memref_slice %arg12[%add3A_59, %dma_wait3A] : memref<126x80xi32, #tpu.memory_space<vmem>> -> memref<1x80xi32, #tpu.memory_space<vmem>>
        %dma_wait3A_61 = tpu.memref_squeeze %dma_wait3A_60 : memref<1x80xi32, #tpu.memory_space<vmem>> -> memref<80xi32, #tpu.memory_space<vmem>>
        %dma_wait3A_62 = arith.constant 0 : i32
        %dma_wait3A_63 = arith.constant 0 : i32
        %dma_wait3A_64 = tpu.memref_slice %arg2[%dma_wait3A_62, %dma_wait3A_63] : memref<10000x32xbf16, #tpu.memory_space<hbm>> -> memref<10000x32xbf16, #tpu.memory_space<hbm>>
        tpu.wait_indirect_dma semaphore(%arg15 : memref<!tpu.dma_semaphore, #tpu.memory_space<semaphore_mem>>) src(%dma_wait3A_64 : memref<10000x32xbf16, #tpu.memory_space<hbm>>) dst(%arg6 : memref<80x32xbf16, #tpu.memory_space<vmem>>)
        %add3A_65 = arith.constant 6 : i32
        %add3A_66 = arith.addi %add3A_59, %add3A_65 : i32
        %sub3A = arith.constant 1 : i32
        %sub3A_67 = arith.subi %add3A_66, %sub3A : i32
        %lt3A = arith.constant 126 : i32
        %lt3A_68 = arith.cmpi slt, %sub3A_67, %lt3A : i32
        %convert_element_type3A_69 = arith.extui %lt3A_68 : i1 to i32
        %cond3A_70 = arith.constant 0 : i32
        %cond3A_71 = arith.cmpi ne, %convert_element_type3A_69, %cond3A_70 : i32
        scf.if %cond3A_71 {
          %add3A_167 = arith.constant 6 : i32
          %add3A_168 = arith.addi %add3A_59, %add3A_167 : i32
          %sub3A_169 = arith.constant 1 : i32
          %sub3A_170 = arith.subi %add3A_168, %sub3A_169 : i32
          %dma_start3A_171 = arith.constant 0 : i32
          %dma_start3A_172 = tpu.memref_slice %arg12[%sub3A_170, %dma_start3A_171] : memref<126x80xi32, #tpu.memory_space<vmem>> -> memref<1x80xi32, #tpu.memory_space<vmem>>
          %dma_start3A_173 = tpu.memref_squeeze %dma_start3A_172 : memref<1x80xi32, #tpu.memory_space<vmem>> -> memref<80xi32, #tpu.memory_space<vmem>>
          %dma_start3A_174 = arith.constant 0 : i32
          %dma_start3A_175 = arith.constant 0 : i32
          %dma_start3A_176 = tpu.memref_slice %arg2[%dma_start3A_174, %dma_start3A_175] : memref<10000x32xbf16, #tpu.memory_space<hbm>> -> memref<10000x32xbf16, #tpu.memory_space<hbm>>
          tpu.enqueue_indirect_dma source(%dma_start3A_176 : memref<10000x32xbf16, #tpu.memory_space<hbm>>) target(%arg11 : memref<80x32xbf16, #tpu.memory_space<vmem>>) offsets(%dma_start3A_173 : memref<80xi32, #tpu.memory_space<vmem>>) semaphore(%arg20 : memref<!tpu.dma_semaphore, #tpu.memory_space<semaphore_mem>>)
        } else {
        }
        "tpu.region"() ({
          %run_scoped3A = tpu.sem_alloc : memref<!tpu.dma_semaphore, #tpu.memory_space<semaphore_mem>>
          %dma_start3A_167 = arith.constant 0 : i32
          %dma_start3A_168 = tpu.memref_slice %arg13[%add3A_59, %dma_start3A_167] : memref<126x80xi32, #tpu.memory_space<vmem>> -> memref<1x80xi32, #tpu.memory_space<vmem>>
          %dma_start3A_169 = tpu.memref_squeeze %dma_start3A_168 : memref<1x80xi32, #tpu.memory_space<vmem>> -> memref<80xi32, #tpu.memory_space<vmem>>
          %dma_start3A_170 = arith.constant 0 : i32
          %dma_start3A_171 = arith.constant 0 : i32
          %dma_start3A_172 = tpu.memref_slice %arg14[%dma_start3A_170, %dma_start3A_171] : memref<10240x32xbf16, #tpu.memory_space<vmem_shared>> -> memref<10240x32xbf16, #tpu.memory_space<vmem_shared>>
          tpu.enqueue_indirect_dma source(%arg6 : memref<80x32xbf16, #tpu.memory_space<vmem>>) target(%dma_start3A_172 : memref<10240x32xbf16, #tpu.memory_space<vmem_shared>>) offsets(%dma_start3A_169 : memref<80xi32, #tpu.memory_space<vmem>>) semaphore(%run_scoped3A : memref<!tpu.dma_semaphore, #tpu.memory_space<semaphore_mem>>) {add = true}
          %dma_wait3A_173 = arith.constant 0 : i32
          %dma_wait3A_174 = tpu.memref_slice %arg13[%add3A_59, %dma_wait3A_173] : memref<126x80xi32, #tpu.memory_space<vmem>> -> memref<1x80xi32, #tpu.memory_space<vmem>>
          %dma_wait3A_175 = tpu.memref_squeeze %dma_wait3A_174 : memref<1x80xi32, #tpu.memory_space<vmem>> -> memref<80xi32, #tpu.memory_space<vmem>>
          %dma_wait3A_176 = arith.constant 0 : i32
          %dma_wait3A_177 = arith.constant 0 : i32
          %dma_wait3A_178 = tpu.memref_slice %arg14[%dma_wait3A_176, %dma_wait3A_177] : memref<10240x32xbf16, #tpu.memory_space<vmem_shared>> -> memref<10240x32xbf16, #tpu.memory_space<vmem_shared>>
          tpu.wait_indirect_dma semaphore(%run_scoped3A : memref<!tpu.dma_semaphore, #tpu.memory_space<semaphore_mem>>) src(%arg6 : memref<80x32xbf16, #tpu.memory_space<vmem>>) dst(%dma_wait3A_178 : memref<10240x32xbf16, #tpu.memory_space<vmem_shared>>)
          tpu.yield
        }) : () -> ()
        %mul3A_72 = arith.constant 6 : i32
        %mul3A_73 = arith.muli %mul3A_72, %scan3A_55 : i32
        %add3A_74 = arith.constant 1 : i32
        %add3A_75 = arith.addi %mul3A_73, %add3A_74 : i32
        %dma_wait3A_76 = arith.constant 0 : i32
        %dma_wait3A_77 = tpu.memref_slice %arg12[%add3A_75, %dma_wait3A_76] : memref<126x80xi32, #tpu.memory_space<vmem>> -> memref<1x80xi32, #tpu.memory_space<vmem>>
        %dma_wait3A_78 = tpu.memref_squeeze %dma_wait3A_77 : memref<1x80xi32, #tpu.memory_space<vmem>> -> memref<80xi32, #tpu.memory_space<vmem>>
        %dma_wait3A_79 = arith.constant 0 : i32
        %dma_wait3A_80 = arith.constant 0 : i32
        %dma_wait3A_81 = tpu.memref_slice %arg2[%dma_wait3A_79, %dma_wait3A_80] : memref<10000x32xbf16, #tpu.memory_space<hbm>> -> memref<10000x32xbf16, #tpu.memory_space<hbm>>
        tpu.wait_indirect_dma semaphore(%arg16 : memref<!tpu.dma_semaphore, #tpu.memory_space<semaphore_mem>>) src(%dma_wait3A_81 : memref<10000x32xbf16, #tpu.memory_space<hbm>>) dst(%arg7 : memref<80x32xbf16, #tpu.memory_space<vmem>>)
        %add3A_82 = arith.constant 6 : i32
        %add3A_83 = arith.addi %add3A_75, %add3A_82 : i32
        %sub3A_84 = arith.constant 1 : i32
        %sub3A_85 = arith.subi %add3A_83, %sub3A_84 : i32
        %lt3A_86 = arith.constant 126 : i32
        %lt3A_87 = arith.cmpi slt, %sub3A_85, %lt3A_86 : i32
        %convert_element_type3A_88 = arith.extui %lt3A_87 : i1 to i32
        %cond3A_89 = arith.constant 0 : i32
        %cond3A_90 = arith.cmpi ne, %convert_element_type3A_88, %cond3A_89 : i32
        scf.if %cond3A_90 {
          %add3A_167 = arith.constant 6 : i32
          %add3A_168 = arith.addi %add3A_75, %add3A_167 : i32
          %sub3A_169 = arith.constant 1 : i32
          %sub3A_170 = arith.subi %add3A_168, %sub3A_169 : i32
          %dma_start3A_171 = arith.constant 0 : i32
          %dma_start3A_172 = tpu.memref_slice %arg12[%sub3A_170, %dma_start3A_171] : memref<126x80xi32, #tpu.memory_space<vmem>> -> memref<1x80xi32, #tpu.memory_space<vmem>>
          %dma_start3A_173 = tpu.memref_squeeze %dma_start3A_172 : memref<1x80xi32, #tpu.memory_space<vmem>> -> memref<80xi32, #tpu.memory_space<vmem>>
          %dma_start3A_174 = arith.constant 0 : i32
          %dma_start3A_175 = arith.constant 0 : i32
          %dma_start3A_176 = tpu.memref_slice %arg2[%dma_start3A_174, %dma_start3A_175] : memref<10000x32xbf16, #tpu.memory_space<hbm>> -> memref<10000x32xbf16, #tpu.memory_space<hbm>>
          tpu.enqueue_indirect_dma source(%dma_start3A_176 : memref<10000x32xbf16, #tpu.memory_space<hbm>>) target(%arg6 : memref<80x32xbf16, #tpu.memory_space<vmem>>) offsets(%dma_start3A_173 : memref<80xi32, #tpu.memory_space<vmem>>) semaphore(%arg15 : memref<!tpu.dma_semaphore, #tpu.memory_space<semaphore_mem>>)
        } else {
        }
        "tpu.region"() ({
          %run_scoped3A = tpu.sem_alloc : memref<!tpu.dma_semaphore, #tpu.memory_space<semaphore_mem>>
          %dma_start3A_167 = arith.constant 0 : i32
          %dma_start3A_168 = tpu.memref_slice %arg13[%add3A_75, %dma_start3A_167] : memref<126x80xi32, #tpu.memory_space<vmem>> -> memref<1x80xi32, #tpu.memory_space<vmem>>
          %dma_start3A_169 = tpu.memref_squeeze %dma_start3A_168 : memref<1x80xi32, #tpu.memory_space<vmem>> -> memref<80xi32, #tpu.memory_space<vmem>>
          %dma_start3A_170 = arith.constant 0 : i32
          %dma_start3A_171 = arith.constant 0 : i32
          %dma_start3A_172 = tpu.memref_slice %arg14[%dma_start3A_170, %dma_start3A_171] : memref<10240x32xbf16, #tpu.memory_space<vmem_shared>> -> memref<10240x32xbf16, #tpu.memory_space<vmem_shared>>
          tpu.enqueue_indirect_dma source(%arg7 : memref<80x32xbf16, #tpu.memory_space<vmem>>) target(%dma_start3A_172 : memref<10240x32xbf16, #tpu.memory_space<vmem_shared>>) offsets(%dma_start3A_169 : memref<80xi32, #tpu.memory_space<vmem>>) semaphore(%run_scoped3A : memref<!tpu.dma_semaphore, #tpu.memory_space<semaphore_mem>>) {add = true}
          %dma_wait3A_173 = arith.constant 0 : i32
          %dma_wait3A_174 = tpu.memref_slice %arg13[%add3A_75, %dma_wait3A_173] : memref<126x80xi32, #tpu.memory_space<vmem>> -> memref<1x80xi32, #tpu.memory_space<vmem>>
          %dma_wait3A_175 = tpu.memref_squeeze %dma_wait3A_174 : memref<1x80xi32, #tpu.memory_space<vmem>> -> memref<80xi32, #tpu.memory_space<vmem>>
          %dma_wait3A_176 = arith.constant 0 : i32
          %dma_wait3A_177 = arith.constant 0 : i32
          %dma_wait3A_178 = tpu.memref_slice %arg14[%dma_wait3A_176, %dma_wait3A_177] : memref<10240x32xbf16, #tpu.memory_space<vmem_shared>> -> memref<10240x32xbf16, #tpu.memory_space<vmem_shared>>
          tpu.wait_indirect_dma semaphore(%run_scoped3A : memref<!tpu.dma_semaphore, #tpu.memory_space<semaphore_mem>>) src(%arg7 : memref<80x32xbf16, #tpu.memory_space<vmem>>) dst(%dma_wait3A_178 : memref<10240x32xbf16, #tpu.memory_space<vmem_shared>>)
          tpu.yield
        }) : () -> ()
        %mul3A_91 = arith.constant 6 : i32
        %mul3A_92 = arith.muli %mul3A_91, %scan3A_55 : i32
        %add3A_93 = arith.constant 2 : i32
        %add3A_94 = arith.addi %mul3A_92, %add3A_93 : i32
        %dma_wait3A_95 = arith.constant 0 : i32
        %dma_wait3A_96 = tpu.memref_slice %arg12[%add3A_94, %dma_wait3A_95] : memref<126x80xi32, #tpu.memory_space<vmem>> -> memref<1x80xi32, #tpu.memory_space<vmem>>
        %dma_wait3A_97 = tpu.memref_squeeze %dma_wait3A_96 : memref<1x80xi32, #tpu.memory_space<vmem>> -> memref<80xi32, #tpu.memory_space<vmem>>
        %dma_wait3A_98 = arith.constant 0 : i32
        %dma_wait3A_99 = arith.constant 0 : i32
        %dma_wait3A_100 = tpu.memref_slice %arg2[%dma_wait3A_98, %dma_wait3A_99] : memref<10000x32xbf16, #tpu.memory_space<hbm>> -> memref<10000x32xbf16, #tpu.memory_space<hbm>>
        tpu.wait_indirect_dma semaphore(%arg17 : memref<!tpu.dma_semaphore, #tpu.memory_space<semaphore_mem>>) src(%dma_wait3A_100 : memref<10000x32xbf16, #tpu.memory_space<hbm>>) dst(%arg8 : memref<80x32xbf16, #tpu.memory_space<vmem>>)
        %add3A_101 = arith.constant 6 : i32
        %add3A_102 = arith.addi %add3A_94, %add3A_101 : i32
        %sub3A_103 = arith.constant 1 : i32
        %sub3A_104 = arith.subi %add3A_102, %sub3A_103 : i32
        %lt3A_105 = arith.constant 126 : i32
        %lt3A_106 = arith.cmpi slt, %sub3A_104, %lt3A_105 : i32
        %convert_element_type3A_107 = arith.extui %lt3A_106 : i1 to i32
        %cond3A_108 = arith.constant 0 : i32
        %cond3A_109 = arith.cmpi ne, %convert_element_type3A_107, %cond3A_108 : i32
        scf.if %cond3A_109 {
          %add3A_167 = arith.constant 6 : i32
          %add3A_168 = arith.addi %add3A_94, %add3A_167 : i32
          %sub3A_169 = arith.constant 1 : i32
          %sub3A_170 = arith.subi %add3A_168, %sub3A_169 : i32
          %dma_start3A_171 = arith.constant 0 : i32
          %dma_start3A_172 = tpu.memref_slice %arg12[%sub3A_170, %dma_start3A_171] : memref<126x80xi32, #tpu.memory_space<vmem>> -> memref<1x80xi32, #tpu.memory_space<vmem>>
          %dma_start3A_173 = tpu.memref_squeeze %dma_start3A_172 : memref<1x80xi32, #tpu.memory_space<vmem>> -> memref<80xi32, #tpu.memory_space<vmem>>
          %dma_start3A_174 = arith.constant 0 : i32
          %dma_start3A_175 = arith.constant 0 : i32
          %dma_start3A_176 = tpu.memref_slice %arg2[%dma_start3A_174, %dma_start3A_175] : memref<10000x32xbf16, #tpu.memory_space<hbm>> -> memref<10000x32xbf16, #tpu.memory_space<hbm>>
          tpu.enqueue_indirect_dma source(%dma_start3A_176 : memref<10000x32xbf16, #tpu.memory_space<hbm>>) target(%arg7 : memref<80x32xbf16, #tpu.memory_space<vmem>>) offsets(%dma_start3A_173 : memref<80xi32, #tpu.memory_space<vmem>>) semaphore(%arg16 : memref<!tpu.dma_semaphore, #tpu.memory_space<semaphore_mem>>)
        } else {
        }
        "tpu.region"() ({
          %run_scoped3A = tpu.sem_alloc : memref<!tpu.dma_semaphore, #tpu.memory_space<semaphore_mem>>
          %dma_start3A_167 = arith.constant 0 : i32
          %dma_start3A_168 = tpu.memref_slice %arg13[%add3A_94, %dma_start3A_167] : memref<126x80xi32, #tpu.memory_space<vmem>> -> memref<1x80xi32, #tpu.memory_space<vmem>>
          %dma_start3A_169 = tpu.memref_squeeze %dma_start3A_168 : memref<1x80xi32, #tpu.memory_space<vmem>> -> memref<80xi32, #tpu.memory_space<vmem>>
          %dma_start3A_170 = arith.constant 0 : i32
          %dma_start3A_171 = arith.constant 0 : i32
          %dma_start3A_172 = tpu.memref_slice %arg14[%dma_start3A_170, %dma_start3A_171] : memref<10240x32xbf16, #tpu.memory_space<vmem_shared>> -> memref<10240x32xbf16, #tpu.memory_space<vmem_shared>>
          tpu.enqueue_indirect_dma source(%arg8 : memref<80x32xbf16, #tpu.memory_space<vmem>>) target(%dma_start3A_172 : memref<10240x32xbf16, #tpu.memory_space<vmem_shared>>) offsets(%dma_start3A_169 : memref<80xi32, #tpu.memory_space<vmem>>) semaphore(%run_scoped3A : memref<!tpu.dma_semaphore, #tpu.memory_space<semaphore_mem>>) {add = true}
          %dma_wait3A_173 = arith.constant 0 : i32
          %dma_wait3A_174 = tpu.memref_slice %arg13[%add3A_94, %dma_wait3A_173] : memref<126x80xi32, #tpu.memory_space<vmem>> -> memref<1x80xi32, #tpu.memory_space<vmem>>
          %dma_wait3A_175 = tpu.memref_squeeze %dma_wait3A_174 : memref<1x80xi32, #tpu.memory_space<vmem>> -> memref<80xi32, #tpu.memory_space<vmem>>
          %dma_wait3A_176 = arith.constant 0 : i32
          %dma_wait3A_177 = arith.constant 0 : i32
          %dma_wait3A_178 = tpu.memref_slice %arg14[%dma_wait3A_176, %dma_wait3A_177] : memref<10240x32xbf16, #tpu.memory_space<vmem_shared>> -> memref<10240x32xbf16, #tpu.memory_space<vmem_shared>>
          tpu.wait_indirect_dma semaphore(%run_scoped3A : memref<!tpu.dma_semaphore, #tpu.memory_space<semaphore_mem>>) src(%arg8 : memref<80x32xbf16, #tpu.memory_space<vmem>>) dst(%dma_wait3A_178 : memref<10240x32xbf16, #tpu.memory_space<vmem_shared>>)
          tpu.yield
        }) : () -> ()
        %mul3A_110 = arith.constant 6 : i32
        %mul3A_111 = arith.muli %mul3A_110, %scan3A_55 : i32
        %add3A_112 = arith.constant 3 : i32
        %add3A_113 = arith.addi %mul3A_111, %add3A_112 : i32
        %dma_wait3A_114 = arith.constant 0 : i32
        %dma_wait3A_115 = tpu.memref_slice %arg12[%add3A_113, %dma_wait3A_114] : memref<126x80xi32, #tpu.memory_space<vmem>> -> memref<1x80xi32, #tpu.memory_space<vmem>>
        %dma_wait3A_116 = tpu.memref_squeeze %dma_wait3A_115 : memref<1x80xi32, #tpu.memory_space<vmem>> -> memref<80xi32, #tpu.memory_space<vmem>>
        %dma_wait3A_117 = arith.constant 0 : i32
        %dma_wait3A_118 = arith.constant 0 : i32
        %dma_wait3A_119 = tpu.memref_slice %arg2[%dma_wait3A_117, %dma_wait3A_118] : memref<10000x32xbf16, #tpu.memory_space<hbm>> -> memref<10000x32xbf16, #tpu.memory_space<hbm>>
        tpu.wait_indirect_dma semaphore(%arg18 : memref<!tpu.dma_semaphore, #tpu.memory_space<semaphore_mem>>) src(%dma_wait3A_119 : memref<10000x32xbf16, #tpu.memory_space<hbm>>) dst(%arg9 : memref<80x32xbf16, #tpu.memory_space<vmem>>)
        %add3A_120 = arith.constant 6 : i32
        %add3A_121 = arith.addi %add3A_113, %add3A_120 : i32
        %sub3A_122 = arith.constant 1 : i32
        %sub3A_123 = arith.subi %add3A_121, %sub3A_122 : i32
        %lt3A_124 = arith.constant 126 : i32
        %lt3A_125 = arith.cmpi slt, %sub3A_123, %lt3A_124 : i32
        %convert_element_type3A_126 = arith.extui %lt3A_125 : i1 to i32
        %cond3A_127 = arith.constant 0 : i32
        %cond3A_128 = arith.cmpi ne, %convert_element_type3A_126, %cond3A_127 : i32
        scf.if %cond3A_128 {
          %add3A_167 = arith.constant 6 : i32
          %add3A_168 = arith.addi %add3A_113, %add3A_167 : i32
          %sub3A_169 = arith.constant 1 : i32
          %sub3A_170 = arith.subi %add3A_168, %sub3A_169 : i32
          %dma_start3A_171 = arith.constant 0 : i32
          %dma_start3A_172 = tpu.memref_slice %arg12[%sub3A_170, %dma_start3A_171] : memref<126x80xi32, #tpu.memory_space<vmem>> -> memref<1x80xi32, #tpu.memory_space<vmem>>
          %dma_start3A_173 = tpu.memref_squeeze %dma_start3A_172 : memref<1x80xi32, #tpu.memory_space<vmem>> -> memref<80xi32, #tpu.memory_space<vmem>>
          %dma_start3A_174 = arith.constant 0 : i32
          %dma_start3A_175 = arith.constant 0 : i32
          %dma_start3A_176 = tpu.memref_slice %arg2[%dma_start3A_174, %dma_start3A_175] : memref<10000x32xbf16, #tpu.memory_space<hbm>> -> memref<10000x32xbf16, #tpu.memory_space<hbm>>
          tpu.enqueue_indirect_dma source(%dma_start3A_176 : memref<10000x32xbf16, #tpu.memory_space<hbm>>) target(%arg8 : memref<80x32xbf16, #tpu.memory_space<vmem>>) offsets(%dma_start3A_173 : memref<80xi32, #tpu.memory_space<vmem>>) semaphore(%arg17 : memref<!tpu.dma_semaphore, #tpu.memory_space<semaphore_mem>>)
        } else {
        }
        "tpu.region"() ({
          %run_scoped3A = tpu.sem_alloc : memref<!tpu.dma_semaphore, #tpu.memory_space<semaphore_mem>>
          %dma_start3A_167 = arith.constant 0 : i32
          %dma_start3A_168 = tpu.memref_slice %arg13[%add3A_113, %dma_start3A_167] : memref<126x80xi32, #tpu.memory_space<vmem>> -> memref<1x80xi32, #tpu.memory_space<vmem>>
          %dma_start3A_169 = tpu.memref_squeeze %dma_start3A_168 : memref<1x80xi32, #tpu.memory_space<vmem>> -> memref<80xi32, #tpu.memory_space<vmem>>
          %dma_start3A_170 = arith.constant 0 : i32
          %dma_start3A_171 = arith.constant 0 : i32
          %dma_start3A_172 = tpu.memref_slice %arg14[%dma_start3A_170, %dma_start3A_171] : memref<10240x32xbf16, #tpu.memory_space<vmem_shared>> -> memref<10240x32xbf16, #tpu.memory_space<vmem_shared>>
          tpu.enqueue_indirect_dma source(%arg9 : memref<80x32xbf16, #tpu.memory_space<vmem>>) target(%dma_start3A_172 : memref<10240x32xbf16, #tpu.memory_space<vmem_shared>>) offsets(%dma_start3A_169 : memref<80xi32, #tpu.memory_space<vmem>>) semaphore(%run_scoped3A : memref<!tpu.dma_semaphore, #tpu.memory_space<semaphore_mem>>) {add = true}
          %dma_wait3A_173 = arith.constant 0 : i32
          %dma_wait3A_174 = tpu.memref_slice %arg13[%add3A_113, %dma_wait3A_173] : memref<126x80xi32, #tpu.memory_space<vmem>> -> memref<1x80xi32, #tpu.memory_space<vmem>>
          %dma_wait3A_175 = tpu.memref_squeeze %dma_wait3A_174 : memref<1x80xi32, #tpu.memory_space<vmem>> -> memref<80xi32, #tpu.memory_space<vmem>>
          %dma_wait3A_176 = arith.constant 0 : i32
          %dma_wait3A_177 = arith.constant 0 : i32
          %dma_wait3A_178 = tpu.memref_slice %arg14[%dma_wait3A_176, %dma_wait3A_177] : memref<10240x32xbf16, #tpu.memory_space<vmem_shared>> -> memref<10240x32xbf16, #tpu.memory_space<vmem_shared>>
          tpu.wait_indirect_dma semaphore(%run_scoped3A : memref<!tpu.dma_semaphore, #tpu.memory_space<semaphore_mem>>) src(%arg9 : memref<80x32xbf16, #tpu.memory_space<vmem>>) dst(%dma_wait3A_178 : memref<10240x32xbf16, #tpu.memory_space<vmem_shared>>)
          tpu.yield
        }) : () -> ()
        %mul3A_129 = arith.constant 6 : i32
        %mul3A_130 = arith.muli %mul3A_129, %scan3A_55 : i32
        %add3A_131 = arith.constant 4 : i32
        %add3A_132 = arith.addi %mul3A_130, %add3A_131 : i32
        %dma_wait3A_133 = arith.constant 0 : i32
        %dma_wait3A_134 = tpu.memref_slice %arg12[%add3A_132, %dma_wait3A_133] : memref<126x80xi32, #tpu.memory_space<vmem>> -> memref<1x80xi32, #tpu.memory_space<vmem>>
        %dma_wait3A_135 = tpu.memref_squeeze %dma_wait3A_134 : memref<1x80xi32, #tpu.memory_space<vmem>> -> memref<80xi32, #tpu.memory_space<vmem>>
        %dma_wait3A_136 = arith.constant 0 : i32
        %dma_wait3A_137 = arith.constant 0 : i32
        %dma_wait3A_138 = tpu.memref_slice %arg2[%dma_wait3A_136, %dma_wait3A_137] : memref<10000x32xbf16, #tpu.memory_space<hbm>> -> memref<10000x32xbf16, #tpu.memory_space<hbm>>
        tpu.wait_indirect_dma semaphore(%arg19 : memref<!tpu.dma_semaphore, #tpu.memory_space<semaphore_mem>>) src(%dma_wait3A_138 : memref<10000x32xbf16, #tpu.memory_space<hbm>>) dst(%arg10 : memref<80x32xbf16, #tpu.memory_space<vmem>>)
        %add3A_139 = arith.constant 6 : i32
        %add3A_140 = arith.addi %add3A_132, %add3A_139 : i32
        %sub3A_141 = arith.constant 1 : i32
        %sub3A_142 = arith.subi %add3A_140, %sub3A_141 : i32
        %lt3A_143 = arith.constant 126 : i32
        %lt3A_144 = arith.cmpi slt, %sub3A_142, %lt3A_143 : i32
        %convert_element_type3A_145 = arith.extui %lt3A_144 : i1 to i32
        %cond3A_146 = arith.constant 0 : i32
        %cond3A_147 = arith.cmpi ne, %convert_element_type3A_145, %cond3A_146 : i32
        scf.if %cond3A_147 {
          %add3A_167 = arith.constant 6 : i32
          %add3A_168 = arith.addi %add3A_132, %add3A_167 : i32
          %sub3A_169 = arith.constant 1 : i32
          %sub3A_170 = arith.subi %add3A_168, %sub3A_169 : i32
          %dma_start3A_171 = arith.constant 0 : i32
          %dma_start3A_172 = tpu.memref_slice %arg12[%sub3A_170, %dma_start3A_171] : memref<126x80xi32, #tpu.memory_space<vmem>> -> memref<1x80xi32, #tpu.memory_space<vmem>>
          %dma_start3A_173 = tpu.memref_squeeze %dma_start3A_172 : memref<1x80xi32, #tpu.memory_space<vmem>> -> memref<80xi32, #tpu.memory_space<vmem>>
          %dma_start3A_174 = arith.constant 0 : i32
          %dma_start3A_175 = arith.constant 0 : i32
          %dma_start3A_176 = tpu.memref_slice %arg2[%dma_start3A_174, %dma_start3A_175] : memref<10000x32xbf16, #tpu.memory_space<hbm>> -> memref<10000x32xbf16, #tpu.memory_space<hbm>>
          tpu.enqueue_indirect_dma source(%dma_start3A_176 : memref<10000x32xbf16, #tpu.memory_space<hbm>>) target(%arg9 : memref<80x32xbf16, #tpu.memory_space<vmem>>) offsets(%dma_start3A_173 : memref<80xi32, #tpu.memory_space<vmem>>) semaphore(%arg18 : memref<!tpu.dma_semaphore, #tpu.memory_space<semaphore_mem>>)
        } else {
        }
        "tpu.region"() ({
          %run_scoped3A = tpu.sem_alloc : memref<!tpu.dma_semaphore, #tpu.memory_space<semaphore_mem>>
          %dma_start3A_167 = arith.constant 0 : i32
          %dma_start3A_168 = tpu.memref_slice %arg13[%add3A_132, %dma_start3A_167] : memref<126x80xi32, #tpu.memory_space<vmem>> -> memref<1x80xi32, #tpu.memory_space<vmem>>
          %dma_start3A_169 = tpu.memref_squeeze %dma_start3A_168 : memref<1x80xi32, #tpu.memory_space<vmem>> -> memref<80xi32, #tpu.memory_space<vmem>>
          %dma_start3A_170 = arith.constant 0 : i32
          %dma_start3A_171 = arith.constant 0 : i32
          %dma_start3A_172 = tpu.memref_slice %arg14[%dma_start3A_170, %dma_start3A_171] : memref<10240x32xbf16, #tpu.memory_space<vmem_shared>> -> memref<10240x32xbf16, #tpu.memory_space<vmem_shared>>
          tpu.enqueue_indirect_dma source(%arg10 : memref<80x32xbf16, #tpu.memory_space<vmem>>) target(%dma_start3A_172 : memref<10240x32xbf16, #tpu.memory_space<vmem_shared>>) offsets(%dma_start3A_169 : memref<80xi32, #tpu.memory_space<vmem>>) semaphore(%run_scoped3A : memref<!tpu.dma_semaphore, #tpu.memory_space<semaphore_mem>>) {add = true}
          %dma_wait3A_173 = arith.constant 0 : i32
          %dma_wait3A_174 = tpu.memref_slice %arg13[%add3A_132, %dma_wait3A_173] : memref<126x80xi32, #tpu.memory_space<vmem>> -> memref<1x80xi32, #tpu.memory_space<vmem>>
          %dma_wait3A_175 = tpu.memref_squeeze %dma_wait3A_174 : memref<1x80xi32, #tpu.memory_space<vmem>> -> memref<80xi32, #tpu.memory_space<vmem>>
          %dma_wait3A_176 = arith.constant 0 : i32
          %dma_wait3A_177 = arith.constant 0 : i32
          %dma_wait3A_178 = tpu.memref_slice %arg14[%dma_wait3A_176, %dma_wait3A_177] : memref<10240x32xbf16, #tpu.memory_space<vmem_shared>> -> memref<10240x32xbf16, #tpu.memory_space<vmem_shared>>
          tpu.wait_indirect_dma semaphore(%run_scoped3A : memref<!tpu.dma_semaphore, #tpu.memory_space<semaphore_mem>>) src(%arg10 : memref<80x32xbf16, #tpu.memory_space<vmem>>) dst(%dma_wait3A_178 : memref<10240x32xbf16, #tpu.memory_space<vmem_shared>>)
          tpu.yield
        }) : () -> ()
        %mul3A_148 = arith.constant 6 : i32
        %mul3A_149 = arith.muli %mul3A_148, %scan3A_55 : i32
        %add3A_150 = arith.constant 5 : i32
        %add3A_151 = arith.addi %mul3A_149, %add3A_150 : i32
        %dma_wait3A_152 = arith.constant 0 : i32
        %dma_wait3A_153 = tpu.memref_slice %arg12[%add3A_151, %dma_wait3A_152] : memref<126x80xi32, #tpu.memory_space<vmem>> -> memref<1x80xi32, #tpu.memory_space<vmem>>
        %dma_wait3A_154 = tpu.memref_squeeze %dma_wait3A_153 : memref<1x80xi32, #tpu.memory_space<vmem>> -> memref<80xi32, #tpu.memory_space<vmem>>
        %dma_wait3A_155 = arith.constant 0 : i32
        %dma_wait3A_156 = arith.constant 0 : i32
        %dma_wait3A_157 = tpu.memref_slice %arg2[%dma_wait3A_155, %dma_wait3A_156] : memref<10000x32xbf16, #tpu.memory_space<hbm>> -> memref<10000x32xbf16, #tpu.memory_space<hbm>>
        tpu.wait_indirect_dma semaphore(%arg20 : memref<!tpu.dma_semaphore, #tpu.memory_space<semaphore_mem>>) src(%dma_wait3A_157 : memref<10000x32xbf16, #tpu.memory_space<hbm>>) dst(%arg11 : memref<80x32xbf16, #tpu.memory_space<vmem>>)
        %add3A_158 = arith.constant 6 : i32
        %add3A_159 = arith.addi %add3A_151, %add3A_158 : i32
        %sub3A_160 = arith.constant 1 : i32
        %sub3A_161 = arith.subi %add3A_159, %sub3A_160 : i32
        %lt3A_162 = arith.constant 126 : i32
        %lt3A_163 = arith.cmpi slt, %sub3A_161, %lt3A_162 : i32
        %convert_element_type3A_164 = arith.extui %lt3A_163 : i1 to i32
        %cond3A_165 = arith.constant 0 : i32
        %cond3A_166 = arith.cmpi ne, %convert_element_type3A_164, %cond3A_165 : i32
        scf.if %cond3A_166 {
          %add3A_167 = arith.constant 6 : i32
          %add3A_168 = arith.addi %add3A_151, %add3A_167 : i32
          %sub3A_169 = arith.constant 1 : i32
          %sub3A_170 = arith.subi %add3A_168, %sub3A_169 : i32
          %dma_start3A_171 = arith.constant 0 : i32
          %dma_start3A_172 = tpu.memref_slice %arg12[%sub3A_170, %dma_start3A_171] : memref<126x80xi32, #tpu.memory_space<vmem>> -> memref<1x80xi32, #tpu.memory_space<vmem>>
          %dma_start3A_173 = tpu.memref_squeeze %dma_start3A_172 : memref<1x80xi32, #tpu.memory_space<vmem>> -> memref<80xi32, #tpu.memory_space<vmem>>
          %dma_start3A_174 = arith.constant 0 : i32
          %dma_start3A_175 = arith.constant 0 : i32
          %dma_start3A_176 = tpu.memref_slice %arg2[%dma_start3A_174, %dma_start3A_175] : memref<10000x32xbf16, #tpu.memory_space<hbm>> -> memref<10000x32xbf16, #tpu.memory_space<hbm>>
          tpu.enqueue_indirect_dma source(%dma_start3A_176 : memref<10000x32xbf16, #tpu.memory_space<hbm>>) target(%arg10 : memref<80x32xbf16, #tpu.memory_space<vmem>>) offsets(%dma_start3A_173 : memref<80xi32, #tpu.memory_space<vmem>>) semaphore(%arg19 : memref<!tpu.dma_semaphore, #tpu.memory_space<semaphore_mem>>)
        } else {
        }
        "tpu.region"() ({
          %run_scoped3A = tpu.sem_alloc : memref<!tpu.dma_semaphore, #tpu.memory_space<semaphore_mem>>
          %dma_start3A_167 = arith.constant 0 : i32
          %dma_start3A_168 = tpu.memref_slice %arg13[%add3A_151, %dma_start3A_167] : memref<126x80xi32, #tpu.memory_space<vmem>> -> memref<1x80xi32, #tpu.memory_space<vmem>>
          %dma_start3A_169 = tpu.memref_squeeze %dma_start3A_168 : memref<1x80xi32, #tpu.memory_space<vmem>> -> memref<80xi32, #tpu.memory_space<vmem>>
          %dma_start3A_170 = arith.constant 0 : i32
          %dma_start3A_171 = arith.constant 0 : i32
          %dma_start3A_172 = tpu.memref_slice %arg14[%dma_start3A_170, %dma_start3A_171] : memref<10240x32xbf16, #tpu.memory_space<vmem_shared>> -> memref<10240x32xbf16, #tpu.memory_space<vmem_shared>>
          tpu.enqueue_indirect_dma source(%arg11 : memref<80x32xbf16, #tpu.memory_space<vmem>>) target(%dma_start3A_172 : memref<10240x32xbf16, #tpu.memory_space<vmem_shared>>) offsets(%dma_start3A_169 : memref<80xi32, #tpu.memory_space<vmem>>) semaphore(%run_scoped3A : memref<!tpu.dma_semaphore, #tpu.memory_space<semaphore_mem>>) {add = true}
          %dma_wait3A_173 = arith.constant 0 : i32
          %dma_wait3A_174 = tpu.memref_slice %arg13[%add3A_151, %dma_wait3A_173] : memref<126x80xi32, #tpu.memory_space<vmem>> -> memref<1x80xi32, #tpu.memory_space<vmem>>
          %dma_wait3A_175 = tpu.memref_squeeze %dma_wait3A_174 : memref<1x80xi32, #tpu.memory_space<vmem>> -> memref<80xi32, #tpu.memory_space<vmem>>
          %dma_wait3A_176 = arith.constant 0 : i32
          %dma_wait3A_177 = arith.constant 0 : i32
          %dma_wait3A_178 = tpu.memref_slice %arg14[%dma_wait3A_176, %dma_wait3A_177] : memref<10240x32xbf16, #tpu.memory_space<vmem_shared>> -> memref<10240x32xbf16, #tpu.memory_space<vmem_shared>>
          tpu.wait_indirect_dma semaphore(%run_scoped3A : memref<!tpu.dma_semaphore, #tpu.memory_space<semaphore_mem>>) src(%arg11 : memref<80x32xbf16, #tpu.memory_space<vmem>>) dst(%dma_wait3A_178 : memref<10240x32xbf16, #tpu.memory_space<vmem_shared>>)
          tpu.yield
        }) : () -> ()
      }
      %scan3A_54 = arith.constant 21 : i32
    } else {
    }
    %eq3A_3 = arith.constant 1 : i32
    %eq3A_4 = arith.cmpi eq, %arg0, %eq3A_3 : i32
    %convert_element_type3A_5 = arith.extui %eq3A_4 : i1 to i32
    %cond3A_6 = arith.constant 0 : i32
    %cond3A_7 = arith.cmpi ne, %convert_element_type3A_5, %cond3A_6 : i32
    scf.if %cond3A_7 {
      %mul3A_13 = arith.constant 124 : i32
      %mul3A_14 = arith.muli %arg1, %mul3A_13 : i32
      %add3A = arith.constant 2016 : i32
      %add3A_15 = arith.addi %add3A, %mul3A_14 : i32
      "tpu.region"() ({
        %run_scoped3A_87 = tpu.sem_alloc : memref<!tpu.dma_semaphore, #tpu.memory_space<semaphore_mem>>
        %dma_start3A_88 = arith.constant 0 : i32
        %dma_start3A_89 = arith.constant 0 : i32
        %dma_start3A_90 = tpu.memref_slice %arg12[%dma_start3A_88, %dma_start3A_89] : memref<126x80xi32, #tpu.memory_space<vmem>> -> memref<124x80xi32, #tpu.memory_space<vmem>>
        %dma_start3A_91 = arith.constant 0 : i32
        %dma_start3A_92 = tpu.memref_slice %arg3[%add3A_15, %dma_start3A_91] : memref<8000x80xi32, #tpu.memory_space<hbm>> -> memref<124x80xi32, #tpu.memory_space<hbm>>
        %dma_start3A_93 = arith.constant 0 : i32
        %dma_start3A_94 = arith.constant 0 : i32
        %dma_start3A_95 = tpu.memref_slice %arg12[%dma_start3A_93, %dma_start3A_94] : memref<126x80xi32, #tpu.memory_space<vmem>> -> memref<124x80xi32, #tpu.memory_space<vmem>>
        %dma_start3A_96 = arith.constant 0 : i32
        %dma_start3A_97 = tpu.memref_slice %arg3[%add3A_15, %dma_start3A_96] : memref<8000x80xi32, #tpu.memory_space<hbm>> -> memref<124x80xi32, #tpu.memory_space<hbm>>
        tpu.enqueue_dma source(%dma_start3A_97 : memref<124x80xi32, #tpu.memory_space<hbm>>) target(%dma_start3A_95 : memref<124x80xi32, #tpu.memory_space<vmem>>) target_semaphore(%run_scoped3A_87 : memref<!tpu.dma_semaphore, #tpu.memory_space<semaphore_mem>>)
        %dma_wait3A_98 = arith.constant 0 : i32
        %dma_wait3A_99 = arith.constant 0 : i32
        %dma_wait3A_100 = tpu.memref_slice %arg12[%dma_wait3A_98, %dma_wait3A_99] : memref<126x80xi32, #tpu.memory_space<vmem>> -> memref<124x80xi32, #tpu.memory_space<vmem>>
        %dma_wait3A_101 = arith.constant 0 : i32
        %dma_wait3A_102 = tpu.memref_slice %arg3[%add3A_15, %dma_wait3A_101] : memref<8000x80xi32, #tpu.memory_space<hbm>> -> memref<124x80xi32, #tpu.memory_space<hbm>>
        %dma_wait3A_103 = arith.constant 0 : i32
        %dma_wait3A_104 = arith.constant 0 : i32
        %dma_wait3A_105 = tpu.memref_slice %arg12[%dma_wait3A_103, %dma_wait3A_104] : memref<126x80xi32, #tpu.memory_space<vmem>> -> memref<124x80xi32, #tpu.memory_space<vmem>>
        %dma_wait3A_106 = arith.constant 0 : i32
        %dma_wait3A_107 = tpu.memref_slice %arg3[%add3A_15, %dma_wait3A_106] : memref<8000x80xi32, #tpu.memory_space<hbm>> -> memref<124x80xi32, #tpu.memory_space<hbm>>
        tpu.wait_dma2 semaphore(%run_scoped3A_87 : memref<!tpu.dma_semaphore, #tpu.memory_space<semaphore_mem>>) src(%dma_wait3A_107 : memref<124x80xi32, #tpu.memory_space<hbm>>) dst(%dma_wait3A_105 : memref<124x80xi32, #tpu.memory_space<vmem>>)
        tpu.yield
      }) : () -> ()
      %add3A_16 = arith.constant 4000 : i32
      %add3A_17 = arith.addi %add3A_16, %add3A_15 : i32
      "tpu.region"() ({
        %run_scoped3A_87 = tpu.sem_alloc : memref<!tpu.dma_semaphore, #tpu.memory_space<semaphore_mem>>
        %dma_start3A_88 = arith.constant 0 : i32
        %dma_start3A_89 = arith.constant 0 : i32
        %dma_start3A_90 = tpu.memref_slice %arg13[%dma_start3A_88, %dma_start3A_89] : memref<126x80xi32, #tpu.memory_space<vmem>> -> memref<124x80xi32, #tpu.memory_space<vmem>>
        %dma_start3A_91 = arith.constant 0 : i32
        %dma_start3A_92 = tpu.memref_slice %arg3[%add3A_17, %dma_start3A_91] : memref<8000x80xi32, #tpu.memory_space<hbm>> -> memref<124x80xi32, #tpu.memory_space<hbm>>
        %dma_start3A_93 = arith.constant 0 : i32
        %dma_start3A_94 = arith.constant 0 : i32
        %dma_start3A_95 = tpu.memref_slice %arg13[%dma_start3A_93, %dma_start3A_94] : memref<126x80xi32, #tpu.memory_space<vmem>> -> memref<124x80xi32, #tpu.memory_space<vmem>>
        %dma_start3A_96 = arith.constant 0 : i32
        %dma_start3A_97 = tpu.memref_slice %arg3[%add3A_17, %dma_start3A_96] : memref<8000x80xi32, #tpu.memory_space<hbm>> -> memref<124x80xi32, #tpu.memory_space<hbm>>
        tpu.enqueue_dma source(%dma_start3A_97 : memref<124x80xi32, #tpu.memory_space<hbm>>) target(%dma_start3A_95 : memref<124x80xi32, #tpu.memory_space<vmem>>) target_semaphore(%run_scoped3A_87 : memref<!tpu.dma_semaphore, #tpu.memory_space<semaphore_mem>>)
        %dma_wait3A_98 = arith.constant 0 : i32
        %dma_wait3A_99 = arith.constant 0 : i32
        %dma_wait3A_100 = tpu.memref_slice %arg13[%dma_wait3A_98, %dma_wait3A_99] : memref<126x80xi32, #tpu.memory_space<vmem>> -> memref<124x80xi32, #tpu.memory_space<vmem>>
        %dma_wait3A_101 = arith.constant 0 : i32
        %dma_wait3A_102 = tpu.memref_slice %arg3[%add3A_17, %dma_wait3A_101] : memref<8000x80xi32, #tpu.memory_space<hbm>> -> memref<124x80xi32, #tpu.memory_space<hbm>>
        %dma_wait3A_103 = arith.constant 0 : i32
        %dma_wait3A_104 = arith.constant 0 : i32
        %dma_wait3A_105 = tpu.memref_slice %arg13[%dma_wait3A_103, %dma_wait3A_104] : memref<126x80xi32, #tpu.memory_space<vmem>> -> memref<124x80xi32, #tpu.memory_space<vmem>>
        %dma_wait3A_106 = arith.constant 0 : i32
        %dma_wait3A_107 = tpu.memref_slice %arg3[%add3A_17, %dma_wait3A_106] : memref<8000x80xi32, #tpu.memory_space<hbm>> -> memref<124x80xi32, #tpu.memory_space<hbm>>
        tpu.wait_dma2 semaphore(%run_scoped3A_87 : memref<!tpu.dma_semaphore, #tpu.memory_space<semaphore_mem>>) src(%dma_wait3A_107 : memref<124x80xi32, #tpu.memory_space<hbm>>) dst(%dma_wait3A_105 : memref<124x80xi32, #tpu.memory_space<vmem>>)
        tpu.yield
      }) : () -> ()
      %dma_start3A = arith.constant 0 : i32
      %dma_start3A_18 = arith.constant 0 : i32
      %dma_start3A_19 = tpu.memref_slice %arg12[%dma_start3A, %dma_start3A_18] : memref<126x80xi32, #tpu.memory_space<vmem>> -> memref<1x80xi32, #tpu.memory_space<vmem>>
      %dma_start3A_20 = tpu.memref_squeeze %dma_start3A_19 : memref<1x80xi32, #tpu.memory_space<vmem>> -> memref<80xi32, #tpu.memory_space<vmem>>
      %dma_start3A_21 = arith.constant 0 : i32
      %dma_start3A_22 = arith.constant 0 : i32
      %dma_start3A_23 = tpu.memref_slice %arg2[%dma_start3A_21, %dma_start3A_22] : memref<10000x32xbf16, #tpu.memory_space<hbm>> -> memref<10000x32xbf16, #tpu.memory_space<hbm>>
      tpu.enqueue_indirect_dma source(%dma_start3A_23 : memref<10000x32xbf16, #tpu.memory_space<hbm>>) target(%arg6 : memref<80x32xbf16, #tpu.memory_space<vmem>>) offsets(%dma_start3A_20 : memref<80xi32, #tpu.memory_space<vmem>>) semaphore(%arg15 : memref<!tpu.dma_semaphore, #tpu.memory_space<semaphore_mem>>)
      %dma_start3A_24 = arith.constant 1 : i32
      %dma_start3A_25 = arith.constant 0 : i32
      %dma_start3A_26 = tpu.memref_slice %arg12[%dma_start3A_24, %dma_start3A_25] : memref<126x80xi32, #tpu.memory_space<vmem>> -> memref<1x80xi32, #tpu.memory_space<vmem>>
      %dma_start3A_27 = tpu.memref_squeeze %dma_start3A_26 : memref<1x80xi32, #tpu.memory_space<vmem>> -> memref<80xi32, #tpu.memory_space<vmem>>
      %dma_start3A_28 = arith.constant 0 : i32
      %dma_start3A_29 = arith.constant 0 : i32
      %dma_start3A_30 = tpu.memref_slice %arg2[%dma_start3A_28, %dma_start3A_29] : memref<10000x32xbf16, #tpu.memory_space<hbm>> -> memref<10000x32xbf16, #tpu.memory_space<hbm>>
      tpu.enqueue_indirect_dma source(%dma_start3A_30 : memref<10000x32xbf16, #tpu.memory_space<hbm>>) target(%arg7 : memref<80x32xbf16, #tpu.memory_space<vmem>>) offsets(%dma_start3A_27 : memref<80xi32, #tpu.memory_space<vmem>>) semaphore(%arg16 : memref<!tpu.dma_semaphore, #tpu.memory_space<semaphore_mem>>)
      %dma_start3A_31 = arith.constant 2 : i32
      %dma_start3A_32 = arith.constant 0 : i32
      %dma_start3A_33 = tpu.memref_slice %arg12[%dma_start3A_31, %dma_start3A_32] : memref<126x80xi32, #tpu.memory_space<vmem>> -> memref<1x80xi32, #tpu.memory_space<vmem>>
      %dma_start3A_34 = tpu.memref_squeeze %dma_start3A_33 : memref<1x80xi32, #tpu.memory_space<vmem>> -> memref<80xi32, #tpu.memory_space<vmem>>
      %dma_start3A_35 = arith.constant 0 : i32
      %dma_start3A_36 = arith.constant 0 : i32
      %dma_start3A_37 = tpu.memref_slice %arg2[%dma_start3A_35, %dma_start3A_36] : memref<10000x32xbf16, #tpu.memory_space<hbm>> -> memref<10000x32xbf16, #tpu.memory_space<hbm>>
      tpu.enqueue_indirect_dma source(%dma_start3A_37 : memref<10000x32xbf16, #tpu.memory_space<hbm>>) target(%arg8 : memref<80x32xbf16, #tpu.memory_space<vmem>>) offsets(%dma_start3A_34 : memref<80xi32, #tpu.memory_space<vmem>>) semaphore(%arg17 : memref<!tpu.dma_semaphore, #tpu.memory_space<semaphore_mem>>)
      %dma_start3A_38 = arith.constant 3 : i32
      %dma_start3A_39 = arith.constant 0 : i32
      %dma_start3A_40 = tpu.memref_slice %arg12[%dma_start3A_38, %dma_start3A_39] : memref<126x80xi32, #tpu.memory_space<vmem>> -> memref<1x80xi32, #tpu.memory_space<vmem>>
      %dma_start3A_41 = tpu.memref_squeeze %dma_start3A_40 : memref<1x80xi32, #tpu.memory_space<vmem>> -> memref<80xi32, #tpu.memory_space<vmem>>
      %dma_start3A_42 = arith.constant 0 : i32
      %dma_start3A_43 = arith.constant 0 : i32
      %dma_start3A_44 = tpu.memref_slice %arg2[%dma_start3A_42, %dma_start3A_43] : memref<10000x32xbf16, #tpu.memory_space<hbm>> -> memref<10000x32xbf16, #tpu.memory_space<hbm>>
      tpu.enqueue_indirect_dma source(%dma_start3A_44 : memref<10000x32xbf16, #tpu.memory_space<hbm>>) target(%arg9 : memref<80x32xbf16, #tpu.memory_space<vmem>>) offsets(%dma_start3A_41 : memref<80xi32, #tpu.memory_space<vmem>>) semaphore(%arg18 : memref<!tpu.dma_semaphore, #tpu.memory_space<semaphore_mem>>)
      %dma_start3A_45 = arith.constant 4 : i32
      %dma_start3A_46 = arith.constant 0 : i32
      %dma_start3A_47 = tpu.memref_slice %arg12[%dma_start3A_45, %dma_start3A_46] : memref<126x80xi32, #tpu.memory_space<vmem>> -> memref<1x80xi32, #tpu.memory_space<vmem>>
      %dma_start3A_48 = tpu.memref_squeeze %dma_start3A_47 : memref<1x80xi32, #tpu.memory_space<vmem>> -> memref<80xi32, #tpu.memory_space<vmem>>
      %dma_start3A_49 = arith.constant 0 : i32
      %dma_start3A_50 = arith.constant 0 : i32
      %dma_start3A_51 = tpu.memref_slice %arg2[%dma_start3A_49, %dma_start3A_50] : memref<10000x32xbf16, #tpu.memory_space<hbm>> -> memref<10000x32xbf16, #tpu.memory_space<hbm>>
      tpu.enqueue_indirect_dma source(%dma_start3A_51 : memref<10000x32xbf16, #tpu.memory_space<hbm>>) target(%arg10 : memref<80x32xbf16, #tpu.memory_space<vmem>>) offsets(%dma_start3A_48 : memref<80xi32, #tpu.memory_space<vmem>>) semaphore(%arg19 : memref<!tpu.dma_semaphore, #tpu.memory_space<semaphore_mem>>)
      %scan3A = arith.constant 0 : i32
      %scan3A_52 = arith.constant 0 : i32
      %scan3A_53 = arith.constant 20 : i32
      %scan3A_54 = arith.addi %scan3A_52, %scan3A_53 : i32
      %scan3A_55 = arith.constant 1 : i32
      scf.for %scan3A_87 = %scan3A_52 to %scan3A_54 step %scan3A_55  : i32 {
        %mul3A_88 = arith.constant 6 : i32
        %mul3A_89 = arith.muli %mul3A_88, %scan3A_87 : i32
        %add3A_90 = arith.constant 0 : i32
        %add3A_91 = arith.addi %mul3A_89, %add3A_90 : i32
        %dma_wait3A_92 = arith.constant 0 : i32
        %dma_wait3A_93 = tpu.memref_slice %arg12[%add3A_91, %dma_wait3A_92] : memref<126x80xi32, #tpu.memory_space<vmem>> -> memref<1x80xi32, #tpu.memory_space<vmem>>
        %dma_wait3A_94 = tpu.memref_squeeze %dma_wait3A_93 : memref<1x80xi32, #tpu.memory_space<vmem>> -> memref<80xi32, #tpu.memory_space<vmem>>
        %dma_wait3A_95 = arith.constant 0 : i32
        %dma_wait3A_96 = arith.constant 0 : i32
        %dma_wait3A_97 = tpu.memref_slice %arg2[%dma_wait3A_95, %dma_wait3A_96] : memref<10000x32xbf16, #tpu.memory_space<hbm>> -> memref<10000x32xbf16, #tpu.memory_space<hbm>>
        tpu.wait_indirect_dma semaphore(%arg15 : memref<!tpu.dma_semaphore, #tpu.memory_space<semaphore_mem>>) src(%dma_wait3A_97 : memref<10000x32xbf16, #tpu.memory_space<hbm>>) dst(%arg6 : memref<80x32xbf16, #tpu.memory_space<vmem>>)
        %add3A_98 = arith.constant 6 : i32
        %add3A_99 = arith.addi %add3A_91, %add3A_98 : i32
        %sub3A = arith.constant 1 : i32
        %sub3A_100 = arith.subi %add3A_99, %sub3A : i32
        %lt3A = arith.constant 124 : i32
        %lt3A_101 = arith.cmpi slt, %sub3A_100, %lt3A : i32
        %convert_element_type3A_102 = arith.extui %lt3A_101 : i1 to i32
        %cond3A_103 = arith.constant 0 : i32
        %cond3A_104 = arith.cmpi ne, %convert_element_type3A_102, %cond3A_103 : i32
        scf.if %cond3A_104 {
          %add3A_200 = arith.constant 6 : i32
          %add3A_201 = arith.addi %add3A_91, %add3A_200 : i32
          %sub3A_202 = arith.constant 1 : i32
          %sub3A_203 = arith.subi %add3A_201, %sub3A_202 : i32
          %dma_start3A_204 = arith.constant 0 : i32
          %dma_start3A_205 = tpu.memref_slice %arg12[%sub3A_203, %dma_start3A_204] : memref<126x80xi32, #tpu.memory_space<vmem>> -> memref<1x80xi32, #tpu.memory_space<vmem>>
          %dma_start3A_206 = tpu.memref_squeeze %dma_start3A_205 : memref<1x80xi32, #tpu.memory_space<vmem>> -> memref<80xi32, #tpu.memory_space<vmem>>
          %dma_start3A_207 = arith.constant 0 : i32
          %dma_start3A_208 = arith.constant 0 : i32
          %dma_start3A_209 = tpu.memref_slice %arg2[%dma_start3A_207, %dma_start3A_208] : memref<10000x32xbf16, #tpu.memory_space<hbm>> -> memref<10000x32xbf16, #tpu.memory_space<hbm>>
          tpu.enqueue_indirect_dma source(%dma_start3A_209 : memref<10000x32xbf16, #tpu.memory_space<hbm>>) target(%arg11 : memref<80x32xbf16, #tpu.memory_space<vmem>>) offsets(%dma_start3A_206 : memref<80xi32, #tpu.memory_space<vmem>>) semaphore(%arg20 : memref<!tpu.dma_semaphore, #tpu.memory_space<semaphore_mem>>)
        } else {
        }
        "tpu.region"() ({
          %run_scoped3A_200 = tpu.sem_alloc : memref<!tpu.dma_semaphore, #tpu.memory_space<semaphore_mem>>
          %dma_start3A_201 = arith.constant 0 : i32
          %dma_start3A_202 = tpu.memref_slice %arg13[%add3A_91, %dma_start3A_201] : memref<126x80xi32, #tpu.memory_space<vmem>> -> memref<1x80xi32, #tpu.memory_space<vmem>>
          %dma_start3A_203 = tpu.memref_squeeze %dma_start3A_202 : memref<1x80xi32, #tpu.memory_space<vmem>> -> memref<80xi32, #tpu.memory_space<vmem>>
          %dma_start3A_204 = arith.constant 0 : i32
          %dma_start3A_205 = arith.constant 0 : i32
          %dma_start3A_206 = tpu.memref_slice %arg14[%dma_start3A_204, %dma_start3A_205] : memref<10240x32xbf16, #tpu.memory_space<vmem_shared>> -> memref<10240x32xbf16, #tpu.memory_space<vmem_shared>>
          tpu.enqueue_indirect_dma source(%arg6 : memref<80x32xbf16, #tpu.memory_space<vmem>>) target(%dma_start3A_206 : memref<10240x32xbf16, #tpu.memory_space<vmem_shared>>) offsets(%dma_start3A_203 : memref<80xi32, #tpu.memory_space<vmem>>) semaphore(%run_scoped3A_200 : memref<!tpu.dma_semaphore, #tpu.memory_space<semaphore_mem>>) {add = true}
          %dma_wait3A_207 = arith.constant 0 : i32
          %dma_wait3A_208 = tpu.memref_slice %arg13[%add3A_91, %dma_wait3A_207] : memref<126x80xi32, #tpu.memory_space<vmem>> -> memref<1x80xi32, #tpu.memory_space<vmem>>
          %dma_wait3A_209 = tpu.memref_squeeze %dma_wait3A_208 : memref<1x80xi32, #tpu.memory_space<vmem>> -> memref<80xi32, #tpu.memory_space<vmem>>
          %dma_wait3A_210 = arith.constant 0 : i32
          %dma_wait3A_211 = arith.constant 0 : i32
          %dma_wait3A_212 = tpu.memref_slice %arg14[%dma_wait3A_210, %dma_wait3A_211] : memref<10240x32xbf16, #tpu.memory_space<vmem_shared>> -> memref<10240x32xbf16, #tpu.memory_space<vmem_shared>>
          tpu.wait_indirect_dma semaphore(%run_scoped3A_200 : memref<!tpu.dma_semaphore, #tpu.memory_space<semaphore_mem>>) src(%arg6 : memref<80x32xbf16, #tpu.memory_space<vmem>>) dst(%dma_wait3A_212 : memref<10240x32xbf16, #tpu.memory_space<vmem_shared>>)
          tpu.yield
        }) : () -> ()
        %mul3A_105 = arith.constant 6 : i32
        %mul3A_106 = arith.muli %mul3A_105, %scan3A_87 : i32
        %add3A_107 = arith.constant 1 : i32
        %add3A_108 = arith.addi %mul3A_106, %add3A_107 : i32
        %dma_wait3A_109 = arith.constant 0 : i32
        %dma_wait3A_110 = tpu.memref_slice %arg12[%add3A_108, %dma_wait3A_109] : memref<126x80xi32, #tpu.memory_space<vmem>> -> memref<1x80xi32, #tpu.memory_space<vmem>>
        %dma_wait3A_111 = tpu.memref_squeeze %dma_wait3A_110 : memref<1x80xi32, #tpu.memory_space<vmem>> -> memref<80xi32, #tpu.memory_space<vmem>>
        %dma_wait3A_112 = arith.constant 0 : i32
        %dma_wait3A_113 = arith.constant 0 : i32
        %dma_wait3A_114 = tpu.memref_slice %arg2[%dma_wait3A_112, %dma_wait3A_113] : memref<10000x32xbf16, #tpu.memory_space<hbm>> -> memref<10000x32xbf16, #tpu.memory_space<hbm>>
        tpu.wait_indirect_dma semaphore(%arg16 : memref<!tpu.dma_semaphore, #tpu.memory_space<semaphore_mem>>) src(%dma_wait3A_114 : memref<10000x32xbf16, #tpu.memory_space<hbm>>) dst(%arg7 : memref<80x32xbf16, #tpu.memory_space<vmem>>)
        %add3A_115 = arith.constant 6 : i32
        %add3A_116 = arith.addi %add3A_108, %add3A_115 : i32
        %sub3A_117 = arith.constant 1 : i32
        %sub3A_118 = arith.subi %add3A_116, %sub3A_117 : i32
        %lt3A_119 = arith.constant 124 : i32
        %lt3A_120 = arith.cmpi slt, %sub3A_118, %lt3A_119 : i32
        %convert_element_type3A_121 = arith.extui %lt3A_120 : i1 to i32
        %cond3A_122 = arith.constant 0 : i32
        %cond3A_123 = arith.cmpi ne, %convert_element_type3A_121, %cond3A_122 : i32
        scf.if %cond3A_123 {
          %add3A_200 = arith.constant 6 : i32
          %add3A_201 = arith.addi %add3A_108, %add3A_200 : i32
          %sub3A_202 = arith.constant 1 : i32
          %sub3A_203 = arith.subi %add3A_201, %sub3A_202 : i32
          %dma_start3A_204 = arith.constant 0 : i32
          %dma_start3A_205 = tpu.memref_slice %arg12[%sub3A_203, %dma_start3A_204] : memref<126x80xi32, #tpu.memory_space<vmem>> -> memref<1x80xi32, #tpu.memory_space<vmem>>
          %dma_start3A_206 = tpu.memref_squeeze %dma_start3A_205 : memref<1x80xi32, #tpu.memory_space<vmem>> -> memref<80xi32, #tpu.memory_space<vmem>>
          %dma_start3A_207 = arith.constant 0 : i32
          %dma_start3A_208 = arith.constant 0 : i32
          %dma_start3A_209 = tpu.memref_slice %arg2[%dma_start3A_207, %dma_start3A_208] : memref<10000x32xbf16, #tpu.memory_space<hbm>> -> memref<10000x32xbf16, #tpu.memory_space<hbm>>
          tpu.enqueue_indirect_dma source(%dma_start3A_209 : memref<10000x32xbf16, #tpu.memory_space<hbm>>) target(%arg6 : memref<80x32xbf16, #tpu.memory_space<vmem>>) offsets(%dma_start3A_206 : memref<80xi32, #tpu.memory_space<vmem>>) semaphore(%arg15 : memref<!tpu.dma_semaphore, #tpu.memory_space<semaphore_mem>>)
        } else {
        }
        "tpu.region"() ({
          %run_scoped3A_200 = tpu.sem_alloc : memref<!tpu.dma_semaphore, #tpu.memory_space<semaphore_mem>>
          %dma_start3A_201 = arith.constant 0 : i32
          %dma_start3A_202 = tpu.memref_slice %arg13[%add3A_108, %dma_start3A_201] : memref<126x80xi32, #tpu.memory_space<vmem>> -> memref<1x80xi32, #tpu.memory_space<vmem>>
          %dma_start3A_203 = tpu.memref_squeeze %dma_start3A_202 : memref<1x80xi32, #tpu.memory_space<vmem>> -> memref<80xi32, #tpu.memory_space<vmem>>
          %dma_start3A_204 = arith.constant 0 : i32
          %dma_start3A_205 = arith.constant 0 : i32
          %dma_start3A_206 = tpu.memref_slice %arg14[%dma_start3A_204, %dma_start3A_205] : memref<10240x32xbf16, #tpu.memory_space<vmem_shared>> -> memref<10240x32xbf16, #tpu.memory_space<vmem_shared>>
          tpu.enqueue_indirect_dma source(%arg7 : memref<80x32xbf16, #tpu.memory_space<vmem>>) target(%dma_start3A_206 : memref<10240x32xbf16, #tpu.memory_space<vmem_shared>>) offsets(%dma_start3A_203 : memref<80xi32, #tpu.memory_space<vmem>>) semaphore(%run_scoped3A_200 : memref<!tpu.dma_semaphore, #tpu.memory_space<semaphore_mem>>) {add = true}
          %dma_wait3A_207 = arith.constant 0 : i32
          %dma_wait3A_208 = tpu.memref_slice %arg13[%add3A_108, %dma_wait3A_207] : memref<126x80xi32, #tpu.memory_space<vmem>> -> memref<1x80xi32, #tpu.memory_space<vmem>>
          %dma_wait3A_209 = tpu.memref_squeeze %dma_wait3A_208 : memref<1x80xi32, #tpu.memory_space<vmem>> -> memref<80xi32, #tpu.memory_space<vmem>>
          %dma_wait3A_210 = arith.constant 0 : i32
          %dma_wait3A_211 = arith.constant 0 : i32
          %dma_wait3A_212 = tpu.memref_slice %arg14[%dma_wait3A_210, %dma_wait3A_211] : memref<10240x32xbf16, #tpu.memory_space<vmem_shared>> -> memref<10240x32xbf16, #tpu.memory_space<vmem_shared>>
          tpu.wait_indirect_dma semaphore(%run_scoped3A_200 : memref<!tpu.dma_semaphore, #tpu.memory_space<semaphore_mem>>) src(%arg7 : memref<80x32xbf16, #tpu.memory_space<vmem>>) dst(%dma_wait3A_212 : memref<10240x32xbf16, #tpu.memory_space<vmem_shared>>)
          tpu.yield
        }) : () -> ()
        %mul3A_124 = arith.constant 6 : i32
        %mul3A_125 = arith.muli %mul3A_124, %scan3A_87 : i32
        %add3A_126 = arith.constant 2 : i32
        %add3A_127 = arith.addi %mul3A_125, %add3A_126 : i32
        %dma_wait3A_128 = arith.constant 0 : i32
        %dma_wait3A_129 = tpu.memref_slice %arg12[%add3A_127, %dma_wait3A_128] : memref<126x80xi32, #tpu.memory_space<vmem>> -> memref<1x80xi32, #tpu.memory_space<vmem>>
        %dma_wait3A_130 = tpu.memref_squeeze %dma_wait3A_129 : memref<1x80xi32, #tpu.memory_space<vmem>> -> memref<80xi32, #tpu.memory_space<vmem>>
        %dma_wait3A_131 = arith.constant 0 : i32
        %dma_wait3A_132 = arith.constant 0 : i32
        %dma_wait3A_133 = tpu.memref_slice %arg2[%dma_wait3A_131, %dma_wait3A_132] : memref<10000x32xbf16, #tpu.memory_space<hbm>> -> memref<10000x32xbf16, #tpu.memory_space<hbm>>
        tpu.wait_indirect_dma semaphore(%arg17 : memref<!tpu.dma_semaphore, #tpu.memory_space<semaphore_mem>>) src(%dma_wait3A_133 : memref<10000x32xbf16, #tpu.memory_space<hbm>>) dst(%arg8 : memref<80x32xbf16, #tpu.memory_space<vmem>>)
        %add3A_134 = arith.constant 6 : i32
        %add3A_135 = arith.addi %add3A_127, %add3A_134 : i32
        %sub3A_136 = arith.constant 1 : i32
        %sub3A_137 = arith.subi %add3A_135, %sub3A_136 : i32
        %lt3A_138 = arith.constant 124 : i32
        %lt3A_139 = arith.cmpi slt, %sub3A_137, %lt3A_138 : i32
        %convert_element_type3A_140 = arith.extui %lt3A_139 : i1 to i32
        %cond3A_141 = arith.constant 0 : i32
        %cond3A_142 = arith.cmpi ne, %convert_element_type3A_140, %cond3A_141 : i32
        scf.if %cond3A_142 {
          %add3A_200 = arith.constant 6 : i32
          %add3A_201 = arith.addi %add3A_127, %add3A_200 : i32
          %sub3A_202 = arith.constant 1 : i32
          %sub3A_203 = arith.subi %add3A_201, %sub3A_202 : i32
          %dma_start3A_204 = arith.constant 0 : i32
          %dma_start3A_205 = tpu.memref_slice %arg12[%sub3A_203, %dma_start3A_204] : memref<126x80xi32, #tpu.memory_space<vmem>> -> memref<1x80xi32, #tpu.memory_space<vmem>>
          %dma_start3A_206 = tpu.memref_squeeze %dma_start3A_205 : memref<1x80xi32, #tpu.memory_space<vmem>> -> memref<80xi32, #tpu.memory_space<vmem>>
          %dma_start3A_207 = arith.constant 0 : i32
          %dma_start3A_208 = arith.constant 0 : i32
          %dma_start3A_209 = tpu.memref_slice %arg2[%dma_start3A_207, %dma_start3A_208] : memref<10000x32xbf16, #tpu.memory_space<hbm>> -> memref<10000x32xbf16, #tpu.memory_space<hbm>>
          tpu.enqueue_indirect_dma source(%dma_start3A_209 : memref<10000x32xbf16, #tpu.memory_space<hbm>>) target(%arg7 : memref<80x32xbf16, #tpu.memory_space<vmem>>) offsets(%dma_start3A_206 : memref<80xi32, #tpu.memory_space<vmem>>) semaphore(%arg16 : memref<!tpu.dma_semaphore, #tpu.memory_space<semaphore_mem>>)
        } else {
        }
        "tpu.region"() ({
          %run_scoped3A_200 = tpu.sem_alloc : memref<!tpu.dma_semaphore, #tpu.memory_space<semaphore_mem>>
          %dma_start3A_201 = arith.constant 0 : i32
          %dma_start3A_202 = tpu.memref_slice %arg13[%add3A_127, %dma_start3A_201] : memref<126x80xi32, #tpu.memory_space<vmem>> -> memref<1x80xi32, #tpu.memory_space<vmem>>
          %dma_start3A_203 = tpu.memref_squeeze %dma_start3A_202 : memref<1x80xi32, #tpu.memory_space<vmem>> -> memref<80xi32, #tpu.memory_space<vmem>>
          %dma_start3A_204 = arith.constant 0 : i32
          %dma_start3A_205 = arith.constant 0 : i32
          %dma_start3A_206 = tpu.memref_slice %arg14[%dma_start3A_204, %dma_start3A_205] : memref<10240x32xbf16, #tpu.memory_space<vmem_shared>> -> memref<10240x32xbf16, #tpu.memory_space<vmem_shared>>
          tpu.enqueue_indirect_dma source(%arg8 : memref<80x32xbf16, #tpu.memory_space<vmem>>) target(%dma_start3A_206 : memref<10240x32xbf16, #tpu.memory_space<vmem_shared>>) offsets(%dma_start3A_203 : memref<80xi32, #tpu.memory_space<vmem>>) semaphore(%run_scoped3A_200 : memref<!tpu.dma_semaphore, #tpu.memory_space<semaphore_mem>>) {add = true}
          %dma_wait3A_207 = arith.constant 0 : i32
          %dma_wait3A_208 = tpu.memref_slice %arg13[%add3A_127, %dma_wait3A_207] : memref<126x80xi32, #tpu.memory_space<vmem>> -> memref<1x80xi32, #tpu.memory_space<vmem>>
          %dma_wait3A_209 = tpu.memref_squeeze %dma_wait3A_208 : memref<1x80xi32, #tpu.memory_space<vmem>> -> memref<80xi32, #tpu.memory_space<vmem>>
          %dma_wait3A_210 = arith.constant 0 : i32
          %dma_wait3A_211 = arith.constant 0 : i32
          %dma_wait3A_212 = tpu.memref_slice %arg14[%dma_wait3A_210, %dma_wait3A_211] : memref<10240x32xbf16, #tpu.memory_space<vmem_shared>> -> memref<10240x32xbf16, #tpu.memory_space<vmem_shared>>
          tpu.wait_indirect_dma semaphore(%run_scoped3A_200 : memref<!tpu.dma_semaphore, #tpu.memory_space<semaphore_mem>>) src(%arg8 : memref<80x32xbf16, #tpu.memory_space<vmem>>) dst(%dma_wait3A_212 : memref<10240x32xbf16, #tpu.memory_space<vmem_shared>>)
          tpu.yield
        }) : () -> ()
        %mul3A_143 = arith.constant 6 : i32
        %mul3A_144 = arith.muli %mul3A_143, %scan3A_87 : i32
        %add3A_145 = arith.constant 3 : i32
        %add3A_146 = arith.addi %mul3A_144, %add3A_145 : i32
        %dma_wait3A_147 = arith.constant 0 : i32
        %dma_wait3A_148 = tpu.memref_slice %arg12[%add3A_146, %dma_wait3A_147] : memref<126x80xi32, #tpu.memory_space<vmem>> -> memref<1x80xi32, #tpu.memory_space<vmem>>
        %dma_wait3A_149 = tpu.memref_squeeze %dma_wait3A_148 : memref<1x80xi32, #tpu.memory_space<vmem>> -> memref<80xi32, #tpu.memory_space<vmem>>
        %dma_wait3A_150 = arith.constant 0 : i32
        %dma_wait3A_151 = arith.constant 0 : i32
        %dma_wait3A_152 = tpu.memref_slice %arg2[%dma_wait3A_150, %dma_wait3A_151] : memref<10000x32xbf16, #tpu.memory_space<hbm>> -> memref<10000x32xbf16, #tpu.memory_space<hbm>>
        tpu.wait_indirect_dma semaphore(%arg18 : memref<!tpu.dma_semaphore, #tpu.memory_space<semaphore_mem>>) src(%dma_wait3A_152 : memref<10000x32xbf16, #tpu.memory_space<hbm>>) dst(%arg9 : memref<80x32xbf16, #tpu.memory_space<vmem>>)
        %add3A_153 = arith.constant 6 : i32
        %add3A_154 = arith.addi %add3A_146, %add3A_153 : i32
        %sub3A_155 = arith.constant 1 : i32
        %sub3A_156 = arith.subi %add3A_154, %sub3A_155 : i32
        %lt3A_157 = arith.constant 124 : i32
        %lt3A_158 = arith.cmpi slt, %sub3A_156, %lt3A_157 : i32
        %convert_element_type3A_159 = arith.extui %lt3A_158 : i1 to i32
        %cond3A_160 = arith.constant 0 : i32
        %cond3A_161 = arith.cmpi ne, %convert_element_type3A_159, %cond3A_160 : i32
        scf.if %cond3A_161 {
          %add3A_200 = arith.constant 6 : i32
          %add3A_201 = arith.addi %add3A_146, %add3A_200 : i32
          %sub3A_202 = arith.constant 1 : i32
          %sub3A_203 = arith.subi %add3A_201, %sub3A_202 : i32
          %dma_start3A_204 = arith.constant 0 : i32
          %dma_start3A_205 = tpu.memref_slice %arg12[%sub3A_203, %dma_start3A_204] : memref<126x80xi32, #tpu.memory_space<vmem>> -> memref<1x80xi32, #tpu.memory_space<vmem>>
          %dma_start3A_206 = tpu.memref_squeeze %dma_start3A_205 : memref<1x80xi32, #tpu.memory_space<vmem>> -> memref<80xi32, #tpu.memory_space<vmem>>
          %dma_start3A_207 = arith.constant 0 : i32
          %dma_start3A_208 = arith.constant 0 : i32
          %dma_start3A_209 = tpu.memref_slice %arg2[%dma_start3A_207, %dma_start3A_208] : memref<10000x32xbf16, #tpu.memory_space<hbm>> -> memref<10000x32xbf16, #tpu.memory_space<hbm>>
          tpu.enqueue_indirect_dma source(%dma_start3A_209 : memref<10000x32xbf16, #tpu.memory_space<hbm>>) target(%arg8 : memref<80x32xbf16, #tpu.memory_space<vmem>>) offsets(%dma_start3A_206 : memref<80xi32, #tpu.memory_space<vmem>>) semaphore(%arg17 : memref<!tpu.dma_semaphore, #tpu.memory_space<semaphore_mem>>)
        } else {
        }
        "tpu.region"() ({
          %run_scoped3A_200 = tpu.sem_alloc : memref<!tpu.dma_semaphore, #tpu.memory_space<semaphore_mem>>
          %dma_start3A_201 = arith.constant 0 : i32
          %dma_start3A_202 = tpu.memref_slice %arg13[%add3A_146, %dma_start3A_201] : memref<126x80xi32, #tpu.memory_space<vmem>> -> memref<1x80xi32, #tpu.memory_space<vmem>>
          %dma_start3A_203 = tpu.memref_squeeze %dma_start3A_202 : memref<1x80xi32, #tpu.memory_space<vmem>> -> memref<80xi32, #tpu.memory_space<vmem>>
          %dma_start3A_204 = arith.constant 0 : i32
          %dma_start3A_205 = arith.constant 0 : i32
          %dma_start3A_206 = tpu.memref_slice %arg14[%dma_start3A_204, %dma_start3A_205] : memref<10240x32xbf16, #tpu.memory_space<vmem_shared>> -> memref<10240x32xbf16, #tpu.memory_space<vmem_shared>>
          tpu.enqueue_indirect_dma source(%arg9 : memref<80x32xbf16, #tpu.memory_space<vmem>>) target(%dma_start3A_206 : memref<10240x32xbf16, #tpu.memory_space<vmem_shared>>) offsets(%dma_start3A_203 : memref<80xi32, #tpu.memory_space<vmem>>) semaphore(%run_scoped3A_200 : memref<!tpu.dma_semaphore, #tpu.memory_space<semaphore_mem>>) {add = true}
          %dma_wait3A_207 = arith.constant 0 : i32
          %dma_wait3A_208 = tpu.memref_slice %arg13[%add3A_146, %dma_wait3A_207] : memref<126x80xi32, #tpu.memory_space<vmem>> -> memref<1x80xi32, #tpu.memory_space<vmem>>
          %dma_wait3A_209 = tpu.memref_squeeze %dma_wait3A_208 : memref<1x80xi32, #tpu.memory_space<vmem>> -> memref<80xi32, #tpu.memory_space<vmem>>
          %dma_wait3A_210 = arith.constant 0 : i32
          %dma_wait3A_211 = arith.constant 0 : i32
          %dma_wait3A_212 = tpu.memref_slice %arg14[%dma_wait3A_210, %dma_wait3A_211] : memref<10240x32xbf16, #tpu.memory_space<vmem_shared>> -> memref<10240x32xbf16, #tpu.memory_space<vmem_shared>>
          tpu.wait_indirect_dma semaphore(%run_scoped3A_200 : memref<!tpu.dma_semaphore, #tpu.memory_space<semaphore_mem>>) src(%arg9 : memref<80x32xbf16, #tpu.memory_space<vmem>>) dst(%dma_wait3A_212 : memref<10240x32xbf16, #tpu.memory_space<vmem_shared>>)
          tpu.yield
        }) : () -> ()
        %mul3A_162 = arith.constant 6 : i32
        %mul3A_163 = arith.muli %mul3A_162, %scan3A_87 : i32
        %add3A_164 = arith.constant 4 : i32
        %add3A_165 = arith.addi %mul3A_163, %add3A_164 : i32
        %dma_wait3A_166 = arith.constant 0 : i32
        %dma_wait3A_167 = tpu.memref_slice %arg12[%add3A_165, %dma_wait3A_166] : memref<126x80xi32, #tpu.memory_space<vmem>> -> memref<1x80xi32, #tpu.memory_space<vmem>>
        %dma_wait3A_168 = tpu.memref_squeeze %dma_wait3A_167 : memref<1x80xi32, #tpu.memory_space<vmem>> -> memref<80xi32, #tpu.memory_space<vmem>>
        %dma_wait3A_169 = arith.constant 0 : i32
        %dma_wait3A_170 = arith.constant 0 : i32
        %dma_wait3A_171 = tpu.memref_slice %arg2[%dma_wait3A_169, %dma_wait3A_170] : memref<10000x32xbf16, #tpu.memory_space<hbm>> -> memref<10000x32xbf16, #tpu.memory_space<hbm>>
        tpu.wait_indirect_dma semaphore(%arg19 : memref<!tpu.dma_semaphore, #tpu.memory_space<semaphore_mem>>) src(%dma_wait3A_171 : memref<10000x32xbf16, #tpu.memory_space<hbm>>) dst(%arg10 : memref<80x32xbf16, #tpu.memory_space<vmem>>)
        %add3A_172 = arith.constant 6 : i32
        %add3A_173 = arith.addi %add3A_165, %add3A_172 : i32
        %sub3A_174 = arith.constant 1 : i32
        %sub3A_175 = arith.subi %add3A_173, %sub3A_174 : i32
        %lt3A_176 = arith.constant 124 : i32
        %lt3A_177 = arith.cmpi slt, %sub3A_175, %lt3A_176 : i32
        %convert_element_type3A_178 = arith.extui %lt3A_177 : i1 to i32
        %cond3A_179 = arith.constant 0 : i32
        %cond3A_180 = arith.cmpi ne, %convert_element_type3A_178, %cond3A_179 : i32
        scf.if %cond3A_180 {
          %add3A_200 = arith.constant 6 : i32
          %add3A_201 = arith.addi %add3A_165, %add3A_200 : i32
          %sub3A_202 = arith.constant 1 : i32
          %sub3A_203 = arith.subi %add3A_201, %sub3A_202 : i32
          %dma_start3A_204 = arith.constant 0 : i32
          %dma_start3A_205 = tpu.memref_slice %arg12[%sub3A_203, %dma_start3A_204] : memref<126x80xi32, #tpu.memory_space<vmem>> -> memref<1x80xi32, #tpu.memory_space<vmem>>
          %dma_start3A_206 = tpu.memref_squeeze %dma_start3A_205 : memref<1x80xi32, #tpu.memory_space<vmem>> -> memref<80xi32, #tpu.memory_space<vmem>>
          %dma_start3A_207 = arith.constant 0 : i32
          %dma_start3A_208 = arith.constant 0 : i32
          %dma_start3A_209 = tpu.memref_slice %arg2[%dma_start3A_207, %dma_start3A_208] : memref<10000x32xbf16, #tpu.memory_space<hbm>> -> memref<10000x32xbf16, #tpu.memory_space<hbm>>
          tpu.enqueue_indirect_dma source(%dma_start3A_209 : memref<10000x32xbf16, #tpu.memory_space<hbm>>) target(%arg9 : memref<80x32xbf16, #tpu.memory_space<vmem>>) offsets(%dma_start3A_206 : memref<80xi32, #tpu.memory_space<vmem>>) semaphore(%arg18 : memref<!tpu.dma_semaphore, #tpu.memory_space<semaphore_mem>>)
        } else {
        }
        "tpu.region"() ({
          %run_scoped3A_200 = tpu.sem_alloc : memref<!tpu.dma_semaphore, #tpu.memory_space<semaphore_mem>>
          %dma_start3A_201 = arith.constant 0 : i32
          %dma_start3A_202 = tpu.memref_slice %arg13[%add3A_165, %dma_start3A_201] : memref<126x80xi32, #tpu.memory_space<vmem>> -> memref<1x80xi32, #tpu.memory_space<vmem>>
          %dma_start3A_203 = tpu.memref_squeeze %dma_start3A_202 : memref<1x80xi32, #tpu.memory_space<vmem>> -> memref<80xi32, #tpu.memory_space<vmem>>
          %dma_start3A_204 = arith.constant 0 : i32
          %dma_start3A_205 = arith.constant 0 : i32
          %dma_start3A_206 = tpu.memref_slice %arg14[%dma_start3A_204, %dma_start3A_205] : memref<10240x32xbf16, #tpu.memory_space<vmem_shared>> -> memref<10240x32xbf16, #tpu.memory_space<vmem_shared>>
          tpu.enqueue_indirect_dma source(%arg10 : memref<80x32xbf16, #tpu.memory_space<vmem>>) target(%dma_start3A_206 : memref<10240x32xbf16, #tpu.memory_space<vmem_shared>>) offsets(%dma_start3A_203 : memref<80xi32, #tpu.memory_space<vmem>>) semaphore(%run_scoped3A_200 : memref<!tpu.dma_semaphore, #tpu.memory_space<semaphore_mem>>) {add = true}
          %dma_wait3A_207 = arith.constant 0 : i32
          %dma_wait3A_208 = tpu.memref_slice %arg13[%add3A_165, %dma_wait3A_207] : memref<126x80xi32, #tpu.memory_space<vmem>> -> memref<1x80xi32, #tpu.memory_space<vmem>>
          %dma_wait3A_209 = tpu.memref_squeeze %dma_wait3A_208 : memref<1x80xi32, #tpu.memory_space<vmem>> -> memref<80xi32, #tpu.memory_space<vmem>>
          %dma_wait3A_210 = arith.constant 0 : i32
          %dma_wait3A_211 = arith.constant 0 : i32
          %dma_wait3A_212 = tpu.memref_slice %arg14[%dma_wait3A_210, %dma_wait3A_211] : memref<10240x32xbf16, #tpu.memory_space<vmem_shared>> -> memref<10240x32xbf16, #tpu.memory_space<vmem_shared>>
          tpu.wait_indirect_dma semaphore(%run_scoped3A_200 : memref<!tpu.dma_semaphore, #tpu.memory_space<semaphore_mem>>) src(%arg10 : memref<80x32xbf16, #tpu.memory_space<vmem>>) dst(%dma_wait3A_212 : memref<10240x32xbf16, #tpu.memory_space<vmem_shared>>)
          tpu.yield
        }) : () -> ()
        %mul3A_181 = arith.constant 6 : i32
        %mul3A_182 = arith.muli %mul3A_181, %scan3A_87 : i32
        %add3A_183 = arith.constant 5 : i32
        %add3A_184 = arith.addi %mul3A_182, %add3A_183 : i32
        %dma_wait3A_185 = arith.constant 0 : i32
        %dma_wait3A_186 = tpu.memref_slice %arg12[%add3A_184, %dma_wait3A_185] : memref<126x80xi32, #tpu.memory_space<vmem>> -> memref<1x80xi32, #tpu.memory_space<vmem>>
        %dma_wait3A_187 = tpu.memref_squeeze %dma_wait3A_186 : memref<1x80xi32, #tpu.memory_space<vmem>> -> memref<80xi32, #tpu.memory_space<vmem>>
        %dma_wait3A_188 = arith.constant 0 : i32
        %dma_wait3A_189 = arith.constant 0 : i32
        %dma_wait3A_190 = tpu.memref_slice %arg2[%dma_wait3A_188, %dma_wait3A_189] : memref<10000x32xbf16, #tpu.memory_space<hbm>> -> memref<10000x32xbf16, #tpu.memory_space<hbm>>
        tpu.wait_indirect_dma semaphore(%arg20 : memref<!tpu.dma_semaphore, #tpu.memory_space<semaphore_mem>>) src(%dma_wait3A_190 : memref<10000x32xbf16, #tpu.memory_space<hbm>>) dst(%arg11 : memref<80x32xbf16, #tpu.memory_space<vmem>>)
        %add3A_191 = arith.constant 6 : i32
        %add3A_192 = arith.addi %add3A_184, %add3A_191 : i32
        %sub3A_193 = arith.constant 1 : i32
        %sub3A_194 = arith.subi %add3A_192, %sub3A_193 : i32
        %lt3A_195 = arith.constant 124 : i32
        %lt3A_196 = arith.cmpi slt, %sub3A_194, %lt3A_195 : i32
        %convert_element_type3A_197 = arith.extui %lt3A_196 : i1 to i32
        %cond3A_198 = arith.constant 0 : i32
        %cond3A_199 = arith.cmpi ne, %convert_element_type3A_197, %cond3A_198 : i32
        scf.if %cond3A_199 {
          %add3A_200 = arith.constant 6 : i32
          %add3A_201 = arith.addi %add3A_184, %add3A_200 : i32
          %sub3A_202 = arith.constant 1 : i32
          %sub3A_203 = arith.subi %add3A_201, %sub3A_202 : i32
          %dma_start3A_204 = arith.constant 0 : i32
          %dma_start3A_205 = tpu.memref_slice %arg12[%sub3A_203, %dma_start3A_204] : memref<126x80xi32, #tpu.memory_space<vmem>> -> memref<1x80xi32, #tpu.memory_space<vmem>>
          %dma_start3A_206 = tpu.memref_squeeze %dma_start3A_205 : memref<1x80xi32, #tpu.memory_space<vmem>> -> memref<80xi32, #tpu.memory_space<vmem>>
          %dma_start3A_207 = arith.constant 0 : i32
          %dma_start3A_208 = arith.constant 0 : i32
          %dma_start3A_209 = tpu.memref_slice %arg2[%dma_start3A_207, %dma_start3A_208] : memref<10000x32xbf16, #tpu.memory_space<hbm>> -> memref<10000x32xbf16, #tpu.memory_space<hbm>>
          tpu.enqueue_indirect_dma source(%dma_start3A_209 : memref<10000x32xbf16, #tpu.memory_space<hbm>>) target(%arg10 : memref<80x32xbf16, #tpu.memory_space<vmem>>) offsets(%dma_start3A_206 : memref<80xi32, #tpu.memory_space<vmem>>) semaphore(%arg19 : memref<!tpu.dma_semaphore, #tpu.memory_space<semaphore_mem>>)
        } else {
        }
        "tpu.region"() ({
          %run_scoped3A_200 = tpu.sem_alloc : memref<!tpu.dma_semaphore, #tpu.memory_space<semaphore_mem>>
          %dma_start3A_201 = arith.constant 0 : i32
          %dma_start3A_202 = tpu.memref_slice %arg13[%add3A_184, %dma_start3A_201] : memref<126x80xi32, #tpu.memory_space<vmem>> -> memref<1x80xi32, #tpu.memory_space<vmem>>
          %dma_start3A_203 = tpu.memref_squeeze %dma_start3A_202 : memref<1x80xi32, #tpu.memory_space<vmem>> -> memref<80xi32, #tpu.memory_space<vmem>>
          %dma_start3A_204 = arith.constant 0 : i32
          %dma_start3A_205 = arith.constant 0 : i32
          %dma_start3A_206 = tpu.memref_slice %arg14[%dma_start3A_204, %dma_start3A_205] : memref<10240x32xbf16, #tpu.memory_space<vmem_shared>> -> memref<10240x32xbf16, #tpu.memory_space<vmem_shared>>
          tpu.enqueue_indirect_dma source(%arg11 : memref<80x32xbf16, #tpu.memory_space<vmem>>) target(%dma_start3A_206 : memref<10240x32xbf16, #tpu.memory_space<vmem_shared>>) offsets(%dma_start3A_203 : memref<80xi32, #tpu.memory_space<vmem>>) semaphore(%run_scoped3A_200 : memref<!tpu.dma_semaphore, #tpu.memory_space<semaphore_mem>>) {add = true}
          %dma_wait3A_207 = arith.constant 0 : i32
          %dma_wait3A_208 = tpu.memref_slice %arg13[%add3A_184, %dma_wait3A_207] : memref<126x80xi32, #tpu.memory_space<vmem>> -> memref<1x80xi32, #tpu.memory_space<vmem>>
          %dma_wait3A_209 = tpu.memref_squeeze %dma_wait3A_208 : memref<1x80xi32, #tpu.memory_space<vmem>> -> memref<80xi32, #tpu.memory_space<vmem>>
          %dma_wait3A_210 = arith.constant 0 : i32
          %dma_wait3A_211 = arith.constant 0 : i32
          %dma_wait3A_212 = tpu.memref_slice %arg14[%dma_wait3A_210, %dma_wait3A_211] : memref<10240x32xbf16, #tpu.memory_space<vmem_shared>> -> memref<10240x32xbf16, #tpu.memory_space<vmem_shared>>
          tpu.wait_indirect_dma semaphore(%run_scoped3A_200 : memref<!tpu.dma_semaphore, #tpu.memory_space<semaphore_mem>>) src(%arg11 : memref<80x32xbf16, #tpu.memory_space<vmem>>) dst(%dma_wait3A_212 : memref<10240x32xbf16, #tpu.memory_space<vmem_shared>>)
          tpu.yield
        }) : () -> ()
      }
      %scan3A_56 = arith.constant 20 : i32
      %dma_wait3A = arith.constant 120 : i32
      %dma_wait3A_57 = arith.constant 0 : i32
      %dma_wait3A_58 = tpu.memref_slice %arg12[%dma_wait3A, %dma_wait3A_57] : memref<126x80xi32, #tpu.memory_space<vmem>> -> memref<1x80xi32, #tpu.memory_space<vmem>>
      %dma_wait3A_59 = tpu.memref_squeeze %dma_wait3A_58 : memref<1x80xi32, #tpu.memory_space<vmem>> -> memref<80xi32, #tpu.memory_space<vmem>>
      %dma_wait3A_60 = arith.constant 0 : i32
      %dma_wait3A_61 = arith.constant 0 : i32
      %dma_wait3A_62 = tpu.memref_slice %arg2[%dma_wait3A_60, %dma_wait3A_61] : memref<10000x32xbf16, #tpu.memory_space<hbm>> -> memref<10000x32xbf16, #tpu.memory_space<hbm>>
      tpu.wait_indirect_dma semaphore(%arg15 : memref<!tpu.dma_semaphore, #tpu.memory_space<semaphore_mem>>) src(%dma_wait3A_62 : memref<10000x32xbf16, #tpu.memory_space<hbm>>) dst(%arg6 : memref<80x32xbf16, #tpu.memory_space<vmem>>)
      %run_scoped3A = arith.constant 120 : i32
      "tpu.region"() ({
        %run_scoped3A_87 = tpu.sem_alloc : memref<!tpu.dma_semaphore, #tpu.memory_space<semaphore_mem>>
        %dma_start3A_88 = arith.constant 0 : i32
        %dma_start3A_89 = tpu.memref_slice %arg13[%run_scoped3A, %dma_start3A_88] : memref<126x80xi32, #tpu.memory_space<vmem>> -> memref<1x80xi32, #tpu.memory_space<vmem>>
        %dma_start3A_90 = tpu.memref_squeeze %dma_start3A_89 : memref<1x80xi32, #tpu.memory_space<vmem>> -> memref<80xi32, #tpu.memory_space<vmem>>
        %dma_start3A_91 = arith.constant 0 : i32
        %dma_start3A_92 = arith.constant 0 : i32
        %dma_start3A_93 = tpu.memref_slice %arg14[%dma_start3A_91, %dma_start3A_92] : memref<10240x32xbf16, #tpu.memory_space<vmem_shared>> -> memref<10240x32xbf16, #tpu.memory_space<vmem_shared>>
        tpu.enqueue_indirect_dma source(%arg6 : memref<80x32xbf16, #tpu.memory_space<vmem>>) target(%dma_start3A_93 : memref<10240x32xbf16, #tpu.memory_space<vmem_shared>>) offsets(%dma_start3A_90 : memref<80xi32, #tpu.memory_space<vmem>>) semaphore(%run_scoped3A_87 : memref<!tpu.dma_semaphore, #tpu.memory_space<semaphore_mem>>) {add = true}
        %dma_wait3A_94 = arith.constant 0 : i32
        %dma_wait3A_95 = tpu.memref_slice %arg13[%run_scoped3A, %dma_wait3A_94] : memref<126x80xi32, #tpu.memory_space<vmem>> -> memref<1x80xi32, #tpu.memory_space<vmem>>
        %dma_wait3A_96 = tpu.memref_squeeze %dma_wait3A_95 : memref<1x80xi32, #tpu.memory_space<vmem>> -> memref<80xi32, #tpu.memory_space<vmem>>
        %dma_wait3A_97 = arith.constant 0 : i32
        %dma_wait3A_98 = arith.constant 0 : i32
        %dma_wait3A_99 = tpu.memref_slice %arg14[%dma_wait3A_97, %dma_wait3A_98] : memref<10240x32xbf16, #tpu.memory_space<vmem_shared>> -> memref<10240x32xbf16, #tpu.memory_space<vmem_shared>>
        tpu.wait_indirect_dma semaphore(%run_scoped3A_87 : memref<!tpu.dma_semaphore, #tpu.memory_space<semaphore_mem>>) src(%arg6 : memref<80x32xbf16, #tpu.memory_space<vmem>>) dst(%dma_wait3A_99 : memref<10240x32xbf16, #tpu.memory_space<vmem_shared>>)
        tpu.yield
      }) : () -> ()
      %dma_wait3A_63 = arith.constant 121 : i32
      %dma_wait3A_64 = arith.constant 0 : i32
      %dma_wait3A_65 = tpu.memref_slice %arg12[%dma_wait3A_63, %dma_wait3A_64] : memref<126x80xi32, #tpu.memory_space<vmem>> -> memref<1x80xi32, #tpu.memory_space<vmem>>
      %dma_wait3A_66 = tpu.memref_squeeze %dma_wait3A_65 : memref<1x80xi32, #tpu.memory_space<vmem>> -> memref<80xi32, #tpu.memory_space<vmem>>
      %dma_wait3A_67 = arith.constant 0 : i32
      %dma_wait3A_68 = arith.constant 0 : i32
      %dma_wait3A_69 = tpu.memref_slice %arg2[%dma_wait3A_67, %dma_wait3A_68] : memref<10000x32xbf16, #tpu.memory_space<hbm>> -> memref<10000x32xbf16, #tpu.memory_space<hbm>>
      tpu.wait_indirect_dma semaphore(%arg16 : memref<!tpu.dma_semaphore, #tpu.memory_space<semaphore_mem>>) src(%dma_wait3A_69 : memref<10000x32xbf16, #tpu.memory_space<hbm>>) dst(%arg7 : memref<80x32xbf16, #tpu.memory_space<vmem>>)
      %run_scoped3A_70 = arith.constant 121 : i32
      "tpu.region"() ({
        %run_scoped3A_87 = tpu.sem_alloc : memref<!tpu.dma_semaphore, #tpu.memory_space<semaphore_mem>>
        %dma_start3A_88 = arith.constant 0 : i32
        %dma_start3A_89 = tpu.memref_slice %arg13[%run_scoped3A_70, %dma_start3A_88] : memref<126x80xi32, #tpu.memory_space<vmem>> -> memref<1x80xi32, #tpu.memory_space<vmem>>
        %dma_start3A_90 = tpu.memref_squeeze %dma_start3A_89 : memref<1x80xi32, #tpu.memory_space<vmem>> -> memref<80xi32, #tpu.memory_space<vmem>>
        %dma_start3A_91 = arith.constant 0 : i32
        %dma_start3A_92 = arith.constant 0 : i32
        %dma_start3A_93 = tpu.memref_slice %arg14[%dma_start3A_91, %dma_start3A_92] : memref<10240x32xbf16, #tpu.memory_space<vmem_shared>> -> memref<10240x32xbf16, #tpu.memory_space<vmem_shared>>
        tpu.enqueue_indirect_dma source(%arg7 : memref<80x32xbf16, #tpu.memory_space<vmem>>) target(%dma_start3A_93 : memref<10240x32xbf16, #tpu.memory_space<vmem_shared>>) offsets(%dma_start3A_90 : memref<80xi32, #tpu.memory_space<vmem>>) semaphore(%run_scoped3A_87 : memref<!tpu.dma_semaphore, #tpu.memory_space<semaphore_mem>>) {add = true}
        %dma_wait3A_94 = arith.constant 0 : i32
        %dma_wait3A_95 = tpu.memref_slice %arg13[%run_scoped3A_70, %dma_wait3A_94] : memref<126x80xi32, #tpu.memory_space<vmem>> -> memref<1x80xi32, #tpu.memory_space<vmem>>
        %dma_wait3A_96 = tpu.memref_squeeze %dma_wait3A_95 : memref<1x80xi32, #tpu.memory_space<vmem>> -> memref<80xi32, #tpu.memory_space<vmem>>
        %dma_wait3A_97 = arith.constant 0 : i32
        %dma_wait3A_98 = arith.constant 0 : i32
        %dma_wait3A_99 = tpu.memref_slice %arg14[%dma_wait3A_97, %dma_wait3A_98] : memref<10240x32xbf16, #tpu.memory_space<vmem_shared>> -> memref<10240x32xbf16, #tpu.memory_space<vmem_shared>>
        tpu.wait_indirect_dma semaphore(%run_scoped3A_87 : memref<!tpu.dma_semaphore, #tpu.memory_space<semaphore_mem>>) src(%arg7 : memref<80x32xbf16, #tpu.memory_space<vmem>>) dst(%dma_wait3A_99 : memref<10240x32xbf16, #tpu.memory_space<vmem_shared>>)
        tpu.yield
      }) : () -> ()
      %dma_wait3A_71 = arith.constant 122 : i32
      %dma_wait3A_72 = arith.constant 0 : i32
      %dma_wait3A_73 = tpu.memref_slice %arg12[%dma_wait3A_71, %dma_wait3A_72] : memref<126x80xi32, #tpu.memory_space<vmem>> -> memref<1x80xi32, #tpu.memory_space<vmem>>
      %dma_wait3A_74 = tpu.memref_squeeze %dma_wait3A_73 : memref<1x80xi32, #tpu.memory_space<vmem>> -> memref<80xi32, #tpu.memory_space<vmem>>
      %dma_wait3A_75 = arith.constant 0 : i32
      %dma_wait3A_76 = arith.constant 0 : i32
      %dma_wait3A_77 = tpu.memref_slice %arg2[%dma_wait3A_75, %dma_wait3A_76] : memref<10000x32xbf16, #tpu.memory_space<hbm>> -> memref<10000x32xbf16, #tpu.memory_space<hbm>>
      tpu.wait_indirect_dma semaphore(%arg17 : memref<!tpu.dma_semaphore, #tpu.memory_space<semaphore_mem>>) src(%dma_wait3A_77 : memref<10000x32xbf16, #tpu.memory_space<hbm>>) dst(%arg8 : memref<80x32xbf16, #tpu.memory_space<vmem>>)
      %run_scoped3A_78 = arith.constant 122 : i32
      "tpu.region"() ({
        %run_scoped3A_87 = tpu.sem_alloc : memref<!tpu.dma_semaphore, #tpu.memory_space<semaphore_mem>>
        %dma_start3A_88 = arith.constant 0 : i32
        %dma_start3A_89 = tpu.memref_slice %arg13[%run_scoped3A_78, %dma_start3A_88] : memref<126x80xi32, #tpu.memory_space<vmem>> -> memref<1x80xi32, #tpu.memory_space<vmem>>
        %dma_start3A_90 = tpu.memref_squeeze %dma_start3A_89 : memref<1x80xi32, #tpu.memory_space<vmem>> -> memref<80xi32, #tpu.memory_space<vmem>>
        %dma_start3A_91 = arith.constant 0 : i32
        %dma_start3A_92 = arith.constant 0 : i32
        %dma_start3A_93 = tpu.memref_slice %arg14[%dma_start3A_91, %dma_start3A_92] : memref<10240x32xbf16, #tpu.memory_space<vmem_shared>> -> memref<10240x32xbf16, #tpu.memory_space<vmem_shared>>
        tpu.enqueue_indirect_dma source(%arg8 : memref<80x32xbf16, #tpu.memory_space<vmem>>) target(%dma_start3A_93 : memref<10240x32xbf16, #tpu.memory_space<vmem_shared>>) offsets(%dma_start3A_90 : memref<80xi32, #tpu.memory_space<vmem>>) semaphore(%run_scoped3A_87 : memref<!tpu.dma_semaphore, #tpu.memory_space<semaphore_mem>>) {add = true}
        %dma_wait3A_94 = arith.constant 0 : i32
        %dma_wait3A_95 = tpu.memref_slice %arg13[%run_scoped3A_78, %dma_wait3A_94] : memref<126x80xi32, #tpu.memory_space<vmem>> -> memref<1x80xi32, #tpu.memory_space<vmem>>
        %dma_wait3A_96 = tpu.memref_squeeze %dma_wait3A_95 : memref<1x80xi32, #tpu.memory_space<vmem>> -> memref<80xi32, #tpu.memory_space<vmem>>
        %dma_wait3A_97 = arith.constant 0 : i32
        %dma_wait3A_98 = arith.constant 0 : i32
        %dma_wait3A_99 = tpu.memref_slice %arg14[%dma_wait3A_97, %dma_wait3A_98] : memref<10240x32xbf16, #tpu.memory_space<vmem_shared>> -> memref<10240x32xbf16, #tpu.memory_space<vmem_shared>>
        tpu.wait_indirect_dma semaphore(%run_scoped3A_87 : memref<!tpu.dma_semaphore, #tpu.memory_space<semaphore_mem>>) src(%arg8 : memref<80x32xbf16, #tpu.memory_space<vmem>>) dst(%dma_wait3A_99 : memref<10240x32xbf16, #tpu.memory_space<vmem_shared>>)
        tpu.yield
      }) : () -> ()
      %dma_wait3A_79 = arith.constant 123 : i32
      %dma_wait3A_80 = arith.constant 0 : i32
      %dma_wait3A_81 = tpu.memref_slice %arg12[%dma_wait3A_79, %dma_wait3A_80] : memref<126x80xi32, #tpu.memory_space<vmem>> -> memref<1x80xi32, #tpu.memory_space<vmem>>
      %dma_wait3A_82 = tpu.memref_squeeze %dma_wait3A_81 : memref<1x80xi32, #tpu.memory_space<vmem>> -> memref<80xi32, #tpu.memory_space<vmem>>
      %dma_wait3A_83 = arith.constant 0 : i32
      %dma_wait3A_84 = arith.constant 0 : i32
      %dma_wait3A_85 = tpu.memref_slice %arg2[%dma_wait3A_83, %dma_wait3A_84] : memref<10000x32xbf16, #tpu.memory_space<hbm>> -> memref<10000x32xbf16, #tpu.memory_space<hbm>>
      tpu.wait_indirect_dma semaphore(%arg18 : memref<!tpu.dma_semaphore, #tpu.memory_space<semaphore_mem>>) src(%dma_wait3A_85 : memref<10000x32xbf16, #tpu.memory_space<hbm>>) dst(%arg9 : memref<80x32xbf16, #tpu.memory_space<vmem>>)
      %run_scoped3A_86 = arith.constant 123 : i32
      "tpu.region"() ({
        %run_scoped3A_87 = tpu.sem_alloc : memref<!tpu.dma_semaphore, #tpu.memory_space<semaphore_mem>>
        %dma_start3A_88 = arith.constant 0 : i32
        %dma_start3A_89 = tpu.memref_slice %arg13[%run_scoped3A_86, %dma_start3A_88] : memref<126x80xi32, #tpu.memory_space<vmem>> -> memref<1x80xi32, #tpu.memory_space<vmem>>
        %dma_start3A_90 = tpu.memref_squeeze %dma_start3A_89 : memref<1x80xi32, #tpu.memory_space<vmem>> -> memref<80xi32, #tpu.memory_space<vmem>>
        %dma_start3A_91 = arith.constant 0 : i32
        %dma_start3A_92 = arith.constant 0 : i32
        %dma_start3A_93 = tpu.memref_slice %arg14[%dma_start3A_91, %dma_start3A_92] : memref<10240x32xbf16, #tpu.memory_space<vmem_shared>> -> memref<10240x32xbf16, #tpu.memory_space<vmem_shared>>
        tpu.enqueue_indirect_dma source(%arg9 : memref<80x32xbf16, #tpu.memory_space<vmem>>) target(%dma_start3A_93 : memref<10240x32xbf16, #tpu.memory_space<vmem_shared>>) offsets(%dma_start3A_90 : memref<80xi32, #tpu.memory_space<vmem>>) semaphore(%run_scoped3A_87 : memref<!tpu.dma_semaphore, #tpu.memory_space<semaphore_mem>>) {add = true}
        %dma_wait3A_94 = arith.constant 0 : i32
        %dma_wait3A_95 = tpu.memref_slice %arg13[%run_scoped3A_86, %dma_wait3A_94] : memref<126x80xi32, #tpu.memory_space<vmem>> -> memref<1x80xi32, #tpu.memory_space<vmem>>
        %dma_wait3A_96 = tpu.memref_squeeze %dma_wait3A_95 : memref<1x80xi32, #tpu.memory_space<vmem>> -> memref<80xi32, #tpu.memory_space<vmem>>
        %dma_wait3A_97 = arith.constant 0 : i32
        %dma_wait3A_98 = arith.constant 0 : i32
        %dma_wait3A_99 = tpu.memref_slice %arg14[%dma_wait3A_97, %dma_wait3A_98] : memref<10240x32xbf16, #tpu.memory_space<vmem_shared>> -> memref<10240x32xbf16, #tpu.memory_space<vmem_shared>>
        tpu.wait_indirect_dma semaphore(%run_scoped3A_87 : memref<!tpu.dma_semaphore, #tpu.memory_space<semaphore_mem>>) src(%arg9 : memref<80x32xbf16, #tpu.memory_space<vmem>>) dst(%dma_wait3A_99 : memref<10240x32xbf16, #tpu.memory_space<vmem_shared>>)
        tpu.yield
      }) : () -> ()
    } else {
    }
    %barrier3A_8 = arith.constant 0 : index
    tpu.barrier barrier_id(%barrier3A_8)
    %mul3A_9 = arith.constant 640 : i32
    %mul3A_10 = arith.muli %arg1, %mul3A_9 : i32
    %mul3A_11 = arith.constant 640 : i32
    %mul3A_12 = arith.muli %arg1, %mul3A_11 : i32
    "tpu.region"() ({
      %run_scoped3A = tpu.sem_alloc : memref<!tpu.dma_semaphore, #tpu.memory_space<semaphore_mem>>
      %dma_start3A = arith.constant 0 : i32
      %dma_start3A_13 = tpu.memref_slice %arg5[%arg0, %mul3A_12, %dma_start3A] : memref<2x10240x32xbf16, #tpu.memory_space<hbm>> -> memref<1x640x32xbf16, #tpu.memory_space<hbm>>
      %dma_start3A_14 = tpu.memref_squeeze %dma_start3A_13 : memref<1x640x32xbf16, #tpu.memory_space<hbm>> -> memref<640x32xbf16, #tpu.memory_space<hbm>>
      %dma_start3A_15 = arith.constant 0 : i32
      %dma_start3A_16 = tpu.memref_slice %arg14[%mul3A_10, %dma_start3A_15] : memref<10240x32xbf16, #tpu.memory_space<vmem_shared>> -> memref<640x32xbf16, #tpu.memory_space<vmem_shared>>
      tpu.enqueue_dma source(%dma_start3A_16 : memref<640x32xbf16, #tpu.memory_space<vmem_shared>>) target(%dma_start3A_14 : memref<640x32xbf16, #tpu.memory_space<hbm>>) target_semaphore(%run_scoped3A : memref<!tpu.dma_semaphore, #tpu.memory_space<semaphore_mem>>)
      %dma_wait3A = arith.constant 0 : i32
      %dma_wait3A_17 = tpu.memref_slice %arg5[%arg0, %mul3A_12, %dma_wait3A] : memref<2x10240x32xbf16, #tpu.memory_space<hbm>> -> memref<1x640x32xbf16, #tpu.memory_space<hbm>>
      %dma_wait3A_18 = tpu.memref_squeeze %dma_wait3A_17 : memref<1x640x32xbf16, #tpu.memory_space<hbm>> -> memref<640x32xbf16, #tpu.memory_space<hbm>>
      %dma_wait3A_19 = arith.constant 0 : i32
      %dma_wait3A_20 = tpu.memref_slice %arg14[%mul3A_10, %dma_wait3A_19] : memref<10240x32xbf16, #tpu.memory_space<vmem_shared>> -> memref<640x32xbf16, #tpu.memory_space<vmem_shared>>
      tpu.wait_dma2 semaphore(%run_scoped3A : memref<!tpu.dma_semaphore, #tpu.memory_space<semaphore_mem>>) src(%dma_wait3A_20 : memref<640x32xbf16, #tpu.memory_space<vmem_shared>>) dst(%dma_wait3A_18 : memref<640x32xbf16, #tpu.memory_space<hbm>>)
      tpu.yield
    }) : () -> ()
    return
  }
}

module attributes {stable_mosaic.version = 14 : i64} {
  func.func @_tc_mlp1_body(%arg0: i32, %arg1: memref<10000x128xbf16, #tpu.memory_space<vmem>>, %arg2: memref<1x10000x128xbf16, #tpu.memory_space<vmem>>, %arg3: memref<1x10000x128xbf16, #tpu.memory_space<vmem>>, %arg4: memref<128x64xf32, #tpu.memory_space<vmem>>, %arg5: memref<1x64xf32, #tpu.memory_space<vmem>>, %arg6: memref<1x64xf32, #tpu.memory_space<vmem>>, %arg7: memref<1x64xf32, #tpu.memory_space<vmem>>, %arg8: memref<64x32xf32, #tpu.memory_space<vmem>>, %arg9: memref<1x32xf32, #tpu.memory_space<vmem>>, %arg10: memref<1x1xf32, #tpu.memory_space<smem>>, %arg11: memref<10000x32xbf16, #tpu.memory_space<vmem>>) attributes {dimension_semantics = [#tpu.dimension_semantics<arbitrary>], iteration_bounds = array<i64: 1>, scalar_prefetch = 0 : i64, scratch_operands = 0 : i64, tpu.core_type = #tpu.core_type<tc>, window_params = [{pipeline_mode = #tpu.pipeline_mode<synchronous>, transform_indices = @transform_0, window_bounds = array<i64: 10000, 128>}, {transform_indices = @transform_1, window_bounds = array<i64: 1, 10000, 128>}, {transform_indices = @transform_2, window_bounds = array<i64: 1, 10000, 128>}, {pipeline_mode = #tpu.pipeline_mode<synchronous>, transform_indices = @transform_3, window_bounds = array<i64: 128, 64>}, {pipeline_mode = #tpu.pipeline_mode<synchronous>, transform_indices = @transform_4, window_bounds = array<i64: 1, 64>}, {pipeline_mode = #tpu.pipeline_mode<synchronous>, transform_indices = @transform_5, window_bounds = array<i64: 1, 64>}, {pipeline_mode = #tpu.pipeline_mode<synchronous>, transform_indices = @transform_6, window_bounds = array<i64: 1, 64>}, {pipeline_mode = #tpu.pipeline_mode<synchronous>, transform_indices = @transform_7, window_bounds = array<i64: 64, 32>}, {pipeline_mode = #tpu.pipeline_mode<synchronous>, transform_indices = @transform_8, window_bounds = array<i64: 1, 32>}, {transform_indices = @transform_9, window_bounds = array<i64: 1, 1>}, {pipeline_mode = #tpu.pipeline_mode<synchronous>, transform_indices = @transform_10, window_bounds = array<i64: 10000, 32>}]} {
    %get3A = arith.constant 0 : index
    %get3A_0 = arith.constant 0 : index
    %get3A_1 = arith.constant 0 : index
    %get3A_2 = vector.load %arg2[%get3A, %get3A_0, %get3A_1] : memref<1x10000x128xbf16, #tpu.memory_space<vmem>>, vector<1x10000x128xbf16>
    %get3A_3 = vector.shape_cast %get3A_2 : vector<1x10000x128xbf16> to vector<10000x128xbf16>
    %get3A_4 = arith.constant 0 : index
    %get3A_5 = arith.constant 0 : index
    %get3A_6 = arith.constant 0 : index
    %get3A_7 = vector.load %arg3[%get3A_4, %get3A_5, %get3A_6] : memref<1x10000x128xbf16, #tpu.memory_space<vmem>>, vector<1x10000x128xbf16>
    %get3A_8 = vector.shape_cast %get3A_7 : vector<1x10000x128xbf16> to vector<10000x128xbf16>
    %add3A = arith.addf %get3A_3, %get3A_8 : vector<10000x128xbf16>
    %convert_element_type3A = arith.extf %add3A : vector<10000x128xbf16> to vector<10000x128xf32>
    %get3A_9 = arith.constant 0 : index
    %get3A_10 = arith.constant 0 : index
    %get3A_11 = memref.load %arg10[%get3A_9, %get3A_10] : memref<1x1xf32, #tpu.memory_space<smem>>
    %get3A_12 = arith.constant 0 : index
    %get3A_13 = arith.constant 0 : index
    %get3A_14 = vector.load %arg1[%get3A_12, %get3A_13] : memref<10000x128xbf16, #tpu.memory_space<vmem>>, vector<10000x128xbf16>
    %convert_element_type3A_15 = arith.extf %get3A_14 : vector<10000x128xbf16> to vector<10000x128xf32>
    %mul3A = vector.broadcast %get3A_11 : f32 to vector<10000x128xf32>
    %mul3A_16 = arith.mulf %mul3A, %convert_element_type3A_15 : vector<10000x128xf32>
    %add3A_17 = arith.addf %mul3A_16, %convert_element_type3A : vector<10000x128xf32>
    %get3A_18 = arith.constant 0 : index
    %get3A_19 = arith.constant 0 : index
    %get3A_20 = vector.load %arg4[%get3A_18, %get3A_19] : memref<128x64xf32, #tpu.memory_space<vmem>>, vector<128x64xf32>
    %dot_general3A = arith.constant dense<0.000000e+00> : vector<10000x64xf32>
    %dot_general3A_21 = tpu.matmul %add3A_17, %get3A_20, %dot_general3A {dimension_numbers = #tpu.dot_dimension_numbers<[1], [0], [0], [1], [0, 0, 1, 1], [], []>, transpose_lhs_hint = false} : vector<10000x128xf32>, vector<128x64xf32>, vector<10000x64xf32> -> vector<10000x64xf32>
    %get3A_22 = arith.constant 0 : index
    %get3A_23 = arith.constant 0 : index
    %get3A_24 = vector.load %arg5[%get3A_22, %get3A_23] : memref<1x64xf32, #tpu.memory_space<vmem>>, vector<1x64xf32>
    %add3A_25 = vector.broadcast %get3A_24 : vector<1x64xf32> to vector<10000x64xf32>
    %add3A_26 = arith.addf %dot_general3A_21, %add3A_25 : vector<10000x64xf32>
    %reduce_sum3A = arith.constant dense<0.000000e+00> : vector<64xf32>
    %reduce_sum3A_27 = vector.multi_reduction <add>, %add3A_26, %reduce_sum3A [0] : vector<10000x64xf32> to vector<64xf32>
    %broadcast_in_dim3A = vector.shape_cast %reduce_sum3A_27 : vector<64xf32> to vector<1x64xf32>
    %div3A = arith.constant 1.000000e+04 : f32
    %div3A_28 = vector.broadcast %div3A : f32 to vector<1x64xf32>
    %div3A_29 = arith.divf %broadcast_in_dim3A, %div3A_28 : vector<1x64xf32>
    %sub3A = vector.broadcast %div3A_29 : vector<1x64xf32> to vector<10000x64xf32>
    %sub3A_30 = arith.subf %add3A_26, %sub3A : vector<10000x64xf32>
    %mul3A_31 = arith.mulf %sub3A_30, %sub3A_30 : vector<10000x64xf32>
    %reduce_sum3A_32 = arith.constant dense<0.000000e+00> : vector<64xf32>
    %reduce_sum3A_33 = vector.multi_reduction <add>, %mul3A_31, %reduce_sum3A_32 [0] : vector<10000x64xf32> to vector<64xf32>
    %broadcast_in_dim3A_34 = vector.shape_cast %reduce_sum3A_33 : vector<64xf32> to vector<1x64xf32>
    %div3A_35 = arith.constant 1.000000e+04 : f32
    %div3A_36 = vector.broadcast %div3A_35 : f32 to vector<1x64xf32>
    %div3A_37 = arith.divf %broadcast_in_dim3A_34, %div3A_36 : vector<1x64xf32>
    %add3A_38 = arith.constant 9.99999974E-6 : f32
    %add3A_39 = vector.broadcast %add3A_38 : f32 to vector<1x64xf32>
    %add3A_40 = arith.addf %div3A_37, %add3A_39 : vector<1x64xf32>
    %rsqrt3A = math.rsqrt %add3A_40 : vector<1x64xf32>
    %mul3A_41 = vector.broadcast %rsqrt3A : vector<1x64xf32> to vector<10000x64xf32>
    %mul3A_42 = arith.mulf %sub3A_30, %mul3A_41 : vector<10000x64xf32>
    %get3A_43 = arith.constant 0 : index
    %get3A_44 = arith.constant 0 : index
    %get3A_45 = vector.load %arg6[%get3A_43, %get3A_44] : memref<1x64xf32, #tpu.memory_space<vmem>>, vector<1x64xf32>
    %mul3A_46 = vector.broadcast %get3A_45 : vector<1x64xf32> to vector<10000x64xf32>
    %mul3A_47 = arith.mulf %mul3A_42, %mul3A_46 : vector<10000x64xf32>
    %get3A_48 = arith.constant 0 : index
    %get3A_49 = arith.constant 0 : index
    %get3A_50 = vector.load %arg7[%get3A_48, %get3A_49] : memref<1x64xf32, #tpu.memory_space<vmem>>, vector<1x64xf32>
    %add3A_51 = vector.broadcast %get3A_50 : vector<1x64xf32> to vector<10000x64xf32>
    %add3A_52 = arith.addf %mul3A_47, %add3A_51 : vector<10000x64xf32>
    %max3A = arith.constant 0.000000e+00 : f32
    %max3A_53 = vector.broadcast %max3A : f32 to vector<10000x64xf32>
    %max3A_54 = arith.maximumf %add3A_52, %max3A_53 : vector<10000x64xf32>
    %get3A_55 = arith.constant 0 : index
    %get3A_56 = arith.constant 0 : index
    %get3A_57 = vector.load %arg8[%get3A_55, %get3A_56] : memref<64x32xf32, #tpu.memory_space<vmem>>, vector<64x32xf32>
    %dot_general3A_58 = arith.constant dense<0.000000e+00> : vector<10000x32xf32>
    %dot_general3A_59 = tpu.matmul %max3A_54, %get3A_57, %dot_general3A_58 {dimension_numbers = #tpu.dot_dimension_numbers<[1], [0], [0], [1], [0, 0, 1, 1], [], []>, transpose_lhs_hint = false} : vector<10000x64xf32>, vector<64x32xf32>, vector<10000x32xf32> -> vector<10000x32xf32>
    %get3A_60 = arith.constant 0 : index
    %get3A_61 = arith.constant 0 : index
    %get3A_62 = vector.load %arg9[%get3A_60, %get3A_61] : memref<1x32xf32, #tpu.memory_space<vmem>>, vector<1x32xf32>
    %add3A_63 = vector.broadcast %get3A_62 : vector<1x32xf32> to vector<10000x32xf32>
    %add3A_64 = arith.addf %dot_general3A_59, %add3A_63 : vector<10000x32xf32>
    %convert_element_type3A_65 = arith.truncf %add3A_64 : vector<10000x32xf32> to vector<10000x32xbf16>
    %swap3A = arith.constant 0 : index
    %swap3A_66 = arith.constant 0 : index
    %swap3A_67 = vector.load %arg11[%swap3A, %swap3A_66] : memref<10000x32xbf16, #tpu.memory_space<vmem>>, vector<10000x32xbf16>
    tpu.vector_store %arg11[%swap3A, %swap3A_66], %convert_element_type3A_65 {strides = array<i32>} : memref<10000x32xbf16, #tpu.memory_space<vmem>>, vector<10000x32xbf16>,
    return
  }
  func.func @transform_0(%arg0: i32) -> (i32, i32) {
    %c0_i32 = arith.constant 0 : i32
    %c0_i32_0 = arith.constant 0 : i32
    %c0_i32_1 = arith.constant 0 : i32
    return %c0_i32, %c0_i32_0 : i32, i32
  }
  func.func @transform_1(%arg0: i32) -> (i32, i32, i32) {
    %c0_i32 = arith.constant 0 : i32
    %c0_i32_0 = arith.constant 0 : i32
    %c0_i32_1 = arith.constant 0 : i32
    %c0_i32_2 = arith.constant 0 : i32
    return %c0_i32, %c0_i32_0, %c0_i32_1 : i32, i32, i32
  }
  func.func @transform_2(%arg0: i32) -> (i32, i32, i32) {
    %c1_i32 = arith.constant 1 : i32
    %c0_i32 = arith.constant 0 : i32
    %c0_i32_0 = arith.constant 0 : i32
    %c0_i32_1 = arith.constant 0 : i32
    return %c1_i32, %c0_i32, %c0_i32_0 : i32, i32, i32
  }
  func.func @transform_3(%arg0: i32) -> (i32, i32) {
    %c0_i32 = arith.constant 0 : i32
    %c0_i32_0 = arith.constant 0 : i32
    %c0_i32_1 = arith.constant 0 : i32
    return %c0_i32, %c0_i32_0 : i32, i32
  }
  func.func @transform_4(%arg0: i32) -> (i32, i32) {
    %c0_i32 = arith.constant 0 : i32
    %c0_i32_0 = arith.constant 0 : i32
    %c0_i32_1 = arith.constant 0 : i32
    return %c0_i32, %c0_i32_0 : i32, i32
  }
  func.func @transform_5(%arg0: i32) -> (i32, i32) {
    %c0_i32 = arith.constant 0 : i32
    %c0_i32_0 = arith.constant 0 : i32
    %c0_i32_1 = arith.constant 0 : i32
    return %c0_i32, %c0_i32_0 : i32, i32
  }
  func.func @transform_6(%arg0: i32) -> (i32, i32) {
    %c0_i32 = arith.constant 0 : i32
    %c0_i32_0 = arith.constant 0 : i32
    %c0_i32_1 = arith.constant 0 : i32
    return %c0_i32, %c0_i32_0 : i32, i32
  }
  func.func @transform_7(%arg0: i32) -> (i32, i32) {
    %c0_i32 = arith.constant 0 : i32
    %c0_i32_0 = arith.constant 0 : i32
    %c0_i32_1 = arith.constant 0 : i32
    return %c0_i32, %c0_i32_0 : i32, i32
  }
  func.func @transform_8(%arg0: i32) -> (i32, i32) {
    %c0_i32 = arith.constant 0 : i32
    %c0_i32_0 = arith.constant 0 : i32
    %c0_i32_1 = arith.constant 0 : i32
    return %c0_i32, %c0_i32_0 : i32, i32
  }
  func.func @transform_9(%arg0: i32) -> (i32, i32) {
    %c0_i32 = arith.constant 0 : i32
    %c0_i32_0 = arith.constant 0 : i32
    %c0_i32_1 = arith.constant 0 : i32
    return %c0_i32, %c0_i32_0 : i32, i32
  }
  func.func @transform_10(%arg0: i32) -> (i32, i32) {
    %c0_i32 = arith.constant 0 : i32
    %c0_i32_0 = arith.constant 0 : i32
    %c0_i32_1 = arith.constant 0 : i32
    return %c0_i32, %c0_i32_0 : i32, i32
  }
}

module attributes {stable_mosaic.version = 14 : i64} {
  func.func @_tc_mlp2_pool_body(%arg0: i32, %arg1: memref<10000x32xbf16, #tpu.memory_space<vmem>>, %arg2: memref<1x10000x32xbf16, #tpu.memory_space<vmem>>, %arg3: memref<1x10000x32xbf16, #tpu.memory_space<vmem>>, %arg4: memref<32x64xf32, #tpu.memory_space<vmem>>, %arg5: memref<1x64xf32, #tpu.memory_space<vmem>>, %arg6: memref<1x64xf32, #tpu.memory_space<vmem>>, %arg7: memref<1x64xf32, #tpu.memory_space<vmem>>, %arg8: memref<64x16xf32, #tpu.memory_space<vmem>>, %arg9: memref<1x16xf32, #tpu.memory_space<vmem>>, %arg10: memref<1x10000xi32, #tpu.memory_space<vmem>>, %arg11: memref<16x1xf32, #tpu.memory_space<vmem>>, %arg12: memref<1x1xf32, #tpu.memory_space<vmem>>, %arg13: memref<1x1xf32, #tpu.memory_space<smem>>, %arg14: memref<64x1xf32, #tpu.memory_space<vmem>>) attributes {dimension_semantics = [#tpu.dimension_semantics<arbitrary>], iteration_bounds = array<i64: 1>, scalar_prefetch = 0 : i64, scratch_operands = 0 : i64, tpu.core_type = #tpu.core_type<tc>, window_params = [{pipeline_mode = #tpu.pipeline_mode<synchronous>, transform_indices = @transform_0, window_bounds = array<i64: 10000, 32>}, {transform_indices = @transform_1, window_bounds = array<i64: 1, 10000, 32>}, {transform_indices = @transform_2, window_bounds = array<i64: 1, 10000, 32>}, {pipeline_mode = #tpu.pipeline_mode<synchronous>, transform_indices = @transform_3, window_bounds = array<i64: 32, 64>}, {pipeline_mode = #tpu.pipeline_mode<synchronous>, transform_indices = @transform_4, window_bounds = array<i64: 1, 64>}, {pipeline_mode = #tpu.pipeline_mode<synchronous>, transform_indices = @transform_5, window_bounds = array<i64: 1, 64>}, {pipeline_mode = #tpu.pipeline_mode<synchronous>, transform_indices = @transform_6, window_bounds = array<i64: 1, 64>}, {pipeline_mode = #tpu.pipeline_mode<synchronous>, transform_indices = @transform_7, window_bounds = array<i64: 64, 16>}, {pipeline_mode = #tpu.pipeline_mode<synchronous>, transform_indices = @transform_8, window_bounds = array<i64: 1, 16>}, {pipeline_mode = #tpu.pipeline_mode<synchronous>, transform_indices = @transform_9, window_bounds = array<i64: 1, 10000>}, {pipeline_mode = #tpu.pipeline_mode<synchronous>, transform_indices = @transform_10, window_bounds = array<i64: 16, 1>}, {pipeline_mode = #tpu.pipeline_mode<synchronous>, transform_indices = @transform_11, window_bounds = array<i64: 1, 1>}, {transform_indices = @transform_12, window_bounds = array<i64: 1, 1>}, {pipeline_mode = #tpu.pipeline_mode<synchronous>, transform_indices = @transform_13, window_bounds = array<i64: 64, 1>}]} {
    %get3A = arith.constant 0 : index
    %get3A_0 = arith.constant 0 : index
    %get3A_1 = arith.constant 0 : index
    %get3A_2 = vector.load %arg2[%get3A, %get3A_0, %get3A_1] : memref<1x10000x32xbf16, #tpu.memory_space<vmem>>, vector<1x10000x32xbf16>
    %get3A_3 = vector.shape_cast %get3A_2 : vector<1x10000x32xbf16> to vector<10000x32xbf16>
    %get3A_4 = arith.constant 0 : index
    %get3A_5 = arith.constant 0 : index
    %get3A_6 = arith.constant 0 : index
    %get3A_7 = vector.load %arg3[%get3A_4, %get3A_5, %get3A_6] : memref<1x10000x32xbf16, #tpu.memory_space<vmem>>, vector<1x10000x32xbf16>
    %get3A_8 = vector.shape_cast %get3A_7 : vector<1x10000x32xbf16> to vector<10000x32xbf16>
    %add3A = arith.addf %get3A_3, %get3A_8 : vector<10000x32xbf16>
    %convert_element_type3A = arith.extf %add3A : vector<10000x32xbf16> to vector<10000x32xf32>
    %get3A_9 = arith.constant 0 : index
    %get3A_10 = arith.constant 0 : index
    %get3A_11 = memref.load %arg13[%get3A_9, %get3A_10] : memref<1x1xf32, #tpu.memory_space<smem>>
    %get3A_12 = arith.constant 0 : index
    %get3A_13 = arith.constant 0 : index
    %get3A_14 = vector.load %arg1[%get3A_12, %get3A_13] : memref<10000x32xbf16, #tpu.memory_space<vmem>>, vector<10000x32xbf16>
    %convert_element_type3A_15 = arith.extf %get3A_14 : vector<10000x32xbf16> to vector<10000x32xf32>
    %mul3A = vector.broadcast %get3A_11 : f32 to vector<10000x32xf32>
    %mul3A_16 = arith.mulf %mul3A, %convert_element_type3A_15 : vector<10000x32xf32>
    %add3A_17 = arith.addf %mul3A_16, %convert_element_type3A : vector<10000x32xf32>
    %get3A_18 = arith.constant 0 : index
    %get3A_19 = arith.constant 0 : index
    %get3A_20 = vector.load %arg4[%get3A_18, %get3A_19] : memref<32x64xf32, #tpu.memory_space<vmem>>, vector<32x64xf32>
    %dot_general3A = arith.constant dense<0.000000e+00> : vector<10000x64xf32>
    %dot_general3A_21 = tpu.matmul %add3A_17, %get3A_20, %dot_general3A {dimension_numbers = #tpu.dot_dimension_numbers<[1], [0], [0], [1], [0, 0, 1, 1], [], []>, transpose_lhs_hint = false} : vector<10000x32xf32>, vector<32x64xf32>, vector<10000x64xf32> -> vector<10000x64xf32>
    %get3A_22 = arith.constant 0 : index
    %get3A_23 = arith.constant 0 : index
    %get3A_24 = vector.load %arg5[%get3A_22, %get3A_23] : memref<1x64xf32, #tpu.memory_space<vmem>>, vector<1x64xf32>
    %add3A_25 = vector.broadcast %get3A_24 : vector<1x64xf32> to vector<10000x64xf32>
    %add3A_26 = arith.addf %dot_general3A_21, %add3A_25 : vector<10000x64xf32>
    %reduce_sum3A = arith.constant dense<0.000000e+00> : vector<64xf32>
    %reduce_sum3A_27 = vector.multi_reduction <add>, %add3A_26, %reduce_sum3A [0] : vector<10000x64xf32> to vector<64xf32>
    %broadcast_in_dim3A = vector.shape_cast %reduce_sum3A_27 : vector<64xf32> to vector<1x64xf32>
    %div3A = arith.constant 1.000000e+04 : f32
    %div3A_28 = vector.broadcast %div3A : f32 to vector<1x64xf32>
    %div3A_29 = arith.divf %broadcast_in_dim3A, %div3A_28 : vector<1x64xf32>
    %sub3A = vector.broadcast %div3A_29 : vector<1x64xf32> to vector<10000x64xf32>
    %sub3A_30 = arith.subf %add3A_26, %sub3A : vector<10000x64xf32>
    %mul3A_31 = arith.mulf %sub3A_30, %sub3A_30 : vector<10000x64xf32>
    %reduce_sum3A_32 = arith.constant dense<0.000000e+00> : vector<64xf32>
    %reduce_sum3A_33 = vector.multi_reduction <add>, %mul3A_31, %reduce_sum3A_32 [0] : vector<10000x64xf32> to vector<64xf32>
    %broadcast_in_dim3A_34 = vector.shape_cast %reduce_sum3A_33 : vector<64xf32> to vector<1x64xf32>
    %div3A_35 = arith.constant 1.000000e+04 : f32
    %div3A_36 = vector.broadcast %div3A_35 : f32 to vector<1x64xf32>
    %div3A_37 = arith.divf %broadcast_in_dim3A_34, %div3A_36 : vector<1x64xf32>
    %add3A_38 = arith.constant 9.99999974E-6 : f32
    %add3A_39 = vector.broadcast %add3A_38 : f32 to vector<1x64xf32>
    %add3A_40 = arith.addf %div3A_37, %add3A_39 : vector<1x64xf32>
    %rsqrt3A = math.rsqrt %add3A_40 : vector<1x64xf32>
    %mul3A_41 = vector.broadcast %rsqrt3A : vector<1x64xf32> to vector<10000x64xf32>
    %mul3A_42 = arith.mulf %sub3A_30, %mul3A_41 : vector<10000x64xf32>
    %get3A_43 = arith.constant 0 : index
    %get3A_44 = arith.constant 0 : index
    %get3A_45 = vector.load %arg6[%get3A_43, %get3A_44] : memref<1x64xf32, #tpu.memory_space<vmem>>, vector<1x64xf32>
    %mul3A_46 = vector.broadcast %get3A_45 : vector<1x64xf32> to vector<10000x64xf32>
    %mul3A_47 = arith.mulf %mul3A_42, %mul3A_46 : vector<10000x64xf32>
    %get3A_48 = arith.constant 0 : index
    %get3A_49 = arith.constant 0 : index
    %get3A_50 = vector.load %arg7[%get3A_48, %get3A_49] : memref<1x64xf32, #tpu.memory_space<vmem>>, vector<1x64xf32>
    %add3A_51 = vector.broadcast %get3A_50 : vector<1x64xf32> to vector<10000x64xf32>
    %add3A_52 = arith.addf %mul3A_47, %add3A_51 : vector<10000x64xf32>
    %max3A = arith.constant 0.000000e+00 : f32
    %max3A_53 = vector.broadcast %max3A : f32 to vector<10000x64xf32>
    %max3A_54 = arith.maximumf %add3A_52, %max3A_53 : vector<10000x64xf32>
    %get3A_55 = arith.constant 0 : index
    %get3A_56 = arith.constant 0 : index
    %get3A_57 = vector.load %arg8[%get3A_55, %get3A_56] : memref<64x16xf32, #tpu.memory_space<vmem>>, vector<64x16xf32>
    %dot_general3A_58 = arith.constant dense<0.000000e+00> : vector<10000x16xf32>
    %dot_general3A_59 = tpu.matmul %max3A_54, %get3A_57, %dot_general3A_58 {dimension_numbers = #tpu.dot_dimension_numbers<[1], [0], [0], [1], [0, 0, 1, 1], [], []>, transpose_lhs_hint = false} : vector<10000x64xf32>, vector<64x16xf32>, vector<10000x16xf32> -> vector<10000x16xf32>
    %get3A_60 = arith.constant 0 : index
    %get3A_61 = arith.constant 0 : index
    %get3A_62 = vector.load %arg9[%get3A_60, %get3A_61] : memref<1x16xf32, #tpu.memory_space<vmem>>, vector<1x16xf32>
    %add3A_63 = vector.broadcast %get3A_62 : vector<1x16xf32> to vector<10000x16xf32>
    %add3A_64 = arith.addf %dot_general3A_59, %add3A_63 : vector<10000x16xf32>
    %iota3A = tpu.iota {dimensions = array<i32: 0>} : vector<64x10000xi32>
    %get3A_65 = arith.constant 0 : index
    %get3A_66 = arith.constant 0 : index
    %get3A_67 = vector.load %arg10[%get3A_65, %get3A_66] : memref<1x10000xi32, #tpu.memory_space<vmem>>, vector<1x10000xi32>
    %eq3A = vector.broadcast %get3A_67 : vector<1x10000xi32> to vector<64x10000xi32>
    %eq3A_68 = arith.cmpi eq, %iota3A, %eq3A : vector<64x10000xi32>
    %convert_element_type3A_69 = arith.extui %eq3A_68 : vector<64x10000xi1> to vector<64x10000xi32>
    %convert_element_type3A_70 = arith.sitofp %convert_element_type3A_69 : vector<64x10000xi32> to vector<64x10000xf32>
    %dot_general3A_71 = arith.constant dense<0.000000e+00> : vector<64x16xf32>
    %dot_general3A_72 = tpu.matmul %convert_element_type3A_70, %add3A_64, %dot_general3A_71 {dimension_numbers = #tpu.dot_dimension_numbers<[1], [0], [0], [1], [0, 0, 1, 1], [], []>, transpose_lhs_hint = false} : vector<64x10000xf32>, vector<10000x16xf32>, vector<64x16xf32> -> vector<64x16xf32>
    %reduce_sum3A_73 = arith.constant dense<0.000000e+00> : vector<64xf32>
    %reduce_sum3A_74 = vector.multi_reduction <add>, %convert_element_type3A_70, %reduce_sum3A_73 [1] : vector<64x10000xf32> to vector<64xf32>
    %broadcast_in_dim3A_75 = vector.shape_cast %reduce_sum3A_74 : vector<64xf32> to vector<64x1xf32>
    %max3A_76 = arith.constant 1.000000e+00 : f32
    %max3A_77 = vector.broadcast %max3A_76 : f32 to vector<64x1xf32>
    %max3A_78 = arith.maximumf %broadcast_in_dim3A_75, %max3A_77 : vector<64x1xf32>
    %div3A_79 = vector.broadcast %max3A_78 : vector<64x1xf32> to vector<64x16xf32>
    %div3A_80 = arith.divf %dot_general3A_72, %div3A_79 : vector<64x16xf32>
    %get3A_81 = arith.constant 0 : index
    %get3A_82 = arith.constant 0 : index
    %get3A_83 = vector.load %arg11[%get3A_81, %get3A_82] : memref<16x1xf32, #tpu.memory_space<vmem>>, vector<16x1xf32>
    %dot_general3A_84 = arith.constant dense<0.000000e+00> : vector<64x1xf32>
    %dot_general3A_85 = tpu.matmul %div3A_80, %get3A_83, %dot_general3A_84 {dimension_numbers = #tpu.dot_dimension_numbers<[1], [0], [0], [1], [0, 0, 1, 1], [], []>, transpose_lhs_hint = false} : vector<64x16xf32>, vector<16x1xf32>, vector<64x1xf32> -> vector<64x1xf32>
    %get3A_86 = arith.constant 0 : index
    %get3A_87 = arith.constant 0 : index
    %get3A_88 = vector.load %arg12[%get3A_86, %get3A_87] : memref<1x1xf32, #tpu.memory_space<vmem>>, vector<1x1xf32>
    %add3A_89 = vector.broadcast %get3A_88 : vector<1x1xf32> to vector<64x1xf32>
    %add3A_90 = arith.addf %dot_general3A_85, %add3A_89 : vector<64x1xf32>
    %logistic3A = arith.negf %add3A_90 : vector<64x1xf32>
    %logistic3A_91 = math.exp %logistic3A : vector<64x1xf32>
    %logistic3A_92 = arith.constant 1.000000e+00 : f32
    %logistic3A_93 = vector.broadcast %logistic3A_92 : f32 to vector<64x1xf32>
    %logistic3A_94 = arith.addf %logistic3A_93, %logistic3A_91 : vector<64x1xf32>
    %logistic3A_95 = arith.divf %logistic3A_93, %logistic3A_94 : vector<64x1xf32>
    %swap3A = arith.constant 0 : index
    %swap3A_96 = arith.constant 0 : index
    %swap3A_97 = vector.load %arg14[%swap3A, %swap3A_96] : memref<64x1xf32, #tpu.memory_space<vmem>>, vector<64x1xf32>
    tpu.vector_store %arg14[%swap3A, %swap3A_96], %logistic3A_95 {strides = array<i32>} : memref<64x1xf32, #tpu.memory_space<vmem>>, vector<64x1xf32>,
    return
  }
  func.func @transform_0(%arg0: i32) -> (i32, i32) {
    %c0_i32 = arith.constant 0 : i32
    %c0_i32_0 = arith.constant 0 : i32
    %c0_i32_1 = arith.constant 0 : i32
    return %c0_i32, %c0_i32_0 : i32, i32
  }
  func.func @transform_1(%arg0: i32) -> (i32, i32, i32) {
    %c0_i32 = arith.constant 0 : i32
    %c0_i32_0 = arith.constant 0 : i32
    %c0_i32_1 = arith.constant 0 : i32
    %c0_i32_2 = arith.constant 0 : i32
    return %c0_i32, %c0_i32_0, %c0_i32_1 : i32, i32, i32
  }
  func.func @transform_2(%arg0: i32) -> (i32, i32, i32) {
    %c1_i32 = arith.constant 1 : i32
    %c0_i32 = arith.constant 0 : i32
    %c0_i32_0 = arith.constant 0 : i32
    %c0_i32_1 = arith.constant 0 : i32
    return %c1_i32, %c0_i32, %c0_i32_0 : i32, i32, i32
  }
  func.func @transform_3(%arg0: i32) -> (i32, i32) {
    %c0_i32 = arith.constant 0 : i32
    %c0_i32_0 = arith.constant 0 : i32
    %c0_i32_1 = arith.constant 0 : i32
    return %c0_i32, %c0_i32_0 : i32, i32
  }
  func.func @transform_4(%arg0: i32) -> (i32, i32) {
    %c0_i32 = arith.constant 0 : i32
    %c0_i32_0 = arith.constant 0 : i32
    %c0_i32_1 = arith.constant 0 : i32
    return %c0_i32, %c0_i32_0 : i32, i32
  }
  func.func @transform_5(%arg0: i32) -> (i32, i32) {
    %c0_i32 = arith.constant 0 : i32
    %c0_i32_0 = arith.constant 0 : i32
    %c0_i32_1 = arith.constant 0 : i32
    return %c0_i32, %c0_i32_0 : i32, i32
  }
  func.func @transform_6(%arg0: i32) -> (i32, i32) {
    %c0_i32 = arith.constant 0 : i32
    %c0_i32_0 = arith.constant 0 : i32
    %c0_i32_1 = arith.constant 0 : i32
    return %c0_i32, %c0_i32_0 : i32, i32
  }
  func.func @transform_7(%arg0: i32) -> (i32, i32) {
    %c0_i32 = arith.constant 0 : i32
    %c0_i32_0 = arith.constant 0 : i32
    %c0_i32_1 = arith.constant 0 : i32
    return %c0_i32, %c0_i32_0 : i32, i32
  }
  func.func @transform_8(%arg0: i32) -> (i32, i32) {
    %c0_i32 = arith.constant 0 : i32
    %c0_i32_0 = arith.constant 0 : i32
    %c0_i32_1 = arith.constant 0 : i32
    return %c0_i32, %c0_i32_0 : i32, i32
  }
  func.func @transform_9(%arg0: i32) -> (i32, i32) {
    %c0_i32 = arith.constant 0 : i32
    %c0_i32_0 = arith.constant 0 : i32
    %c0_i32_1 = arith.constant 0 : i32
    return %c0_i32, %c0_i32_0 : i32, i32
  }
  func.func @transform_10(%arg0: i32) -> (i32, i32) {
    %c0_i32 = arith.constant 0 : i32
    %c0_i32_0 = arith.constant 0 : i32
    %c0_i32_1 = arith.constant 0 : i32
    return %c0_i32, %c0_i32_0 : i32, i32
  }
  func.func @transform_11(%arg0: i32) -> (i32, i32) {
    %c0_i32 = arith.constant 0 : i32
    %c0_i32_0 = arith.constant 0 : i32
    %c0_i32_1 = arith.constant 0 : i32
    return %c0_i32, %c0_i32_0 : i32, i32
  }
  func.func @transform_12(%arg0: i32) -> (i32, i32) {
    %c0_i32 = arith.constant 0 : i32
    %c0_i32_0 = arith.constant 0 : i32
    %c0_i32_1 = arith.constant 0 : i32
    return %c0_i32, %c0_i32_0 : i32, i32
  }
  func.func @transform_13(%arg0: i32) -> (i32, i32) {
    %c0_i32 = arith.constant 0 : i32
    %c0_i32_0 = arith.constant 0 : i32
    %c0_i32_1 = arith.constant 0 : i32
    return %c0_i32, %c0_i32_0 : i32, i32
  }
}

</mosaic_0001>

<sc_bundles>
// kernel: kernel.6.cloned.1.call-start
scs
__scs_entry_jumppad:
0x0: {  	(pc) =	sbr.rel $0x88, $3  }
0x1: {  	(tag) =	ssettag $0x0;
	lr =	simm.s32 $0x1  }
0x2: {  	[smem:$0x3F8E] =	sst lr;
	_ =	strace $0xD0000000  }
0x3: {  	_ = 	snop  }
0x4: {  	_ = 	snop  }
0x5: {  	_ = 	snop  }
0x6: {  	_ = 	snop  }
0x7: {  	_ = 	snop  }
__scs_overlays_trampoline_lowered:
0x8: {  	[smem:$0x3F9D] =	sst s0  }
0x9: {  	[smem:$0x3F9E] =	sst s1  }
0xa: {  	[smem:$0x3F9F] =	sst s2  }
0xb: {  	[smem:$0x3FA0] =	sst s3  }
0xc: {  	[smem:$0x3FA1] =	sst s4  }
0xd: {  	[smem:$0x3FA2] =	sst s5  }
0xe: {  	[smem:$0x3FA3] =	sst s6  }
0xf: {  	[smem:$0x3FA4] =	sst s7  }
0x10: {  	[smem:$0x3FA5] =	sst s8  }
0x11: {  	[smem:$0x3FA6] =	sst s9;
	s0 =	simm.s32 @!p0 $0x0  }
0x12: {  	s1 =	sld [smem:$0x3F8C];
	s0 =	simm.s32 @p0 $0x1  }
0x13: {  	[smem:$0x3FA7] =	sst s0;
	s0 =	simm.s32 @!p1 $0x0  }
0x14: {  	s2 =	sld [smem:$0x3F8B];
	s0 =	simm.s32 @p1 $0x1  }
0x15: {  	[smem:$0x3FA8] =	sst s0;
	s0 =	simm.s32 @!p2 $0x0  }
0x16: {  	s3 =	sld [smem:$0x3FDB];
	s0 =	simm.s32 @p2 $0x1  }
0x17: {  	s4 =	simm.s32 $0x1BF5;
	[smem:$0x3FAA] =	sst s0  }
0x18: {  	s0 =	sld [smem:$0x3F8D];
	_ =	swait.ge [sflag:s4], $0x0  }
0x19: {  	s7 =	sld [smem:$0x3F8E]  }
0x1a: {  	s8 =	sadd.s32 $0xFFFFE003, lr  }
0x1b: {  	s9 =	sadd.s32 $0xFFFFFEF7, lr;
	s5 =	simm.s32 $0xFFFFFFFF;
	p2 =	slt.u32 s8, $0xFFFFF086  }
0x1c: {  	p1 =	slt.u32 s9, $0xF7A;
	s5 =	simm.s32 @!p2 $0x0  }
0x1d: {  	s5 =	simm.s32 @p1 $0x1;
	p0 =	seq.s32 s7, s2  }
0x1e: {  	s7 =	smul.u32 @!p0 $0xF7A, s2;
	p2 =	seq.s32 @!p0 s5, $0x0  }
0x1f: {  	s9 =	smul.u32 $0xF7A, s1;
	s8 =	simm.s32 @!p0 $0x1BF5;
	p2 =	por !p2, p0  }
0x20: {  	[sflag:s8] =	ssyncset.s32 @!p0 $0xFFFFF086;
	s6 =	sadd.s32 @!p0 s3, s7;
	s7 =	simm.s32 @!p0 $0x108  }
0x21: {  	s3 =	sadd.s32 s3, s9;
	s6 =	sadd.s32 @!p0 $0x88, s6;
	s7 =	simm.s32 @p2 $0x1082  }
0x22: {  	[simem:s7], [sflag:s8] =	dma.local @!p0 [hbm:s6], $0xF7A  }
0x23: {  	s9 =	sor.u32 $0xD0000000, s2;
	s6 =	simm.s32 $0x108;
	_ =	swait.ge @!p0 [sflag:s8], $0x0  }
0x24: {  	s3 =	sadd.s32 $0x88, s3;
	s6 =	simm.s32 @!p1 $0x1082;
	[sflag:s4] =	ssyncset.s32 $0xFFFFF086  }
0x25: {  	[simem:s6], [sflag:s4] =	dma.local [hbm:s3], $0xF7A  }
0x26: {  	[smem:$0x3F8E] =	sst s1;
	(tag) =	ssettag s2;
	_ =	strace s9  }
0x27: {  	s1 =	sld [smem:$0x3F9E]  }
0x28: {  	s2 =	sld [smem:$0x3F9F]  }
0x29: {  	s4 =	sld [smem:$0x3FA1]  }
0x2a: {  	p0 =	seq.s32 s5, $0x0;
	s5 =	sld [smem:$0x3FA2]  }
0x2b: {  	s6 =	sld [smem:$0x3FA3]  }
0x2c: {  	s7 =	sld [smem:$0x3FA4]  }
0x2d: {  	s3 =	simm.s32 $0x108;
	s8 =	sld [smem:$0x3FA5]  }
0x2e: {  	s3 =	simm.s32 @!p0 $0x1082;
	s9 =	sld [smem:$0x3FA6]  }
0x2f: {  	lr =	sadd.s32 s0, s3;
	s0 =	sld [smem:$0x3F9D]  }
0x30: {  	s3 =	sld [smem:$0x3FA0]  }
0x31: {  	[smem:$0x3FA9] =	sst s10  }
0x32: {  	s10 =	sld [smem:$0x3FA7];
	_ =	sdelay $0x3  }
0x33: {  	p0 =	seq.s32 s10, $0x1;
	s10 =	sld [smem:$0x3FA9];
	_ =	sdelay $0x3  }
0x34: {  	[smem:$0x3FA9] =	sst s10  }
0x35: {  	s10 =	sld [smem:$0x3FA8];
	_ =	sdelay $0x3  }
0x36: {  	p1 =	seq.s32 s10, $0x1;
	s10 =	sld [smem:$0x3FA9];
	_ =	sdelay $0x3  }
0x37: {  	[smem:$0x3FA9] =	sst s10  }
0x38: {  	s10 =	sld [smem:$0x3FAA]  }
0x39: {  	_ = 	snop;
	(pc) =	sbr.ind lr, $3  }
0x3a: {  	_ = 	snop  }
0x3b: {  	_ = 	snop  }
0x3c: {  	p2 =	seq.s32 s10, $0x1;
	s10 =	sld [smem:$0x3FA9]  }
0x3d: {  	_ =	shalt  }
0x3e: {  	_ =	shalt  }
0x3f: {  	_ =	shalt  }
0x40: {  	_ =	shalt  }
0x41: {  	_ =	shalt  }
0x42: {  	_ =	shalt  }
0x43: {  	_ =	shalt  }
0x44: {  	_ =	shalt  }
0x45: {  	_ =	shalt  }
0x46: {  	_ =	shalt  }
0x47: {  	_ =	shalt  }
0x48: {  	_ =	shalt  }
0x49: {  	_ =	shalt  }
0x4a: {  	_ =	shalt  }
0x4b: {  	_ =	shalt  }
0x4c: {  	_ =	shalt  }
0x4d: {  	_ =	shalt  }
0x4e: {  	_ =	shalt  }
0x4f: {  	_ =	shalt  }
0x50: {  	_ =	shalt  }
0x51: {  	_ =	shalt  }
0x52: {  	_ =	shalt  }
0x53: {  	_ =	shalt  }
0x54: {  	_ =	shalt  }
0x55: {  	_ =	shalt  }
0x56: {  	_ =	shalt  }
0x57: {  	_ =	shalt  }
0x58: {  	_ =	shalt  }
0x59: {  	_ =	shalt  }
0x5a: {  	_ =	shalt  }
0x5b: {  	_ =	shalt  }
0x5c: {  	_ =	shalt  }
0x5d: {  	_ =	shalt  }
0x5e: {  	_ =	shalt  }
0x5f: {  	_ =	shalt  }
0x60: {  	_ =	shalt  }
0x61: {  	_ =	shalt  }
0x62: {  	_ =	shalt  }
0x63: {  	_ =	shalt  }
0x64: {  	_ =	shalt  }
0x65: {  	_ =	shalt  }
0x66: {  	_ =	shalt  }
0x67: {  	_ =	shalt  }
0x68: {  	_ =	shalt  }
0x69: {  	_ =	shalt  }
0x6a: {  	_ =	shalt  }
0x6b: {  	_ =	shalt  }
0x6c: {  	_ =	shalt  }
0x6d: {  	_ =	shalt  }
0x6e: {  	_ =	shalt  }
0x6f: {  	_ =	shalt  }
0x70: {  	_ =	shalt  }
0x71: {  	_ =	shalt  }
0x72: {  	_ =	shalt  }
0x73: {  	_ =	shalt  }
0x74: {  	_ =	shalt  }
0x75: {  	_ =	shalt  }
0x76: {  	_ =	shalt  }
0x77: {  	_ =	shalt  }
0x78: {  	_ =	shalt  }
0x79: {  	_ =	shalt  }
0x7a: {  	_ =	shalt  }
0x7b: {  	_ =	shalt  }
0x7c: {  	_ =	shalt  }
0x7d: {  	_ =	shalt  }
0x7e: {  	_ =	shalt  }
0x7f: {  	_ =	shalt  }
0x80: {  	_ =	shalt  }
0x81: {  	_ =	shalt  }
0x82: {  	_ =	shalt  }
0x83: {  	_ =	shalt  }
0x84: {  	_ =	shalt  }
0x85: {  	_ =	shalt  }
0x86: {  	_ =	shalt  }
0x87: {  	_ =	shalt  }
.Lfunc_end0:
.L_simem_size_0:
called_computation_lowered:
.L_overlay_start_0:
0x88: {  	s2 =	sld [smem:$0x3FD9]  }
0x89: {  	s3 =	sld [smem:$0x3FFE];
	_ =	sdelay $0x1  }
0x8a: {  	s1 =	srdreg.scid  }
0x8b: {  	s0 =	sand.u32 $0x1, s1  }
0x8c: {  	s16 =	sshll.u32 s0, $0xA;
	s2 =	sadd.s32 s3, s2  }
0x8d: {  	s2 =	sadd.s32 s2, s16  }
0x8e: {  	[smem:$0x3FB5] =	sst s2  }
0x8f: {  	_ = 	snop  }
0x90: {  	(tm) =	ssettm $0x1  }
0x91: {  	s17 =	sld [smem:$0x3FFB];
	_ =	sdelay $0x3  }
0x92: {  	_ =	strace s17  }
0x93: {  	s2 =	sld [smem:$0x3FFC];
	_ =	sdelay $0x3  }
0x94: {  	_ =	strace s2  }
0x95: {  	s2 =	sld [smem:$0x3FFD];
	_ =	sdelay $0x3  }
0x96: {  	_ =	strace s2  }
0x97: {  	_ =	strace $0x8FFFFFFF  }
0x98: {  	s18 =	sld [smem:$0x3FDB];
	_ =	sdelay $0x1  }
0x99: {  	s19 =	simm.s32 $_scs_section_size  }
0x9a: {  	s4 =	simm.s32 $_size__tile_overlayer_lowered;
	s5 =	simm.s32 $_tile_overlayer_lowered  }
0x9b: {  	s22 =	simm.s32 $0x1BFF;
	s21 =	sshll.u32 s5, $0x1;
	s2 =	sadd.s32 s19, s18  }
0x9c: {  	s6 =	simm.s32 $0x0;
	s20 =	sshll.u32 s4, $0x1;
	s4 =	sadd.s32 s21, s2  }
0x9d: {  	[timem:s6], [sflag:s22] =	dma.local [hbm:s4], s20  }
0x9e: {  	_ =	swait.ge [sflag:s22], s20  }
0x9f: {  	s3 =	ssub.s32 $0x0, s20;
	[sflag:s22] =	ssyncset.done $0x0  }
0xa0: {  	[sflag:s22] =	ssyncadd.s32 s3;
	_ =	sdelay $0x1  }
0xa1: {  	s23 =	simm.s32 $0x1B8B  }
0xa2: {  	_ =	swait.ge [sflag:s23], $0x1  }
0xa3: {  	[sflag:s23] =	ssyncset.done $0x0  }
0xa4: {  	s25 =	simm.s32 $0x1B8E;
	s24 =	sld [smem:$0x3FFE];
	[sflag:s23] =	ssyncadd.s32 $0xFFFFFFFF  }
0xa5: {  	s26 =	simm.s32 $execute0_lowered;
	[smem:$0x3FD2] =	sst s25  }
0xa6: {  	s4 =	sshll.u32 s26, $0x1;
	_ =	strace $0x80000046;
	[dreg:$0x1] =	wrdreg $0xFFFFFFFF  }
0xa7: {  	s28 =	simm.s32 $_size_execute0_lowered;
	s2 =	sadd.s32 s2, s4;
	[dreg:$0x0] =	wrdreg $0x0  }
0xa8: {  	s4 =	sshll.u32 s28, $0x1;
	[dreg:$0x2] =	wrdreg s2  }
0xa9: {  	[dreg:$0x3] =	wrdreg s4  }
0xaa: {  	[dreg:$0x4] =	wrdreg $0xC0  }
0xab: {  	_ =	task [dreg:s6], $0x5FFFF  }
0xac: {  	[dreg:$0x1] =	wrdreg $0xFFFFFFFF  }
0xad: {  	[dreg:$0x0] =	wrdreg $0x60  }
0xae: {  	[dreg:$0x2] =	wrdreg s24  }
0xaf: {  	[dreg:$0x3] =	wrdreg $0xC6C00  }
0xb0: {  	[dreg:$0x4] =	wrdreg $0x9  }
0xb1: {  	_ =	task.clear_ibuf [dreg:s6], $0x5FFFF;
	_ =	strace $0x90000046  }
0xb2: {  	s29 =	simm.s32 $0x9;
	_ =	strace $0x80000048  }
0xb3: {  	_ =	swait.ge [sflag:s29], $0x1  }
0xb4: {  	[sflag:s29] =	ssyncadd.s32 $0xFFFFFFFF  }
0xb5: {  	_ =	strace $0x90000048  }
0xb6: {  	_ =	sfence  }
0xb7: {  	s30 =	sld [smem:$0x0];
	_ =	sdelay $0x2  }
0xb8: {  	s31 =	sshll.u32 s1, $0xD;
	s1 =	sshrl.u32 s1, $0x2  }
0xb9: {  	s3 =	sand.u32 $0x4000, s31;
	s1 =	sadd.s32 s1, s30  }
0xba: {  	s0 =	sor.u32 s3, s0;
	s1 =	sshll.u32 s1, $0x11  }
0xbb: {  	s0 =	sor.u32 s1, s0  }
0xbc: {  	s0 =	sadd.s32 $0x8F2B, s0  }
0xbd: {  	[sflag:s0] =	ssyncadd.remote.s32 $0x1  }
0xbe: {  	_ =	sfence.sel $0xFFFF  }
0xbf: {  	[dreg:$0x0] =	wrdreg $0xFFFFFFFF;
	(pc) =	sbr.abs _section_cstart, $3  }
0xc0: {  	[dreg:$0x1] =	wrdreg $0xFFFFFFFF  }
0xc1: {  	_ =	task.clear_ibuf [dreg:s6], $0x2FFFF;
	_ =	strace $0x9FFFFFFF  }
0xc2: {  	(tm) =	ssettm $0x7FFFFFFF  }
0xc3: {  	_ =	shalt  }
tec
execute0_lowered:
.L_overlay_start_1:
0x0: {  	(tag) =	ssettag $0x1  }
0x1: {  	s0 =	rddreg [dreg:$0x0]  }
0x2: {  	s2 =	rddreg [dreg:$0x1]  }
0x3: {  	s1 =	srdreg.scid;
	s12 =	stileid.u32;
	s3 =	simm.s32 $0x0  }
0x4: {  	s14 =	simm.s32 $0x7;
	s17 =	simm.s32 $0x50;
	s15 =	simm.s32 $0x7850  }
0x5: {  	s19 =	simm.s32 $0x1400;
	s16 =	simm.s32 $0x78A0;
	s28 =	simm.s32 $0x6400  }
0x6: {  	s29 =	simm.s32 $0x2;
	s30 =	simm.s32 $0x3;
	s5 =	smul.u32 $0x14000, s12  }
0x7: {  	s31 =	simm.s32 $0x4;
	s1 =	sand.u32 $0x1, s1;
	s9 =	smul.u32 $0x2760, s12  }
0x8: {  	[smem:$0x7FF] =	sst s3;
	s4 =	sadd.s32 $0x17400, s0;
	s11 =	smul.u32 $0x26C0, s12  }
0x9: {  	s7 =	sadd.s32 $0x2600, s0;
	s13 =	sadd.s32 $0x16000, s0;
	s22 =	smul.u32 $0x4EC, s12  }
0xa: {  	s10 =	sshll.u32 s12, $0x6;
	s12 =	simm.s32 $0x9F60;
	s6 =	smul.u32 $0x140000, s1  }
0xb: {  	_ =	strace $0x80000047;
	s8 =	ssub.s32 $0x2, s1;
	p0 =	seq.s32 s1, $0x1  }
0xc: {  	[dreg:$0x3] =	wrdreg s13;
	s21 =	sshrl.u32 s8, $0x1;
	s9 =	sshrl.u32 s9, $0x3  }
0xd: {  	s11 =	sshrl.u32 s11, $0x3;
	s6 =	sadd.s32 s5, s6;
	s5 =	sshrl.u32 s5, $0x1  }
0xe: {  	s8 =	ssub.s32 s8, s21;
	s23 =	sadd.s32 s7, s9;
	s24 =	sadd.s32 s7, s11  }
0xf: {  	s7 =	sadd.s32 s7, s22;
	s11 =	simm.s32 $0x7800;
	s21 =	simm.s32 $0x2800  }
0x10: {  	s22 =	simm.s32 $0x78F0;
	s6 =	sshrl.u32 s6, $0x4;
	s5 =	sadd.s32 s5, s2  }
0x11: {  	[dreg:$0x5] =	wrdreg s7;
	s1 =	sadd.s32 $0x9C40, s23;
	s25 =	sadd.s32 $0x4EC0, s24  }
0x12: {  	s26 =	sadd.s32 $0xEB00, s24;
	s8 =	smax.u32 s8, $0x1;
	[dreg:$0x6] =	wrdreg s1  }
0x13: {  	s23 =	simm.s32 $0x3C00;
	s24 =	simm.s32 $0x7940;
	[dreg:$0x7] =	wrdreg s25  }
.Ltmp0:
0x14: {  	s0 =	sadd.s32 s6, s0;
	[dreg:$0x8] =	wrdreg s26;
	(pc) =	sbr.rel .LBB2_1-.Ltmp0, $4  }
0x15: {  	s6 =	sor.u32 $0x1C07, s10;
	s10 =	sshrl.u32 s5, $0x3;
	[dreg:$0xa] =	wrdreg s8  }
0x16: {  	s25 =	simm.s32 $0x5000;
	s26 =	simm.s32 $0x1;
	[dreg:$0x4] =	wrdreg s6  }
0x17: {  	s1 =	simm.s32 $0x6;
	s9 =	sadd.s32 $0x2AE00, s0;
	[dreg:$0xb] =	wrdreg s10  }
0x18: {  	s5 =	simm.s32 $0x0;
	s0 =	simm.s32 $0x5;
	[dreg:$0x9] =	wrdreg s9  }
.LBB2_7:
0x19: {  	[sflag:s14] =	ssyncadd.s32 $0xFFFFEC00  }
0x1a: {  	_ =	swait.ge [sflag:s26], $0x1400  }
0x1b: {  	[sflag:s26] =	ssyncset.done $0x0  }
0x1c: {  	s5 =	simm.s32 $0x9D30;
	[sflag:s26] =	ssyncadd.s32 $0xFFFFEC00  }
0x1d: {  	[tilespmem:s28], [sflag:$0x6] =	stream.indirect.gather [hbm4b:s4+s17], $0x40, s5, s17, $0xb8;
	[tilespmem:$0x166C0] =	vst v63  }
0x1e: {  	s18 =	simm.s32 $0xC300  }
0x1f: {  	[spmem:s2] =	stream.indirect.scatter.add.bf16 [tilespmem:s3], [sflag:$0x7], $0x40, s18, s17, $0xb8;
	[tilespmem:$0x166C0] =	vst v63  }
0x20: {  	_ =	swait.ge [sflag:s14], $0x1400  }
0x21: {  	[sflag:s14] =	ssyncset.done $0x0  }
0x22: {  	[sflag:s14] =	ssyncadd.s32 $0xFFFFEC00  }
0x23: {  	_ =	swait.ge [sflag:s29], $0x1400  }
0x24: {  	[sflag:s29] =	ssyncset.done $0x0  }
0x25: {  	s20 =	simm.s32 $0x9D80;
	[sflag:s29] =	ssyncadd.s32 $0xFFFFEC00  }
0x26: {  	[tilespmem:s3], [sflag:$0x1] =	stream.indirect.gather [hbm4b:s4+s17], $0x40, s20, s17, $0xb8;
	[tilespmem:$0x166C0] =	vst v63  }
0x27: {  	s7 =	simm.s32 $0xC350  }
0x28: {  	[spmem:s2] =	stream.indirect.scatter.add.bf16 [tilespmem:s19], [sflag:$0x7], $0x40, s7, s17, $0xb8;
	[tilespmem:$0x166C0] =	vst v63  }
0x29: {  	_ =	swait.ge [sflag:s14], $0x1400  }
0x2a: {  	[sflag:s14] =	ssyncset.done $0x0  }
0x2b: {  	[sflag:s14] =	ssyncadd.s32 $0xFFFFEC00  }
0x2c: {  	_ =	swait.ge [sflag:s30], $0x1400  }
0x2d: {  	[sflag:s30] =	ssyncset.done $0x0  }
0x2e: {  	s18 =	simm.s32 $0x9DD0;
	[sflag:s30] =	ssyncadd.s32 $0xFFFFEC00  }
0x2f: {  	[tilespmem:s19], [sflag:$0x2] =	stream.indirect.gather [hbm4b:s4+s17], $0x40, s18, s17, $0xb8;
	[tilespmem:$0x166C0] =	vst v63  }
0x30: {  	s20 =	simm.s32 $0xC3A0  }
0x31: {  	[spmem:s2] =	stream.indirect.scatter.add.bf16 [tilespmem:s21], [sflag:$0x7], $0x40, s20, s17, $0xb8;
	[tilespmem:$0x166C0] =	vst v63  }
0x32: {  	_ =	swait.ge [sflag:s14], $0x1400  }
0x33: {  	[sflag:s14] =	ssyncset.done $0x0  }
0x34: {  	[sflag:s14] =	ssyncadd.s32 $0xFFFFEC00  }
0x35: {  	_ =	swait.ge [sflag:s31], $0x1400  }
0x36: {  	[sflag:s31] =	ssyncset.done $0x0  }
0x37: {  	s7 =	simm.s32 $0x9E20;
	[sflag:s31] =	ssyncadd.s32 $0xFFFFEC00  }
0x38: {  	[tilespmem:s21], [sflag:$0x3] =	stream.indirect.gather [hbm4b:s4+s17], $0x40, s7, s17, $0xb8;
	[tilespmem:$0x166C0] =	vst v63  }
0x39: {  	s18 =	simm.s32 $0xC3F0  }
0x3a: {  	[spmem:s2] =	stream.indirect.scatter.add.bf16 [tilespmem:s23], [sflag:$0x7], $0x40, s18, s17, $0xb8;
	[tilespmem:$0x166C0] =	vst v63  }
0x3b: {  	_ =	swait.ge [sflag:s14], $0x1400  }
0x3c: {  	[sflag:s14] =	ssyncset.done $0x0  }
0x3d: {  	[sflag:s14] =	ssyncadd.s32 $0xFFFFEC00  }
0x3e: {  	_ =	swait.ge [sflag:s0], $0x1400  }
0x3f: {  	[sflag:s0] =	ssyncset.done $0x0  }
0x40: {  	s20 =	simm.s32 $0x9E70;
	[sflag:s0] =	ssyncadd.s32 $0xFFFFEC00  }
0x41: {  	[tilespmem:s23], [sflag:$0x4] =	stream.indirect.gather [hbm4b:s4+s17], $0x40, s20, s17, $0xb8;
	[tilespmem:$0x166C0] =	vst v63  }
0x42: {  	s7 =	simm.s32 $0xC440  }
0x43: {  	[spmem:s2] =	stream.indirect.scatter.add.bf16 [tilespmem:s25], [sflag:$0x7], $0x40, s7, s17, $0xb8;
	[tilespmem:$0x166C0] =	vst v63  }
0x44: {  	_ =	swait.ge [sflag:s14], $0x1400  }
0x45: {  	[sflag:s14] =	ssyncset.done $0x0  }
0x46: {  	[sflag:s14] =	ssyncadd.s32 $0xFFFFEC00  }
0x47: {  	_ =	swait.ge [sflag:s1], $0x1400  }
0x48: {  	[sflag:s1] =	ssyncset.done $0x0  }
0x49: {  	s18 =	simm.s32 $0xC490;
	[sflag:s1] =	ssyncadd.s32 $0xFFFFEC00  }
0x4a: {  	[spmem:s2] =	stream.indirect.scatter.add.bf16 [tilespmem:s28], [sflag:$0x7], $0x40, s18, s17, $0xb8;
	[tilespmem:$0x166C0] =	vst v63  }
0x4b: {  	_ =	swait.ge [sflag:s14], $0x1400  }
0x4c: {  	[sflag:s14] =	ssyncset.done $0x0  }
0x4d: {  	[sflag:s14] =	ssyncadd.s32 $0xFFFFEC00  }
0x4e: {  	_ =	swait.ge [sflag:s26], $0x1400  }
0x4f: {  	[sflag:s26] =	ssyncset.done $0x0  }
0x50: {  	s20 =	simm.s32 $0xC4E0;
	[sflag:s26] =	ssyncadd.s32 $0xFFFFEC00  }
0x51: {  	[spmem:s2] =	stream.indirect.scatter.add.bf16 [tilespmem:s3], [sflag:$0x7], $0x40, s20, s17, $0xb8;
	[tilespmem:$0x166C0] =	vst v63  }
0x52: {  	_ =	swait.ge [sflag:s14], $0x1400  }
0x53: {  	[sflag:s14] =	ssyncset.done $0x0  }
0x54: {  	[sflag:s14] =	ssyncadd.s32 $0xFFFFEC00  }
0x55: {  	_ =	swait.ge [sflag:s29], $0x1400  }
0x56: {  	[sflag:s29] =	ssyncset.done $0x0  }
0x57: {  	s7 =	simm.s32 $0xC530;
	[sflag:s29] =	ssyncadd.s32 $0xFFFFEC00  }
0x58: {  	[spmem:s2] =	stream.indirect.scatter.add.bf16 [tilespmem:s19], [sflag:$0x7], $0x40, s7, s17, $0xb8;
	[tilespmem:$0x166C0] =	vst v63  }
0x59: {  	_ =	swait.ge [sflag:s14], $0x1400  }
0x5a: {  	[sflag:s14] =	ssyncset.done $0x0  }
0x5b: {  	[sflag:s14] =	ssyncadd.s32 $0xFFFFEC00  }
0x5c: {  	_ =	swait.ge [sflag:s30], $0x1400  }
0x5d: {  	[sflag:s30] =	ssyncset.done $0x0  }
0x5e: {  	s18 =	simm.s32 $0xC580;
	[sflag:s30] =	ssyncadd.s32 $0xFFFFEC00  }
0x5f: {  	[spmem:s2] =	stream.indirect.scatter.add.bf16 [tilespmem:s21], [sflag:$0x7], $0x40, s18, s17, $0xb8;
	[tilespmem:$0x166C0] =	vst v63  }
0x60: {  	_ =	swait.ge [sflag:s14], $0x1400  }
0x61: {  	[sflag:s14] =	ssyncset.done $0x0  }
0x62: {  	[sflag:s14] =	ssyncadd.s32 $0xFFFFEC00  }
0x63: {  	_ =	swait.ge [sflag:s31], $0x1400  }
0x64: {  	[sflag:s31] =	ssyncset.done $0x0  }
0x65: {  	s20 =	simm.s32 $0xC5D0;
	[sflag:s31] =	ssyncadd.s32 $0xFFFFEC00  }
0x66: {  	[spmem:s2] =	stream.indirect.scatter.add.bf16 [tilespmem:s23], [sflag:$0x7], $0x40, s20, s17, $0xb8;
	[tilespmem:$0x166C0] =	vst v63  }
0x67: {  	_ =	swait.ge [sflag:s14], $0x1400  }
0x68: {  	[sflag:s14] =	ssyncset.done $0x0  }
0x69: {  	s5 =	rddreg [dreg:$0xc];
	[sflag:s14] =	ssyncadd.s32 $0xFFFFEC00  }
.LBB2_8:
0x6a: {  	s5 =	sadd.s32 $0x1, s5  }
0x6b: {  	p1 =	sne.s32 s5, s8  }
.Ltmp1:
0x6c: {  	[bflag:$0x0] =	sbarrier.arrive $0xFFFF;
	(pc) =	sbr.rel @!p1 .LBB2_9-.Ltmp1, $4  }
0x6d: {  	[hbm:s9], [sflag:s6] =	dma.local [spmem:s10], $0x1400  }
0x6e: {  	_ =	swait.ge [sflag:s14], $0x1400  }
0x6f: {  	[sflag:s14] =	ssyncset.done $0x0  }
0x70: {  	[sflag:s14] =	ssyncadd.s32 $0xFFFFEC00  }
.LBB2_1:
0x71: {  	[dreg:$0xc] =	wrdreg s5  }
0x72: {  	[spmem:s10], [sflag:s6] =	dma.local [hbm:s13], $0x1400  }
.Ltmp2:
0x73: {  	_ =	swait.ge [sflag:s14], $0x1400;
	(pc) =	sbr.rel @!p0 .LBB2_2-.Ltmp2, $4  }
0x74: {  	[sflag:s14] =	ssyncset.done $0x0  }
0x75: {  	[sflag:s14] =	ssyncadd.s32 $0xFFFFEC00  }
0x76: {  	[bflag:$0x0] =	sbarrier.arrive $0xFFFF  }
0x77: {  	s5 =	simm.s32 $0x0  }
0x78: {  	s7 =	rddreg [dreg:$0x7]  }
0x79: {  	[tilespmem:s11], [sflag:$0x7] =	stream.linear.gather [hbm4b:s7+s5], $0x26C0, $0x38;
	[tilespmem:$0x166C0] =	vst v63  }
0x7a: {  	_ =	swait.ge [sflag:s14], $0x26C0  }
0x7b: {  	[sflag:s14] =	ssyncset.done $0x0  }
0x7c: {  	s20 =	rddreg [dreg:$0x8];
	[sflag:s14] =	ssyncadd.s32 $0xFFFFD940  }
0x7d: {  	[tilespmem:s12], [sflag:$0x7] =	stream.linear.gather [hbm4b:s20+s5], $0x26C0, $0x38;
	[tilespmem:$0x166C0] =	vst v63  }
0x7e: {  	_ =	swait.ge [sflag:s14], $0x26C0  }
0x7f: {  	[sflag:s14] =	ssyncset.done $0x0  }
0x80: {  	[sflag:s14] =	ssyncadd.s32 $0xFFFFD940  }
0x81: {  	[tilespmem:s5], [sflag:$0x1] =	stream.indirect.gather [hbm4b:s4+s17], $0x40, s11, s17, $0xb8;
	[tilespmem:$0x166C0] =	vst v63  }
0x82: {  	_ = 	snop  }
0x83: {  	[tilespmem:s19], [sflag:$0x2] =	stream.indirect.gather [hbm4b:s4+s17], $0x40, s15, s17, $0xb8;
	[tilespmem:$0x166C0] =	vst v63  }
0x84: {  	_ = 	snop  }
0x85: {  	[tilespmem:s21], [sflag:$0x3] =	stream.indirect.gather [hbm4b:s4+s17], $0x40, s16, s17, $0xb8;
	[tilespmem:$0x166C0] =	vst v63  }
0x86: {  	_ = 	snop  }
0x87: {  	[tilespmem:s23], [sflag:$0x4] =	stream.indirect.gather [hbm4b:s4+s17], $0x40, s22, s17, $0xb8;
	[tilespmem:$0x166C0] =	vst v63  }
0x88: {  	_ = 	snop  }
0x89: {  	[tilespmem:s25], [sflag:$0x5] =	stream.indirect.gather [hbm4b:s4+s17], $0x40, s24, s17, $0xb8;
	[tilespmem:$0x166C0] =	vst v63  }
0x8a: {  	_ =	swait.ge [sflag:s26], $0x1400  }
0x8b: {  	[sflag:s26] =	ssyncset.done $0x0  }
0x8c: {  	s7 =	simm.s32 $0x7990;
	[sflag:s26] =	ssyncadd.s32 $0xFFFFEC00  }
0x8d: {  	[tilespmem:s28], [sflag:$0x6] =	stream.indirect.gather [hbm4b:s4+s17], $0x40, s7, s17, $0xb8;
	[tilespmem:$0x166C0] =	vst v63  }
0x8e: {  	s18 =	simm.s32 $0x9F60  }
0x8f: {  	[spmem:s2] =	stream.indirect.scatter.add.bf16 [tilespmem:s3], [sflag:$0x7], $0x40, s18, s17, $0xb8;
	[tilespmem:$0x166C0] =	vst v63  }
0x90: {  	_ =	swait.ge [sflag:s14], $0x1400  }
0x91: {  	[sflag:s14] =	ssyncset.done $0x0  }
0x92: {  	[sflag:s14] =	ssyncadd.s32 $0xFFFFEC00  }
0x93: {  	_ =	swait.ge [sflag:s29], $0x1400  }
0x94: {  	[sflag:s29] =	ssyncset.done $0x0  }
0x95: {  	s20 =	simm.s32 $0x79E0;
	[sflag:s29] =	ssyncadd.s32 $0xFFFFEC00  }
0x96: {  	[tilespmem:s3], [sflag:$0x1] =	stream.indirect.gather [hbm4b:s4+s17], $0x40, s20, s17, $0xb8;
	[tilespmem:$0x166C0] =	vst v63  }
0x97: {  	s7 =	simm.s32 $0x9FB0  }
0x98: {  	[spmem:s2] =	stream.indirect.scatter.add.bf16 [tilespmem:s19], [sflag:$0x7], $0x40, s7, s17, $0xb8;
	[tilespmem:$0x166C0] =	vst v63  }
0x99: {  	_ =	swait.ge [sflag:s14], $0x1400  }
0x9a: {  	[sflag:s14] =	ssyncset.done $0x0  }
0x9b: {  	[sflag:s14] =	ssyncadd.s32 $0xFFFFEC00  }
0x9c: {  	_ =	swait.ge [sflag:s30], $0x1400  }
0x9d: {  	[sflag:s30] =	ssyncset.done $0x0  }
0x9e: {  	s18 =	simm.s32 $0x7A30;
	[sflag:s30] =	ssyncadd.s32 $0xFFFFEC00  }
0x9f: {  	[tilespmem:s19], [sflag:$0x2] =	stream.indirect.gather [hbm4b:s4+s17], $0x40, s18, s17, $0xb8;
	[tilespmem:$0x166C0] =	vst v63  }
0xa0: {  	s20 =	simm.s32 $0xA000  }
0xa1: {  	[spmem:s2] =	stream.indirect.scatter.add.bf16 [tilespmem:s21], [sflag:$0x7], $0x40, s20, s17, $0xb8;
	[tilespmem:$0x166C0] =	vst v63  }
0xa2: {  	_ =	swait.ge [sflag:s14], $0x1400  }
0xa3: {  	[sflag:s14] =	ssyncset.done $0x0  }
0xa4: {  	[sflag:s14] =	ssyncadd.s32 $0xFFFFEC00  }
0xa5: {  	_ =	swait.ge [sflag:s31], $0x1400  }
0xa6: {  	[sflag:s31] =	ssyncset.done $0x0  }
0xa7: {  	s7 =	simm.s32 $0x7A80;
	[sflag:s31] =	ssyncadd.s32 $0xFFFFEC00  }
0xa8: {  	[tilespmem:s21], [sflag:$0x3] =	stream.indirect.gather [hbm4b:s4+s17], $0x40, s7, s17, $0xb8;
	[tilespmem:$0x166C0] =	vst v63  }
0xa9: {  	s18 =	simm.s32 $0xA050  }
0xaa: {  	[spmem:s2] =	stream.indirect.scatter.add.bf16 [tilespmem:s23], [sflag:$0x7], $0x40, s18, s17, $0xb8;
	[tilespmem:$0x166C0] =	vst v63  }
0xab: {  	_ =	swait.ge [sflag:s14], $0x1400  }
0xac: {  	[sflag:s14] =	ssyncset.done $0x0  }
0xad: {  	[sflag:s14] =	ssyncadd.s32 $0xFFFFEC00  }
0xae: {  	_ =	swait.ge [sflag:s0], $0x1400  }
0xaf: {  	[sflag:s0] =	ssyncset.done $0x0  }
0xb0: {  	s20 =	simm.s32 $0x7AD0;
	[sflag:s0] =	ssyncadd.s32 $0xFFFFEC00  }
0xb1: {  	[tilespmem:s23], [sflag:$0x4] =	stream.indirect.gather [hbm4b:s4+s17], $0x40, s20, s17, $0xb8;
	[tilespmem:$0x166C0] =	vst v63  }
0xb2: {  	s7 =	simm.s32 $0xA0A0  }
0xb3: {  	[spmem:s2] =	stream.indirect.scatter.add.bf16 [tilespmem:s25], [sflag:$0x7], $0x40, s7, s17, $0xb8;
	[tilespmem:$0x166C0] =	vst v63  }
0xb4: {  	_ =	swait.ge [sflag:s14], $0x1400  }
0xb5: {  	[sflag:s14] =	ssyncset.done $0x0  }
0xb6: {  	[sflag:s14] =	ssyncadd.s32 $0xFFFFEC00  }
0xb7: {  	_ =	swait.ge [sflag:s1], $0x1400  }
0xb8: {  	[sflag:s1] =	ssyncset.done $0x0  }
0xb9: {  	s18 =	simm.s32 $0x7B20;
	[sflag:s1] =	ssyncadd.s32 $0xFFFFEC00  }
0xba: {  	[tilespmem:s25], [sflag:$0x5] =	stream.indirect.gather [hbm4b:s4+s17], $0x40, s18, s17, $0xb8;
	[tilespmem:$0x166C0] =	vst v63  }
0xbb: {  	s20 =	simm.s32 $0xA0F0  }
0xbc: {  	[spmem:s2] =	stream.indirect.scatter.add.bf16 [tilespmem:s28], [sflag:$0x7], $0x40, s20, s17, $0xb8;
	[tilespmem:$0x166C0] =	vst v63  }
0xbd: {  	_ =	swait.ge [sflag:s14], $0x1400  }
0xbe: {  	s18 =	simm.s32 $0x780;
	[sflag:s14] =	ssyncset.done $0x0  }
.LBB2_6:
0xbf: {  	p1 =	sne.s32 s18, $0x8700  }
0xc0: {  	[sflag:s14] =	ssyncadd.s32 $0xFFFFEC00;
	s5 =	smov.u32 s18;
	s18 =	sadd.s32 $0x780, s18  }
0xc1: {  	_ = 	snop  }
0xc2: {  	_ =	swait.ge [sflag:s26], $0x1400  }
0xc3: {  	s20 =	sshra.s32 s5, $0x2;
	[sflag:s26] =	ssyncset.done $0x0  }
0xc4: {  	s5 =	sadd.s32 $0x7990, s20;
	[sflag:s26] =	ssyncadd.s32 $0xFFFFEC00  }
0xc5: {  	[tilespmem:s28], [sflag:$0x6] =	stream.indirect.gather [hbm4b:s4+s17], $0x40, s5, s17, $0xb8;
	[tilespmem:$0x166C0] =	vst v63  }
0xc6: {  	s5 =	sadd.s32 $0x9F60, s20  }
0xc7: {  	[spmem:s2] =	stream.indirect.scatter.add.bf16 [tilespmem:s3], [sflag:$0x7], $0x40, s5, s17, $0xb8;
	[tilespmem:$0x166C0] =	vst v63  }
0xc8: {  	_ =	swait.ge [sflag:s14], $0x1400  }
0xc9: {  	[sflag:s14] =	ssyncset.done $0x0  }
0xca: {  	[sflag:s14] =	ssyncadd.s32 $0xFFFFEC00  }
0xcb: {  	_ =	swait.ge [sflag:s29], $0x1400  }
0xcc: {  	[sflag:s29] =	ssyncset.done $0x0  }
0xcd: {  	s5 =	sadd.s32 $0x79E0, s20;
	[sflag:s29] =	ssyncadd.s32 $0xFFFFEC00  }
0xce: {  	[tilespmem:s3], [sflag:$0x1] =	stream.indirect.gather [hbm4b:s4+s17], $0x40, s5, s17, $0xb8;
	[tilespmem:$0x166C0] =	vst v63  }
0xcf: {  	s5 =	sadd.s32 $0x9FB0, s20  }
0xd0: {  	[spmem:s2] =	stream.indirect.scatter.add.bf16 [tilespmem:s19], [sflag:$0x7], $0x40, s5, s17, $0xb8;
	[tilespmem:$0x166C0] =	vst v63  }
0xd1: {  	_ =	swait.ge [sflag:s14], $0x1400  }
0xd2: {  	[sflag:s14] =	ssyncset.done $0x0  }
0xd3: {  	[sflag:s14] =	ssyncadd.s32 $0xFFFFEC00  }
0xd4: {  	_ =	swait.ge [sflag:s30], $0x1400  }
0xd5: {  	[sflag:s30] =	ssyncset.done $0x0  }
0xd6: {  	s5 =	sadd.s32 $0x7A30, s20;
	[sflag:s30] =	ssyncadd.s32 $0xFFFFEC00  }
0xd7: {  	[tilespmem:s19], [sflag:$0x2] =	stream.indirect.gather [hbm4b:s4+s17], $0x40, s5, s17, $0xb8;
	[tilespmem:$0x166C0] =	vst v63  }
0xd8: {  	s5 =	sadd.s32 $0xA000, s20  }
0xd9: {  	[spmem:s2] =	stream.indirect.scatter.add.bf16 [tilespmem:s21], [sflag:$0x7], $0x40, s5, s17, $0xb8;
	[tilespmem:$0x166C0] =	vst v63  }
0xda: {  	_ =	swait.ge [sflag:s14], $0x1400  }
0xdb: {  	[sflag:s14] =	ssyncset.done $0x0  }
0xdc: {  	[sflag:s14] =	ssyncadd.s32 $0xFFFFEC00  }
0xdd: {  	_ =	swait.ge [sflag:s31], $0x1400  }
0xde: {  	[sflag:s31] =	ssyncset.done $0x0  }
0xdf: {  	s5 =	sadd.s32 $0x7A80, s20;
	[sflag:s31] =	ssyncadd.s32 $0xFFFFEC00  }
0xe0: {  	[tilespmem:s21], [sflag:$0x3] =	stream.indirect.gather [hbm4b:s4+s17], $0x40, s5, s17, $0xb8;
	[tilespmem:$0x166C0] =	vst v63  }
0xe1: {  	s5 =	sadd.s32 $0xA050, s20  }
0xe2: {  	[spmem:s2] =	stream.indirect.scatter.add.bf16 [tilespmem:s23], [sflag:$0x7], $0x40, s5, s17, $0xb8;
	[tilespmem:$0x166C0] =	vst v63  }
0xe3: {  	_ =	swait.ge [sflag:s14], $0x1400  }
0xe4: {  	[sflag:s14] =	ssyncset.done $0x0  }
0xe5: {  	[sflag:s14] =	ssyncadd.s32 $0xFFFFEC00  }
0xe6: {  	_ =	swait.ge [sflag:s0], $0x1400  }
0xe7: {  	[sflag:s0] =	ssyncset.done $0x0  }
0xe8: {  	s5 =	sadd.s32 $0x7AD0, s20;
	[sflag:s0] =	ssyncadd.s32 $0xFFFFEC00  }
0xe9: {  	[tilespmem:s23], [sflag:$0x4] =	stream.indirect.gather [hbm4b:s4+s17], $0x40, s5, s17, $0xb8;
	[tilespmem:$0x166C0] =	vst v63  }
0xea: {  	s5 =	sadd.s32 $0xA0A0, s20  }
0xeb: {  	[spmem:s2] =	stream.indirect.scatter.add.bf16 [tilespmem:s25], [sflag:$0x7], $0x40, s5, s17, $0xb8;
	[tilespmem:$0x166C0] =	vst v63  }
0xec: {  	_ =	swait.ge [sflag:s14], $0x1400  }
0xed: {  	[sflag:s14] =	ssyncset.done $0x0  }
0xee: {  	[sflag:s14] =	ssyncadd.s32 $0xFFFFEC00  }
0xef: {  	_ =	swait.ge [sflag:s1], $0x1400  }
0xf0: {  	[sflag:s1] =	ssyncset.done $0x0  }
0xf1: {  	s5 =	sadd.s32 $0x7B20, s20;
	[sflag:s1] =	ssyncadd.s32 $0xFFFFEC00  }
0xf2: {  	[tilespmem:s25], [sflag:$0x5] =	stream.indirect.gather [hbm4b:s4+s17], $0x40, s5, s17, $0xb8;
	[tilespmem:$0x166C0] =	vst v63  }
.Ltmp3:
0xf3: {  	_ = 	snop;
	(pc) =	sbr.rel @p1 .LBB2_6-.Ltmp3, $4  }
0xf4: {  	s5 =	sadd.s32 $0xA0F0, s20  }
0xf5: {  	[spmem:s2] =	stream.indirect.scatter.add.bf16 [tilespmem:s28], [sflag:$0x7], $0x40, s5, s17, $0xb8;
	[tilespmem:$0x166C0] =	vst v63  }
0xf6: {  	_ =	swait.ge [sflag:s14], $0x1400  }
0xf7: {  	[sflag:s14] =	ssyncset.done $0x0  }
.Ltmp4:
0xf8: {  	_ = 	snop;
	(pc) =	sbr.rel .LBB2_7-.Ltmp4, $1  }
0xf9: {  	_ =	sdelay $0x3  }
.LBB2_2:
0xfa: {  	s6 =	rddreg [dreg:$0x5]  }
0xfb: {  	[tilespmem:s11], [sflag:$0x7] =	stream.linear.gather [hbm4b:s6+s5], $0x2760, $0x38;
	[tilespmem:$0x166C0] =	vst v63  }
0xfc: {  	_ =	swait.ge [sflag:s14], $0x2760  }
0xfd: {  	[sflag:s14] =	ssyncset.done $0x0  }
0xfe: {  	s13 =	rddreg [dreg:$0x6];
	[sflag:s14] =	ssyncadd.s32 $0xFFFFD8A0  }
0xff: {  	[tilespmem:s12], [sflag:$0x7] =	stream.linear.gather [hbm4b:s13+s5], $0x2760, $0x38;
	[tilespmem:$0x166C0] =	vst v63  }
0x100: {  	_ =	swait.ge [sflag:s14], $0x2760  }
0x101: {  	[sflag:s14] =	ssyncset.done $0x0  }
0x102: {  	[sflag:s14] =	ssyncadd.s32 $0xFFFFD8A0  }
0x103: {  	[tilespmem:s5], [sflag:$0x1] =	stream.indirect.gather [hbm4b:s4+s17], $0x40, s11, s17, $0xb8;
	[tilespmem:$0x166C0] =	vst v63  }
0x104: {  	_ = 	snop  }
0x105: {  	[tilespmem:s19], [sflag:$0x2] =	stream.indirect.gather [hbm4b:s4+s17], $0x40, s15, s17, $0xb8;
	[tilespmem:$0x166C0] =	vst v63  }
0x106: {  	_ = 	snop  }
0x107: {  	[tilespmem:s21], [sflag:$0x3] =	stream.indirect.gather [hbm4b:s4+s17], $0x40, s16, s17, $0xb8;
	[tilespmem:$0x166C0] =	vst v63  }
0x108: {  	_ = 	snop  }
0x109: {  	[tilespmem:s23], [sflag:$0x4] =	stream.indirect.gather [hbm4b:s4+s17], $0x40, s22, s17, $0xb8;
	[tilespmem:$0x166C0] =	vst v63  }
0x10a: {  	_ = 	snop  }
0x10b: {  	[tilespmem:s25], [sflag:$0x5] =	stream.indirect.gather [hbm4b:s4+s17], $0x40, s24, s17, $0xb8;
	[tilespmem:$0x166C0] =	vst v63  }
0x10c: {  	_ =	swait.ge [sflag:s26], $0x1400  }
0x10d: {  	[sflag:s26] =	ssyncset.done $0x0  }
0x10e: {  	s16 =	simm.s32 $0x7990;
	[sflag:s26] =	ssyncadd.s32 $0xFFFFEC00  }
0x10f: {  	[tilespmem:s28], [sflag:$0x6] =	stream.indirect.gather [hbm4b:s4+s17], $0x40, s16, s17, $0xb8;
	[tilespmem:$0x166C0] =	vst v63  }
0x110: {  	s18 =	simm.s32 $0x9F60  }
0x111: {  	[spmem:s2] =	stream.indirect.scatter.add.bf16 [tilespmem:s3], [sflag:$0x7], $0x40, s18, s17, $0xb8;
	[tilespmem:$0x166C0] =	vst v63  }
0x112: {  	_ =	swait.ge [sflag:s14], $0x1400  }
0x113: {  	[sflag:s14] =	ssyncset.done $0x0  }
0x114: {  	[sflag:s14] =	ssyncadd.s32 $0xFFFFEC00  }
0x115: {  	p1 =	por $0x0, $0x0;
	_ =	swait.ge [sflag:s29], $0x1400  }
0x116: {  	s7 =	simm.s32 @p1 $0x9FB0;
	[sflag:s29] =	ssyncset.done $0x0  }
0x117: {  	s8 =	simm.s32 @p1 $0x1400;
	s5 =	simm.s32 @p1 $0x50;
	[sflag:s29] =	ssyncadd.s32 $0xFFFFEC00  }
0x118: {  	[spmem:s2] =	stream.indirect.scatter.add.bf16 @p1 [tilespmem:s8], [sflag:$0x7], $0x40, s7, s5, $0xb8;
	[tilespmem:$0x166C0] =	vst v63  }
0x119: {  	s7 =	simm.s32 @p1 $0x7  }
0x11a: {  	_ =	swait.ge @p1 [sflag:s7], $0x1400  }
0x11b: {  	[sflag:s7] =	ssyncset.done @p1 $0x0  }
0x11c: {  	s8 =	simm.s32 @p1 $0x3;
	[sflag:s7] =	ssyncadd.s32 @p1 $0xFFFFEC00  }
0x11d: {  	_ =	swait.ge @p1 [sflag:s8], $0x1400  }
0x11e: {  	s9 =	simm.s32 @!p1 $0x79E0;
	[sflag:s8] =	ssyncset.done @p1 $0x0  }
0x11f: {  	s10 =	simm.s32 @!p1 $0x50;
	s11 =	simm.s32 @!p1 $0x0;
	[sflag:s8] =	ssyncadd.s32 @p1 $0xFFFFEC00  }
0x120: {  	[tilespmem:s11], [sflag:$0x1] =	stream.indirect.gather @!p1 [hbm4b:s4+s10], $0x40, s9, s10, $0xb8;
	[tilespmem:$0x166C0] =	vst v63  }
0x121: {  	s8 =	simm.s32 @!p1 $0x9FB0;
	s9 =	simm.s32 @!p1 $0x1400;
	s11 =	simm.s32 @!p1 $0x7  }
0x122: {  	[spmem:s2] =	stream.indirect.scatter.add.bf16 @!p1 [tilespmem:s9], [sflag:$0x7], $0x40, s8, s10, $0xb8;
	[tilespmem:$0x166C0] =	vst v63  }
0x123: {  	_ =	swait.ge @!p1 [sflag:s11], $0x1400  }
0x124: {  	[sflag:s11] =	ssyncset.done @!p1 $0x0  }
0x125: {  	s8 =	simm.s32 @!p1 $0x3;
	[sflag:s11] =	ssyncadd.s32 @!p1 $0xFFFFEC00  }
0x126: {  	_ =	swait.ge @!p1 [sflag:s8], $0x1400  }
0x127: {  	[sflag:s8] =	ssyncset.done @!p1 $0x0  }
0x128: {  	[sflag:s8] =	ssyncadd.s32 @!p1 $0xFFFFEC00;
	s8 =	simm.s32 @!p1 $0x7A30  }
0x129: {  	[tilespmem:s9], [sflag:$0x2] =	stream.indirect.gather @!p1 [hbm4b:s4+s10], $0x40, s8, s10, $0xb8;
	[tilespmem:$0x166C0] =	vst v63  }
0x12a: {  	s20 =	simm.s32 $0xA000  }
0x12b: {  	[spmem:s2] =	stream.indirect.scatter.add.bf16 [tilespmem:s21], [sflag:$0x7], $0x40, s20, s17, $0xb8;
	[tilespmem:$0x166C0] =	vst v63  }
0x12c: {  	_ =	swait.ge [sflag:s14], $0x1400  }
0x12d: {  	[sflag:s14] =	ssyncset.done $0x0  }
0x12e: {  	[sflag:s14] =	ssyncadd.s32 $0xFFFFEC00  }
0x12f: {  	_ =	swait.ge [sflag:s31], $0x1400  }
0x130: {  	[sflag:s31] =	ssyncset.done $0x0  }
0x131: {  	s8 =	simm.s32 @p1 $0xA050;
	s9 =	simm.s32 @p1 $0x3C00;
	[sflag:s31] =	ssyncadd.s32 $0xFFFFEC00  }
0x132: {  	[spmem:s2] =	stream.indirect.scatter.add.bf16 @p1 [tilespmem:s9], [sflag:$0x7], $0x40, s8, s5, $0xb8;
	[tilespmem:$0x166C0] =	vst v63  }
0x133: {  	_ =	swait.ge @p1 [sflag:s7], $0x1400  }
0x134: {  	[sflag:s7] =	ssyncset.done @p1 $0x0  }
0x135: {  	s5 =	simm.s32 @p1 $0x5;
	[sflag:s7] =	ssyncadd.s32 @p1 $0xFFFFEC00  }
0x136: {  	_ =	swait.ge @p1 [sflag:s5], $0x1400  }
0x137: {  	[sflag:s5] =	ssyncset.done @p1 $0x0  }
0x138: {  	s7 =	simm.s32 @!p1 $0x7A80;
	[sflag:s5] =	ssyncadd.s32 @p1 $0xFFFFEC00;
	s5 =	simm.s32 @!p1 $0x2800  }
0x139: {  	[tilespmem:s5], [sflag:$0x3] =	stream.indirect.gather @!p1 [hbm4b:s4+s10], $0x40, s7, s10, $0xb8;
	[tilespmem:$0x166C0] =	vst v63  }
0x13a: {  	s5 =	simm.s32 @!p1 $0xA050;
	s7 =	simm.s32 @!p1 $0x3C00  }
0x13b: {  	[spmem:s2] =	stream.indirect.scatter.add.bf16 @!p1 [tilespmem:s7], [sflag:$0x7], $0x40, s5, s10, $0xb8;
	[tilespmem:$0x166C0] =	vst v63  }
0x13c: {  	_ =	swait.ge @!p1 [sflag:s11], $0x1400  }
0x13d: {  	[sflag:s11] =	ssyncset.done @!p1 $0x0  }
0x13e: {  	s5 =	simm.s32 @!p1 $0x5;
	[sflag:s11] =	ssyncadd.s32 @!p1 $0xFFFFEC00  }
0x13f: {  	_ =	swait.ge @!p1 [sflag:s5], $0x1400  }
0x140: {  	[sflag:s5] =	ssyncset.done @!p1 $0x0  }
0x141: {  	[sflag:s5] =	ssyncadd.s32 @!p1 $0xFFFFEC00;
	s5 =	simm.s32 @!p1 $0x7AD0  }
0x142: {  	[tilespmem:s7], [sflag:$0x4] =	stream.indirect.gather @!p1 [hbm4b:s4+s10], $0x40, s5, s10, $0xb8;
	[tilespmem:$0x166C0] =	vst v63  }
0x143: {  	s22 =	simm.s32 $0xA0A0  }
0x144: {  	[spmem:s2] =	stream.indirect.scatter.add.bf16 [tilespmem:s25], [sflag:$0x7], $0x40, s22, s17, $0xb8;
	[tilespmem:$0x166C0] =	vst v63  }
0x145: {  	_ =	swait.ge [sflag:s14], $0x1400  }
0x146: {  	[sflag:s14] =	ssyncset.done $0x0  }
0x147: {  	[sflag:s14] =	ssyncadd.s32 $0xFFFFEC00  }
0x148: {  	_ =	swait.ge [sflag:s1], $0x1400  }
0x149: {  	[sflag:s1] =	ssyncset.done $0x0  }
0x14a: {  	s5 =	simm.s32 @!p1 $0x7B20;
	s7 =	simm.s32 @!p1 $0x5000;
	[sflag:s1] =	ssyncadd.s32 $0xFFFFEC00  }
0x14b: {  	[tilespmem:s7], [sflag:$0x5] =	stream.indirect.gather @!p1 [hbm4b:s4+s10], $0x40, s5, s10, $0xb8;
	[tilespmem:$0x166C0] =	vst v63  }
0x14c: {  	s24 =	simm.s32 $0xA0F0  }
0x14d: {  	[spmem:s2] =	stream.indirect.scatter.add.bf16 [tilespmem:s28], [sflag:$0x7], $0x40, s24, s17, $0xb8;
	[tilespmem:$0x166C0] =	vst v63  }
0x14e: {  	s18 =	simm.s32 $0x780;
	_ =	swait.ge [sflag:s14], $0x1400  }
.LBB2_3:
0x14f: {  	[sflag:s14] =	ssyncset.done $0x0;
	s5 =	smov.u32 s18;
	s18 =	sadd.s32 $0x780, s18  }
0x150: {  	p1 =	seq.s32 s18, $0x9D80;
	[sflag:s14] =	ssyncadd.s32 $0xFFFFEC00  }
0x151: {  	_ =	swait.ge [sflag:s26], $0x1400  }
0x152: {  	s20 =	sshra.s32 s5, $0x2;
	[sflag:s26] =	ssyncset.done $0x0  }
0x153: {  	s7 =	sadd.s32 $0x7990, s20;
	[sflag:s26] =	ssyncadd.s32 $0xFFFFEC00  }
0x154: {  	[tilespmem:s28], [sflag:$0x6] =	stream.indirect.gather [hbm4b:s4+s17], $0x40, s7, s17, $0xb8;
	[tilespmem:$0x166C0] =	vst v63  }
0x155: {  	s7 =	sadd.s32 $0x9F60, s20  }
0x156: {  	[spmem:s2] =	stream.indirect.scatter.add.bf16 [tilespmem:s3], [sflag:$0x7], $0x40, s7, s17, $0xb8;
	[tilespmem:$0x166C0] =	vst v63  }
0x157: {  	_ =	swait.ge [sflag:s14], $0x1400  }
0x158: {  	[sflag:s14] =	ssyncset.done $0x0  }
0x159: {  	[sflag:s14] =	ssyncadd.s32 $0xFFFFEC00  }
0x15a: {  	p2 =	seq.s32 s5, $0x9600;
	_ =	swait.ge [sflag:s29], $0x1400  }
0x15b: {  	s8 =	simm.s32 @p2 $0x50;
	s7 =	sshra.s32 @p2 s5, $0x2;
	[sflag:s29] =	ssyncset.done $0x0  }
0x15c: {  	s10 =	simm.s32 @p2 $0x1400;
	s9 =	sadd.s32 @p2 $0x9FB0, s7;
	[sflag:s29] =	ssyncadd.s32 $0xFFFFEC00  }
0x15d: {  	[spmem:s2] =	stream.indirect.scatter.add.bf16 @p2 [tilespmem:s10], [sflag:$0x7], $0x40, s9, s8, $0xb8;
	[tilespmem:$0x166C0] =	vst v63  }
0x15e: {  	s15 =	sshra.s32 @!p2 s5, $0x2;
	s11 =	sadd.s32 @p2 $0xA050, s7;
	s9 =	simm.s32 @p2 $0x7  }
0x15f: {  	s12 =	sadd.s32 @!p2 $0x79E0, s15;
	s6 =	sadd.s32 @!p2 $0x9FB0, s15;
	_ =	swait.ge @p2 [sflag:s9], $0x1400  }
0x160: {  	s13 =	simm.s32 @p2 $0x3;
	s16 =	sadd.s32 @!p2 $0x7A30, s15;
	[sflag:s9] =	ssyncset.done @p2 $0x0  }
0x161: {  	s5 =	sadd.s32 @!p2 $0x7A80, s15;
	s10 =	sadd.s32 @!p2 $0xA050, s15;
	[sflag:s9] =	ssyncadd.s32 @p2 $0xFFFFEC00  }
0x162: {  	s22 =	sadd.s32 @!p2 $0x7B20, s15;
	s7 =	sadd.s32 @!p2 $0x7AD0, s15;
	_ =	swait.ge @p2 [sflag:s13], $0x1400  }
0x163: {  	s24 =	simm.s32 @!p2 $0x50;
	s15 =	simm.s32 @!p2 $0x0;
	[sflag:s13] =	ssyncset.done @p2 $0x0  }
0x164: {  	[sflag:s13] =	ssyncadd.s32 @p2 $0xFFFFEC00;
	s13 =	simm.s32 @!p2 $0x1400  }
0x165: {  	[tilespmem:s15], [sflag:$0x1] =	stream.indirect.gather @!p2 [hbm4b:s4+s24], $0x40, s12, s24, $0xb8;
	[tilespmem:$0x166C0] =	vst v63  }
0x166: {  	s15 =	simm.s32 @!p2 $0x7  }
0x167: {  	[spmem:s2] =	stream.indirect.scatter.add.bf16 @!p2 [tilespmem:s13], [sflag:$0x7], $0x40, s6, s24, $0xb8;
	[tilespmem:$0x166C0] =	vst v63  }
0x168: {  	_ =	swait.ge @!p2 [sflag:s15], $0x1400  }
0x169: {  	s6 =	simm.s32 @!p2 $0x3;
	[sflag:s15] =	ssyncset.done @!p2 $0x0  }
0x16a: {  	[sflag:s15] =	ssyncadd.s32 @!p2 $0xFFFFEC00  }
0x16b: {  	_ =	swait.ge @!p2 [sflag:s6], $0x1400  }
0x16c: {  	[sflag:s6] =	ssyncset.done @!p2 $0x0  }
0x16d: {  	[sflag:s6] =	ssyncadd.s32 @!p2 $0xFFFFEC00;
	s6 =	sadd.s32 $0xA000, s20  }
0x16e: {  	[tilespmem:s13], [sflag:$0x2] =	stream.indirect.gather @!p2 [hbm4b:s4+s24], $0x40, s16, s24, $0xb8;
	[tilespmem:$0x166C0] =	vst v63  }
0x16f: {  	_ = 	snop  }
0x170: {  	[spmem:s2] =	stream.indirect.scatter.add.bf16 [tilespmem:s21], [sflag:$0x7], $0x40, s6, s17, $0xb8;
	[tilespmem:$0x166C0] =	vst v63  }
0x171: {  	_ =	swait.ge [sflag:s14], $0x1400  }
0x172: {  	[sflag:s14] =	ssyncset.done $0x0  }
0x173: {  	[sflag:s14] =	ssyncadd.s32 $0xFFFFEC00  }
0x174: {  	_ =	swait.ge [sflag:s31], $0x1400  }
0x175: {  	s6 =	simm.s32 @p2 $0x3C00;
	[sflag:s31] =	ssyncset.done $0x0  }
0x176: {  	[sflag:s31] =	ssyncadd.s32 $0xFFFFEC00  }
0x177: {  	[spmem:s2] =	stream.indirect.scatter.add.bf16 @p2 [tilespmem:s6], [sflag:$0x7], $0x40, s11, s8, $0xb8;
	[tilespmem:$0x166C0] =	vst v63  }
0x178: {  	_ =	swait.ge @p2 [sflag:s9], $0x1400  }
0x179: {  	s6 =	simm.s32 @p2 $0x5;
	[sflag:s9] =	ssyncset.done @p2 $0x0  }
0x17a: {  	[sflag:s9] =	ssyncadd.s32 @p2 $0xFFFFEC00  }
0x17b: {  	_ =	swait.ge @p2 [sflag:s6], $0x1400  }
0x17c: {  	s8 =	simm.s32 @!p2 $0x2800;
	[sflag:s6] =	ssyncset.done @p2 $0x0  }
0x17d: {  	[sflag:s6] =	ssyncadd.s32 @p2 $0xFFFFEC00;
	s6 =	simm.s32 @!p2 $0x3C00  }
0x17e: {  	[tilespmem:s8], [sflag:$0x3] =	stream.indirect.gather @!p2 [hbm4b:s4+s24], $0x40, s5, s24, $0xb8;
	[tilespmem:$0x166C0] =	vst v63  }
0x17f: {  	_ = 	snop  }
0x180: {  	[spmem:s2] =	stream.indirect.scatter.add.bf16 @!p2 [tilespmem:s6], [sflag:$0x7], $0x40, s10, s24, $0xb8;
	[tilespmem:$0x166C0] =	vst v63  }
0x181: {  	_ =	swait.ge @!p2 [sflag:s15], $0x1400  }
0x182: {  	s5 =	simm.s32 @!p2 $0x5;
	[sflag:s15] =	ssyncset.done @!p2 $0x0  }
0x183: {  	[sflag:s15] =	ssyncadd.s32 @!p2 $0xFFFFEC00  }
0x184: {  	_ =	swait.ge @!p2 [sflag:s5], $0x1400  }
0x185: {  	[sflag:s5] =	ssyncset.done @!p2 $0x0  }
0x186: {  	[sflag:s5] =	ssyncadd.s32 @!p2 $0xFFFFEC00;
	s5 =	sadd.s32 $0xA0A0, s20  }
0x187: {  	[tilespmem:s6], [sflag:$0x4] =	stream.indirect.gather @!p2 [hbm4b:s4+s24], $0x40, s7, s24, $0xb8;
	[tilespmem:$0x166C0] =	vst v63  }
0x188: {  	_ = 	snop  }
0x189: {  	[spmem:s2] =	stream.indirect.scatter.add.bf16 [tilespmem:s25], [sflag:$0x7], $0x40, s5, s17, $0xb8;
	[tilespmem:$0x166C0] =	vst v63  }
0x18a: {  	_ =	swait.ge [sflag:s14], $0x1400  }
0x18b: {  	[sflag:s14] =	ssyncset.done $0x0  }
0x18c: {  	[sflag:s14] =	ssyncadd.s32 $0xFFFFEC00  }
0x18d: {  	_ =	swait.ge [sflag:s1], $0x1400  }
0x18e: {  	s5 =	simm.s32 @!p2 $0x5000;
	[sflag:s1] =	ssyncset.done $0x0  }
.Ltmp5:
0x18f: {  	s6 =	sadd.s32 $0xA0F0, s20;
	[sflag:s1] =	ssyncadd.s32 $0xFFFFEC00;
	(pc) =	sbr.rel @!p1 .LBB2_3-.Ltmp5, $4  }
0x190: {  	[tilespmem:s5], [sflag:$0x5] =	stream.indirect.gather @!p2 [hbm4b:s4+s24], $0x40, s22, s24, $0xb8;
	[tilespmem:$0x166C0] =	vst v63  }
0x191: {  	_ = 	snop  }
0x192: {  	[spmem:s2] =	stream.indirect.scatter.add.bf16 [tilespmem:s28], [sflag:$0x7], $0x40, s6, s17, $0xb8;
	[tilespmem:$0x166C0] =	vst v63  }
0x193: {  	_ =	swait.ge [sflag:s14], $0x1400  }
0x194: {  	s13 =	rddreg [dreg:$0x3]  }
0x195: {  	s6 =	rddreg [dreg:$0x4]  }
.Ltmp6:
0x196: {  	s9 =	rddreg [dreg:$0x9];
	(pc) =	sbr.rel .LBB2_8-.Ltmp6, $4  }
0x197: {  	[sflag:s14] =	ssyncset.done $0x0;
	s8 =	rddreg [dreg:$0xa]  }
0x198: {  	s10 =	rddreg [dreg:$0xb];
	s11 =	simm.s32 $0x7800;
	s12 =	simm.s32 $0x9F60  }
0x199: {  	s15 =	simm.s32 $0x7850;
	s16 =	simm.s32 $0x78A0;
	s22 =	simm.s32 $0x78F0  }
0x19a: {  	s24 =	simm.s32 $0x7940;
	s5 =	rddreg [dreg:$0xc];
	[sflag:s14] =	ssyncadd.s32 $0xFFFFEC00  }
.LBB2_9:
0x19b: {  	_ =	sfence.sel $0x180000  }
0x19c: {  	[bflag:$0x0] =	sbarrier.arrive $0xFFFF  }
0x19d: {  	_ =	strace $0x90000047  }
0x19e: {  	s0 =	stileid.u32;
	[bflag:$0x2] =	sbarrier.arrive $0xFFFF  }
0x19f: {  	p0 =	sne.s32 s0, $0x0;
	s0 =	rddreg [dreg:$0x2]  }
0x1a0: {  	s0 =	sadd.s32 @!p0 $0x100000, s0  }
0x1a1: {  	[sflag:s0] =	ssyncadd.tile.s32 @!p0 $0x1;
	_ =	shalt  }
.Lfunc_end2:
_tile_overlayer_lowered:
.L_overlay_start_2:
0x1a2: {  	(tag) =	ssettag $0x2  }
0x1a3: {  	s0 =	rddreg [dreg:$0x0];
	s2 =	stileid.u32  }
0x1a4: {  	s1 =	rddreg [dreg:$0x1];
	p0 =	sne.s32 s2, $0x0  }
0x1a5: {  	s3 =	rddreg [dreg:$0x2];
	[bflag:$0x3] =	sbarrier.arrive $0xFFFF;
	s2 =	simm.s32 @!p0 $0x1C07  }
0x1a6: {  	[timem:s3], [sflag:s2] =	dma.local @!p0 [hbm:s0], s1  }
0x1a7: {  	s0 =	simm.s32 @!p0 $0x7  }
0x1a8: {  	_ =	swait.ge @!p0 [sflag:s0], s1  }
0x1a9: {  	s1 =	ssub.s32 @!p0 $0x0, s1;
	[sflag:s0] =	ssyncset.done @!p0 $0x0  }
0x1aa: {  	[sflag:s0] =	ssyncadd.s32 @!p0 s1  }
0x1ab: {  	[bflag:$0x3] =	sbarrier.arrive $0xFFFF  }
0x1ac: {  	_ =	shalt  }

// kernel: kernel.9.cloned.1.call-start
scs
__scs_entry_jumppad:
0x0: {  	(pc) =	sbr.rel $0x88, $3  }
0x1: {  	(tag) =	ssettag $0x0;
	lr =	simm.s32 $0x1  }
0x2: {  	[smem:$0x3F8E] =	sst lr;
	_ =	strace $0xD0000000  }
0x3: {  	_ = 	snop  }
0x4: {  	_ = 	snop  }
0x5: {  	_ = 	snop  }
0x6: {  	_ = 	snop  }
0x7: {  	_ = 	snop  }
__scs_overlays_trampoline_lowered:
0x8: {  	[smem:$0x3F9D] =	sst s0  }
0x9: {  	[smem:$0x3F9E] =	sst s1  }
0xa: {  	[smem:$0x3F9F] =	sst s2  }
0xb: {  	[smem:$0x3FA0] =	sst s3  }
0xc: {  	[smem:$0x3FA1] =	sst s4  }
0xd: {  	[smem:$0x3FA2] =	sst s5  }
0xe: {  	[smem:$0x3FA3] =	sst s6  }
0xf: {  	[smem:$0x3FA4] =	sst s7  }
0x10: {  	[smem:$0x3FA5] =	sst s8  }
0x11: {  	[smem:$0x3FA6] =	sst s9;
	s0 =	simm.s32 @!p0 $0x0  }
0x12: {  	s1 =	sld [smem:$0x3F8C];
	s0 =	simm.s32 @p0 $0x1  }
0x13: {  	[smem:$0x3FA7] =	sst s0;
	s0 =	simm.s32 @!p1 $0x0  }
0x14: {  	s2 =	sld [smem:$0x3F8B];
	s0 =	simm.s32 @p1 $0x1  }
0x15: {  	[smem:$0x3FA8] =	sst s0;
	s0 =	simm.s32 @!p2 $0x0  }
0x16: {  	s3 =	sld [smem:$0x3FDB];
	s0 =	simm.s32 @p2 $0x1  }
0x17: {  	s4 =	simm.s32 $0x1BF5;
	[smem:$0x3FAA] =	sst s0  }
0x18: {  	s0 =	sld [smem:$0x3F8D];
	_ =	swait.ge [sflag:s4], $0x0  }
0x19: {  	s7 =	sld [smem:$0x3F8E]  }
0x1a: {  	s8 =	sadd.s32 $0xFFFFE003, lr  }
0x1b: {  	s9 =	sadd.s32 $0xFFFFFEF7, lr;
	s5 =	simm.s32 $0xFFFFFFFF;
	p2 =	slt.u32 s8, $0xFFFFF086  }
0x1c: {  	p1 =	slt.u32 s9, $0xF7A;
	s5 =	simm.s32 @!p2 $0x0  }
0x1d: {  	s5 =	simm.s32 @p1 $0x1;
	p0 =	seq.s32 s7, s2  }
0x1e: {  	s7 =	smul.u32 @!p0 $0xF7A, s2;
	p2 =	seq.s32 @!p0 s5, $0x0  }
0x1f: {  	s9 =	smul.u32 $0xF7A, s1;
	s8 =	simm.s32 @!p0 $0x1BF5;
	p2 =	por !p2, p0  }
0x20: {  	[sflag:s8] =	ssyncset.s32 @!p0 $0xFFFFF086;
	s6 =	sadd.s32 @!p0 s3, s7;
	s7 =	simm.s32 @!p0 $0x108  }
0x21: {  	s3 =	sadd.s32 s3, s9;
	s6 =	sadd.s32 @!p0 $0x88, s6;
	s7 =	simm.s32 @p2 $0x1082  }
0x22: {  	[simem:s7], [sflag:s8] =	dma.local @!p0 [hbm:s6], $0xF7A  }
0x23: {  	s9 =	sor.u32 $0xD0000000, s2;
	s6 =	simm.s32 $0x108;
	_ =	swait.ge @!p0 [sflag:s8], $0x0  }
0x24: {  	s3 =	sadd.s32 $0x88, s3;
	s6 =	simm.s32 @!p1 $0x1082;
	[sflag:s4] =	ssyncset.s32 $0xFFFFF086  }
0x25: {  	[simem:s6], [sflag:s4] =	dma.local [hbm:s3], $0xF7A  }
0x26: {  	[smem:$0x3F8E] =	sst s1;
	(tag) =	ssettag s2;
	_ =	strace s9  }
0x27: {  	s1 =	sld [smem:$0x3F9E]  }
0x28: {  	s2 =	sld [smem:$0x3F9F]  }
0x29: {  	s4 =	sld [smem:$0x3FA1]  }
0x2a: {  	p0 =	seq.s32 s5, $0x0;
	s5 =	sld [smem:$0x3FA2]  }
0x2b: {  	s6 =	sld [smem:$0x3FA3]  }
0x2c: {  	s7 =	sld [smem:$0x3FA4]  }
0x2d: {  	s3 =	simm.s32 $0x108;
	s8 =	sld [smem:$0x3FA5]  }
0x2e: {  	s3 =	simm.s32 @!p0 $0x1082;
	s9 =	sld [smem:$0x3FA6]  }
0x2f: {  	lr =	sadd.s32 s0, s3;
	s0 =	sld [smem:$0x3F9D]  }
0x30: {  	s3 =	sld [smem:$0x3FA0]  }
0x31: {  	[smem:$0x3FA9] =	sst s10  }
0x32: {  	s10 =	sld [smem:$0x3FA7];
	_ =	sdelay $0x3  }
0x33: {  	p0 =	seq.s32 s10, $0x1;
	s10 =	sld [smem:$0x3FA9];
	_ =	sdelay $0x3  }
0x34: {  	[smem:$0x3FA9] =	sst s10  }
0x35: {  	s10 =	sld [smem:$0x3FA8];
	_ =	sdelay $0x3  }
0x36: {  	p1 =	seq.s32 s10, $0x1;
	s10 =	sld [smem:$0x3FA9];
	_ =	sdelay $0x3  }
0x37: {  	[smem:$0x3FA9] =	sst s10  }
0x38: {  	s10 =	sld [smem:$0x3FAA]  }
0x39: {  	_ = 	snop;
	(pc) =	sbr.ind lr, $3  }
0x3a: {  	_ = 	snop  }
0x3b: {  	_ = 	snop  }
0x3c: {  	p2 =	seq.s32 s10, $0x1;
	s10 =	sld [smem:$0x3FA9]  }
0x3d: {  	_ =	shalt  }
0x3e: {  	_ =	shalt  }
0x3f: {  	_ =	shalt  }
0x40: {  	_ =	shalt  }
0x41: {  	_ =	shalt  }
0x42: {  	_ =	shalt  }
0x43: {  	_ =	shalt  }
0x44: {  	_ =	shalt  }
0x45: {  	_ =	shalt  }
0x46: {  	_ =	shalt  }
0x47: {  	_ =	shalt  }
0x48: {  	_ =	shalt  }
0x49: {  	_ =	shalt  }
0x4a: {  	_ =	shalt  }
0x4b: {  	_ =	shalt  }
0x4c: {  	_ =	shalt  }
0x4d: {  	_ =	shalt  }
0x4e: {  	_ =	shalt  }
0x4f: {  	_ =	shalt  }
0x50: {  	_ =	shalt  }
0x51: {  	_ =	shalt  }
0x52: {  	_ =	shalt  }
0x53: {  	_ =	shalt  }
0x54: {  	_ =	shalt  }
0x55: {  	_ =	shalt  }
0x56: {  	_ =	shalt  }
0x57: {  	_ =	shalt  }
0x58: {  	_ =	shalt  }
0x59: {  	_ =	shalt  }
0x5a: {  	_ =	shalt  }
0x5b: {  	_ =	shalt  }
0x5c: {  	_ =	shalt  }
0x5d: {  	_ =	shalt  }
0x5e: {  	_ =	shalt  }
0x5f: {  	_ =	shalt  }
0x60: {  	_ =	shalt  }
0x61: {  	_ =	shalt  }
0x62: {  	_ =	shalt  }
0x63: {  	_ =	shalt  }
0x64: {  	_ =	shalt  }
0x65: {  	_ =	shalt  }
0x66: {  	_ =	shalt  }
0x67: {  	_ =	shalt  }
0x68: {  	_ =	shalt  }
0x69: {  	_ =	shalt  }
0x6a: {  	_ =	shalt  }
0x6b: {  	_ =	shalt  }
0x6c: {  	_ =	shalt  }
0x6d: {  	_ =	shalt  }
0x6e: {  	_ =	shalt  }
0x6f: {  	_ =	shalt  }
0x70: {  	_ =	shalt  }
0x71: {  	_ =	shalt  }
0x72: {  	_ =	shalt  }
0x73: {  	_ =	shalt  }
0x74: {  	_ =	shalt  }
0x75: {  	_ =	shalt  }
0x76: {  	_ =	shalt  }
0x77: {  	_ =	shalt  }
0x78: {  	_ =	shalt  }
0x79: {  	_ =	shalt  }
0x7a: {  	_ =	shalt  }
0x7b: {  	_ =	shalt  }
0x7c: {  	_ =	shalt  }
0x7d: {  	_ =	shalt  }
0x7e: {  	_ =	shalt  }
0x7f: {  	_ =	shalt  }
0x80: {  	_ =	shalt  }
0x81: {  	_ =	shalt  }
0x82: {  	_ =	shalt  }
0x83: {  	_ =	shalt  }
0x84: {  	_ =	shalt  }
0x85: {  	_ =	shalt  }
0x86: {  	_ =	shalt  }
0x87: {  	_ =	shalt  }
.Lfunc_end0:
.L_simem_size_0:
called_computation.1_lowered:
.L_overlay_start_0:
0x88: {  	s2 =	sld [smem:$0x3FD9]  }
0x89: {  	s3 =	sld [smem:$0x3FFE];
	_ =	sdelay $0x1  }
0x8a: {  	s1 =	srdreg.scid  }
0x8b: {  	s0 =	sand.u32 $0x1, s1  }
0x8c: {  	s16 =	sshll.u32 s0, $0xA;
	s2 =	sadd.s32 s3, s2  }
0x8d: {  	s2 =	sadd.s32 s2, s16  }
0x8e: {  	[smem:$0x3FB5] =	sst s2  }
0x8f: {  	_ = 	snop  }
0x90: {  	(tm) =	ssettm $0x1  }
0x91: {  	s17 =	sld [smem:$0x3FFB];
	_ =	sdelay $0x3  }
0x92: {  	_ =	strace s17  }
0x93: {  	s2 =	sld [smem:$0x3FFC];
	_ =	sdelay $0x3  }
0x94: {  	_ =	strace s2  }
0x95: {  	s2 =	sld [smem:$0x3FFD];
	_ =	sdelay $0x3  }
0x96: {  	_ =	strace s2  }
0x97: {  	_ =	strace $0x8FFFFFFF  }
0x98: {  	s18 =	sld [smem:$0x3FDB];
	_ =	sdelay $0x1  }
0x99: {  	s19 =	simm.s32 $_scs_section_size  }
0x9a: {  	s4 =	simm.s32 $_size__tile_overlayer_lowered;
	s5 =	simm.s32 $_tile_overlayer_lowered  }
0x9b: {  	s22 =	simm.s32 $0x1BFF;
	s21 =	sshll.u32 s5, $0x1;
	s2 =	sadd.s32 s19, s18  }
0x9c: {  	s6 =	simm.s32 $0x0;
	s20 =	sshll.u32 s4, $0x1;
	s4 =	sadd.s32 s21, s2  }
0x9d: {  	[timem:s6], [sflag:s22] =	dma.local [hbm:s4], s20  }
0x9e: {  	_ =	swait.ge [sflag:s22], s20  }
0x9f: {  	s3 =	ssub.s32 $0x0, s20;
	[sflag:s22] =	ssyncset.done $0x0  }
0xa0: {  	[sflag:s22] =	ssyncadd.s32 s3;
	_ =	sdelay $0x1  }
0xa1: {  	s23 =	simm.s32 $0x1B8B  }
0xa2: {  	_ =	swait.ge [sflag:s23], $0x1  }
0xa3: {  	[sflag:s23] =	ssyncset.done $0x0  }
0xa4: {  	s25 =	simm.s32 $0x1B8E;
	s24 =	sld [smem:$0x3FFE];
	[sflag:s23] =	ssyncadd.s32 $0xFFFFFFFF  }
0xa5: {  	s26 =	simm.s32 $execute0_lowered;
	[smem:$0x3FD2] =	sst s25  }
0xa6: {  	s4 =	sshll.u32 s26, $0x1;
	_ =	strace $0x80000049;
	[dreg:$0x1] =	wrdreg $0xFFFFFFFF  }
0xa7: {  	s28 =	simm.s32 $_size_execute0_lowered;
	s2 =	sadd.s32 s2, s4;
	[dreg:$0x0] =	wrdreg $0x0  }
0xa8: {  	s4 =	sshll.u32 s28, $0x1;
	[dreg:$0x2] =	wrdreg s2  }
0xa9: {  	[dreg:$0x3] =	wrdreg s4  }
0xaa: {  	[dreg:$0x4] =	wrdreg $0xC0  }
0xab: {  	_ =	task [dreg:s6], $0x5FFFF  }
0xac: {  	[dreg:$0x1] =	wrdreg $0xFFFFFFFF  }
0xad: {  	[dreg:$0x0] =	wrdreg $0x60  }
0xae: {  	[dreg:$0x2] =	wrdreg s24  }
0xaf: {  	[dreg:$0x3] =	wrdreg $0x6CC00  }
0xb0: {  	[dreg:$0x4] =	wrdreg $0x9  }
0xb1: {  	_ =	task.clear_ibuf [dreg:s6], $0x5FFFF;
	_ =	strace $0x90000049  }
0xb2: {  	s29 =	simm.s32 $0x9;
	_ =	strace $0x8000004B  }
0xb3: {  	_ =	swait.ge [sflag:s29], $0x1  }
0xb4: {  	[sflag:s29] =	ssyncadd.s32 $0xFFFFFFFF  }
0xb5: {  	_ =	strace $0x9000004B  }
0xb6: {  	_ =	sfence  }
0xb7: {  	s30 =	sld [smem:$0x0];
	_ =	sdelay $0x2  }
0xb8: {  	s31 =	sshll.u32 s1, $0xD;
	s1 =	sshrl.u32 s1, $0x2  }
0xb9: {  	s3 =	sand.u32 $0x4000, s31;
	s1 =	sadd.s32 s1, s30  }
0xba: {  	s0 =	sor.u32 s3, s0;
	s1 =	sshll.u32 s1, $0x11  }
0xbb: {  	s0 =	sor.u32 s1, s0  }
0xbc: {  	s0 =	sadd.s32 $0x8F2B, s0  }
0xbd: {  	[sflag:s0] =	ssyncadd.remote.s32 $0x1  }
0xbe: {  	_ =	sfence.sel $0xFFFF  }
0xbf: {  	[dreg:$0x0] =	wrdreg $0xFFFFFFFF;
	(pc) =	sbr.abs _section_cstart, $3  }
0xc0: {  	[dreg:$0x1] =	wrdreg $0xFFFFFFFF  }
0xc1: {  	_ =	task.clear_ibuf [dreg:s6], $0x2FFFF;
	_ =	strace $0x9FFFFFFF  }
0xc2: {  	(tm) =	ssettm $0x7FFFFFFF  }
0xc3: {  	_ =	shalt  }
tec
execute0_lowered:
.L_overlay_start_1:
0x0: {  	(tag) =	ssettag $0x1  }
0x1: {  	s0 =	rddreg [dreg:$0x0]  }
0x2: {  	s2 =	rddreg [dreg:$0x1]  }
0x3: {  	s1 =	srdreg.scid;
	s12 =	stileid.u32;
	s3 =	simm.s32 $0x0  }
0x4: {  	s14 =	simm.s32 $0x7;
	s17 =	simm.s32 $0x50;
	s15 =	simm.s32 $0x1E50  }
0x5: {  	s19 =	simm.s32 $0x500;
	s16 =	simm.s32 $0x1EA0;
	s28 =	simm.s32 $0x1900  }
0x6: {  	s29 =	simm.s32 $0x2;
	s30 =	simm.s32 $0x3;
	s5 =	smul.u32 $0x5000, s12  }
0x7: {  	s31 =	simm.s32 $0x4;
	s1 =	sand.u32 $0x1, s1;
	s9 =	smul.u32 $0x2760, s12  }
0x8: {  	[smem:$0x7FF] =	sst s3;
	s4 =	sadd.s32 $0x16000, s0;
	s11 =	smul.u32 $0x26C0, s12  }
0x9: {  	s7 =	sadd.s32 $0x2600, s0;
	s13 =	sadd.s32 $0x52E00, s0;
	s22 =	smul.u32 $0x4EC, s12  }
0xa: {  	s10 =	sshll.u32 s12, $0x6;
	s12 =	simm.s32 $0x4560;
	s6 =	smul.u32 $0x50000, s1  }
0xb: {  	_ =	strace $0x8000004A;
	s8 =	ssub.s32 $0x2, s1;
	p0 =	seq.s32 s1, $0x1  }
0xc: {  	[dreg:$0x3] =	wrdreg s13;
	s21 =	sshrl.u32 s8, $0x1;
	s9 =	sshrl.u32 s9, $0x3  }
0xd: {  	s11 =	sshrl.u32 s11, $0x3;
	s6 =	sadd.s32 s5, s6;
	s5 =	sshrl.u32 s5, $0x1  }
0xe: {  	s8 =	ssub.s32 s8, s21;
	s23 =	sadd.s32 s7, s9;
	s24 =	sadd.s32 s7, s11  }
0xf: {  	s7 =	sadd.s32 s7, s22;
	s11 =	simm.s32 $0x1E00;
	s21 =	simm.s32 $0xA00  }
0x10: {  	s22 =	simm.s32 $0x1EF0;
	s6 =	sshrl.u32 s6, $0x4;
	s5 =	sadd.s32 s5, s2  }
0x11: {  	[dreg:$0x5] =	wrdreg s7;
	s1 =	sadd.s32 $0x9C40, s23;
	s25 =	sadd.s32 $0x4EC0, s24  }
0x12: {  	s26 =	sadd.s32 $0xEB00, s24;
	s8 =	smax.u32 s8, $0x1;
	[dreg:$0x6] =	wrdreg s1  }
0x13: {  	s23 =	simm.s32 $0xF00;
	s24 =	simm.s32 $0x1F40;
	[dreg:$0x7] =	wrdreg s25  }
.Ltmp0:
0x14: {  	s0 =	sadd.s32 s6, s0;
	[dreg:$0x8] =	wrdreg s26;
	(pc) =	sbr.rel .LBB2_1-.Ltmp0, $4  }
0x15: {  	s6 =	sor.u32 $0x1C07, s10;
	s10 =	sshrl.u32 s5, $0x3;
	[dreg:$0xa] =	wrdreg s8  }
0x16: {  	s25 =	simm.s32 $0x1400;
	s26 =	simm.s32 $0x1;
	[dreg:$0x4] =	wrdreg s6  }
0x17: {  	s1 =	simm.s32 $0x6;
	s9 =	sadd.s32 $0x1B000, s0;
	[dreg:$0xb] =	wrdreg s10  }
0x18: {  	s5 =	simm.s32 $0x0;
	s0 =	simm.s32 $0x5;
	[dreg:$0x9] =	wrdreg s9  }
.LBB2_7:
0x19: {  	[sflag:s14] =	ssyncadd.s32 $0xFFFFFB00  }
0x1a: {  	_ =	swait.ge [sflag:s26], $0x500  }
0x1b: {  	[sflag:s26] =	ssyncset.done $0x0  }
0x1c: {  	s5 =	simm.s32 $0x4330;
	[sflag:s26] =	ssyncadd.s32 $0xFFFFFB00  }
0x1d: {  	[tilespmem:s28], [sflag:$0x6] =	stream.indirect.gather [hbm4b:s4+s17], $0x10, s5, s17, $0xb8;
	[tilespmem:$0x94C0] =	vst v63  }
0x1e: {  	s18 =	simm.s32 $0x6900  }
0x1f: {  	[spmem:s2] =	stream.indirect.scatter.add.bf16 [tilespmem:s3], [sflag:$0x7], $0x10, s18, s17, $0xb8;
	[tilespmem:$0x94C0] =	vst v63  }
0x20: {  	_ =	swait.ge [sflag:s14], $0x500  }
0x21: {  	[sflag:s14] =	ssyncset.done $0x0  }
0x22: {  	[sflag:s14] =	ssyncadd.s32 $0xFFFFFB00  }
0x23: {  	_ =	swait.ge [sflag:s29], $0x500  }
0x24: {  	[sflag:s29] =	ssyncset.done $0x0  }
0x25: {  	s20 =	simm.s32 $0x4380;
	[sflag:s29] =	ssyncadd.s32 $0xFFFFFB00  }
0x26: {  	[tilespmem:s3], [sflag:$0x1] =	stream.indirect.gather [hbm4b:s4+s17], $0x10, s20, s17, $0xb8;
	[tilespmem:$0x94C0] =	vst v63  }
0x27: {  	s7 =	simm.s32 $0x6950  }
0x28: {  	[spmem:s2] =	stream.indirect.scatter.add.bf16 [tilespmem:s19], [sflag:$0x7], $0x10, s7, s17, $0xb8;
	[tilespmem:$0x94C0] =	vst v63  }
0x29: {  	_ =	swait.ge [sflag:s14], $0x500  }
0x2a: {  	[sflag:s14] =	ssyncset.done $0x0  }
0x2b: {  	[sflag:s14] =	ssyncadd.s32 $0xFFFFFB00  }
0x2c: {  	_ =	swait.ge [sflag:s30], $0x500  }
0x2d: {  	[sflag:s30] =	ssyncset.done $0x0  }
0x2e: {  	s18 =	simm.s32 $0x43D0;
	[sflag:s30] =	ssyncadd.s32 $0xFFFFFB00  }
0x2f: {  	[tilespmem:s19], [sflag:$0x2] =	stream.indirect.gather [hbm4b:s4+s17], $0x10, s18, s17, $0xb8;
	[tilespmem:$0x94C0] =	vst v63  }
0x30: {  	s20 =	simm.s32 $0x69A0  }
0x31: {  	[spmem:s2] =	stream.indirect.scatter.add.bf16 [tilespmem:s21], [sflag:$0x7], $0x10, s20, s17, $0xb8;
	[tilespmem:$0x94C0] =	vst v63  }
0x32: {  	_ =	swait.ge [sflag:s14], $0x500  }
0x33: {  	[sflag:s14] =	ssyncset.done $0x0  }
0x34: {  	[sflag:s14] =	ssyncadd.s32 $0xFFFFFB00  }
0x35: {  	_ =	swait.ge [sflag:s31], $0x500  }
0x36: {  	[sflag:s31] =	ssyncset.done $0x0  }
0x37: {  	s7 =	simm.s32 $0x4420;
	[sflag:s31] =	ssyncadd.s32 $0xFFFFFB00  }
0x38: {  	[tilespmem:s21], [sflag:$0x3] =	stream.indirect.gather [hbm4b:s4+s17], $0x10, s7, s17, $0xb8;
	[tilespmem:$0x94C0] =	vst v63  }
0x39: {  	s18 =	simm.s32 $0x69F0  }
0x3a: {  	[spmem:s2] =	stream.indirect.scatter.add.bf16 [tilespmem:s23], [sflag:$0x7], $0x10, s18, s17, $0xb8;
	[tilespmem:$0x94C0] =	vst v63  }
0x3b: {  	_ =	swait.ge [sflag:s14], $0x500  }
0x3c: {  	[sflag:s14] =	ssyncset.done $0x0  }
0x3d: {  	[sflag:s14] =	ssyncadd.s32 $0xFFFFFB00  }
0x3e: {  	_ =	swait.ge [sflag:s0], $0x500  }
0x3f: {  	[sflag:s0] =	ssyncset.done $0x0  }
0x40: {  	s20 =	simm.s32 $0x4470;
	[sflag:s0] =	ssyncadd.s32 $0xFFFFFB00  }
0x41: {  	[tilespmem:s23], [sflag:$0x4] =	stream.indirect.gather [hbm4b:s4+s17], $0x10, s20, s17, $0xb8;
	[tilespmem:$0x94C0] =	vst v63  }
0x42: {  	s7 =	simm.s32 $0x6A40  }
0x43: {  	[spmem:s2] =	stream.indirect.scatter.add.bf16 [tilespmem:s25], [sflag:$0x7], $0x10, s7, s17, $0xb8;
	[tilespmem:$0x94C0] =	vst v63  }
0x44: {  	_ =	swait.ge [sflag:s14], $0x500  }
0x45: {  	[sflag:s14] =	ssyncset.done $0x0  }
0x46: {  	[sflag:s14] =	ssyncadd.s32 $0xFFFFFB00  }
0x47: {  	_ =	swait.ge [sflag:s1], $0x500  }
0x48: {  	[sflag:s1] =	ssyncset.done $0x0  }
0x49: {  	s18 =	simm.s32 $0x6A90;
	[sflag:s1] =	ssyncadd.s32 $0xFFFFFB00  }
0x4a: {  	[spmem:s2] =	stream.indirect.scatter.add.bf16 [tilespmem:s28], [sflag:$0x7], $0x10, s18, s17, $0xb8;
	[tilespmem:$0x94C0] =	vst v63  }
0x4b: {  	_ =	swait.ge [sflag:s14], $0x500  }
0x4c: {  	[sflag:s14] =	ssyncset.done $0x0  }
0x4d: {  	[sflag:s14] =	ssyncadd.s32 $0xFFFFFB00  }
0x4e: {  	_ =	swait.ge [sflag:s26], $0x500  }
0x4f: {  	[sflag:s26] =	ssyncset.done $0x0  }
0x50: {  	s20 =	simm.s32 $0x6AE0;
	[sflag:s26] =	ssyncadd.s32 $0xFFFFFB00  }
0x51: {  	[spmem:s2] =	stream.indirect.scatter.add.bf16 [tilespmem:s3], [sflag:$0x7], $0x10, s20, s17, $0xb8;
	[tilespmem:$0x94C0] =	vst v63  }
0x52: {  	_ =	swait.ge [sflag:s14], $0x500  }
0x53: {  	[sflag:s14] =	ssyncset.done $0x0  }
0x54: {  	[sflag:s14] =	ssyncadd.s32 $0xFFFFFB00  }
0x55: {  	_ =	swait.ge [sflag:s29], $0x500  }
0x56: {  	[sflag:s29] =	ssyncset.done $0x0  }
0x57: {  	s7 =	simm.s32 $0x6B30;
	[sflag:s29] =	ssyncadd.s32 $0xFFFFFB00  }
0x58: {  	[spmem:s2] =	stream.indirect.scatter.add.bf16 [tilespmem:s19], [sflag:$0x7], $0x10, s7, s17, $0xb8;
	[tilespmem:$0x94C0] =	vst v63  }
0x59: {  	_ =	swait.ge [sflag:s14], $0x500  }
0x5a: {  	[sflag:s14] =	ssyncset.done $0x0  }
0x5b: {  	[sflag:s14] =	ssyncadd.s32 $0xFFFFFB00  }
0x5c: {  	_ =	swait.ge [sflag:s30], $0x500  }
0x5d: {  	[sflag:s30] =	ssyncset.done $0x0  }
0x5e: {  	s18 =	simm.s32 $0x6B80;
	[sflag:s30] =	ssyncadd.s32 $0xFFFFFB00  }
0x5f: {  	[spmem:s2] =	stream.indirect.scatter.add.bf16 [tilespmem:s21], [sflag:$0x7], $0x10, s18, s17, $0xb8;
	[tilespmem:$0x94C0] =	vst v63  }
0x60: {  	_ =	swait.ge [sflag:s14], $0x500  }
0x61: {  	[sflag:s14] =	ssyncset.done $0x0  }
0x62: {  	[sflag:s14] =	ssyncadd.s32 $0xFFFFFB00  }
0x63: {  	_ =	swait.ge [sflag:s31], $0x500  }
0x64: {  	[sflag:s31] =	ssyncset.done $0x0  }
0x65: {  	s20 =	simm.s32 $0x6BD0;
	[sflag:s31] =	ssyncadd.s32 $0xFFFFFB00  }
0x66: {  	[spmem:s2] =	stream.indirect.scatter.add.bf16 [tilespmem:s23], [sflag:$0x7], $0x10, s20, s17, $0xb8;
	[tilespmem:$0x94C0] =	vst v63  }
0x67: {  	_ =	swait.ge [sflag:s14], $0x500  }
0x68: {  	[sflag:s14] =	ssyncset.done $0x0  }
0x69: {  	s5 =	rddreg [dreg:$0xc];
	[sflag:s14] =	ssyncadd.s32 $0xFFFFFB00  }
.LBB2_8:
0x6a: {  	s5 =	sadd.s32 $0x1, s5  }
0x6b: {  	p1 =	sne.s32 s5, s8  }
.Ltmp1:
0x6c: {  	[bflag:$0x0] =	sbarrier.arrive $0xFFFF;
	(pc) =	sbr.rel @!p1 .LBB2_9-.Ltmp1, $4  }
0x6d: {  	[hbm:s9], [sflag:s6] =	dma.local [spmem:s10], $0x500  }
0x6e: {  	_ =	swait.ge [sflag:s14], $0x500  }
0x6f: {  	[sflag:s14] =	ssyncset.done $0x0  }
0x70: {  	[sflag:s14] =	ssyncadd.s32 $0xFFFFFB00  }
.LBB2_1:
0x71: {  	[dreg:$0xc] =	wrdreg s5  }
0x72: {  	[spmem:s10], [sflag:s6] =	dma.local [hbm:s13], $0x500  }
.Ltmp2:
0x73: {  	_ =	swait.ge [sflag:s14], $0x500;
	(pc) =	sbr.rel @!p0 .LBB2_2-.Ltmp2, $4  }
0x74: {  	[sflag:s14] =	ssyncset.done $0x0  }
0x75: {  	[sflag:s14] =	ssyncadd.s32 $0xFFFFFB00  }
0x76: {  	[bflag:$0x0] =	sbarrier.arrive $0xFFFF  }
0x77: {  	s5 =	simm.s32 $0x0  }
0x78: {  	s7 =	rddreg [dreg:$0x7]  }
0x79: {  	[tilespmem:s11], [sflag:$0x7] =	stream.linear.gather [hbm4b:s7+s5], $0x26C0, $0x38;
	[tilespmem:$0x94C0] =	vst v63  }
0x7a: {  	_ =	swait.ge [sflag:s14], $0x26C0  }
0x7b: {  	[sflag:s14] =	ssyncset.done $0x0  }
0x7c: {  	s20 =	rddreg [dreg:$0x8];
	[sflag:s14] =	ssyncadd.s32 $0xFFFFD940  }
0x7d: {  	[tilespmem:s12], [sflag:$0x7] =	stream.linear.gather [hbm4b:s20+s5], $0x26C0, $0x38;
	[tilespmem:$0x94C0] =	vst v63  }
0x7e: {  	_ =	swait.ge [sflag:s14], $0x26C0  }
0x7f: {  	[sflag:s14] =	ssyncset.done $0x0  }
0x80: {  	[sflag:s14] =	ssyncadd.s32 $0xFFFFD940  }
0x81: {  	[tilespmem:s5], [sflag:$0x1] =	stream.indirect.gather [hbm4b:s4+s17], $0x10, s11, s17, $0xb8;
	[tilespmem:$0x94C0] =	vst v63  }
0x82: {  	_ = 	snop  }
0x83: {  	[tilespmem:s19], [sflag:$0x2] =	stream.indirect.gather [hbm4b:s4+s17], $0x10, s15, s17, $0xb8;
	[tilespmem:$0x94C0] =	vst v63  }
0x84: {  	_ = 	snop  }
0x85: {  	[tilespmem:s21], [sflag:$0x3] =	stream.indirect.gather [hbm4b:s4+s17], $0x10, s16, s17, $0xb8;
	[tilespmem:$0x94C0] =	vst v63  }
0x86: {  	_ = 	snop  }
0x87: {  	[tilespmem:s23], [sflag:$0x4] =	stream.indirect.gather [hbm4b:s4+s17], $0x10, s22, s17, $0xb8;
	[tilespmem:$0x94C0] =	vst v63  }
0x88: {  	_ = 	snop  }
0x89: {  	[tilespmem:s25], [sflag:$0x5] =	stream.indirect.gather [hbm4b:s4+s17], $0x10, s24, s17, $0xb8;
	[tilespmem:$0x94C0] =	vst v63  }
0x8a: {  	_ =	swait.ge [sflag:s26], $0x500  }
0x8b: {  	[sflag:s26] =	ssyncset.done $0x0  }
0x8c: {  	s7 =	simm.s32 $0x1F90;
	[sflag:s26] =	ssyncadd.s32 $0xFFFFFB00  }
0x8d: {  	[tilespmem:s28], [sflag:$0x6] =	stream.indirect.gather [hbm4b:s4+s17], $0x10, s7, s17, $0xb8;
	[tilespmem:$0x94C0] =	vst v63  }
0x8e: {  	s18 =	simm.s32 $0x4560  }
0x8f: {  	[spmem:s2] =	stream.indirect.scatter.add.bf16 [tilespmem:s3], [sflag:$0x7], $0x10, s18, s17, $0xb8;
	[tilespmem:$0x94C0] =	vst v63  }
0x90: {  	_ =	swait.ge [sflag:s14], $0x500  }
0x91: {  	[sflag:s14] =	ssyncset.done $0x0  }
0x92: {  	[sflag:s14] =	ssyncadd.s32 $0xFFFFFB00  }
0x93: {  	_ =	swait.ge [sflag:s29], $0x500  }
0x94: {  	[sflag:s29] =	ssyncset.done $0x0  }
0x95: {  	s20 =	simm.s32 $0x1FE0;
	[sflag:s29] =	ssyncadd.s32 $0xFFFFFB00  }
0x96: {  	[tilespmem:s3], [sflag:$0x1] =	stream.indirect.gather [hbm4b:s4+s17], $0x10, s20, s17, $0xb8;
	[tilespmem:$0x94C0] =	vst v63  }
0x97: {  	s7 =	simm.s32 $0x45B0  }
0x98: {  	[spmem:s2] =	stream.indirect.scatter.add.bf16 [tilespmem:s19], [sflag:$0x7], $0x10, s7, s17, $0xb8;
	[tilespmem:$0x94C0] =	vst v63  }
0x99: {  	_ =	swait.ge [sflag:s14], $0x500  }
0x9a: {  	[sflag:s14] =	ssyncset.done $0x0  }
0x9b: {  	[sflag:s14] =	ssyncadd.s32 $0xFFFFFB00  }
0x9c: {  	_ =	swait.ge [sflag:s30], $0x500  }
0x9d: {  	[sflag:s30] =	ssyncset.done $0x0  }
0x9e: {  	s18 =	simm.s32 $0x2030;
	[sflag:s30] =	ssyncadd.s32 $0xFFFFFB00  }
0x9f: {  	[tilespmem:s19], [sflag:$0x2] =	stream.indirect.gather [hbm4b:s4+s17], $0x10, s18, s17, $0xb8;
	[tilespmem:$0x94C0] =	vst v63  }
0xa0: {  	s20 =	simm.s32 $0x4600  }
0xa1: {  	[spmem:s2] =	stream.indirect.scatter.add.bf16 [tilespmem:s21], [sflag:$0x7], $0x10, s20, s17, $0xb8;
	[tilespmem:$0x94C0] =	vst v63  }
0xa2: {  	_ =	swait.ge [sflag:s14], $0x500  }
0xa3: {  	[sflag:s14] =	ssyncset.done $0x0  }
0xa4: {  	[sflag:s14] =	ssyncadd.s32 $0xFFFFFB00  }
0xa5: {  	_ =	swait.ge [sflag:s31], $0x500  }
0xa6: {  	[sflag:s31] =	ssyncset.done $0x0  }
0xa7: {  	s7 =	simm.s32 $0x2080;
	[sflag:s31] =	ssyncadd.s32 $0xFFFFFB00  }
0xa8: {  	[tilespmem:s21], [sflag:$0x3] =	stream.indirect.gather [hbm4b:s4+s17], $0x10, s7, s17, $0xb8;
	[tilespmem:$0x94C0] =	vst v63  }
0xa9: {  	s18 =	simm.s32 $0x4650  }
0xaa: {  	[spmem:s2] =	stream.indirect.scatter.add.bf16 [tilespmem:s23], [sflag:$0x7], $0x10, s18, s17, $0xb8;
	[tilespmem:$0x94C0] =	vst v63  }
0xab: {  	_ =	swait.ge [sflag:s14], $0x500  }
0xac: {  	[sflag:s14] =	ssyncset.done $0x0  }
0xad: {  	[sflag:s14] =	ssyncadd.s32 $0xFFFFFB00  }
0xae: {  	_ =	swait.ge [sflag:s0], $0x500  }
0xaf: {  	[sflag:s0] =	ssyncset.done $0x0  }
0xb0: {  	s20 =	simm.s32 $0x20D0;
	[sflag:s0] =	ssyncadd.s32 $0xFFFFFB00  }
0xb1: {  	[tilespmem:s23], [sflag:$0x4] =	stream.indirect.gather [hbm4b:s4+s17], $0x10, s20, s17, $0xb8;
	[tilespmem:$0x94C0] =	vst v63  }
0xb2: {  	s7 =	simm.s32 $0x46A0  }
0xb3: {  	[spmem:s2] =	stream.indirect.scatter.add.bf16 [tilespmem:s25], [sflag:$0x7], $0x10, s7, s17, $0xb8;
	[tilespmem:$0x94C0] =	vst v63  }
0xb4: {  	_ =	swait.ge [sflag:s14], $0x500  }
0xb5: {  	[sflag:s14] =	ssyncset.done $0x0  }
0xb6: {  	[sflag:s14] =	ssyncadd.s32 $0xFFFFFB00  }
0xb7: {  	_ =	swait.ge [sflag:s1], $0x500  }
0xb8: {  	[sflag:s1] =	ssyncset.done $0x0  }
0xb9: {  	s18 =	simm.s32 $0x2120;
	[sflag:s1] =	ssyncadd.s32 $0xFFFFFB00  }
0xba: {  	[tilespmem:s25], [sflag:$0x5] =	stream.indirect.gather [hbm4b:s4+s17], $0x10, s18, s17, $0xb8;
	[tilespmem:$0x94C0] =	vst v63  }
0xbb: {  	s20 =	simm.s32 $0x46F0  }
0xbc: {  	[spmem:s2] =	stream.indirect.scatter.add.bf16 [tilespmem:s28], [sflag:$0x7], $0x10, s20, s17, $0xb8;
	[tilespmem:$0x94C0] =	vst v63  }
0xbd: {  	_ =	swait.ge [sflag:s14], $0x500  }
0xbe: {  	s18 =	simm.s32 $0x780;
	[sflag:s14] =	ssyncset.done $0x0  }
.LBB2_6:
0xbf: {  	p1 =	sne.s32 s18, $0x8700  }
0xc0: {  	[sflag:s14] =	ssyncadd.s32 $0xFFFFFB00;
	s5 =	smov.u32 s18;
	s18 =	sadd.s32 $0x780, s18  }
0xc1: {  	_ = 	snop  }
0xc2: {  	_ =	swait.ge [sflag:s26], $0x500  }
0xc3: {  	s20 =	sshra.s32 s5, $0x2;
	[sflag:s26] =	ssyncset.done $0x0  }
0xc4: {  	s5 =	sadd.s32 $0x1F90, s20;
	[sflag:s26] =	ssyncadd.s32 $0xFFFFFB00  }
0xc5: {  	[tilespmem:s28], [sflag:$0x6] =	stream.indirect.gather [hbm4b:s4+s17], $0x10, s5, s17, $0xb8;
	[tilespmem:$0x94C0] =	vst v63  }
0xc6: {  	s5 =	sadd.s32 $0x4560, s20  }
0xc7: {  	[spmem:s2] =	stream.indirect.scatter.add.bf16 [tilespmem:s3], [sflag:$0x7], $0x10, s5, s17, $0xb8;
	[tilespmem:$0x94C0] =	vst v63  }
0xc8: {  	_ =	swait.ge [sflag:s14], $0x500  }
0xc9: {  	[sflag:s14] =	ssyncset.done $0x0  }
0xca: {  	[sflag:s14] =	ssyncadd.s32 $0xFFFFFB00  }
0xcb: {  	_ =	swait.ge [sflag:s29], $0x500  }
0xcc: {  	[sflag:s29] =	ssyncset.done $0x0  }
0xcd: {  	s5 =	sadd.s32 $0x1FE0, s20;
	[sflag:s29] =	ssyncadd.s32 $0xFFFFFB00  }
0xce: {  	[tilespmem:s3], [sflag:$0x1] =	stream.indirect.gather [hbm4b:s4+s17], $0x10, s5, s17, $0xb8;
	[tilespmem:$0x94C0] =	vst v63  }
0xcf: {  	s5 =	sadd.s32 $0x45B0, s20  }
0xd0: {  	[spmem:s2] =	stream.indirect.scatter.add.bf16 [tilespmem:s19], [sflag:$0x7], $0x10, s5, s17, $0xb8;
	[tilespmem:$0x94C0] =	vst v63  }
0xd1: {  	_ =	swait.ge [sflag:s14], $0x500  }
0xd2: {  	[sflag:s14] =	ssyncset.done $0x0  }
0xd3: {  	[sflag:s14] =	ssyncadd.s32 $0xFFFFFB00  }
0xd4: {  	_ =	swait.ge [sflag:s30], $0x500  }
0xd5: {  	[sflag:s30] =	ssyncset.done $0x0  }
0xd6: {  	s5 =	sadd.s32 $0x2030, s20;
	[sflag:s30] =	ssyncadd.s32 $0xFFFFFB00  }
0xd7: {  	[tilespmem:s19], [sflag:$0x2] =	stream.indirect.gather [hbm4b:s4+s17], $0x10, s5, s17, $0xb8;
	[tilespmem:$0x94C0] =	vst v63  }
0xd8: {  	s5 =	sadd.s32 $0x4600, s20  }
0xd9: {  	[spmem:s2] =	stream.indirect.scatter.add.bf16 [tilespmem:s21], [sflag:$0x7], $0x10, s5, s17, $0xb8;
	[tilespmem:$0x94C0] =	vst v63  }
0xda: {  	_ =	swait.ge [sflag:s14], $0x500  }
0xdb: {  	[sflag:s14] =	ssyncset.done $0x0  }
0xdc: {  	[sflag:s14] =	ssyncadd.s32 $0xFFFFFB00  }
0xdd: {  	_ =	swait.ge [sflag:s31], $0x500  }
0xde: {  	[sflag:s31] =	ssyncset.done $0x0  }
0xdf: {  	s5 =	sadd.s32 $0x2080, s20;
	[sflag:s31] =	ssyncadd.s32 $0xFFFFFB00  }
0xe0: {  	[tilespmem:s21], [sflag:$0x3] =	stream.indirect.gather [hbm4b:s4+s17], $0x10, s5, s17, $0xb8;
	[tilespmem:$0x94C0] =	vst v63  }
0xe1: {  	s5 =	sadd.s32 $0x4650, s20  }
0xe2: {  	[spmem:s2] =	stream.indirect.scatter.add.bf16 [tilespmem:s23], [sflag:$0x7], $0x10, s5, s17, $0xb8;
	[tilespmem:$0x94C0] =	vst v63  }
0xe3: {  	_ =	swait.ge [sflag:s14], $0x500  }
0xe4: {  	[sflag:s14] =	ssyncset.done $0x0  }
0xe5: {  	[sflag:s14] =	ssyncadd.s32 $0xFFFFFB00  }
0xe6: {  	_ =	swait.ge [sflag:s0], $0x500  }
0xe7: {  	[sflag:s0] =	ssyncset.done $0x0  }
0xe8: {  	s5 =	sadd.s32 $0x20D0, s20;
	[sflag:s0] =	ssyncadd.s32 $0xFFFFFB00  }
0xe9: {  	[tilespmem:s23], [sflag:$0x4] =	stream.indirect.gather [hbm4b:s4+s17], $0x10, s5, s17, $0xb8;
	[tilespmem:$0x94C0] =	vst v63  }
0xea: {  	s5 =	sadd.s32 $0x46A0, s20  }
0xeb: {  	[spmem:s2] =	stream.indirect.scatter.add.bf16 [tilespmem:s25], [sflag:$0x7], $0x10, s5, s17, $0xb8;
	[tilespmem:$0x94C0] =	vst v63  }
0xec: {  	_ =	swait.ge [sflag:s14], $0x500  }
0xed: {  	[sflag:s14] =	ssyncset.done $0x0  }
0xee: {  	[sflag:s14] =	ssyncadd.s32 $0xFFFFFB00  }
0xef: {  	_ =	swait.ge [sflag:s1], $0x500  }
0xf0: {  	[sflag:s1] =	ssyncset.done $0x0  }
0xf1: {  	s5 =	sadd.s32 $0x2120, s20;
	[sflag:s1] =	ssyncadd.s32 $0xFFFFFB00  }
0xf2: {  	[tilespmem:s25], [sflag:$0x5] =	stream.indirect.gather [hbm4b:s4+s17], $0x10, s5, s17, $0xb8;
	[tilespmem:$0x94C0] =	vst v63  }
.Ltmp3:
0xf3: {  	_ = 	snop;
	(pc) =	sbr.rel @p1 .LBB2_6-.Ltmp3, $4  }
0xf4: {  	s5 =	sadd.s32 $0x46F0, s20  }
0xf5: {  	[spmem:s2] =	stream.indirect.scatter.add.bf16 [tilespmem:s28], [sflag:$0x7], $0x10, s5, s17, $0xb8;
	[tilespmem:$0x94C0] =	vst v63  }
0xf6: {  	_ =	swait.ge [sflag:s14], $0x500  }
0xf7: {  	[sflag:s14] =	ssyncset.done $0x0  }
.Ltmp4:
0xf8: {  	_ = 	snop;
	(pc) =	sbr.rel .LBB2_7-.Ltmp4, $1  }
0xf9: {  	_ =	sdelay $0x3  }
.LBB2_2:
0xfa: {  	s6 =	rddreg [dreg:$0x5]  }
0xfb: {  	[tilespmem:s11], [sflag:$0x7] =	stream.linear.gather [hbm4b:s6+s5], $0x2760, $0x38;
	[tilespmem:$0x94C0] =	vst v63  }
0xfc: {  	_ =	swait.ge [sflag:s14], $0x2760  }
0xfd: {  	[sflag:s14] =	ssyncset.done $0x0  }
0xfe: {  	s13 =	rddreg [dreg:$0x6];
	[sflag:s14] =	ssyncadd.s32 $0xFFFFD8A0  }
0xff: {  	[tilespmem:s12], [sflag:$0x7] =	stream.linear.gather [hbm4b:s13+s5], $0x2760, $0x38;
	[tilespmem:$0x94C0] =	vst v63  }
0x100: {  	_ =	swait.ge [sflag:s14], $0x2760  }
0x101: {  	[sflag:s14] =	ssyncset.done $0x0  }
0x102: {  	[sflag:s14] =	ssyncadd.s32 $0xFFFFD8A0  }
0x103: {  	[tilespmem:s5], [sflag:$0x1] =	stream.indirect.gather [hbm4b:s4+s17], $0x10, s11, s17, $0xb8;
	[tilespmem:$0x94C0] =	vst v63  }
0x104: {  	_ = 	snop  }
0x105: {  	[tilespmem:s19], [sflag:$0x2] =	stream.indirect.gather [hbm4b:s4+s17], $0x10, s15, s17, $0xb8;
	[tilespmem:$0x94C0] =	vst v63  }
0x106: {  	_ = 	snop  }
0x107: {  	[tilespmem:s21], [sflag:$0x3] =	stream.indirect.gather [hbm4b:s4+s17], $0x10, s16, s17, $0xb8;
	[tilespmem:$0x94C0] =	vst v63  }
0x108: {  	_ = 	snop  }
0x109: {  	[tilespmem:s23], [sflag:$0x4] =	stream.indirect.gather [hbm4b:s4+s17], $0x10, s22, s17, $0xb8;
	[tilespmem:$0x94C0] =	vst v63  }
0x10a: {  	_ = 	snop  }
0x10b: {  	[tilespmem:s25], [sflag:$0x5] =	stream.indirect.gather [hbm4b:s4+s17], $0x10, s24, s17, $0xb8;
	[tilespmem:$0x94C0] =	vst v63  }
0x10c: {  	_ =	swait.ge [sflag:s26], $0x500  }
0x10d: {  	[sflag:s26] =	ssyncset.done $0x0  }
0x10e: {  	s16 =	simm.s32 $0x1F90;
	[sflag:s26] =	ssyncadd.s32 $0xFFFFFB00  }
0x10f: {  	[tilespmem:s28], [sflag:$0x6] =	stream.indirect.gather [hbm4b:s4+s17], $0x10, s16, s17, $0xb8;
	[tilespmem:$0x94C0] =	vst v63  }
0x110: {  	s18 =	simm.s32 $0x4560  }
0x111: {  	[spmem:s2] =	stream.indirect.scatter.add.bf16 [tilespmem:s3], [sflag:$0x7], $0x10, s18, s17, $0xb8;
	[tilespmem:$0x94C0] =	vst v63  }
0x112: {  	_ =	swait.ge [sflag:s14], $0x500  }
0x113: {  	[sflag:s14] =	ssyncset.done $0x0  }
0x114: {  	[sflag:s14] =	ssyncadd.s32 $0xFFFFFB00  }
0x115: {  	p1 =	por $0x0, $0x0;
	_ =	swait.ge [sflag:s29], $0x500  }
0x116: {  	s7 =	simm.s32 @p1 $0x45B0;
	[sflag:s29] =	ssyncset.done $0x0  }
0x117: {  	s8 =	simm.s32 @p1 $0x500;
	s5 =	simm.s32 @p1 $0x50;
	[sflag:s29] =	ssyncadd.s32 $0xFFFFFB00  }
0x118: {  	[spmem:s2] =	stream.indirect.scatter.add.bf16 @p1 [tilespmem:s8], [sflag:$0x7], $0x10, s7, s5, $0xb8;
	[tilespmem:$0x94C0] =	vst v63  }
0x119: {  	s7 =	simm.s32 @p1 $0x7  }
0x11a: {  	_ =	swait.ge @p1 [sflag:s7], $0x500  }
0x11b: {  	[sflag:s7] =	ssyncset.done @p1 $0x0  }
0x11c: {  	s8 =	simm.s32 @p1 $0x3;
	[sflag:s7] =	ssyncadd.s32 @p1 $0xFFFFFB00  }
0x11d: {  	_ =	swait.ge @p1 [sflag:s8], $0x500  }
0x11e: {  	s9 =	simm.s32 @!p1 $0x1FE0;
	[sflag:s8] =	ssyncset.done @p1 $0x0  }
0x11f: {  	s10 =	simm.s32 @!p1 $0x50;
	s11 =	simm.s32 @!p1 $0x0;
	[sflag:s8] =	ssyncadd.s32 @p1 $0xFFFFFB00  }
0x120: {  	[tilespmem:s11], [sflag:$0x1] =	stream.indirect.gather @!p1 [hbm4b:s4+s10], $0x10, s9, s10, $0xb8;
	[tilespmem:$0x94C0] =	vst v63  }
0x121: {  	s8 =	simm.s32 @!p1 $0x45B0;
	s9 =	simm.s32 @!p1 $0x500;
	s11 =	simm.s32 @!p1 $0x7  }
0x122: {  	[spmem:s2] =	stream.indirect.scatter.add.bf16 @!p1 [tilespmem:s9], [sflag:$0x7], $0x10, s8, s10, $0xb8;
	[tilespmem:$0x94C0] =	vst v63  }
0x123: {  	_ =	swait.ge @!p1 [sflag:s11], $0x500  }
0x124: {  	[sflag:s11] =	ssyncset.done @!p1 $0x0  }
0x125: {  	s8 =	simm.s32 @!p1 $0x3;
	[sflag:s11] =	ssyncadd.s32 @!p1 $0xFFFFFB00  }
0x126: {  	_ =	swait.ge @!p1 [sflag:s8], $0x500  }
0x127: {  	[sflag:s8] =	ssyncset.done @!p1 $0x0  }
0x128: {  	[sflag:s8] =	ssyncadd.s32 @!p1 $0xFFFFFB00;
	s8 =	simm.s32 @!p1 $0x2030  }
0x129: {  	[tilespmem:s9], [sflag:$0x2] =	stream.indirect.gather @!p1 [hbm4b:s4+s10], $0x10, s8, s10, $0xb8;
	[tilespmem:$0x94C0] =	vst v63  }
0x12a: {  	s20 =	simm.s32 $0x4600  }
0x12b: {  	[spmem:s2] =	stream.indirect.scatter.add.bf16 [tilespmem:s21], [sflag:$0x7], $0x10, s20, s17, $0xb8;
	[tilespmem:$0x94C0] =	vst v63  }
0x12c: {  	_ =	swait.ge [sflag:s14], $0x500  }
0x12d: {  	[sflag:s14] =	ssyncset.done $0x0  }
0x12e: {  	[sflag:s14] =	ssyncadd.s32 $0xFFFFFB00  }
0x12f: {  	_ =	swait.ge [sflag:s31], $0x500  }
0x130: {  	[sflag:s31] =	ssyncset.done $0x0  }
0x131: {  	s8 =	simm.s32 @p1 $0x4650;
	s9 =	simm.s32 @p1 $0xF00;
	[sflag:s31] =	ssyncadd.s32 $0xFFFFFB00  }
0x132: {  	[spmem:s2] =	stream.indirect.scatter.add.bf16 @p1 [tilespmem:s9], [sflag:$0x7], $0x10, s8, s5, $0xb8;
	[tilespmem:$0x94C0] =	vst v63  }
0x133: {  	_ =	swait.ge @p1 [sflag:s7], $0x500  }
0x134: {  	[sflag:s7] =	ssyncset.done @p1 $0x0  }
0x135: {  	s5 =	simm.s32 @p1 $0x5;
	[sflag:s7] =	ssyncadd.s32 @p1 $0xFFFFFB00  }
0x136: {  	_ =	swait.ge @p1 [sflag:s5], $0x500  }
0x137: {  	[sflag:s5] =	ssyncset.done @p1 $0x0  }
0x138: {  	s7 =	simm.s32 @!p1 $0x2080;
	[sflag:s5] =	ssyncadd.s32 @p1 $0xFFFFFB00;
	s5 =	simm.s32 @!p1 $0xA00  }
0x139: {  	[tilespmem:s5], [sflag:$0x3] =	stream.indirect.gather @!p1 [hbm4b:s4+s10], $0x10, s7, s10, $0xb8;
	[tilespmem:$0x94C0] =	vst v63  }
0x13a: {  	s5 =	simm.s32 @!p1 $0x4650;
	s7 =	simm.s32 @!p1 $0xF00  }
0x13b: {  	[spmem:s2] =	stream.indirect.scatter.add.bf16 @!p1 [tilespmem:s7], [sflag:$0x7], $0x10, s5, s10, $0xb8;
	[tilespmem:$0x94C0] =	vst v63  }
0x13c: {  	_ =	swait.ge @!p1 [sflag:s11], $0x500  }
0x13d: {  	[sflag:s11] =	ssyncset.done @!p1 $0x0  }
0x13e: {  	s5 =	simm.s32 @!p1 $0x5;
	[sflag:s11] =	ssyncadd.s32 @!p1 $0xFFFFFB00  }
0x13f: {  	_ =	swait.ge @!p1 [sflag:s5], $0x500  }
0x140: {  	[sflag:s5] =	ssyncset.done @!p1 $0x0  }
0x141: {  	[sflag:s5] =	ssyncadd.s32 @!p1 $0xFFFFFB00;
	s5 =	simm.s32 @!p1 $0x20D0  }
0x142: {  	[tilespmem:s7], [sflag:$0x4] =	stream.indirect.gather @!p1 [hbm4b:s4+s10], $0x10, s5, s10, $0xb8;
	[tilespmem:$0x94C0] =	vst v63  }
0x143: {  	s22 =	simm.s32 $0x46A0  }
0x144: {  	[spmem:s2] =	stream.indirect.scatter.add.bf16 [tilespmem:s25], [sflag:$0x7], $0x10, s22, s17, $0xb8;
	[tilespmem:$0x94C0] =	vst v63  }
0x145: {  	_ =	swait.ge [sflag:s14], $0x500  }
0x146: {  	[sflag:s14] =	ssyncset.done $0x0  }
0x147: {  	[sflag:s14] =	ssyncadd.s32 $0xFFFFFB00  }
0x148: {  	_ =	swait.ge [sflag:s1], $0x500  }
0x149: {  	[sflag:s1] =	ssyncset.done $0x0  }
0x14a: {  	s5 =	simm.s32 @!p1 $0x2120;
	s7 =	simm.s32 @!p1 $0x1400;
	[sflag:s1] =	ssyncadd.s32 $0xFFFFFB00  }
0x14b: {  	[tilespmem:s7], [sflag:$0x5] =	stream.indirect.gather @!p1 [hbm4b:s4+s10], $0x10, s5, s10, $0xb8;
	[tilespmem:$0x94C0] =	vst v63  }
0x14c: {  	s24 =	simm.s32 $0x46F0  }
0x14d: {  	[spmem:s2] =	stream.indirect.scatter.add.bf16 [tilespmem:s28], [sflag:$0x7], $0x10, s24, s17, $0xb8;
	[tilespmem:$0x94C0] =	vst v63  }
0x14e: {  	s18 =	simm.s32 $0x780;
	_ =	swait.ge [sflag:s14], $0x500  }
.LBB2_3:
0x14f: {  	[sflag:s14] =	ssyncset.done $0x0;
	s5 =	smov.u32 s18;
	s18 =	sadd.s32 $0x780, s18  }
0x150: {  	p1 =	seq.s32 s18, $0x9D80;
	[sflag:s14] =	ssyncadd.s32 $0xFFFFFB00  }
0x151: {  	_ =	swait.ge [sflag:s26], $0x500  }
0x152: {  	s20 =	sshra.s32 s5, $0x2;
	[sflag:s26] =	ssyncset.done $0x0  }
0x153: {  	s7 =	sadd.s32 $0x1F90, s20;
	[sflag:s26] =	ssyncadd.s32 $0xFFFFFB00  }
0x154: {  	[tilespmem:s28], [sflag:$0x6] =	stream.indirect.gather [hbm4b:s4+s17], $0x10, s7, s17, $0xb8;
	[tilespmem:$0x94C0] =	vst v63  }
0x155: {  	s7 =	sadd.s32 $0x4560, s20  }
0x156: {  	[spmem:s2] =	stream.indirect.scatter.add.bf16 [tilespmem:s3], [sflag:$0x7], $0x10, s7, s17, $0xb8;
	[tilespmem:$0x94C0] =	vst v63  }
0x157: {  	_ =	swait.ge [sflag:s14], $0x500  }
0x158: {  	[sflag:s14] =	ssyncset.done $0x0  }
0x159: {  	[sflag:s14] =	ssyncadd.s32 $0xFFFFFB00  }
0x15a: {  	p2 =	seq.s32 s5, $0x9600;
	_ =	swait.ge [sflag:s29], $0x500  }
0x15b: {  	s8 =	simm.s32 @p2 $0x50;
	s7 =	sshra.s32 @p2 s5, $0x2;
	[sflag:s29] =	ssyncset.done $0x0  }
0x15c: {  	s10 =	simm.s32 @p2 $0x500;
	s9 =	sadd.s32 @p2 $0x45B0, s7;
	[sflag:s29] =	ssyncadd.s32 $0xFFFFFB00  }
0x15d: {  	[spmem:s2] =	stream.indirect.scatter.add.bf16 @p2 [tilespmem:s10], [sflag:$0x7], $0x10, s9, s8, $0xb8;
	[tilespmem:$0x94C0] =	vst v63  }
0x15e: {  	s15 =	sshra.s32 @!p2 s5, $0x2;
	s11 =	sadd.s32 @p2 $0x4650, s7;
	s9 =	simm.s32 @p2 $0x7  }
0x15f: {  	s12 =	sadd.s32 @!p2 $0x1FE0, s15;
	s6 =	sadd.s32 @!p2 $0x45B0, s15;
	_ =	swait.ge @p2 [sflag:s9], $0x500  }
0x160: {  	s13 =	simm.s32 @p2 $0x3;
	s16 =	sadd.s32 @!p2 $0x2030, s15;
	[sflag:s9] =	ssyncset.done @p2 $0x0  }
0x161: {  	s5 =	sadd.s32 @!p2 $0x2080, s15;
	s10 =	sadd.s32 @!p2 $0x4650, s15;
	[sflag:s9] =	ssyncadd.s32 @p2 $0xFFFFFB00  }
0x162: {  	s22 =	sadd.s32 @!p2 $0x2120, s15;
	s7 =	sadd.s32 @!p2 $0x20D0, s15;
	_ =	swait.ge @p2 [sflag:s13], $0x500  }
0x163: {  	s24 =	simm.s32 @!p2 $0x50;
	s15 =	simm.s32 @!p2 $0x0;
	[sflag:s13] =	ssyncset.done @p2 $0x0  }
0x164: {  	[sflag:s13] =	ssyncadd.s32 @p2 $0xFFFFFB00;
	s13 =	simm.s32 @!p2 $0x500  }
0x165: {  	[tilespmem:s15], [sflag:$0x1] =	stream.indirect.gather @!p2 [hbm4b:s4+s24], $0x10, s12, s24, $0xb8;
	[tilespmem:$0x94C0] =	vst v63  }
0x166: {  	s15 =	simm.s32 @!p2 $0x7  }
0x167: {  	[spmem:s2] =	stream.indirect.scatter.add.bf16 @!p2 [tilespmem:s13], [sflag:$0x7], $0x10, s6, s24, $0xb8;
	[tilespmem:$0x94C0] =	vst v63  }
0x168: {  	_ =	swait.ge @!p2 [sflag:s15], $0x500  }
0x169: {  	s6 =	simm.s32 @!p2 $0x3;
	[sflag:s15] =	ssyncset.done @!p2 $0x0  }
0x16a: {  	[sflag:s15] =	ssyncadd.s32 @!p2 $0xFFFFFB00  }
0x16b: {  	_ =	swait.ge @!p2 [sflag:s6], $0x500  }
0x16c: {  	[sflag:s6] =	ssyncset.done @!p2 $0x0  }
0x16d: {  	[sflag:s6] =	ssyncadd.s32 @!p2 $0xFFFFFB00;
	s6 =	sadd.s32 $0x4600, s20  }
0x16e: {  	[tilespmem:s13], [sflag:$0x2] =	stream.indirect.gather @!p2 [hbm4b:s4+s24], $0x10, s16, s24, $0xb8;
	[tilespmem:$0x94C0] =	vst v63  }
0x16f: {  	_ = 	snop  }
0x170: {  	[spmem:s2] =	stream.indirect.scatter.add.bf16 [tilespmem:s21], [sflag:$0x7], $0x10, s6, s17, $0xb8;
	[tilespmem:$0x94C0] =	vst v63  }
0x171: {  	_ =	swait.ge [sflag:s14], $0x500  }
0x172: {  	[sflag:s14] =	ssyncset.done $0x0  }
0x173: {  	[sflag:s14] =	ssyncadd.s32 $0xFFFFFB00  }
0x174: {  	_ =	swait.ge [sflag:s31], $0x500  }
0x175: {  	s6 =	simm.s32 @p2 $0xF00;
	[sflag:s31] =	ssyncset.done $0x0  }
0x176: {  	[sflag:s31] =	ssyncadd.s32 $0xFFFFFB00  }
0x177: {  	[spmem:s2] =	stream.indirect.scatter.add.bf16 @p2 [tilespmem:s6], [sflag:$0x7], $0x10, s11, s8, $0xb8;
	[tilespmem:$0x94C0] =	vst v63  }
0x178: {  	_ =	swait.ge @p2 [sflag:s9], $0x500  }
0x179: {  	s6 =	simm.s32 @p2 $0x5;
	[sflag:s9] =	ssyncset.done @p2 $0x0  }
0x17a: {  	[sflag:s9] =	ssyncadd.s32 @p2 $0xFFFFFB00  }
0x17b: {  	_ =	swait.ge @p2 [sflag:s6], $0x500  }
0x17c: {  	s8 =	simm.s32 @!p2 $0xA00;
	[sflag:s6] =	ssyncset.done @p2 $0x0  }
0x17d: {  	[sflag:s6] =	ssyncadd.s32 @p2 $0xFFFFFB00;
	s6 =	simm.s32 @!p2 $0xF00  }
0x17e: {  	[tilespmem:s8], [sflag:$0x3] =	stream.indirect.gather @!p2 [hbm4b:s4+s24], $0x10, s5, s24, $0xb8;
	[tilespmem:$0x94C0] =	vst v63  }
0x17f: {  	_ = 	snop  }
0x180: {  	[spmem:s2] =	stream.indirect.scatter.add.bf16 @!p2 [tilespmem:s6], [sflag:$0x7], $0x10, s10, s24, $0xb8;
	[tilespmem:$0x94C0] =	vst v63  }
0x181: {  	_ =	swait.ge @!p2 [sflag:s15], $0x500  }
0x182: {  	s5 =	simm.s32 @!p2 $0x5;
	[sflag:s15] =	ssyncset.done @!p2 $0x0  }
0x183: {  	[sflag:s15] =	ssyncadd.s32 @!p2 $0xFFFFFB00  }
0x184: {  	_ =	swait.ge @!p2 [sflag:s5], $0x500  }
0x185: {  	[sflag:s5] =	ssyncset.done @!p2 $0x0  }
0x186: {  	[sflag:s5] =	ssyncadd.s32 @!p2 $0xFFFFFB00;
	s5 =	sadd.s32 $0x46A0, s20  }
0x187: {  	[tilespmem:s6], [sflag:$0x4] =	stream.indirect.gather @!p2 [hbm4b:s4+s24], $0x10, s7, s24, $0xb8;
	[tilespmem:$0x94C0] =	vst v63  }
0x188: {  	_ = 	snop  }
0x189: {  	[spmem:s2] =	stream.indirect.scatter.add.bf16 [tilespmem:s25], [sflag:$0x7], $0x10, s5, s17, $0xb8;
	[tilespmem:$0x94C0] =	vst v63  }
0x18a: {  	_ =	swait.ge [sflag:s14], $0x500  }
0x18b: {  	[sflag:s14] =	ssyncset.done $0x0  }
0x18c: {  	[sflag:s14] =	ssyncadd.s32 $0xFFFFFB00  }
0x18d: {  	_ =	swait.ge [sflag:s1], $0x500  }
0x18e: {  	s5 =	simm.s32 @!p2 $0x1400;
	[sflag:s1] =	ssyncset.done $0x0  }
.Ltmp5:
0x18f: {  	s6 =	sadd.s32 $0x46F0, s20;
	[sflag:s1] =	ssyncadd.s32 $0xFFFFFB00;
	(pc) =	sbr.rel @!p1 .LBB2_3-.Ltmp5, $4  }
0x190: {  	[tilespmem:s5], [sflag:$0x5] =	stream.indirect.gather @!p2 [hbm4b:s4+s24], $0x10, s22, s24, $0xb8;
	[tilespmem:$0x94C0] =	vst v63  }
0x191: {  	_ = 	snop  }
0x192: {  	[spmem:s2] =	stream.indirect.scatter.add.bf16 [tilespmem:s28], [sflag:$0x7], $0x10, s6, s17, $0xb8;
	[tilespmem:$0x94C0] =	vst v63  }
0x193: {  	_ =	swait.ge [sflag:s14], $0x500  }
0x194: {  	s13 =	rddreg [dreg:$0x3]  }
0x195: {  	s6 =	rddreg [dreg:$0x4]  }
.Ltmp6:
0x196: {  	s9 =	rddreg [dreg:$0x9];
	(pc) =	sbr.rel .LBB2_8-.Ltmp6, $4  }
0x197: {  	[sflag:s14] =	ssyncset.done $0x0;
	s8 =	rddreg [dreg:$0xa]  }
0x198: {  	s10 =	rddreg [dreg:$0xb];
	s11 =	simm.s32 $0x1E00;
	s12 =	simm.s32 $0x4560  }
0x199: {  	s15 =	simm.s32 $0x1E50;
	s16 =	simm.s32 $0x1EA0;
	s22 =	simm.s32 $0x1EF0  }
0x19a: {  	s24 =	simm.s32 $0x1F40;
	s5 =	rddreg [dreg:$0xc];
	[sflag:s14] =	ssyncadd.s32 $0xFFFFFB00  }
.LBB2_9:
0x19b: {  	_ =	sfence.sel $0x180000  }
0x19c: {  	[bflag:$0x0] =	sbarrier.arrive $0xFFFF  }
0x19d: {  	_ =	strace $0x9000004A  }
0x19e: {  	s0 =	stileid.u32;
	[bflag:$0x2] =	sbarrier.arrive $0xFFFF  }
0x19f: {  	p0 =	sne.s32 s0, $0x0;
	s0 =	rddreg [dreg:$0x2]  }
0x1a0: {  	s0 =	sadd.s32 @!p0 $0x100000, s0  }
0x1a1: {  	[sflag:s0] =	ssyncadd.tile.s32 @!p0 $0x1;
	_ =	shalt  }
.Lfunc_end2:
_tile_overlayer_lowered:
.L_overlay_start_2:
0x1a2: {  	(tag) =	ssettag $0x2  }
0x1a3: {  	s0 =	rddreg [dreg:$0x0];
	s2 =	stileid.u32  }
0x1a4: {  	s1 =	rddreg [dreg:$0x1];
	p0 =	sne.s32 s2, $0x0  }
0x1a5: {  	s3 =	rddreg [dreg:$0x2];
	[bflag:$0x3] =	sbarrier.arrive $0xFFFF;
	s2 =	simm.s32 @!p0 $0x1C07  }
0x1a6: {  	[timem:s3], [sflag:s2] =	dma.local @!p0 [hbm:s0], s1  }
0x1a7: {  	s0 =	simm.s32 @!p0 $0x7  }
0x1a8: {  	_ =	swait.ge @!p0 [sflag:s0], s1  }
0x1a9: {  	s1 =	ssub.s32 @!p0 $0x0, s1;
	[sflag:s0] =	ssyncset.done @!p0 $0x0  }
0x1aa: {  	[sflag:s0] =	ssyncadd.s32 @!p0 s1  }
0x1ab: {  	[bflag:$0x3] =	sbarrier.arrive $0xFFFF  }
0x1ac: {  	_ =	shalt  }

</sc_bundles>
